<compile_context>
chip_gen: v7x
topology: tpu7x:2x2x1
jax: 0.10.2.dev20260603
libtpu: 0.0.44.dev20260713+nightly
codegen_flags: <defaults>
</compile_context>

<pallas_src>
import jax
import jax.numpy as jnp
from jax import lax
from jax.experimental import pallas as pl
from jax.experimental.pallas import tpu as pltpu
from jax.experimental.pallas import tpu_sc as plsc

B = 16384
F = 32
NC = 2
NS = 16
NW = NC * NS
BPW = B // NW
HALF = BPW // 2
ROWS = 250000


def _mf_body(uid_hbm, iid_hbm, rp_hbm, rq_hbm, ub_hbm, ib_hbm, out_hbm,
             uid_v, iid_v, urow_v, irow_v, usub_v, isub_v,
             pu_v, qi_v, bu_v, bi_v, out_v,
             sem_p, sem_q, sem_b):
  wid = lax.axis_index("s") * NC + lax.axis_index("c")
  base = wid * BPW

  pltpu.sync_copy(uid_hbm.at[pl.ds(base, BPW)], uid_v)
  pltpu.sync_copy(iid_hbm.at[pl.ds(base, BPW)], iid_v)

  cp_bu = pltpu.async_copy(ub_hbm.at[uid_v], bu_v, sem_b)
  cp_bi = pltpu.async_copy(ib_hbm.at[iid_v], bi_v, sem_b)

  @plsc.parallel_loop(0, BPW // 16)
  def prep(c):
    off = pl.multiple_of(c * 16, 16)
    uu = uid_v[pl.ds(off, 16)]
    ii = iid_v[pl.ds(off, 16)]
    urow_v[pl.ds(off, 16)] = uu >> 2
    irow_v[pl.ds(off, 16)] = ii >> 2
    usub_v[pl.ds(off, 16)] = (uu & 3) << 5
    isub_v[pl.ds(off, 16)] = (ii & 3) << 5

  lane = lax.iota(jnp.int32, 16)
  mask15 = lane == 15

  for h in range(2):
    hb = h * HALF
    cp_p = pltpu.async_copy(rp_hbm.at[urow_v.at[pl.ds(hb, HALF)]], pu_v,
                            sem_p)
    cp_q = pltpu.async_copy(rq_hbm.at[irow_v.at[pl.ds(hb, HALF)]], qi_v,
                            sem_q)
    cp_p.wait()
    cp_q.wait()

    @plsc.parallel_loop(0, HALF // 16, carry=jnp.full((16,), hb, jnp.int32))
    def dots(c, idx):
      off = pl.multiple_of(c * 16, 16)
      su = usub_v[pl.ds(hb + off, 16)]
      si = isub_v[pl.ds(hb + off, 16)]
      for k in range(16):
        j = off + k
        s_u = pl.multiple_of(su[k], 32)
        s_i = pl.multiple_of(si[k], 32)
        pa = pu_v[j, pl.ds(s_u, 16)]
        pb = pu_v[j, pl.ds(s_u + 16, 16)]
        qa = qi_v[j, pl.ds(s_i, 16)]
        qb = qi_v[j, pl.ds(s_i + 16, 16)]
        prod = pa * qa + pb * qb
        csum = plsc.cumsum(prod)
        plsc.store_scatter(out_v, [idx + k], csum, mask=mask15)
      return idx + 16

  cp_bu.wait()
  cp_bi.wait()

  @plsc.parallel_loop(0, BPW // 16)
  def addb(c):
    off = pl.multiple_of(c * 16, 16)
    out_v[pl.ds(off, 16)] = (out_v[pl.ds(off, 16)]
                             + bu_v[pl.ds(off, 16)] + bi_v[pl.ds(off, 16)])

  pltpu.sync_copy(out_v, out_hbm.at[pl.ds(base, BPW)])


@jax.jit
def kernel(user_id, item_id, P, Q, user_bias, item_bias):
  mesh = plsc.VectorSubcoreMesh(core_axis_name="c", subcore_axis_name="s",
                                num_cores=NC, num_subcores=NS)
  return pl.kernel(
      _mf_body,
      out_type=jax.ShapeDtypeStruct((B,), jnp.float32),
      mesh=mesh,
      scratch_types=[
          pltpu.VMEM((BPW,), jnp.int32),
          pltpu.VMEM((BPW,), jnp.int32),
          pltpu.VMEM((BPW,), jnp.int32),
          pltpu.VMEM((BPW,), jnp.int32),
          pltpu.VMEM((BPW,), jnp.int32),
          pltpu.VMEM((BPW,), jnp.int32),
          pltpu.VMEM((HALF, 128), jnp.float32),
          pltpu.VMEM((HALF, 128), jnp.float32),
          pltpu.VMEM((BPW,), jnp.float32),
          pltpu.VMEM((BPW,), jnp.float32),
          pltpu.VMEM((BPW,), jnp.float32),
          pltpu.SemaphoreType.DMA,
          pltpu.SemaphoreType.DMA,
          pltpu.SemaphoreType.DMA,
      ],
      compiler_params=pltpu.CompilerParams(needs_layout_passes=False,
                                           use_tc_tiling_on_sc=True),
  )(user_id, item_id,
    P.reshape(ROWS, 128), Q.reshape(ROWS, 128),
    user_bias.reshape(-1), item_bias.reshape(-1))

# --- scband reference (transcript-rebuilt; emitter-appended) ---
"""Pipeline reference for scband-mf-72378788873043 (READ-ONLY COPY).

The authoritative reference and input builder live on the scoring server;
editing this copy changes nothing except your own understanding.
"""

import jax, jax.numpy as jnp
import numpy as np

NUM_USERS = 1000000
NUM_ITEMS = 1000000
NUM_FACTORS = 32
BATCH = 16384


def setup_inputs(seed: int = 0) -> dict:
    key = jax.random.key(seed)
    k1, k2, k3, k4, k5, k6 = jax.random.split(key, 6)
    user_id = jax.random.randint(k1, (BATCH,), 0, NUM_USERS, dtype=jnp.int64 if jax.config.read('jax_enable_x64') else jnp.int32)
    item_id = jax.random.randint(k2, (BATCH,), 0, NUM_ITEMS, dtype=jnp.int64 if jax.config.read('jax_enable_x64') else jnp.int32)
    P = jax.random.normal(k3, (NUM_USERS, NUM_FACTORS), dtype=jnp.float32)
    Q = jax.random.normal(k4, (NUM_ITEMS, NUM_FACTORS), dtype=jnp.float32)
    user_bias = jax.random.normal(k5, (NUM_USERS, 1), dtype=jnp.float32)
    item_bias = jax.random.normal(k6, (NUM_ITEMS, 1), dtype=jnp.float32)
    return {"user_id": user_id, "item_id": item_id, "P": P, "Q": Q, "user_bias": user_bias, "item_bias": item_bias}


def reference(user_id, item_id, P, Q, user_bias, item_bias):
    P_u = jnp.take(P, user_id, axis=0)                # [B, F] gather
    Q_i = jnp.take(Q, item_id, axis=0)                # [B, F] gather
    b_u = jnp.take(user_bias, user_id, axis=0).squeeze(-1)  # [B]
    b_i = jnp.take(item_bias, item_id, axis=0).squeeze(-1)  # [B]
    outputs = (P_u * Q_i).sum(axis=1) + b_u + b_i
    return outputs

if __name__ == "__main__":
    import jax
    _d = setup_inputs()
    print(jax.jit(kernel)(*tuple(_d.values())))

</pallas_src>

<mosaic_0001>
#map = affine_map<(d0, d1) -> (0)>
#map1 = affine_map<(d0, d1) -> (0, 0)>
module attributes {stable_mosaic.version = 14 : i64} {
  func.func @_mf_body(%arg0: i32, %arg1: i32, %arg2: memref<16384xi32, #tpu.memory_space<hbm>>, %arg3: memref<16384xi32, #tpu.memory_space<hbm>>, %arg4: memref<250000x128xf32, #tpu.memory_space<hbm>>, %arg5: memref<250000x128xf32, #tpu.memory_space<hbm>>, %arg6: memref<1000000xf32, #tpu.memory_space<hbm>>, %arg7: memref<1000000xf32, #tpu.memory_space<hbm>>, %arg8: memref<16384xf32, #tpu.memory_space<hbm>>, %arg9: memref<512xi32, #tpu.memory_space<vmem>>, %arg10: memref<512xi32, #tpu.memory_space<vmem>>, %arg11: memref<512xi32, #tpu.memory_space<vmem>>, %arg12: memref<512xi32, #tpu.memory_space<vmem>>, %arg13: memref<512xi32, #tpu.memory_space<vmem>>, %arg14: memref<512xi32, #tpu.memory_space<vmem>>, %arg15: memref<256x128xf32, #tpu.memory_space<vmem>>, %arg16: memref<256x128xf32, #tpu.memory_space<vmem>>, %arg17: memref<512xf32, #tpu.memory_space<vmem>>, %arg18: memref<512xf32, #tpu.memory_space<vmem>>, %arg19: memref<512xf32, #tpu.memory_space<vmem>>, %arg20: memref<!tpu.dma_semaphore, #tpu.memory_space<semaphore_mem>>, %arg21: memref<!tpu.dma_semaphore, #tpu.memory_space<semaphore_mem>>, %arg22: memref<!tpu.dma_semaphore, #tpu.memory_space<semaphore_mem>>) attributes {dimension_semantics = [#tpu.dimension_semantics<core_parallel>, #tpu.dimension_semantics<subcore_parallel>], iteration_bounds = array<i64: 2, 16>, scalar_prefetch = 0 : i64, scratch_operands = 14 : i64, tpu.core_type = #tpu.core_type<sc_vector_subcore>, window_params = [{transform_indices = #map}, {transform_indices = #map}, {transform_indices = #map1}, {transform_indices = #map1}, {transform_indices = #map}, {transform_indices = #map}, {transform_indices = #map}]} {
    %mul3A = arith.constant 2 : i32
    %mul3A_0 = arith.muli %arg1, %mul3A : i32
    %add3A = arith.addi %mul3A_0, %arg0 : i32
    %mul3A_1 = arith.constant 512 : i32
    %mul3A_2 = arith.muli %add3A, %mul3A_1 : i32
    "tpu.region"() ({
      %run_scoped3A = tpu.sem_alloc : memref<!tpu.dma_semaphore, #tpu.memory_space<semaphore_mem>>
      %dma_start3A_67 = tpu.memref_slice %arg2[%mul3A_2] : memref<16384xi32, #tpu.memory_space<hbm>> -> memref<512xi32, #tpu.memory_space<hbm>>
      %dma_start3A_68 = tpu.memref_slice %arg2[%mul3A_2] : memref<16384xi32, #tpu.memory_space<hbm>> -> memref<512xi32, #tpu.memory_space<hbm>>
      tpu.enqueue_dma source(%dma_start3A_68 : memref<512xi32, #tpu.memory_space<hbm>>) target(%arg9 : memref<512xi32, #tpu.memory_space<vmem>>) target_semaphore(%run_scoped3A : memref<!tpu.dma_semaphore, #tpu.memory_space<semaphore_mem>>)
      %dma_wait3A_69 = tpu.memref_slice %arg2[%mul3A_2] : memref<16384xi32, #tpu.memory_space<hbm>> -> memref<512xi32, #tpu.memory_space<hbm>>
      %dma_wait3A_70 = tpu.memref_slice %arg2[%mul3A_2] : memref<16384xi32, #tpu.memory_space<hbm>> -> memref<512xi32, #tpu.memory_space<hbm>>
      tpu.wait_dma2 semaphore(%run_scoped3A : memref<!tpu.dma_semaphore, #tpu.memory_space<semaphore_mem>>) src(%dma_wait3A_70 : memref<512xi32, #tpu.memory_space<hbm>>) dst(%arg9 : memref<512xi32, #tpu.memory_space<vmem>>)
      tpu.yield
    }) : () -> ()
    "tpu.region"() ({
      %run_scoped3A = tpu.sem_alloc : memref<!tpu.dma_semaphore, #tpu.memory_space<semaphore_mem>>
      %dma_start3A_67 = tpu.memref_slice %arg3[%mul3A_2] : memref<16384xi32, #tpu.memory_space<hbm>> -> memref<512xi32, #tpu.memory_space<hbm>>
      %dma_start3A_68 = tpu.memref_slice %arg3[%mul3A_2] : memref<16384xi32, #tpu.memory_space<hbm>> -> memref<512xi32, #tpu.memory_space<hbm>>
      tpu.enqueue_dma source(%dma_start3A_68 : memref<512xi32, #tpu.memory_space<hbm>>) target(%arg10 : memref<512xi32, #tpu.memory_space<vmem>>) target_semaphore(%run_scoped3A : memref<!tpu.dma_semaphore, #tpu.memory_space<semaphore_mem>>)
      %dma_wait3A_69 = tpu.memref_slice %arg3[%mul3A_2] : memref<16384xi32, #tpu.memory_space<hbm>> -> memref<512xi32, #tpu.memory_space<hbm>>
      %dma_wait3A_70 = tpu.memref_slice %arg3[%mul3A_2] : memref<16384xi32, #tpu.memory_space<hbm>> -> memref<512xi32, #tpu.memory_space<hbm>>
      tpu.wait_dma2 semaphore(%run_scoped3A : memref<!tpu.dma_semaphore, #tpu.memory_space<semaphore_mem>>) src(%dma_wait3A_70 : memref<512xi32, #tpu.memory_space<hbm>>) dst(%arg10 : memref<512xi32, #tpu.memory_space<vmem>>)
      tpu.yield
    }) : () -> ()
    %dma_start3A = arith.constant 0 : i32
    %dma_start3A_3 = tpu.memref_slice %arg6[%dma_start3A] : memref<1000000xf32, #tpu.memory_space<hbm>> -> memref<1000000xf32, #tpu.memory_space<hbm>>
    tpu.enqueue_indirect_dma source(%dma_start3A_3 : memref<1000000xf32, #tpu.memory_space<hbm>>) target(%arg17 : memref<512xf32, #tpu.memory_space<vmem>>) offsets(%arg9 : memref<512xi32, #tpu.memory_space<vmem>>) semaphore(%arg22 : memref<!tpu.dma_semaphore, #tpu.memory_space<semaphore_mem>>)
    %dma_start3A_4 = arith.constant 0 : i32
    %dma_start3A_5 = tpu.memref_slice %arg7[%dma_start3A_4] : memref<1000000xf32, #tpu.memory_space<hbm>> -> memref<1000000xf32, #tpu.memory_space<hbm>>
    tpu.enqueue_indirect_dma source(%dma_start3A_5 : memref<1000000xf32, #tpu.memory_space<hbm>>) target(%arg18 : memref<512xf32, #tpu.memory_space<vmem>>) offsets(%arg10 : memref<512xi32, #tpu.memory_space<vmem>>) semaphore(%arg22 : memref<!tpu.dma_semaphore, #tpu.memory_space<semaphore_mem>>)
    %parallel_loop3A = arith.constant 0 : i32
    %parallel_loop3A_6 = arith.constant 32 : i32
    %parallel_loop3A_7 = arith.constant 1 : i32
    scf.for %parallel_loop3A_67 = %parallel_loop3A to %parallel_loop3A_6 step %parallel_loop3A_7  : i32 {
      %parallel_loop3A_68 = arith.constant 16 : i32
      %parallel_loop3A_69 = arith.muli %parallel_loop3A_67, %parallel_loop3A_68 : i32
      %parallel_loop3A_70 = tpu.assume_multiple %parallel_loop3A_69, 16 : i32
      %parallel_loop3A_71 = arith.index_cast %parallel_loop3A_70 : i32 to index
      %parallel_loop3A_72 = tpu.vector_load %arg9[%parallel_loop3A_71] {strides = array<i32>} : memref<512xi32, #tpu.memory_space<vmem>>, vector<16xi32>,
      %parallel_loop3A_73 = arith.index_cast %parallel_loop3A_70 : i32 to index
      %parallel_loop3A_74 = tpu.vector_load %arg10[%parallel_loop3A_73] {strides = array<i32>} : memref<512xi32, #tpu.memory_space<vmem>>, vector<16xi32>,
      %parallel_loop3A_75 = arith.constant 2 : i32
      %parallel_loop3A_76 = vector.broadcast %parallel_loop3A_75 : i32 to vector<16xi32>
      %parallel_loop3A_77 = arith.shrsi %parallel_loop3A_72, %parallel_loop3A_76 : vector<16xi32>
      %parallel_loop3A_78 = arith.index_cast %parallel_loop3A_70 : i32 to index
      %parallel_loop3A_79 = tpu.vector_load %arg11[%parallel_loop3A_78] {strides = array<i32>} : memref<512xi32, #tpu.memory_space<vmem>>, vector<16xi32>,
      tpu.vector_store %arg11[%parallel_loop3A_78], %parallel_loop3A_77 {strides = array<i32>} : memref<512xi32, #tpu.memory_space<vmem>>, vector<16xi32>,
      %parallel_loop3A_80 = arith.constant 2 : i32
      %parallel_loop3A_81 = vector.broadcast %parallel_loop3A_80 : i32 to vector<16xi32>
      %parallel_loop3A_82 = arith.shrsi %parallel_loop3A_74, %parallel_loop3A_81 : vector<16xi32>
      %parallel_loop3A_83 = arith.index_cast %parallel_loop3A_70 : i32 to index
      %parallel_loop3A_84 = tpu.vector_load %arg12[%parallel_loop3A_83] {strides = array<i32>} : memref<512xi32, #tpu.memory_space<vmem>>, vector<16xi32>,
      tpu.vector_store %arg12[%parallel_loop3A_83], %parallel_loop3A_82 {strides = array<i32>} : memref<512xi32, #tpu.memory_space<vmem>>, vector<16xi32>,
      %parallel_loop3A_85 = arith.constant 3 : i32
      %parallel_loop3A_86 = vector.broadcast %parallel_loop3A_85 : i32 to vector<16xi32>
      %parallel_loop3A_87 = arith.andi %parallel_loop3A_72, %parallel_loop3A_86 : vector<16xi32>
      %parallel_loop3A_88 = arith.constant 5 : i32
      %parallel_loop3A_89 = vector.broadcast %parallel_loop3A_88 : i32 to vector<16xi32>
      %parallel_loop3A_90 = arith.shli %parallel_loop3A_87, %parallel_loop3A_89 : vector<16xi32>
      %parallel_loop3A_91 = arith.index_cast %parallel_loop3A_70 : i32 to index
      %parallel_loop3A_92 = tpu.vector_load %arg13[%parallel_loop3A_91] {strides = array<i32>} : memref<512xi32, #tpu.memory_space<vmem>>, vector<16xi32>,
      tpu.vector_store %arg13[%parallel_loop3A_91], %parallel_loop3A_90 {strides = array<i32>} : memref<512xi32, #tpu.memory_space<vmem>>, vector<16xi32>,
      %parallel_loop3A_93 = arith.constant 3 : i32
      %parallel_loop3A_94 = vector.broadcast %parallel_loop3A_93 : i32 to vector<16xi32>
      %parallel_loop3A_95 = arith.andi %parallel_loop3A_74, %parallel_loop3A_94 : vector<16xi32>
      %parallel_loop3A_96 = arith.constant 5 : i32
      %parallel_loop3A_97 = vector.broadcast %parallel_loop3A_96 : i32 to vector<16xi32>
      %parallel_loop3A_98 = arith.shli %parallel_loop3A_95, %parallel_loop3A_97 : vector<16xi32>
      %parallel_loop3A_99 = arith.index_cast %parallel_loop3A_70 : i32 to index
      %parallel_loop3A_100 = tpu.vector_load %arg14[%parallel_loop3A_99] {strides = array<i32>} : memref<512xi32, #tpu.memory_space<vmem>>, vector<16xi32>,
      tpu.vector_store %arg14[%parallel_loop3A_99], %parallel_loop3A_98 {strides = array<i32>} : memref<512xi32, #tpu.memory_space<vmem>>, vector<16xi32>,
    } {sc.loop_unroll_factor = 1 : i64, sc.parallel_access}
    %iota3A = tpu.iota {dimensions = array<i32: 0>} : vector<16xi32>
    %eq3A = arith.constant 15 : i32
    %eq3A_8 = vector.broadcast %eq3A : i32 to vector<16xi32>
    %eq3A_9 = arith.cmpi eq, %iota3A, %eq3A_8 : vector<16xi32>
    %dma_start3A_10 = arith.constant 0 : i32
    %dma_start3A_11 = tpu.memref_slice %arg11[%dma_start3A_10] : memref<512xi32, #tpu.memory_space<vmem>> -> memref<256xi32, #tpu.memory_space<vmem>>
    %dma_start3A_12 = arith.constant 0 : i32
    %dma_start3A_13 = arith.constant 0 : i32
    %dma_start3A_14 = tpu.memref_slice %arg4[%dma_start3A_12, %dma_start3A_13] : memref<250000x128xf32, #tpu.memory_space<hbm>> -> memref<250000x128xf32, #tpu.memory_space<hbm>>
    tpu.enqueue_indirect_dma source(%dma_start3A_14 : memref<250000x128xf32, #tpu.memory_space<hbm>>) target(%arg15 : memref<256x128xf32, #tpu.memory_space<vmem>>) offsets(%dma_start3A_11 : memref<256xi32, #tpu.memory_space<vmem>>) semaphore(%arg20 : memref<!tpu.dma_semaphore, #tpu.memory_space<semaphore_mem>>)
    %dma_start3A_15 = arith.constant 0 : i32
    %dma_start3A_16 = tpu.memref_slice %arg12[%dma_start3A_15] : memref<512xi32, #tpu.memory_space<vmem>> -> memref<256xi32, #tpu.memory_space<vmem>>
    %dma_start3A_17 = arith.constant 0 : i32
    %dma_start3A_18 = arith.constant 0 : i32
    %dma_start3A_19 = tpu.memref_slice %arg5[%dma_start3A_17, %dma_start3A_18] : memref<250000x128xf32, #tpu.memory_space<hbm>> -> memref<250000x128xf32, #tpu.memory_space<hbm>>
    tpu.enqueue_indirect_dma source(%dma_start3A_19 : memref<250000x128xf32, #tpu.memory_space<hbm>>) target(%arg16 : memref<256x128xf32, #tpu.memory_space<vmem>>) offsets(%dma_start3A_16 : memref<256xi32, #tpu.memory_space<vmem>>) semaphore(%arg21 : memref<!tpu.dma_semaphore, #tpu.memory_space<semaphore_mem>>)
    %dma_wait3A = arith.constant 0 : i32
    %dma_wait3A_20 = tpu.memref_slice %arg11[%dma_wait3A] : memref<512xi32, #tpu.memory_space<vmem>> -> memref<256xi32, #tpu.memory_space<vmem>>
    %dma_wait3A_21 = arith.constant 0 : i32
    %dma_wait3A_22 = arith.constant 0 : i32
    %dma_wait3A_23 = tpu.memref_slice %arg4[%dma_wait3A_21, %dma_wait3A_22] : memref<250000x128xf32, #tpu.memory_space<hbm>> -> memref<250000x128xf32, #tpu.memory_space<hbm>>
    tpu.wait_indirect_dma semaphore(%arg20 : memref<!tpu.dma_semaphore, #tpu.memory_space<semaphore_mem>>) src(%dma_wait3A_23 : memref<250000x128xf32, #tpu.memory_space<hbm>>) dst(%arg15 : memref<256x128xf32, #tpu.memory_space<vmem>>)
    %dma_wait3A_24 = arith.constant 0 : i32
    %dma_wait3A_25 = tpu.memref_slice %arg12[%dma_wait3A_24] : memref<512xi32, #tpu.memory_space<vmem>> -> memref<256xi32, #tpu.memory_space<vmem>>
    %dma_wait3A_26 = arith.constant 0 : i32
    %dma_wait3A_27 = arith.constant 0 : i32
    %dma_wait3A_28 = tpu.memref_slice %arg5[%dma_wait3A_26, %dma_wait3A_27] : memref<250000x128xf32, #tpu.memory_space<hbm>> -> memref<250000x128xf32, #tpu.memory_space<hbm>>
    tpu.wait_indirect_dma semaphore(%arg21 : memref<!tpu.dma_semaphore, #tpu.memory_space<semaphore_mem>>) src(%dma_wait3A_28 : memref<250000x128xf32, #tpu.memory_space<hbm>>) dst(%arg16 : memref<256x128xf32, #tpu.memory_space<vmem>>)
    %broadcast_in_dim3A = arith.constant 0 : i32
    %broadcast_in_dim3A_29 = vector.broadcast %broadcast_in_dim3A : i32 to vector<16xi32>
    %parallel_loop3A_30 = arith.constant 0 : i32
    %parallel_loop3A_31 = arith.constant 16 : i32
    %parallel_loop3A_32 = arith.constant 1 : i32
    %parallel_loop3A_33 = scf.for %parallel_loop3A_67 = %parallel_loop3A_30 to %parallel_loop3A_31 step %parallel_loop3A_32 iter_args(%parallel_loop3A_68 = %broadcast_in_dim3A_29) -> (vector<16xi32>)  : i32 {
      %parallel_loop3A_69 = arith.constant 16 : i32
      %parallel_loop3A_70 = arith.muli %parallel_loop3A_67, %parallel_loop3A_69 : i32
      %parallel_loop3A_71 = tpu.assume_multiple %parallel_loop3A_70, 16 : i32
      %parallel_loop3A_72 = arith.constant 0 : i32
      %parallel_loop3A_73 = arith.addi %parallel_loop3A_72, %parallel_loop3A_71 : i32
      %parallel_loop3A_74 = arith.index_cast %parallel_loop3A_73 : i32 to index
      %parallel_loop3A_75 = tpu.vector_load %arg13[%parallel_loop3A_74] {strides = array<i32>} : memref<512xi32, #tpu.memory_space<vmem>>, vector<16xi32>,
      %parallel_loop3A_76 = arith.constant 0 : i32
      %parallel_loop3A_77 = arith.addi %parallel_loop3A_76, %parallel_loop3A_71 : i32
      %parallel_loop3A_78 = arith.index_cast %parallel_loop3A_77 : i32 to index
      %parallel_loop3A_79 = tpu.vector_load %arg14[%parallel_loop3A_78] {strides = array<i32>} : memref<512xi32, #tpu.memory_space<vmem>>, vector<16xi32>,
      %parallel_loop3A_80 = arith.constant 0 : i32
      %parallel_loop3A_81 = arith.addi %parallel_loop3A_71, %parallel_loop3A_80 : i32
      %parallel_loop3A_82 = vector.extract_strided_slice %parallel_loop3A_75 {offsets = [0], sizes = [1], strides = [1]} : vector<16xi32> to vector<1xi32>
      %parallel_loop3A_83 = vector.extract %parallel_loop3A_82[0] : i32 from vector<1xi32>
      %parallel_loop3A_84 = tpu.assume_multiple %parallel_loop3A_83, 32 : i32
      %parallel_loop3A_85 = vector.extract_strided_slice %parallel_loop3A_79 {offsets = [0], sizes = [1], strides = [1]} : vector<16xi32> to vector<1xi32>
      %parallel_loop3A_86 = vector.extract %parallel_loop3A_85[0] : i32 from vector<1xi32>
      %parallel_loop3A_87 = tpu.assume_multiple %parallel_loop3A_86, 32 : i32
      %parallel_loop3A_88 = arith.index_cast %parallel_loop3A_81 : i32 to index
      %parallel_loop3A_89 = arith.index_cast %parallel_loop3A_84 : i32 to index
      %parallel_loop3A_90 = tpu.vector_load %arg15[%parallel_loop3A_88, %parallel_loop3A_89] {strides = array<i32>} : memref<256x128xf32, #tpu.memory_space<vmem>>, vector<16xf32>,
      %parallel_loop3A_91 = arith.constant 16 : i32
      %parallel_loop3A_92 = arith.addi %parallel_loop3A_84, %parallel_loop3A_91 : i32
      %parallel_loop3A_93 = arith.index_cast %parallel_loop3A_81 : i32 to index
      %parallel_loop3A_94 = arith.index_cast %parallel_loop3A_92 : i32 to index
      %parallel_loop3A_95 = tpu.vector_load %arg15[%parallel_loop3A_93, %parallel_loop3A_94] {strides = array<i32>} : memref<256x128xf32, #tpu.memory_space<vmem>>, vector<16xf32>,
      %parallel_loop3A_96 = arith.index_cast %parallel_loop3A_81 : i32 to index
      %parallel_loop3A_97 = arith.index_cast %parallel_loop3A_87 : i32 to index
      %parallel_loop3A_98 = tpu.vector_load %arg16[%parallel_loop3A_96, %parallel_loop3A_97] {strides = array<i32>} : memref<256x128xf32, #tpu.memory_space<vmem>>, vector<16xf32>,
      %parallel_loop3A_99 = arith.constant 16 : i32
      %parallel_loop3A_100 = arith.addi %parallel_loop3A_87, %parallel_loop3A_99 : i32
      %parallel_loop3A_101 = arith.index_cast %parallel_loop3A_81 : i32 to index
      %parallel_loop3A_102 = arith.index_cast %parallel_loop3A_100 : i32 to index
      %parallel_loop3A_103 = tpu.vector_load %arg16[%parallel_loop3A_101, %parallel_loop3A_102] {strides = array<i32>} : memref<256x128xf32, #tpu.memory_space<vmem>>, vector<16xf32>,
      %parallel_loop3A_104 = arith.mulf %parallel_loop3A_90, %parallel_loop3A_98 : vector<16xf32>
      %parallel_loop3A_105 = arith.mulf %parallel_loop3A_95, %parallel_loop3A_103 : vector<16xf32>
      %parallel_loop3A_106 = arith.addf %parallel_loop3A_104, %parallel_loop3A_105 : vector<16xf32>
      %parallel_loop3A_107 = arith.constant true
      %parallel_loop3A_108 = vector.broadcast %parallel_loop3A_107 : i1 to vector<16xi1>
      %parallel_loop3A_109 = tpu.scan <sum>, %parallel_loop3A_106 masked %parallel_loop3A_108 : vector<16xf32>, vector<16xi1> -> vector<16xf32>
      %parallel_loop3A_110 = arith.constant 0 : i32
      %parallel_loop3A_111 = vector.broadcast %parallel_loop3A_110 : i32 to vector<16xi32>
      %parallel_loop3A_112 = arith.addi %parallel_loop3A_68, %parallel_loop3A_111 : vector<16xi32>
      tpu.vector_store_idx %arg19[%parallel_loop3A_112], %parallel_loop3A_109 masked %eq3A_9 : memref<512xf32, #tpu.memory_space<vmem>>[vector<16xi32>], vector<16xf32>, vector<16xi1>
      %parallel_loop3A_113 = arith.constant 1 : i32
      %parallel_loop3A_114 = arith.addi %parallel_loop3A_71, %parallel_loop3A_113 : i32
      %parallel_loop3A_115 = vector.extract_strided_slice %parallel_loop3A_75 {offsets = [1], sizes = [1], strides = [1]} : vector<16xi32> to vector<1xi32>
      %parallel_loop3A_116 = vector.extract %parallel_loop3A_115[0] : i32 from vector<1xi32>
      %parallel_loop3A_117 = tpu.assume_multiple %parallel_loop3A_116, 32 : i32
      %parallel_loop3A_118 = vector.extract_strided_slice %parallel_loop3A_79 {offsets = [1], sizes = [1], strides = [1]} : vector<16xi32> to vector<1xi32>
      %parallel_loop3A_119 = vector.extract %parallel_loop3A_118[0] : i32 from vector<1xi32>
      %parallel_loop3A_120 = tpu.assume_multiple %parallel_loop3A_119, 32 : i32
      %parallel_loop3A_121 = arith.index_cast %parallel_loop3A_114 : i32 to index
      %parallel_loop3A_122 = arith.index_cast %parallel_loop3A_117 : i32 to index
      %parallel_loop3A_123 = tpu.vector_load %arg15[%parallel_loop3A_121, %parallel_loop3A_122] {strides = array<i32>} : memref<256x128xf32, #tpu.memory_space<vmem>>, vector<16xf32>,
      %parallel_loop3A_124 = arith.constant 16 : i32
      %parallel_loop3A_125 = arith.addi %parallel_loop3A_117, %parallel_loop3A_124 : i32
      %parallel_loop3A_126 = arith.index_cast %parallel_loop3A_114 : i32 to index
      %parallel_loop3A_127 = arith.index_cast %parallel_loop3A_125 : i32 to index
      %parallel_loop3A_128 = tpu.vector_load %arg15[%parallel_loop3A_126, %parallel_loop3A_127] {strides = array<i32>} : memref<256x128xf32, #tpu.memory_space<vmem>>, vector<16xf32>,
      %parallel_loop3A_129 = arith.index_cast %parallel_loop3A_114 : i32 to index
      %parallel_loop3A_130 = arith.index_cast %parallel_loop3A_120 : i32 to index
      %parallel_loop3A_131 = tpu.vector_load %arg16[%parallel_loop3A_129, %parallel_loop3A_130] {strides = array<i32>} : memref<256x128xf32, #tpu.memory_space<vmem>>, vector<16xf32>,
      %parallel_loop3A_132 = arith.constant 16 : i32
      %parallel_loop3A_133 = arith.addi %parallel_loop3A_120, %parallel_loop3A_132 : i32
      %parallel_loop3A_134 = arith.index_cast %parallel_loop3A_114 : i32 to index
      %parallel_loop3A_135 = arith.index_cast %parallel_loop3A_133 : i32 to index
      %parallel_loop3A_136 = tpu.vector_load %arg16[%parallel_loop3A_134, %parallel_loop3A_135] {strides = array<i32>} : memref<256x128xf32, #tpu.memory_space<vmem>>, vector<16xf32>,
      %parallel_loop3A_137 = arith.mulf %parallel_loop3A_123, %parallel_loop3A_131 : vector<16xf32>
      %parallel_loop3A_138 = arith.mulf %parallel_loop3A_128, %parallel_loop3A_136 : vector<16xf32>
      %parallel_loop3A_139 = arith.addf %parallel_loop3A_137, %parallel_loop3A_138 : vector<16xf32>
      %parallel_loop3A_140 = arith.constant true
      %parallel_loop3A_141 = vector.broadcast %parallel_loop3A_140 : i1 to vector<16xi1>
      %parallel_loop3A_142 = tpu.scan <sum>, %parallel_loop3A_139 masked %parallel_loop3A_141 : vector<16xf32>, vector<16xi1> -> vector<16xf32>
      %parallel_loop3A_143 = arith.constant 1 : i32
      %parallel_loop3A_144 = vector.broadcast %parallel_loop3A_143 : i32 to vector<16xi32>
      %parallel_loop3A_145 = arith.addi %parallel_loop3A_68, %parallel_loop3A_144 : vector<16xi32>
      tpu.vector_store_idx %arg19[%parallel_loop3A_145], %parallel_loop3A_142 masked %eq3A_9 : memref<512xf32, #tpu.memory_space<vmem>>[vector<16xi32>], vector<16xf32>, vector<16xi1>
      %parallel_loop3A_146 = arith.constant 2 : i32
      %parallel_loop3A_147 = arith.addi %parallel_loop3A_71, %parallel_loop3A_146 : i32
      %parallel_loop3A_148 = vector.extract_strided_slice %parallel_loop3A_75 {offsets = [2], sizes = [1], strides = [1]} : vector<16xi32> to vector<1xi32>
      %parallel_loop3A_149 = vector.extract %parallel_loop3A_148[0] : i32 from vector<1xi32>
      %parallel_loop3A_150 = tpu.assume_multiple %parallel_loop3A_149, 32 : i32
      %parallel_loop3A_151 = vector.extract_strided_slice %parallel_loop3A_79 {offsets = [2], sizes = [1], strides = [1]} : vector<16xi32> to vector<1xi32>
      %parallel_loop3A_152 = vector.extract %parallel_loop3A_151[0] : i32 from vector<1xi32>
      %parallel_loop3A_153 = tpu.assume_multiple %parallel_loop3A_152, 32 : i32
      %parallel_loop3A_154 = arith.index_cast %parallel_loop3A_147 : i32 to index
      %parallel_loop3A_155 = arith.index_cast %parallel_loop3A_150 : i32 to index
      %parallel_loop3A_156 = tpu.vector_load %arg15[%parallel_loop3A_154, %parallel_loop3A_155] {strides = array<i32>} : memref<256x128xf32, #tpu.memory_space<vmem>>, vector<16xf32>,
      %parallel_loop3A_157 = arith.constant 16 : i32
      %parallel_loop3A_158 = arith.addi %parallel_loop3A_150, %parallel_loop3A_157 : i32
      %parallel_loop3A_159 = arith.index_cast %parallel_loop3A_147 : i32 to index
      %parallel_loop3A_160 = arith.index_cast %parallel_loop3A_158 : i32 to index
      %parallel_loop3A_161 = tpu.vector_load %arg15[%parallel_loop3A_159, %parallel_loop3A_160] {strides = array<i32>} : memref<256x128xf32, #tpu.memory_space<vmem>>, vector<16xf32>,
      %parallel_loop3A_162 = arith.index_cast %parallel_loop3A_147 : i32 to index
      %parallel_loop3A_163 = arith.index_cast %parallel_loop3A_153 : i32 to index
      %parallel_loop3A_164 = tpu.vector_load %arg16[%parallel_loop3A_162, %parallel_loop3A_163] {strides = array<i32>} : memref<256x128xf32, #tpu.memory_space<vmem>>, vector<16xf32>,
      %parallel_loop3A_165 = arith.constant 16 : i32
      %parallel_loop3A_166 = arith.addi %parallel_loop3A_153, %parallel_loop3A_165 : i32
      %parallel_loop3A_167 = arith.index_cast %parallel_loop3A_147 : i32 to index
      %parallel_loop3A_168 = arith.index_cast %parallel_loop3A_166 : i32 to index
      %parallel_loop3A_169 = tpu.vector_load %arg16[%parallel_loop3A_167, %parallel_loop3A_168] {strides = array<i32>} : memref<256x128xf32, #tpu.memory_space<vmem>>, vector<16xf32>,
      %parallel_loop3A_170 = arith.mulf %parallel_loop3A_156, %parallel_loop3A_164 : vector<16xf32>
      %parallel_loop3A_171 = arith.mulf %parallel_loop3A_161, %parallel_loop3A_169 : vector<16xf32>
      %parallel_loop3A_172 = arith.addf %parallel_loop3A_170, %parallel_loop3A_171 : vector<16xf32>
      %parallel_loop3A_173 = arith.constant true
      %parallel_loop3A_174 = vector.broadcast %parallel_loop3A_173 : i1 to vector<16xi1>
      %parallel_loop3A_175 = tpu.scan <sum>, %parallel_loop3A_172 masked %parallel_loop3A_174 : vector<16xf32>, vector<16xi1> -> vector<16xf32>
      %parallel_loop3A_176 = arith.constant 2 : i32
      %parallel_loop3A_177 = vector.broadcast %parallel_loop3A_176 : i32 to vector<16xi32>
      %parallel_loop3A_178 = arith.addi %parallel_loop3A_68, %parallel_loop3A_177 : vector<16xi32>
      tpu.vector_store_idx %arg19[%parallel_loop3A_178], %parallel_loop3A_175 masked %eq3A_9 : memref<512xf32, #tpu.memory_space<vmem>>[vector<16xi32>], vector<16xf32>, vector<16xi1>
      %parallel_loop3A_179 = arith.constant 3 : i32
      %parallel_loop3A_180 = arith.addi %parallel_loop3A_71, %parallel_loop3A_179 : i32
      %parallel_loop3A_181 = vector.extract_strided_slice %parallel_loop3A_75 {offsets = [3], sizes = [1], strides = [1]} : vector<16xi32> to vector<1xi32>
      %parallel_loop3A_182 = vector.extract %parallel_loop3A_181[0] : i32 from vector<1xi32>
      %parallel_loop3A_183 = tpu.assume_multiple %parallel_loop3A_182, 32 : i32
      %parallel_loop3A_184 = vector.extract_strided_slice %parallel_loop3A_79 {offsets = [3], sizes = [1], strides = [1]} : vector<16xi32> to vector<1xi32>
      %parallel_loop3A_185 = vector.extract %parallel_loop3A_184[0] : i32 from vector<1xi32>
      %parallel_loop3A_186 = tpu.assume_multiple %parallel_loop3A_185, 32 : i32
      %parallel_loop3A_187 = arith.index_cast %parallel_loop3A_180 : i32 to index
      %parallel_loop3A_188 = arith.index_cast %parallel_loop3A_183 : i32 to index
      %parallel_loop3A_189 = tpu.vector_load %arg15[%parallel_loop3A_187, %parallel_loop3A_188] {strides = array<i32>} : memref<256x128xf32, #tpu.memory_space<vmem>>, vector<16xf32>,
      %parallel_loop3A_190 = arith.constant 16 : i32
      %parallel_loop3A_191 = arith.addi %parallel_loop3A_183, %parallel_loop3A_190 : i32
      %parallel_loop3A_192 = arith.index_cast %parallel_loop3A_180 : i32 to index
      %parallel_loop3A_193 = arith.index_cast %parallel_loop3A_191 : i32 to index
      %parallel_loop3A_194 = tpu.vector_load %arg15[%parallel_loop3A_192, %parallel_loop3A_193] {strides = array<i32>} : memref<256x128xf32, #tpu.memory_space<vmem>>, vector<16xf32>,
      %parallel_loop3A_195 = arith.index_cast %parallel_loop3A_180 : i32 to index
      %parallel_loop3A_196 = arith.index_cast %parallel_loop3A_186 : i32 to index
      %parallel_loop3A_197 = tpu.vector_load %arg16[%parallel_loop3A_195, %parallel_loop3A_196] {strides = array<i32>} : memref<256x128xf32, #tpu.memory_space<vmem>>, vector<16xf32>,
      %parallel_loop3A_198 = arith.constant 16 : i32
      %parallel_loop3A_199 = arith.addi %parallel_loop3A_186, %parallel_loop3A_198 : i32
      %parallel_loop3A_200 = arith.index_cast %parallel_loop3A_180 : i32 to index
      %parallel_loop3A_201 = arith.index_cast %parallel_loop3A_199 : i32 to index
      %parallel_loop3A_202 = tpu.vector_load %arg16[%parallel_loop3A_200, %parallel_loop3A_201] {strides = array<i32>} : memref<256x128xf32, #tpu.memory_space<vmem>>, vector<16xf32>,
      %parallel_loop3A_203 = arith.mulf %parallel_loop3A_189, %parallel_loop3A_197 : vector<16xf32>
      %parallel_loop3A_204 = arith.mulf %parallel_loop3A_194, %parallel_loop3A_202 : vector<16xf32>
      %parallel_loop3A_205 = arith.addf %parallel_loop3A_203, %parallel_loop3A_204 : vector<16xf32>
      %parallel_loop3A_206 = arith.constant true
      %parallel_loop3A_207 = vector.broadcast %parallel_loop3A_206 : i1 to vector<16xi1>
      %parallel_loop3A_208 = tpu.scan <sum>, %parallel_loop3A_205 masked %parallel_loop3A_207 : vector<16xf32>, vector<16xi1> -> vector<16xf32>
      %parallel_loop3A_209 = arith.constant 3 : i32
      %parallel_loop3A_210 = vector.broadcast %parallel_loop3A_209 : i32 to vector<16xi32>
      %parallel_loop3A_211 = arith.addi %parallel_loop3A_68, %parallel_loop3A_210 : vector<16xi32>
      tpu.vector_store_idx %arg19[%parallel_loop3A_211], %parallel_loop3A_208 masked %eq3A_9 : memref<512xf32, #tpu.memory_space<vmem>>[vector<16xi32>], vector<16xf32>, vector<16xi1>
      %parallel_loop3A_212 = arith.constant 4 : i32
      %parallel_loop3A_213 = arith.addi %parallel_loop3A_71, %parallel_loop3A_212 : i32
      %parallel_loop3A_214 = vector.extract_strided_slice %parallel_loop3A_75 {offsets = [4], sizes = [1], strides = [1]} : vector<16xi32> to vector<1xi32>
      %parallel_loop3A_215 = vector.extract %parallel_loop3A_214[0] : i32 from vector<1xi32>
      %parallel_loop3A_216 = tpu.assume_multiple %parallel_loop3A_215, 32 : i32
      %parallel_loop3A_217 = vector.extract_strided_slice %parallel_loop3A_79 {offsets = [4], sizes = [1], strides = [1]} : vector<16xi32> to vector<1xi32>
      %parallel_loop3A_218 = vector.extract %parallel_loop3A_217[0] : i32 from vector<1xi32>
      %parallel_loop3A_219 = tpu.assume_multiple %parallel_loop3A_218, 32 : i32
      %parallel_loop3A_220 = arith.index_cast %parallel_loop3A_213 : i32 to index
      %parallel_loop3A_221 = arith.index_cast %parallel_loop3A_216 : i32 to index
      %parallel_loop3A_222 = tpu.vector_load %arg15[%parallel_loop3A_220, %parallel_loop3A_221] {strides = array<i32>} : memref<256x128xf32, #tpu.memory_space<vmem>>, vector<16xf32>,
      %parallel_loop3A_223 = arith.constant 16 : i32
      %parallel_loop3A_224 = arith.addi %parallel_loop3A_216, %parallel_loop3A_223 : i32
      %parallel_loop3A_225 = arith.index_cast %parallel_loop3A_213 : i32 to index
      %parallel_loop3A_226 = arith.index_cast %parallel_loop3A_224 : i32 to index
      %parallel_loop3A_227 = tpu.vector_load %arg15[%parallel_loop3A_225, %parallel_loop3A_226] {strides = array<i32>} : memref<256x128xf32, #tpu.memory_space<vmem>>, vector<16xf32>,
      %parallel_loop3A_228 = arith.index_cast %parallel_loop3A_213 : i32 to index
      %parallel_loop3A_229 = arith.index_cast %parallel_loop3A_219 : i32 to index
      %parallel_loop3A_230 = tpu.vector_load %arg16[%parallel_loop3A_228, %parallel_loop3A_229] {strides = array<i32>} : memref<256x128xf32, #tpu.memory_space<vmem>>, vector<16xf32>,
      %parallel_loop3A_231 = arith.constant 16 : i32
      %parallel_loop3A_232 = arith.addi %parallel_loop3A_219, %parallel_loop3A_231 : i32
      %parallel_loop3A_233 = arith.index_cast %parallel_loop3A_213 : i32 to index
      %parallel_loop3A_234 = arith.index_cast %parallel_loop3A_232 : i32 to index
      %parallel_loop3A_235 = tpu.vector_load %arg16[%parallel_loop3A_233, %parallel_loop3A_234] {strides = array<i32>} : memref<256x128xf32, #tpu.memory_space<vmem>>, vector<16xf32>,
      %parallel_loop3A_236 = arith.mulf %parallel_loop3A_222, %parallel_loop3A_230 : vector<16xf32>
      %parallel_loop3A_237 = arith.mulf %parallel_loop3A_227, %parallel_loop3A_235 : vector<16xf32>
      %parallel_loop3A_238 = arith.addf %parallel_loop3A_236, %parallel_loop3A_237 : vector<16xf32>
      %parallel_loop3A_239 = arith.constant true
      %parallel_loop3A_240 = vector.broadcast %parallel_loop3A_239 : i1 to vector<16xi1>
      %parallel_loop3A_241 = tpu.scan <sum>, %parallel_loop3A_238 masked %parallel_loop3A_240 : vector<16xf32>, vector<16xi1> -> vector<16xf32>
      %parallel_loop3A_242 = arith.constant 4 : i32
      %parallel_loop3A_243 = vector.broadcast %parallel_loop3A_242 : i32 to vector<16xi32>
      %parallel_loop3A_244 = arith.addi %parallel_loop3A_68, %parallel_loop3A_243 : vector<16xi32>
      tpu.vector_store_idx %arg19[%parallel_loop3A_244], %parallel_loop3A_241 masked %eq3A_9 : memref<512xf32, #tpu.memory_space<vmem>>[vector<16xi32>], vector<16xf32>, vector<16xi1>
      %parallel_loop3A_245 = arith.constant 5 : i32
      %parallel_loop3A_246 = arith.addi %parallel_loop3A_71, %parallel_loop3A_245 : i32
      %parallel_loop3A_247 = vector.extract_strided_slice %parallel_loop3A_75 {offsets = [5], sizes = [1], strides = [1]} : vector<16xi32> to vector<1xi32>
      %parallel_loop3A_248 = vector.extract %parallel_loop3A_247[0] : i32 from vector<1xi32>
      %parallel_loop3A_249 = tpu.assume_multiple %parallel_loop3A_248, 32 : i32
      %parallel_loop3A_250 = vector.extract_strided_slice %parallel_loop3A_79 {offsets = [5], sizes = [1], strides = [1]} : vector<16xi32> to vector<1xi32>
      %parallel_loop3A_251 = vector.extract %parallel_loop3A_250[0] : i32 from vector<1xi32>
      %parallel_loop3A_252 = tpu.assume_multiple %parallel_loop3A_251, 32 : i32
      %parallel_loop3A_253 = arith.index_cast %parallel_loop3A_246 : i32 to index
      %parallel_loop3A_254 = arith.index_cast %parallel_loop3A_249 : i32 to index
      %parallel_loop3A_255 = tpu.vector_load %arg15[%parallel_loop3A_253, %parallel_loop3A_254] {strides = array<i32>} : memref<256x128xf32, #tpu.memory_space<vmem>>, vector<16xf32>,
      %parallel_loop3A_256 = arith.constant 16 : i32
      %parallel_loop3A_257 = arith.addi %parallel_loop3A_249, %parallel_loop3A_256 : i32
      %parallel_loop3A_258 = arith.index_cast %parallel_loop3A_246 : i32 to index
      %parallel_loop3A_259 = arith.index_cast %parallel_loop3A_257 : i32 to index
      %parallel_loop3A_260 = tpu.vector_load %arg15[%parallel_loop3A_258, %parallel_loop3A_259] {strides = array<i32>} : memref<256x128xf32, #tpu.memory_space<vmem>>, vector<16xf32>,
      %parallel_loop3A_261 = arith.index_cast %parallel_loop3A_246 : i32 to index
      %parallel_loop3A_262 = arith.index_cast %parallel_loop3A_252 : i32 to index
      %parallel_loop3A_263 = tpu.vector_load %arg16[%parallel_loop3A_261, %parallel_loop3A_262] {strides = array<i32>} : memref<256x128xf32, #tpu.memory_space<vmem>>, vector<16xf32>,
      %parallel_loop3A_264 = arith.constant 16 : i32
      %parallel_loop3A_265 = arith.addi %parallel_loop3A_252, %parallel_loop3A_264 : i32
      %parallel_loop3A_266 = arith.index_cast %parallel_loop3A_246 : i32 to index
      %parallel_loop3A_267 = arith.index_cast %parallel_loop3A_265 : i32 to index
      %parallel_loop3A_268 = tpu.vector_load %arg16[%parallel_loop3A_266, %parallel_loop3A_267] {strides = array<i32>} : memref<256x128xf32, #tpu.memory_space<vmem>>, vector<16xf32>,
      %parallel_loop3A_269 = arith.mulf %parallel_loop3A_255, %parallel_loop3A_263 : vector<16xf32>
      %parallel_loop3A_270 = arith.mulf %parallel_loop3A_260, %parallel_loop3A_268 : vector<16xf32>
      %parallel_loop3A_271 = arith.addf %parallel_loop3A_269, %parallel_loop3A_270 : vector<16xf32>
      %parallel_loop3A_272 = arith.constant true
      %parallel_loop3A_273 = vector.broadcast %parallel_loop3A_272 : i1 to vector<16xi1>
      %parallel_loop3A_274 = tpu.scan <sum>, %parallel_loop3A_271 masked %parallel_loop3A_273 : vector<16xf32>, vector<16xi1> -> vector<16xf32>
      %parallel_loop3A_275 = arith.constant 5 : i32
      %parallel_loop3A_276 = vector.broadcast %parallel_loop3A_275 : i32 to vector<16xi32>
      %parallel_loop3A_277 = arith.addi %parallel_loop3A_68, %parallel_loop3A_276 : vector<16xi32>
      tpu.vector_store_idx %arg19[%parallel_loop3A_277], %parallel_loop3A_274 masked %eq3A_9 : memref<512xf32, #tpu.memory_space<vmem>>[vector<16xi32>], vector<16xf32>, vector<16xi1>
      %parallel_loop3A_278 = arith.constant 6 : i32
      %parallel_loop3A_279 = arith.addi %parallel_loop3A_71, %parallel_loop3A_278 : i32
      %parallel_loop3A_280 = vector.extract_strided_slice %parallel_loop3A_75 {offsets = [6], sizes = [1], strides = [1]} : vector<16xi32> to vector<1xi32>
      %parallel_loop3A_281 = vector.extract %parallel_loop3A_280[0] : i32 from vector<1xi32>
      %parallel_loop3A_282 = tpu.assume_multiple %parallel_loop3A_281, 32 : i32
      %parallel_loop3A_283 = vector.extract_strided_slice %parallel_loop3A_79 {offsets = [6], sizes = [1], strides = [1]} : vector<16xi32> to vector<1xi32>
      %parallel_loop3A_284 = vector.extract %parallel_loop3A_283[0] : i32 from vector<1xi32>
      %parallel_loop3A_285 = tpu.assume_multiple %parallel_loop3A_284, 32 : i32
      %parallel_loop3A_286 = arith.index_cast %parallel_loop3A_279 : i32 to index
      %parallel_loop3A_287 = arith.index_cast %parallel_loop3A_282 : i32 to index
      %parallel_loop3A_288 = tpu.vector_load %arg15[%parallel_loop3A_286, %parallel_loop3A_287] {strides = array<i32>} : memref<256x128xf32, #tpu.memory_space<vmem>>, vector<16xf32>,
      %parallel_loop3A_289 = arith.constant 16 : i32
      %parallel_loop3A_290 = arith.addi %parallel_loop3A_282, %parallel_loop3A_289 : i32
      %parallel_loop3A_291 = arith.index_cast %parallel_loop3A_279 : i32 to index
      %parallel_loop3A_292 = arith.index_cast %parallel_loop3A_290 : i32 to index
      %parallel_loop3A_293 = tpu.vector_load %arg15[%parallel_loop3A_291, %parallel_loop3A_292] {strides = array<i32>} : memref<256x128xf32, #tpu.memory_space<vmem>>, vector<16xf32>,
      %parallel_loop3A_294 = arith.index_cast %parallel_loop3A_279 : i32 to index
      %parallel_loop3A_295 = arith.index_cast %parallel_loop3A_285 : i32 to index
      %parallel_loop3A_296 = tpu.vector_load %arg16[%parallel_loop3A_294, %parallel_loop3A_295] {strides = array<i32>} : memref<256x128xf32, #tpu.memory_space<vmem>>, vector<16xf32>,
      %parallel_loop3A_297 = arith.constant 16 : i32
      %parallel_loop3A_298 = arith.addi %parallel_loop3A_285, %parallel_loop3A_297 : i32
      %parallel_loop3A_299 = arith.index_cast %parallel_loop3A_279 : i32 to index
      %parallel_loop3A_300 = arith.index_cast %parallel_loop3A_298 : i32 to index
      %parallel_loop3A_301 = tpu.vector_load %arg16[%parallel_loop3A_299, %parallel_loop3A_300] {strides = array<i32>} : memref<256x128xf32, #tpu.memory_space<vmem>>, vector<16xf32>,
      %parallel_loop3A_302 = arith.mulf %parallel_loop3A_288, %parallel_loop3A_296 : vector<16xf32>
      %parallel_loop3A_303 = arith.mulf %parallel_loop3A_293, %parallel_loop3A_301 : vector<16xf32>
      %parallel_loop3A_304 = arith.addf %parallel_loop3A_302, %parallel_loop3A_303 : vector<16xf32>
      %parallel_loop3A_305 = arith.constant true
      %parallel_loop3A_306 = vector.broadcast %parallel_loop3A_305 : i1 to vector<16xi1>
      %parallel_loop3A_307 = tpu.scan <sum>, %parallel_loop3A_304 masked %parallel_loop3A_306 : vector<16xf32>, vector<16xi1> -> vector<16xf32>
      %parallel_loop3A_308 = arith.constant 6 : i32
      %parallel_loop3A_309 = vector.broadcast %parallel_loop3A_308 : i32 to vector<16xi32>
      %parallel_loop3A_310 = arith.addi %parallel_loop3A_68, %parallel_loop3A_309 : vector<16xi32>
      tpu.vector_store_idx %arg19[%parallel_loop3A_310], %parallel_loop3A_307 masked %eq3A_9 : memref<512xf32, #tpu.memory_space<vmem>>[vector<16xi32>], vector<16xf32>, vector<16xi1>
      %parallel_loop3A_311 = arith.constant 7 : i32
      %parallel_loop3A_312 = arith.addi %parallel_loop3A_71, %parallel_loop3A_311 : i32
      %parallel_loop3A_313 = vector.extract_strided_slice %parallel_loop3A_75 {offsets = [7], sizes = [1], strides = [1]} : vector<16xi32> to vector<1xi32>
      %parallel_loop3A_314 = vector.extract %parallel_loop3A_313[0] : i32 from vector<1xi32>
      %parallel_loop3A_315 = tpu.assume_multiple %parallel_loop3A_314, 32 : i32
      %parallel_loop3A_316 = vector.extract_strided_slice %parallel_loop3A_79 {offsets = [7], sizes = [1], strides = [1]} : vector<16xi32> to vector<1xi32>
      %parallel_loop3A_317 = vector.extract %parallel_loop3A_316[0] : i32 from vector<1xi32>
      %parallel_loop3A_318 = tpu.assume_multiple %parallel_loop3A_317, 32 : i32
      %parallel_loop3A_319 = arith.index_cast %parallel_loop3A_312 : i32 to index
      %parallel_loop3A_320 = arith.index_cast %parallel_loop3A_315 : i32 to index
      %parallel_loop3A_321 = tpu.vector_load %arg15[%parallel_loop3A_319, %parallel_loop3A_320] {strides = array<i32>} : memref<256x128xf32, #tpu.memory_space<vmem>>, vector<16xf32>,
      %parallel_loop3A_322 = arith.constant 16 : i32
      %parallel_loop3A_323 = arith.addi %parallel_loop3A_315, %parallel_loop3A_322 : i32
      %parallel_loop3A_324 = arith.index_cast %parallel_loop3A_312 : i32 to index
      %parallel_loop3A_325 = arith.index_cast %parallel_loop3A_323 : i32 to index
      %parallel_loop3A_326 = tpu.vector_load %arg15[%parallel_loop3A_324, %parallel_loop3A_325] {strides = array<i32>} : memref<256x128xf32, #tpu.memory_space<vmem>>, vector<16xf32>,
      %parallel_loop3A_327 = arith.index_cast %parallel_loop3A_312 : i32 to index
      %parallel_loop3A_328 = arith.index_cast %parallel_loop3A_318 : i32 to index
      %parallel_loop3A_329 = tpu.vector_load %arg16[%parallel_loop3A_327, %parallel_loop3A_328] {strides = array<i32>} : memref<256x128xf32, #tpu.memory_space<vmem>>, vector<16xf32>,
      %parallel_loop3A_330 = arith.constant 16 : i32
      %parallel_loop3A_331 = arith.addi %parallel_loop3A_318, %parallel_loop3A_330 : i32
      %parallel_loop3A_332 = arith.index_cast %parallel_loop3A_312 : i32 to index
      %parallel_loop3A_333 = arith.index_cast %parallel_loop3A_331 : i32 to index
      %parallel_loop3A_334 = tpu.vector_load %arg16[%parallel_loop3A_332, %parallel_loop3A_333] {strides = array<i32>} : memref<256x128xf32, #tpu.memory_space<vmem>>, vector<16xf32>,
      %parallel_loop3A_335 = arith.mulf %parallel_loop3A_321, %parallel_loop3A_329 : vector<16xf32>
      %parallel_loop3A_336 = arith.mulf %parallel_loop3A_326, %parallel_loop3A_334 : vector<16xf32>
      %parallel_loop3A_337 = arith.addf %parallel_loop3A_335, %parallel_loop3A_336 : vector<16xf32>
      %parallel_loop3A_338 = arith.constant true
      %parallel_loop3A_339 = vector.broadcast %parallel_loop3A_338 : i1 to vector<16xi1>
      %parallel_loop3A_340 = tpu.scan <sum>, %parallel_loop3A_337 masked %parallel_loop3A_339 : vector<16xf32>, vector<16xi1> -> vector<16xf32>
      %parallel_loop3A_341 = arith.constant 7 : i32
      %parallel_loop3A_342 = vector.broadcast %parallel_loop3A_341 : i32 to vector<16xi32>
      %parallel_loop3A_343 = arith.addi %parallel_loop3A_68, %parallel_loop3A_342 : vector<16xi32>
      tpu.vector_store_idx %arg19[%parallel_loop3A_343], %parallel_loop3A_340 masked %eq3A_9 : memref<512xf32, #tpu.memory_space<vmem>>[vector<16xi32>], vector<16xf32>, vector<16xi1>
      %parallel_loop3A_344 = arith.constant 8 : i32
      %parallel_loop3A_345 = arith.addi %parallel_loop3A_71, %parallel_loop3A_344 : i32
      %parallel_loop3A_346 = vector.extract_strided_slice %parallel_loop3A_75 {offsets = [8], sizes = [1], strides = [1]} : vector<16xi32> to vector<1xi32>
      %parallel_loop3A_347 = vector.extract %parallel_loop3A_346[0] : i32 from vector<1xi32>
      %parallel_loop3A_348 = tpu.assume_multiple %parallel_loop3A_347, 32 : i32
      %parallel_loop3A_349 = vector.extract_strided_slice %parallel_loop3A_79 {offsets = [8], sizes = [1], strides = [1]} : vector<16xi32> to vector<1xi32>
      %parallel_loop3A_350 = vector.extract %parallel_loop3A_349[0] : i32 from vector<1xi32>
      %parallel_loop3A_351 = tpu.assume_multiple %parallel_loop3A_350, 32 : i32
      %parallel_loop3A_352 = arith.index_cast %parallel_loop3A_345 : i32 to index
      %parallel_loop3A_353 = arith.index_cast %parallel_loop3A_348 : i32 to index
      %parallel_loop3A_354 = tpu.vector_load %arg15[%parallel_loop3A_352, %parallel_loop3A_353] {strides = array<i32>} : memref<256x128xf32, #tpu.memory_space<vmem>>, vector<16xf32>,
      %parallel_loop3A_355 = arith.constant 16 : i32
      %parallel_loop3A_356 = arith.addi %parallel_loop3A_348, %parallel_loop3A_355 : i32
      %parallel_loop3A_357 = arith.index_cast %parallel_loop3A_345 : i32 to index
      %parallel_loop3A_358 = arith.index_cast %parallel_loop3A_356 : i32 to index
      %parallel_loop3A_359 = tpu.vector_load %arg15[%parallel_loop3A_357, %parallel_loop3A_358] {strides = array<i32>} : memref<256x128xf32, #tpu.memory_space<vmem>>, vector<16xf32>,
      %parallel_loop3A_360 = arith.index_cast %parallel_loop3A_345 : i32 to index
      %parallel_loop3A_361 = arith.index_cast %parallel_loop3A_351 : i32 to index
      %parallel_loop3A_362 = tpu.vector_load %arg16[%parallel_loop3A_360, %parallel_loop3A_361] {strides = array<i32>} : memref<256x128xf32, #tpu.memory_space<vmem>>, vector<16xf32>,
      %parallel_loop3A_363 = arith.constant 16 : i32
      %parallel_loop3A_364 = arith.addi %parallel_loop3A_351, %parallel_loop3A_363 : i32
      %parallel_loop3A_365 = arith.index_cast %parallel_loop3A_345 : i32 to index
      %parallel_loop3A_366 = arith.index_cast %parallel_loop3A_364 : i32 to index
      %parallel_loop3A_367 = tpu.vector_load %arg16[%parallel_loop3A_365, %parallel_loop3A_366] {strides = array<i32>} : memref<256x128xf32, #tpu.memory_space<vmem>>, vector<16xf32>,
      %parallel_loop3A_368 = arith.mulf %parallel_loop3A_354, %parallel_loop3A_362 : vector<16xf32>
      %parallel_loop3A_369 = arith.mulf %parallel_loop3A_359, %parallel_loop3A_367 : vector<16xf32>
      %parallel_loop3A_370 = arith.addf %parallel_loop3A_368, %parallel_loop3A_369 : vector<16xf32>
      %parallel_loop3A_371 = arith.constant true
      %parallel_loop3A_372 = vector.broadcast %parallel_loop3A_371 : i1 to vector<16xi1>
      %parallel_loop3A_373 = tpu.scan <sum>, %parallel_loop3A_370 masked %parallel_loop3A_372 : vector<16xf32>, vector<16xi1> -> vector<16xf32>
      %parallel_loop3A_374 = arith.constant 8 : i32
      %parallel_loop3A_375 = vector.broadcast %parallel_loop3A_374 : i32 to vector<16xi32>
      %parallel_loop3A_376 = arith.addi %parallel_loop3A_68, %parallel_loop3A_375 : vector<16xi32>
      tpu.vector_store_idx %arg19[%parallel_loop3A_376], %parallel_loop3A_373 masked %eq3A_9 : memref<512xf32, #tpu.memory_space<vmem>>[vector<16xi32>], vector<16xf32>, vector<16xi1>
      %parallel_loop3A_377 = arith.constant 9 : i32
      %parallel_loop3A_378 = arith.addi %parallel_loop3A_71, %parallel_loop3A_377 : i32
      %parallel_loop3A_379 = vector.extract_strided_slice %parallel_loop3A_75 {offsets = [9], sizes = [1], strides = [1]} : vector<16xi32> to vector<1xi32>
      %parallel_loop3A_380 = vector.extract %parallel_loop3A_379[0] : i32 from vector<1xi32>
      %parallel_loop3A_381 = tpu.assume_multiple %parallel_loop3A_380, 32 : i32
      %parallel_loop3A_382 = vector.extract_strided_slice %parallel_loop3A_79 {offsets = [9], sizes = [1], strides = [1]} : vector<16xi32> to vector<1xi32>
      %parallel_loop3A_383 = vector.extract %parallel_loop3A_382[0] : i32 from vector<1xi32>
      %parallel_loop3A_384 = tpu.assume_multiple %parallel_loop3A_383, 32 : i32
      %parallel_loop3A_385 = arith.index_cast %parallel_loop3A_378 : i32 to index
      %parallel_loop3A_386 = arith.index_cast %parallel_loop3A_381 : i32 to index
      %parallel_loop3A_387 = tpu.vector_load %arg15[%parallel_loop3A_385, %parallel_loop3A_386] {strides = array<i32>} : memref<256x128xf32, #tpu.memory_space<vmem>>, vector<16xf32>,
      %parallel_loop3A_388 = arith.constant 16 : i32
      %parallel_loop3A_389 = arith.addi %parallel_loop3A_381, %parallel_loop3A_388 : i32
      %parallel_loop3A_390 = arith.index_cast %parallel_loop3A_378 : i32 to index
      %parallel_loop3A_391 = arith.index_cast %parallel_loop3A_389 : i32 to index
      %parallel_loop3A_392 = tpu.vector_load %arg15[%parallel_loop3A_390, %parallel_loop3A_391] {strides = array<i32>} : memref<256x128xf32, #tpu.memory_space<vmem>>, vector<16xf32>,
      %parallel_loop3A_393 = arith.index_cast %parallel_loop3A_378 : i32 to index
      %parallel_loop3A_394 = arith.index_cast %parallel_loop3A_384 : i32 to index
      %parallel_loop3A_395 = tpu.vector_load %arg16[%parallel_loop3A_393, %parallel_loop3A_394] {strides = array<i32>} : memref<256x128xf32, #tpu.memory_space<vmem>>, vector<16xf32>,
      %parallel_loop3A_396 = arith.constant 16 : i32
      %parallel_loop3A_397 = arith.addi %parallel_loop3A_384, %parallel_loop3A_396 : i32
      %parallel_loop3A_398 = arith.index_cast %parallel_loop3A_378 : i32 to index
      %parallel_loop3A_399 = arith.index_cast %parallel_loop3A_397 : i32 to index
      %parallel_loop3A_400 = tpu.vector_load %arg16[%parallel_loop3A_398, %parallel_loop3A_399] {strides = array<i32>} : memref<256x128xf32, #tpu.memory_space<vmem>>, vector<16xf32>,
      %parallel_loop3A_401 = arith.mulf %parallel_loop3A_387, %parallel_loop3A_395 : vector<16xf32>
      %parallel_loop3A_402 = arith.mulf %parallel_loop3A_392, %parallel_loop3A_400 : vector<16xf32>
      %parallel_loop3A_403 = arith.addf %parallel_loop3A_401, %parallel_loop3A_402 : vector<16xf32>
      %parallel_loop3A_404 = arith.constant true
      %parallel_loop3A_405 = vector.broadcast %parallel_loop3A_404 : i1 to vector<16xi1>
      %parallel_loop3A_406 = tpu.scan <sum>, %parallel_loop3A_403 masked %parallel_loop3A_405 : vector<16xf32>, vector<16xi1> -> vector<16xf32>
      %parallel_loop3A_407 = arith.constant 9 : i32
      %parallel_loop3A_408 = vector.broadcast %parallel_loop3A_407 : i32 to vector<16xi32>
      %parallel_loop3A_409 = arith.addi %parallel_loop3A_68, %parallel_loop3A_408 : vector<16xi32>
      tpu.vector_store_idx %arg19[%parallel_loop3A_409], %parallel_loop3A_406 masked %eq3A_9 : memref<512xf32, #tpu.memory_space<vmem>>[vector<16xi32>], vector<16xf32>, vector<16xi1>
      %parallel_loop3A_410 = arith.constant 10 : i32
      %parallel_loop3A_411 = arith.addi %parallel_loop3A_71, %parallel_loop3A_410 : i32
      %parallel_loop3A_412 = vector.extract_strided_slice %parallel_loop3A_75 {offsets = [10], sizes = [1], strides = [1]} : vector<16xi32> to vector<1xi32>
      %parallel_loop3A_413 = vector.extract %parallel_loop3A_412[0] : i32 from vector<1xi32>
      %parallel_loop3A_414 = tpu.assume_multiple %parallel_loop3A_413, 32 : i32
      %parallel_loop3A_415 = vector.extract_strided_slice %parallel_loop3A_79 {offsets = [10], sizes = [1], strides = [1]} : vector<16xi32> to vector<1xi32>
      %parallel_loop3A_416 = vector.extract %parallel_loop3A_415[0] : i32 from vector<1xi32>
      %parallel_loop3A_417 = tpu.assume_multiple %parallel_loop3A_416, 32 : i32
      %parallel_loop3A_418 = arith.index_cast %parallel_loop3A_411 : i32 to index
      %parallel_loop3A_419 = arith.index_cast %parallel_loop3A_414 : i32 to index
      %parallel_loop3A_420 = tpu.vector_load %arg15[%parallel_loop3A_418, %parallel_loop3A_419] {strides = array<i32>} : memref<256x128xf32, #tpu.memory_space<vmem>>, vector<16xf32>,
      %parallel_loop3A_421 = arith.constant 16 : i32
      %parallel_loop3A_422 = arith.addi %parallel_loop3A_414, %parallel_loop3A_421 : i32
      %parallel_loop3A_423 = arith.index_cast %parallel_loop3A_411 : i32 to index
      %parallel_loop3A_424 = arith.index_cast %parallel_loop3A_422 : i32 to index
      %parallel_loop3A_425 = tpu.vector_load %arg15[%parallel_loop3A_423, %parallel_loop3A_424] {strides = array<i32>} : memref<256x128xf32, #tpu.memory_space<vmem>>, vector<16xf32>,
      %parallel_loop3A_426 = arith.index_cast %parallel_loop3A_411 : i32 to index
      %parallel_loop3A_427 = arith.index_cast %parallel_loop3A_417 : i32 to index
      %parallel_loop3A_428 = tpu.vector_load %arg16[%parallel_loop3A_426, %parallel_loop3A_427] {strides = array<i32>} : memref<256x128xf32, #tpu.memory_space<vmem>>, vector<16xf32>,
      %parallel_loop3A_429 = arith.constant 16 : i32
      %parallel_loop3A_430 = arith.addi %parallel_loop3A_417, %parallel_loop3A_429 : i32
      %parallel_loop3A_431 = arith.index_cast %parallel_loop3A_411 : i32 to index
      %parallel_loop3A_432 = arith.index_cast %parallel_loop3A_430 : i32 to index
      %parallel_loop3A_433 = tpu.vector_load %arg16[%parallel_loop3A_431, %parallel_loop3A_432] {strides = array<i32>} : memref<256x128xf32, #tpu.memory_space<vmem>>, vector<16xf32>,
      %parallel_loop3A_434 = arith.mulf %parallel_loop3A_420, %parallel_loop3A_428 : vector<16xf32>
      %parallel_loop3A_435 = arith.mulf %parallel_loop3A_425, %parallel_loop3A_433 : vector<16xf32>
      %parallel_loop3A_436 = arith.addf %parallel_loop3A_434, %parallel_loop3A_435 : vector<16xf32>
      %parallel_loop3A_437 = arith.constant true
      %parallel_loop3A_438 = vector.broadcast %parallel_loop3A_437 : i1 to vector<16xi1>
      %parallel_loop3A_439 = tpu.scan <sum>, %parallel_loop3A_436 masked %parallel_loop3A_438 : vector<16xf32>, vector<16xi1> -> vector<16xf32>
      %parallel_loop3A_440 = arith.constant 10 : i32
      %parallel_loop3A_441 = vector.broadcast %parallel_loop3A_440 : i32 to vector<16xi32>
      %parallel_loop3A_442 = arith.addi %parallel_loop3A_68, %parallel_loop3A_441 : vector<16xi32>
      tpu.vector_store_idx %arg19[%parallel_loop3A_442], %parallel_loop3A_439 masked %eq3A_9 : memref<512xf32, #tpu.memory_space<vmem>>[vector<16xi32>], vector<16xf32>, vector<16xi1>
      %parallel_loop3A_443 = arith.constant 11 : i32
      %parallel_loop3A_444 = arith.addi %parallel_loop3A_71, %parallel_loop3A_443 : i32
      %parallel_loop3A_445 = vector.extract_strided_slice %parallel_loop3A_75 {offsets = [11], sizes = [1], strides = [1]} : vector<16xi32> to vector<1xi32>
      %parallel_loop3A_446 = vector.extract %parallel_loop3A_445[0] : i32 from vector<1xi32>
      %parallel_loop3A_447 = tpu.assume_multiple %parallel_loop3A_446, 32 : i32
      %parallel_loop3A_448 = vector.extract_strided_slice %parallel_loop3A_79 {offsets = [11], sizes = [1], strides = [1]} : vector<16xi32> to vector<1xi32>
      %parallel_loop3A_449 = vector.extract %parallel_loop3A_448[0] : i32 from vector<1xi32>
      %parallel_loop3A_450 = tpu.assume_multiple %parallel_loop3A_449, 32 : i32
      %parallel_loop3A_451 = arith.index_cast %parallel_loop3A_444 : i32 to index
      %parallel_loop3A_452 = arith.index_cast %parallel_loop3A_447 : i32 to index
      %parallel_loop3A_453 = tpu.vector_load %arg15[%parallel_loop3A_451, %parallel_loop3A_452] {strides = array<i32>} : memref<256x128xf32, #tpu.memory_space<vmem>>, vector<16xf32>,
      %parallel_loop3A_454 = arith.constant 16 : i32
      %parallel_loop3A_455 = arith.addi %parallel_loop3A_447, %parallel_loop3A_454 : i32
      %parallel_loop3A_456 = arith.index_cast %parallel_loop3A_444 : i32 to index
      %parallel_loop3A_457 = arith.index_cast %parallel_loop3A_455 : i32 to index
      %parallel_loop3A_458 = tpu.vector_load %arg15[%parallel_loop3A_456, %parallel_loop3A_457] {strides = array<i32>} : memref<256x128xf32, #tpu.memory_space<vmem>>, vector<16xf32>,
      %parallel_loop3A_459 = arith.index_cast %parallel_loop3A_444 : i32 to index
      %parallel_loop3A_460 = arith.index_cast %parallel_loop3A_450 : i32 to index
      %parallel_loop3A_461 = tpu.vector_load %arg16[%parallel_loop3A_459, %parallel_loop3A_460] {strides = array<i32>} : memref<256x128xf32, #tpu.memory_space<vmem>>, vector<16xf32>,
      %parallel_loop3A_462 = arith.constant 16 : i32
      %parallel_loop3A_463 = arith.addi %parallel_loop3A_450, %parallel_loop3A_462 : i32
      %parallel_loop3A_464 = arith.index_cast %parallel_loop3A_444 : i32 to index
      %parallel_loop3A_465 = arith.index_cast %parallel_loop3A_463 : i32 to index
      %parallel_loop3A_466 = tpu.vector_load %arg16[%parallel_loop3A_464, %parallel_loop3A_465] {strides = array<i32>} : memref<256x128xf32, #tpu.memory_space<vmem>>, vector<16xf32>,
      %parallel_loop3A_467 = arith.mulf %parallel_loop3A_453, %parallel_loop3A_461 : vector<16xf32>
      %parallel_loop3A_468 = arith.mulf %parallel_loop3A_458, %parallel_loop3A_466 : vector<16xf32>
      %parallel_loop3A_469 = arith.addf %parallel_loop3A_467, %parallel_loop3A_468 : vector<16xf32>
      %parallel_loop3A_470 = arith.constant true
      %parallel_loop3A_471 = vector.broadcast %parallel_loop3A_470 : i1 to vector<16xi1>
      %parallel_loop3A_472 = tpu.scan <sum>, %parallel_loop3A_469 masked %parallel_loop3A_471 : vector<16xf32>, vector<16xi1> -> vector<16xf32>
      %parallel_loop3A_473 = arith.constant 11 : i32
      %parallel_loop3A_474 = vector.broadcast %parallel_loop3A_473 : i32 to vector<16xi32>
      %parallel_loop3A_475 = arith.addi %parallel_loop3A_68, %parallel_loop3A_474 : vector<16xi32>
      tpu.vector_store_idx %arg19[%parallel_loop3A_475], %parallel_loop3A_472 masked %eq3A_9 : memref<512xf32, #tpu.memory_space<vmem>>[vector<16xi32>], vector<16xf32>, vector<16xi1>
      %parallel_loop3A_476 = arith.constant 12 : i32
      %parallel_loop3A_477 = arith.addi %parallel_loop3A_71, %parallel_loop3A_476 : i32
      %parallel_loop3A_478 = vector.extract_strided_slice %parallel_loop3A_75 {offsets = [12], sizes = [1], strides = [1]} : vector<16xi32> to vector<1xi32>
      %parallel_loop3A_479 = vector.extract %parallel_loop3A_478[0] : i32 from vector<1xi32>
      %parallel_loop3A_480 = tpu.assume_multiple %parallel_loop3A_479, 32 : i32
      %parallel_loop3A_481 = vector.extract_strided_slice %parallel_loop3A_79 {offsets = [12], sizes = [1], strides = [1]} : vector<16xi32> to vector<1xi32>
      %parallel_loop3A_482 = vector.extract %parallel_loop3A_481[0] : i32 from vector<1xi32>
      %parallel_loop3A_483 = tpu.assume_multiple %parallel_loop3A_482, 32 : i32
      %parallel_loop3A_484 = arith.index_cast %parallel_loop3A_477 : i32 to index
      %parallel_loop3A_485 = arith.index_cast %parallel_loop3A_480 : i32 to index
      %parallel_loop3A_486 = tpu.vector_load %arg15[%parallel_loop3A_484, %parallel_loop3A_485] {strides = array<i32>} : memref<256x128xf32, #tpu.memory_space<vmem>>, vector<16xf32>,
      %parallel_loop3A_487 = arith.constant 16 : i32
      %parallel_loop3A_488 = arith.addi %parallel_loop3A_480, %parallel_loop3A_487 : i32
      %parallel_loop3A_489 = arith.index_cast %parallel_loop3A_477 : i32 to index
      %parallel_loop3A_490 = arith.index_cast %parallel_loop3A_488 : i32 to index
      %parallel_loop3A_491 = tpu.vector_load %arg15[%parallel_loop3A_489, %parallel_loop3A_490] {strides = array<i32>} : memref<256x128xf32, #tpu.memory_space<vmem>>, vector<16xf32>,
      %parallel_loop3A_492 = arith.index_cast %parallel_loop3A_477 : i32 to index
      %parallel_loop3A_493 = arith.index_cast %parallel_loop3A_483 : i32 to index
      %parallel_loop3A_494 = tpu.vector_load %arg16[%parallel_loop3A_492, %parallel_loop3A_493] {strides = array<i32>} : memref<256x128xf32, #tpu.memory_space<vmem>>, vector<16xf32>,
      %parallel_loop3A_495 = arith.constant 16 : i32
      %parallel_loop3A_496 = arith.addi %parallel_loop3A_483, %parallel_loop3A_495 : i32
      %parallel_loop3A_497 = arith.index_cast %parallel_loop3A_477 : i32 to index
      %parallel_loop3A_498 = arith.index_cast %parallel_loop3A_496 : i32 to index
      %parallel_loop3A_499 = tpu.vector_load %arg16[%parallel_loop3A_497, %parallel_loop3A_498] {strides = array<i32>} : memref<256x128xf32, #tpu.memory_space<vmem>>, vector<16xf32>,
      %parallel_loop3A_500 = arith.mulf %parallel_loop3A_486, %parallel_loop3A_494 : vector<16xf32>
      %parallel_loop3A_501 = arith.mulf %parallel_loop3A_491, %parallel_loop3A_499 : vector<16xf32>
      %parallel_loop3A_502 = arith.addf %parallel_loop3A_500, %parallel_loop3A_501 : vector<16xf32>
      %parallel_loop3A_503 = arith.constant true
      %parallel_loop3A_504 = vector.broadcast %parallel_loop3A_503 : i1 to vector<16xi1>
      %parallel_loop3A_505 = tpu.scan <sum>, %parallel_loop3A_502 masked %parallel_loop3A_504 : vector<16xf32>, vector<16xi1> -> vector<16xf32>
      %parallel_loop3A_506 = arith.constant 12 : i32
      %parallel_loop3A_507 = vector.broadcast %parallel_loop3A_506 : i32 to vector<16xi32>
      %parallel_loop3A_508 = arith.addi %parallel_loop3A_68, %parallel_loop3A_507 : vector<16xi32>
      tpu.vector_store_idx %arg19[%parallel_loop3A_508], %parallel_loop3A_505 masked %eq3A_9 : memref<512xf32, #tpu.memory_space<vmem>>[vector<16xi32>], vector<16xf32>, vector<16xi1>
      %parallel_loop3A_509 = arith.constant 13 : i32
      %parallel_loop3A_510 = arith.addi %parallel_loop3A_71, %parallel_loop3A_509 : i32
      %parallel_loop3A_511 = vector.extract_strided_slice %parallel_loop3A_75 {offsets = [13], sizes = [1], strides = [1]} : vector<16xi32> to vector<1xi32>
      %parallel_loop3A_512 = vector.extract %parallel_loop3A_511[0] : i32 from vector<1xi32>
      %parallel_loop3A_513 = tpu.assume_multiple %parallel_loop3A_512, 32 : i32
      %parallel_loop3A_514 = vector.extract_strided_slice %parallel_loop3A_79 {offsets = [13], sizes = [1], strides = [1]} : vector<16xi32> to vector<1xi32>
      %parallel_loop3A_515 = vector.extract %parallel_loop3A_514[0] : i32 from vector<1xi32>
      %parallel_loop3A_516 = tpu.assume_multiple %parallel_loop3A_515, 32 : i32
      %parallel_loop3A_517 = arith.index_cast %parallel_loop3A_510 : i32 to index
      %parallel_loop3A_518 = arith.index_cast %parallel_loop3A_513 : i32 to index
      %parallel_loop3A_519 = tpu.vector_load %arg15[%parallel_loop3A_517, %parallel_loop3A_518] {strides = array<i32>} : memref<256x128xf32, #tpu.memory_space<vmem>>, vector<16xf32>,
      %parallel_loop3A_520 = arith.constant 16 : i32
      %parallel_loop3A_521 = arith.addi %parallel_loop3A_513, %parallel_loop3A_520 : i32
      %parallel_loop3A_522 = arith.index_cast %parallel_loop3A_510 : i32 to index
      %parallel_loop3A_523 = arith.index_cast %parallel_loop3A_521 : i32 to index
      %parallel_loop3A_524 = tpu.vector_load %arg15[%parallel_loop3A_522, %parallel_loop3A_523] {strides = array<i32>} : memref<256x128xf32, #tpu.memory_space<vmem>>, vector<16xf32>,
      %parallel_loop3A_525 = arith.index_cast %parallel_loop3A_510 : i32 to index
      %parallel_loop3A_526 = arith.index_cast %parallel_loop3A_516 : i32 to index
      %parallel_loop3A_527 = tpu.vector_load %arg16[%parallel_loop3A_525, %parallel_loop3A_526] {strides = array<i32>} : memref<256x128xf32, #tpu.memory_space<vmem>>, vector<16xf32>,
      %parallel_loop3A_528 = arith.constant 16 : i32
      %parallel_loop3A_529 = arith.addi %parallel_loop3A_516, %parallel_loop3A_528 : i32
      %parallel_loop3A_530 = arith.index_cast %parallel_loop3A_510 : i32 to index
      %parallel_loop3A_531 = arith.index_cast %parallel_loop3A_529 : i32 to index
      %parallel_loop3A_532 = tpu.vector_load %arg16[%parallel_loop3A_530, %parallel_loop3A_531] {strides = array<i32>} : memref<256x128xf32, #tpu.memory_space<vmem>>, vector<16xf32>,
      %parallel_loop3A_533 = arith.mulf %parallel_loop3A_519, %parallel_loop3A_527 : vector<16xf32>
      %parallel_loop3A_534 = arith.mulf %parallel_loop3A_524, %parallel_loop3A_532 : vector<16xf32>
      %parallel_loop3A_535 = arith.addf %parallel_loop3A_533, %parallel_loop3A_534 : vector<16xf32>
      %parallel_loop3A_536 = arith.constant true
      %parallel_loop3A_537 = vector.broadcast %parallel_loop3A_536 : i1 to vector<16xi1>
      %parallel_loop3A_538 = tpu.scan <sum>, %parallel_loop3A_535 masked %parallel_loop3A_537 : vector<16xf32>, vector<16xi1> -> vector<16xf32>
      %parallel_loop3A_539 = arith.constant 13 : i32
      %parallel_loop3A_540 = vector.broadcast %parallel_loop3A_539 : i32 to vector<16xi32>
      %parallel_loop3A_541 = arith.addi %parallel_loop3A_68, %parallel_loop3A_540 : vector<16xi32>
      tpu.vector_store_idx %arg19[%parallel_loop3A_541], %parallel_loop3A_538 masked %eq3A_9 : memref<512xf32, #tpu.memory_space<vmem>>[vector<16xi32>], vector<16xf32>, vector<16xi1>
      %parallel_loop3A_542 = arith.constant 14 : i32
      %parallel_loop3A_543 = arith.addi %parallel_loop3A_71, %parallel_loop3A_542 : i32
      %parallel_loop3A_544 = vector.extract_strided_slice %parallel_loop3A_75 {offsets = [14], sizes = [1], strides = [1]} : vector<16xi32> to vector<1xi32>
      %parallel_loop3A_545 = vector.extract %parallel_loop3A_544[0] : i32 from vector<1xi32>
      %parallel_loop3A_546 = tpu.assume_multiple %parallel_loop3A_545, 32 : i32
      %parallel_loop3A_547 = vector.extract_strided_slice %parallel_loop3A_79 {offsets = [14], sizes = [1], strides = [1]} : vector<16xi32> to vector<1xi32>
      %parallel_loop3A_548 = vector.extract %parallel_loop3A_547[0] : i32 from vector<1xi32>
      %parallel_loop3A_549 = tpu.assume_multiple %parallel_loop3A_548, 32 : i32
      %parallel_loop3A_550 = arith.index_cast %parallel_loop3A_543 : i32 to index
      %parallel_loop3A_551 = arith.index_cast %parallel_loop3A_546 : i32 to index
      %parallel_loop3A_552 = tpu.vector_load %arg15[%parallel_loop3A_550, %parallel_loop3A_551] {strides = array<i32>} : memref<256x128xf32, #tpu.memory_space<vmem>>, vector<16xf32>,
      %parallel_loop3A_553 = arith.constant 16 : i32
      %parallel_loop3A_554 = arith.addi %parallel_loop3A_546, %parallel_loop3A_553 : i32
      %parallel_loop3A_555 = arith.index_cast %parallel_loop3A_543 : i32 to index
      %parallel_loop3A_556 = arith.index_cast %parallel_loop3A_554 : i32 to index
      %parallel_loop3A_557 = tpu.vector_load %arg15[%parallel_loop3A_555, %parallel_loop3A_556] {strides = array<i32>} : memref<256x128xf32, #tpu.memory_space<vmem>>, vector<16xf32>,
      %parallel_loop3A_558 = arith.index_cast %parallel_loop3A_543 : i32 to index
      %parallel_loop3A_559 = arith.index_cast %parallel_loop3A_549 : i32 to index
      %parallel_loop3A_560 = tpu.vector_load %arg16[%parallel_loop3A_558, %parallel_loop3A_559] {strides = array<i32>} : memref<256x128xf32, #tpu.memory_space<vmem>>, vector<16xf32>,
      %parallel_loop3A_561 = arith.constant 16 : i32
      %parallel_loop3A_562 = arith.addi %parallel_loop3A_549, %parallel_loop3A_561 : i32
      %parallel_loop3A_563 = arith.index_cast %parallel_loop3A_543 : i32 to index
      %parallel_loop3A_564 = arith.index_cast %parallel_loop3A_562 : i32 to index
      %parallel_loop3A_565 = tpu.vector_load %arg16[%parallel_loop3A_563, %parallel_loop3A_564] {strides = array<i32>} : memref<256x128xf32, #tpu.memory_space<vmem>>, vector<16xf32>,
      %parallel_loop3A_566 = arith.mulf %parallel_loop3A_552, %parallel_loop3A_560 : vector<16xf32>
      %parallel_loop3A_567 = arith.mulf %parallel_loop3A_557, %parallel_loop3A_565 : vector<16xf32>
      %parallel_loop3A_568 = arith.addf %parallel_loop3A_566, %parallel_loop3A_567 : vector<16xf32>
      %parallel_loop3A_569 = arith.constant true
      %parallel_loop3A_570 = vector.broadcast %parallel_loop3A_569 : i1 to vector<16xi1>
      %parallel_loop3A_571 = tpu.scan <sum>, %parallel_loop3A_568 masked %parallel_loop3A_570 : vector<16xf32>, vector<16xi1> -> vector<16xf32>
      %parallel_loop3A_572 = arith.constant 14 : i32
      %parallel_loop3A_573 = vector.broadcast %parallel_loop3A_572 : i32 to vector<16xi32>
      %parallel_loop3A_574 = arith.addi %parallel_loop3A_68, %parallel_loop3A_573 : vector<16xi32>
      tpu.vector_store_idx %arg19[%parallel_loop3A_574], %parallel_loop3A_571 masked %eq3A_9 : memref<512xf32, #tpu.memory_space<vmem>>[vector<16xi32>], vector<16xf32>, vector<16xi1>
      %parallel_loop3A_575 = arith.constant 15 : i32
      %parallel_loop3A_576 = arith.addi %parallel_loop3A_71, %parallel_loop3A_575 : i32
      %parallel_loop3A_577 = vector.extract_strided_slice %parallel_loop3A_75 {offsets = [15], sizes = [1], strides = [1]} : vector<16xi32> to vector<1xi32>
      %parallel_loop3A_578 = vector.extract %parallel_loop3A_577[0] : i32 from vector<1xi32>
      %parallel_loop3A_579 = tpu.assume_multiple %parallel_loop3A_578, 32 : i32
      %parallel_loop3A_580 = vector.extract_strided_slice %parallel_loop3A_79 {offsets = [15], sizes = [1], strides = [1]} : vector<16xi32> to vector<1xi32>
      %parallel_loop3A_581 = vector.extract %parallel_loop3A_580[0] : i32 from vector<1xi32>
      %parallel_loop3A_582 = tpu.assume_multiple %parallel_loop3A_581, 32 : i32
      %parallel_loop3A_583 = arith.index_cast %parallel_loop3A_576 : i32 to index
      %parallel_loop3A_584 = arith.index_cast %parallel_loop3A_579 : i32 to index
      %parallel_loop3A_585 = tpu.vector_load %arg15[%parallel_loop3A_583, %parallel_loop3A_584] {strides = array<i32>} : memref<256x128xf32, #tpu.memory_space<vmem>>, vector<16xf32>,
      %parallel_loop3A_586 = arith.constant 16 : i32
      %parallel_loop3A_587 = arith.addi %parallel_loop3A_579, %parallel_loop3A_586 : i32
      %parallel_loop3A_588 = arith.index_cast %parallel_loop3A_576 : i32 to index
      %parallel_loop3A_589 = arith.index_cast %parallel_loop3A_587 : i32 to index
      %parallel_loop3A_590 = tpu.vector_load %arg15[%parallel_loop3A_588, %parallel_loop3A_589] {strides = array<i32>} : memref<256x128xf32, #tpu.memory_space<vmem>>, vector<16xf32>,
      %parallel_loop3A_591 = arith.index_cast %parallel_loop3A_576 : i32 to index
      %parallel_loop3A_592 = arith.index_cast %parallel_loop3A_582 : i32 to index
      %parallel_loop3A_593 = tpu.vector_load %arg16[%parallel_loop3A_591, %parallel_loop3A_592] {strides = array<i32>} : memref<256x128xf32, #tpu.memory_space<vmem>>, vector<16xf32>,
      %parallel_loop3A_594 = arith.constant 16 : i32
      %parallel_loop3A_595 = arith.addi %parallel_loop3A_582, %parallel_loop3A_594 : i32
      %parallel_loop3A_596 = arith.index_cast %parallel_loop3A_576 : i32 to index
      %parallel_loop3A_597 = arith.index_cast %parallel_loop3A_595 : i32 to index
      %parallel_loop3A_598 = tpu.vector_load %arg16[%parallel_loop3A_596, %parallel_loop3A_597] {strides = array<i32>} : memref<256x128xf32, #tpu.memory_space<vmem>>, vector<16xf32>,
      %parallel_loop3A_599 = arith.mulf %parallel_loop3A_585, %parallel_loop3A_593 : vector<16xf32>
      %parallel_loop3A_600 = arith.mulf %parallel_loop3A_590, %parallel_loop3A_598 : vector<16xf32>
      %parallel_loop3A_601 = arith.addf %parallel_loop3A_599, %parallel_loop3A_600 : vector<16xf32>
      %parallel_loop3A_602 = arith.constant true
      %parallel_loop3A_603 = vector.broadcast %parallel_loop3A_602 : i1 to vector<16xi1>
      %parallel_loop3A_604 = tpu.scan <sum>, %parallel_loop3A_601 masked %parallel_loop3A_603 : vector<16xf32>, vector<16xi1> -> vector<16xf32>
      %parallel_loop3A_605 = arith.constant 15 : i32
      %parallel_loop3A_606 = vector.broadcast %parallel_loop3A_605 : i32 to vector<16xi32>
      %parallel_loop3A_607 = arith.addi %parallel_loop3A_68, %parallel_loop3A_606 : vector<16xi32>
      tpu.vector_store_idx %arg19[%parallel_loop3A_607], %parallel_loop3A_604 masked %eq3A_9 : memref<512xf32, #tpu.memory_space<vmem>>[vector<16xi32>], vector<16xf32>, vector<16xi1>
      %parallel_loop3A_608 = arith.constant 16 : i32
      %parallel_loop3A_609 = vector.broadcast %parallel_loop3A_608 : i32 to vector<16xi32>
      %parallel_loop3A_610 = arith.addi %parallel_loop3A_68, %parallel_loop3A_609 : vector<16xi32>
      scf.yield %parallel_loop3A_610 : vector<16xi32>
    } {sc.loop_unroll_factor = 1 : i64, sc.parallel_access}
    %dma_start3A_34 = arith.constant 256 : i32
    %dma_start3A_35 = tpu.memref_slice %arg11[%dma_start3A_34] : memref<512xi32, #tpu.memory_space<vmem>> -> memref<256xi32, #tpu.memory_space<vmem>>
    %dma_start3A_36 = arith.constant 0 : i32
    %dma_start3A_37 = arith.constant 0 : i32
    %dma_start3A_38 = tpu.memref_slice %arg4[%dma_start3A_36, %dma_start3A_37] : memref<250000x128xf32, #tpu.memory_space<hbm>> -> memref<250000x128xf32, #tpu.memory_space<hbm>>
    tpu.enqueue_indirect_dma source(%dma_start3A_38 : memref<250000x128xf32, #tpu.memory_space<hbm>>) target(%arg15 : memref<256x128xf32, #tpu.memory_space<vmem>>) offsets(%dma_start3A_35 : memref<256xi32, #tpu.memory_space<vmem>>) semaphore(%arg20 : memref<!tpu.dma_semaphore, #tpu.memory_space<semaphore_mem>>)
    %dma_start3A_39 = arith.constant 256 : i32
    %dma_start3A_40 = tpu.memref_slice %arg12[%dma_start3A_39] : memref<512xi32, #tpu.memory_space<vmem>> -> memref<256xi32, #tpu.memory_space<vmem>>
    %dma_start3A_41 = arith.constant 0 : i32
    %dma_start3A_42 = arith.constant 0 : i32
    %dma_start3A_43 = tpu.memref_slice %arg5[%dma_start3A_41, %dma_start3A_42] : memref<250000x128xf32, #tpu.memory_space<hbm>> -> memref<250000x128xf32, #tpu.memory_space<hbm>>
    tpu.enqueue_indirect_dma source(%dma_start3A_43 : memref<250000x128xf32, #tpu.memory_space<hbm>>) target(%arg16 : memref<256x128xf32, #tpu.memory_space<vmem>>) offsets(%dma_start3A_40 : memref<256xi32, #tpu.memory_space<vmem>>) semaphore(%arg21 : memref<!tpu.dma_semaphore, #tpu.memory_space<semaphore_mem>>)
    %dma_wait3A_44 = arith.constant 256 : i32
    %dma_wait3A_45 = tpu.memref_slice %arg11[%dma_wait3A_44] : memref<512xi32, #tpu.memory_space<vmem>> -> memref<256xi32, #tpu.memory_space<vmem>>
    %dma_wait3A_46 = arith.constant 0 : i32
    %dma_wait3A_47 = arith.constant 0 : i32
    %dma_wait3A_48 = tpu.memref_slice %arg4[%dma_wait3A_46, %dma_wait3A_47] : memref<250000x128xf32, #tpu.memory_space<hbm>> -> memref<250000x128xf32, #tpu.memory_space<hbm>>
    tpu.wait_indirect_dma semaphore(%arg20 : memref<!tpu.dma_semaphore, #tpu.memory_space<semaphore_mem>>) src(%dma_wait3A_48 : memref<250000x128xf32, #tpu.memory_space<hbm>>) dst(%arg15 : memref<256x128xf32, #tpu.memory_space<vmem>>)
    %dma_wait3A_49 = arith.constant 256 : i32
    %dma_wait3A_50 = tpu.memref_slice %arg12[%dma_wait3A_49] : memref<512xi32, #tpu.memory_space<vmem>> -> memref<256xi32, #tpu.memory_space<vmem>>
    %dma_wait3A_51 = arith.constant 0 : i32
    %dma_wait3A_52 = arith.constant 0 : i32
    %dma_wait3A_53 = tpu.memref_slice %arg5[%dma_wait3A_51, %dma_wait3A_52] : memref<250000x128xf32, #tpu.memory_space<hbm>> -> memref<250000x128xf32, #tpu.memory_space<hbm>>
    tpu.wait_indirect_dma semaphore(%arg21 : memref<!tpu.dma_semaphore, #tpu.memory_space<semaphore_mem>>) src(%dma_wait3A_53 : memref<250000x128xf32, #tpu.memory_space<hbm>>) dst(%arg16 : memref<256x128xf32, #tpu.memory_space<vmem>>)
    %broadcast_in_dim3A_54 = arith.constant 256 : i32
    %broadcast_in_dim3A_55 = vector.broadcast %broadcast_in_dim3A_54 : i32 to vector<16xi32>
    %parallel_loop3A_56 = arith.constant 0 : i32
    %parallel_loop3A_57 = arith.constant 16 : i32
    %parallel_loop3A_58 = arith.constant 1 : i32
    %parallel_loop3A_59 = scf.for %parallel_loop3A_67 = %parallel_loop3A_56 to %parallel_loop3A_57 step %parallel_loop3A_58 iter_args(%parallel_loop3A_68 = %broadcast_in_dim3A_55) -> (vector<16xi32>)  : i32 {
      %parallel_loop3A_69 = arith.constant 16 : i32
      %parallel_loop3A_70 = arith.muli %parallel_loop3A_67, %parallel_loop3A_69 : i32
      %parallel_loop3A_71 = tpu.assume_multiple %parallel_loop3A_70, 16 : i32
      %parallel_loop3A_72 = arith.constant 256 : i32
      %parallel_loop3A_73 = arith.addi %parallel_loop3A_72, %parallel_loop3A_71 : i32
      %parallel_loop3A_74 = arith.index_cast %parallel_loop3A_73 : i32 to index
      %parallel_loop3A_75 = tpu.vector_load %arg13[%parallel_loop3A_74] {strides = array<i32>} : memref<512xi32, #tpu.memory_space<vmem>>, vector<16xi32>,
      %parallel_loop3A_76 = arith.constant 256 : i32
      %parallel_loop3A_77 = arith.addi %parallel_loop3A_76, %parallel_loop3A_71 : i32
      %parallel_loop3A_78 = arith.index_cast %parallel_loop3A_77 : i32 to index
      %parallel_loop3A_79 = tpu.vector_load %arg14[%parallel_loop3A_78] {strides = array<i32>} : memref<512xi32, #tpu.memory_space<vmem>>, vector<16xi32>,
      %parallel_loop3A_80 = arith.constant 0 : i32
      %parallel_loop3A_81 = arith.addi %parallel_loop3A_71, %parallel_loop3A_80 : i32
      %parallel_loop3A_82 = vector.extract_strided_slice %parallel_loop3A_75 {offsets = [0], sizes = [1], strides = [1]} : vector<16xi32> to vector<1xi32>
      %parallel_loop3A_83 = vector.extract %parallel_loop3A_82[0] : i32 from vector<1xi32>
      %parallel_loop3A_84 = tpu.assume_multiple %parallel_loop3A_83, 32 : i32
      %parallel_loop3A_85 = vector.extract_strided_slice %parallel_loop3A_79 {offsets = [0], sizes = [1], strides = [1]} : vector<16xi32> to vector<1xi32>
      %parallel_loop3A_86 = vector.extract %parallel_loop3A_85[0] : i32 from vector<1xi32>
      %parallel_loop3A_87 = tpu.assume_multiple %parallel_loop3A_86, 32 : i32
      %parallel_loop3A_88 = arith.index_cast %parallel_loop3A_81 : i32 to index
      %parallel_loop3A_89 = arith.index_cast %parallel_loop3A_84 : i32 to index
      %parallel_loop3A_90 = tpu.vector_load %arg15[%parallel_loop3A_88, %parallel_loop3A_89] {strides = array<i32>} : memref<256x128xf32, #tpu.memory_space<vmem>>, vector<16xf32>,
      %parallel_loop3A_91 = arith.constant 16 : i32
      %parallel_loop3A_92 = arith.addi %parallel_loop3A_84, %parallel_loop3A_91 : i32
      %parallel_loop3A_93 = arith.index_cast %parallel_loop3A_81 : i32 to index
      %parallel_loop3A_94 = arith.index_cast %parallel_loop3A_92 : i32 to index
      %parallel_loop3A_95 = tpu.vector_load %arg15[%parallel_loop3A_93, %parallel_loop3A_94] {strides = array<i32>} : memref<256x128xf32, #tpu.memory_space<vmem>>, vector<16xf32>,
      %parallel_loop3A_96 = arith.index_cast %parallel_loop3A_81 : i32 to index
      %parallel_loop3A_97 = arith.index_cast %parallel_loop3A_87 : i32 to index
      %parallel_loop3A_98 = tpu.vector_load %arg16[%parallel_loop3A_96, %parallel_loop3A_97] {strides = array<i32>} : memref<256x128xf32, #tpu.memory_space<vmem>>, vector<16xf32>,
      %parallel_loop3A_99 = arith.constant 16 : i32
      %parallel_loop3A_100 = arith.addi %parallel_loop3A_87, %parallel_loop3A_99 : i32
      %parallel_loop3A_101 = arith.index_cast %parallel_loop3A_81 : i32 to index
      %parallel_loop3A_102 = arith.index_cast %parallel_loop3A_100 : i32 to index
      %parallel_loop3A_103 = tpu.vector_load %arg16[%parallel_loop3A_101, %parallel_loop3A_102] {strides = array<i32>} : memref<256x128xf32, #tpu.memory_space<vmem>>, vector<16xf32>,
      %parallel_loop3A_104 = arith.mulf %parallel_loop3A_90, %parallel_loop3A_98 : vector<16xf32>
      %parallel_loop3A_105 = arith.mulf %parallel_loop3A_95, %parallel_loop3A_103 : vector<16xf32>
      %parallel_loop3A_106 = arith.addf %parallel_loop3A_104, %parallel_loop3A_105 : vector<16xf32>
      %parallel_loop3A_107 = arith.constant true
      %parallel_loop3A_108 = vector.broadcast %parallel_loop3A_107 : i1 to vector<16xi1>
      %parallel_loop3A_109 = tpu.scan <sum>, %parallel_loop3A_106 masked %parallel_loop3A_108 : vector<16xf32>, vector<16xi1> -> vector<16xf32>
      %parallel_loop3A_110 = arith.constant 0 : i32
      %parallel_loop3A_111 = vector.broadcast %parallel_loop3A_110 : i32 to vector<16xi32>
      %parallel_loop3A_112 = arith.addi %parallel_loop3A_68, %parallel_loop3A_111 : vector<16xi32>
      tpu.vector_store_idx %arg19[%parallel_loop3A_112], %parallel_loop3A_109 masked %eq3A_9 : memref<512xf32, #tpu.memory_space<vmem>>[vector<16xi32>], vector<16xf32>, vector<16xi1>
      %parallel_loop3A_113 = arith.constant 1 : i32
      %parallel_loop3A_114 = arith.addi %parallel_loop3A_71, %parallel_loop3A_113 : i32
      %parallel_loop3A_115 = vector.extract_strided_slice %parallel_loop3A_75 {offsets = [1], sizes = [1], strides = [1]} : vector<16xi32> to vector<1xi32>
      %parallel_loop3A_116 = vector.extract %parallel_loop3A_115[0] : i32 from vector<1xi32>
      %parallel_loop3A_117 = tpu.assume_multiple %parallel_loop3A_116, 32 : i32
      %parallel_loop3A_118 = vector.extract_strided_slice %parallel_loop3A_79 {offsets = [1], sizes = [1], strides = [1]} : vector<16xi32> to vector<1xi32>
      %parallel_loop3A_119 = vector.extract %parallel_loop3A_118[0] : i32 from vector<1xi32>
      %parallel_loop3A_120 = tpu.assume_multiple %parallel_loop3A_119, 32 : i32
      %parallel_loop3A_121 = arith.index_cast %parallel_loop3A_114 : i32 to index
      %parallel_loop3A_122 = arith.index_cast %parallel_loop3A_117 : i32 to index
      %parallel_loop3A_123 = tpu.vector_load %arg15[%parallel_loop3A_121, %parallel_loop3A_122] {strides = array<i32>} : memref<256x128xf32, #tpu.memory_space<vmem>>, vector<16xf32>,
      %parallel_loop3A_124 = arith.constant 16 : i32
      %parallel_loop3A_125 = arith.addi %parallel_loop3A_117, %parallel_loop3A_124 : i32
      %parallel_loop3A_126 = arith.index_cast %parallel_loop3A_114 : i32 to index
      %parallel_loop3A_127 = arith.index_cast %parallel_loop3A_125 : i32 to index
      %parallel_loop3A_128 = tpu.vector_load %arg15[%parallel_loop3A_126, %parallel_loop3A_127] {strides = array<i32>} : memref<256x128xf32, #tpu.memory_space<vmem>>, vector<16xf32>,
      %parallel_loop3A_129 = arith.index_cast %parallel_loop3A_114 : i32 to index
      %parallel_loop3A_130 = arith.index_cast %parallel_loop3A_120 : i32 to index
      %parallel_loop3A_131 = tpu.vector_load %arg16[%parallel_loop3A_129, %parallel_loop3A_130] {strides = array<i32>} : memref<256x128xf32, #tpu.memory_space<vmem>>, vector<16xf32>,
      %parallel_loop3A_132 = arith.constant 16 : i32
      %parallel_loop3A_133 = arith.addi %parallel_loop3A_120, %parallel_loop3A_132 : i32
      %parallel_loop3A_134 = arith.index_cast %parallel_loop3A_114 : i32 to index
      %parallel_loop3A_135 = arith.index_cast %parallel_loop3A_133 : i32 to index
      %parallel_loop3A_136 = tpu.vector_load %arg16[%parallel_loop3A_134, %parallel_loop3A_135] {strides = array<i32>} : memref<256x128xf32, #tpu.memory_space<vmem>>, vector<16xf32>,
      %parallel_loop3A_137 = arith.mulf %parallel_loop3A_123, %parallel_loop3A_131 : vector<16xf32>
      %parallel_loop3A_138 = arith.mulf %parallel_loop3A_128, %parallel_loop3A_136 : vector<16xf32>
      %parallel_loop3A_139 = arith.addf %parallel_loop3A_137, %parallel_loop3A_138 : vector<16xf32>
      %parallel_loop3A_140 = arith.constant true
      %parallel_loop3A_141 = vector.broadcast %parallel_loop3A_140 : i1 to vector<16xi1>
      %parallel_loop3A_142 = tpu.scan <sum>, %parallel_loop3A_139 masked %parallel_loop3A_141 : vector<16xf32>, vector<16xi1> -> vector<16xf32>
      %parallel_loop3A_143 = arith.constant 1 : i32
      %parallel_loop3A_144 = vector.broadcast %parallel_loop3A_143 : i32 to vector<16xi32>
      %parallel_loop3A_145 = arith.addi %parallel_loop3A_68, %parallel_loop3A_144 : vector<16xi32>
      tpu.vector_store_idx %arg19[%parallel_loop3A_145], %parallel_loop3A_142 masked %eq3A_9 : memref<512xf32, #tpu.memory_space<vmem>>[vector<16xi32>], vector<16xf32>, vector<16xi1>
      %parallel_loop3A_146 = arith.constant 2 : i32
      %parallel_loop3A_147 = arith.addi %parallel_loop3A_71, %parallel_loop3A_146 : i32
      %parallel_loop3A_148 = vector.extract_strided_slice %parallel_loop3A_75 {offsets = [2], sizes = [1], strides = [1]} : vector<16xi32> to vector<1xi32>
      %parallel_loop3A_149 = vector.extract %parallel_loop3A_148[0] : i32 from vector<1xi32>
      %parallel_loop3A_150 = tpu.assume_multiple %parallel_loop3A_149, 32 : i32
      %parallel_loop3A_151 = vector.extract_strided_slice %parallel_loop3A_79 {offsets = [2], sizes = [1], strides = [1]} : vector<16xi32> to vector<1xi32>
      %parallel_loop3A_152 = vector.extract %parallel_loop3A_151[0] : i32 from vector<1xi32>
      %parallel_loop3A_153 = tpu.assume_multiple %parallel_loop3A_152, 32 : i32
      %parallel_loop3A_154 = arith.index_cast %parallel_loop3A_147 : i32 to index
      %parallel_loop3A_155 = arith.index_cast %parallel_loop3A_150 : i32 to index
      %parallel_loop3A_156 = tpu.vector_load %arg15[%parallel_loop3A_154, %parallel_loop3A_155] {strides = array<i32>} : memref<256x128xf32, #tpu.memory_space<vmem>>, vector<16xf32>,
      %parallel_loop3A_157 = arith.constant 16 : i32
      %parallel_loop3A_158 = arith.addi %parallel_loop3A_150, %parallel_loop3A_157 : i32
      %parallel_loop3A_159 = arith.index_cast %parallel_loop3A_147 : i32 to index
      %parallel_loop3A_160 = arith.index_cast %parallel_loop3A_158 : i32 to index
      %parallel_loop3A_161 = tpu.vector_load %arg15[%parallel_loop3A_159, %parallel_loop3A_160] {strides = array<i32>} : memref<256x128xf32, #tpu.memory_space<vmem>>, vector<16xf32>,
      %parallel_loop3A_162 = arith.index_cast %parallel_loop3A_147 : i32 to index
      %parallel_loop3A_163 = arith.index_cast %parallel_loop3A_153 : i32 to index
      %parallel_loop3A_164 = tpu.vector_load %arg16[%parallel_loop3A_162, %parallel_loop3A_163] {strides = array<i32>} : memref<256x128xf32, #tpu.memory_space<vmem>>, vector<16xf32>,
      %parallel_loop3A_165 = arith.constant 16 : i32
      %parallel_loop3A_166 = arith.addi %parallel_loop3A_153, %parallel_loop3A_165 : i32
      %parallel_loop3A_167 = arith.index_cast %parallel_loop3A_147 : i32 to index
      %parallel_loop3A_168 = arith.index_cast %parallel_loop3A_166 : i32 to index
      %parallel_loop3A_169 = tpu.vector_load %arg16[%parallel_loop3A_167, %parallel_loop3A_168] {strides = array<i32>} : memref<256x128xf32, #tpu.memory_space<vmem>>, vector<16xf32>,
      %parallel_loop3A_170 = arith.mulf %parallel_loop3A_156, %parallel_loop3A_164 : vector<16xf32>
      %parallel_loop3A_171 = arith.mulf %parallel_loop3A_161, %parallel_loop3A_169 : vector<16xf32>
      %parallel_loop3A_172 = arith.addf %parallel_loop3A_170, %parallel_loop3A_171 : vector<16xf32>
      %parallel_loop3A_173 = arith.constant true
      %parallel_loop3A_174 = vector.broadcast %parallel_loop3A_173 : i1 to vector<16xi1>
      %parallel_loop3A_175 = tpu.scan <sum>, %parallel_loop3A_172 masked %parallel_loop3A_174 : vector<16xf32>, vector<16xi1> -> vector<16xf32>
      %parallel_loop3A_176 = arith.constant 2 : i32
      %parallel_loop3A_177 = vector.broadcast %parallel_loop3A_176 : i32 to vector<16xi32>
      %parallel_loop3A_178 = arith.addi %parallel_loop3A_68, %parallel_loop3A_177 : vector<16xi32>
      tpu.vector_store_idx %arg19[%parallel_loop3A_178], %parallel_loop3A_175 masked %eq3A_9 : memref<512xf32, #tpu.memory_space<vmem>>[vector<16xi32>], vector<16xf32>, vector<16xi1>
      %parallel_loop3A_179 = arith.constant 3 : i32
      %parallel_loop3A_180 = arith.addi %parallel_loop3A_71, %parallel_loop3A_179 : i32
      %parallel_loop3A_181 = vector.extract_strided_slice %parallel_loop3A_75 {offsets = [3], sizes = [1], strides = [1]} : vector<16xi32> to vector<1xi32>
      %parallel_loop3A_182 = vector.extract %parallel_loop3A_181[0] : i32 from vector<1xi32>
      %parallel_loop3A_183 = tpu.assume_multiple %parallel_loop3A_182, 32 : i32
      %parallel_loop3A_184 = vector.extract_strided_slice %parallel_loop3A_79 {offsets = [3], sizes = [1], strides = [1]} : vector<16xi32> to vector<1xi32>
      %parallel_loop3A_185 = vector.extract %parallel_loop3A_184[0] : i32 from vector<1xi32>
      %parallel_loop3A_186 = tpu.assume_multiple %parallel_loop3A_185, 32 : i32
      %parallel_loop3A_187 = arith.index_cast %parallel_loop3A_180 : i32 to index
      %parallel_loop3A_188 = arith.index_cast %parallel_loop3A_183 : i32 to index
      %parallel_loop3A_189 = tpu.vector_load %arg15[%parallel_loop3A_187, %parallel_loop3A_188] {strides = array<i32>} : memref<256x128xf32, #tpu.memory_space<vmem>>, vector<16xf32>,
      %parallel_loop3A_190 = arith.constant 16 : i32
      %parallel_loop3A_191 = arith.addi %parallel_loop3A_183, %parallel_loop3A_190 : i32
      %parallel_loop3A_192 = arith.index_cast %parallel_loop3A_180 : i32 to index
      %parallel_loop3A_193 = arith.index_cast %parallel_loop3A_191 : i32 to index
      %parallel_loop3A_194 = tpu.vector_load %arg15[%parallel_loop3A_192, %parallel_loop3A_193] {strides = array<i32>} : memref<256x128xf32, #tpu.memory_space<vmem>>, vector<16xf32>,
      %parallel_loop3A_195 = arith.index_cast %parallel_loop3A_180 : i32 to index
      %parallel_loop3A_196 = arith.index_cast %parallel_loop3A_186 : i32 to index
      %parallel_loop3A_197 = tpu.vector_load %arg16[%parallel_loop3A_195, %parallel_loop3A_196] {strides = array<i32>} : memref<256x128xf32, #tpu.memory_space<vmem>>, vector<16xf32>,
      %parallel_loop3A_198 = arith.constant 16 : i32
      %parallel_loop3A_199 = arith.addi %parallel_loop3A_186, %parallel_loop3A_198 : i32
      %parallel_loop3A_200 = arith.index_cast %parallel_loop3A_180 : i32 to index
      %parallel_loop3A_201 = arith.index_cast %parallel_loop3A_199 : i32 to index
      %parallel_loop3A_202 = tpu.vector_load %arg16[%parallel_loop3A_200, %parallel_loop3A_201] {strides = array<i32>} : memref<256x128xf32, #tpu.memory_space<vmem>>, vector<16xf32>,
      %parallel_loop3A_203 = arith.mulf %parallel_loop3A_189, %parallel_loop3A_197 : vector<16xf32>
      %parallel_loop3A_204 = arith.mulf %parallel_loop3A_194, %parallel_loop3A_202 : vector<16xf32>
      %parallel_loop3A_205 = arith.addf %parallel_loop3A_203, %parallel_loop3A_204 : vector<16xf32>
      %parallel_loop3A_206 = arith.constant true
      %parallel_loop3A_207 = vector.broadcast %parallel_loop3A_206 : i1 to vector<16xi1>
      %parallel_loop3A_208 = tpu.scan <sum>, %parallel_loop3A_205 masked %parallel_loop3A_207 : vector<16xf32>, vector<16xi1> -> vector<16xf32>
      %parallel_loop3A_209 = arith.constant 3 : i32
      %parallel_loop3A_210 = vector.broadcast %parallel_loop3A_209 : i32 to vector<16xi32>
      %parallel_loop3A_211 = arith.addi %parallel_loop3A_68, %parallel_loop3A_210 : vector<16xi32>
      tpu.vector_store_idx %arg19[%parallel_loop3A_211], %parallel_loop3A_208 masked %eq3A_9 : memref<512xf32, #tpu.memory_space<vmem>>[vector<16xi32>], vector<16xf32>, vector<16xi1>
      %parallel_loop3A_212 = arith.constant 4 : i32
      %parallel_loop3A_213 = arith.addi %parallel_loop3A_71, %parallel_loop3A_212 : i32
      %parallel_loop3A_214 = vector.extract_strided_slice %parallel_loop3A_75 {offsets = [4], sizes = [1], strides = [1]} : vector<16xi32> to vector<1xi32>
      %parallel_loop3A_215 = vector.extract %parallel_loop3A_214[0] : i32 from vector<1xi32>
      %parallel_loop3A_216 = tpu.assume_multiple %parallel_loop3A_215, 32 : i32
      %parallel_loop3A_217 = vector.extract_strided_slice %parallel_loop3A_79 {offsets = [4], sizes = [1], strides = [1]} : vector<16xi32> to vector<1xi32>
      %parallel_loop3A_218 = vector.extract %parallel_loop3A_217[0] : i32 from vector<1xi32>
      %parallel_loop3A_219 = tpu.assume_multiple %parallel_loop3A_218, 32 : i32
      %parallel_loop3A_220 = arith.index_cast %parallel_loop3A_213 : i32 to index
      %parallel_loop3A_221 = arith.index_cast %parallel_loop3A_216 : i32 to index
      %parallel_loop3A_222 = tpu.vector_load %arg15[%parallel_loop3A_220, %parallel_loop3A_221] {strides = array<i32>} : memref<256x128xf32, #tpu.memory_space<vmem>>, vector<16xf32>,
      %parallel_loop3A_223 = arith.constant 16 : i32
      %parallel_loop3A_224 = arith.addi %parallel_loop3A_216, %parallel_loop3A_223 : i32
      %parallel_loop3A_225 = arith.index_cast %parallel_loop3A_213 : i32 to index
      %parallel_loop3A_226 = arith.index_cast %parallel_loop3A_224 : i32 to index
      %parallel_loop3A_227 = tpu.vector_load %arg15[%parallel_loop3A_225, %parallel_loop3A_226] {strides = array<i32>} : memref<256x128xf32, #tpu.memory_space<vmem>>, vector<16xf32>,
      %parallel_loop3A_228 = arith.index_cast %parallel_loop3A_213 : i32 to index
      %parallel_loop3A_229 = arith.index_cast %parallel_loop3A_219 : i32 to index
      %parallel_loop3A_230 = tpu.vector_load %arg16[%parallel_loop3A_228, %parallel_loop3A_229] {strides = array<i32>} : memref<256x128xf32, #tpu.memory_space<vmem>>, vector<16xf32>,
      %parallel_loop3A_231 = arith.constant 16 : i32
      %parallel_loop3A_232 = arith.addi %parallel_loop3A_219, %parallel_loop3A_231 : i32
      %parallel_loop3A_233 = arith.index_cast %parallel_loop3A_213 : i32 to index
      %parallel_loop3A_234 = arith.index_cast %parallel_loop3A_232 : i32 to index
      %parallel_loop3A_235 = tpu.vector_load %arg16[%parallel_loop3A_233, %parallel_loop3A_234] {strides = array<i32>} : memref<256x128xf32, #tpu.memory_space<vmem>>, vector<16xf32>,
      %parallel_loop3A_236 = arith.mulf %parallel_loop3A_222, %parallel_loop3A_230 : vector<16xf32>
      %parallel_loop3A_237 = arith.mulf %parallel_loop3A_227, %parallel_loop3A_235 : vector<16xf32>
      %parallel_loop3A_238 = arith.addf %parallel_loop3A_236, %parallel_loop3A_237 : vector<16xf32>
      %parallel_loop3A_239 = arith.constant true
      %parallel_loop3A_240 = vector.broadcast %parallel_loop3A_239 : i1 to vector<16xi1>
      %parallel_loop3A_241 = tpu.scan <sum>, %parallel_loop3A_238 masked %parallel_loop3A_240 : vector<16xf32>, vector<16xi1> -> vector<16xf32>
      %parallel_loop3A_242 = arith.constant 4 : i32
      %parallel_loop3A_243 = vector.broadcast %parallel_loop3A_242 : i32 to vector<16xi32>
      %parallel_loop3A_244 = arith.addi %parallel_loop3A_68, %parallel_loop3A_243 : vector<16xi32>
      tpu.vector_store_idx %arg19[%parallel_loop3A_244], %parallel_loop3A_241 masked %eq3A_9 : memref<512xf32, #tpu.memory_space<vmem>>[vector<16xi32>], vector<16xf32>, vector<16xi1>
      %parallel_loop3A_245 = arith.constant 5 : i32
      %parallel_loop3A_246 = arith.addi %parallel_loop3A_71, %parallel_loop3A_245 : i32
      %parallel_loop3A_247 = vector.extract_strided_slice %parallel_loop3A_75 {offsets = [5], sizes = [1], strides = [1]} : vector<16xi32> to vector<1xi32>
      %parallel_loop3A_248 = vector.extract %parallel_loop3A_247[0] : i32 from vector<1xi32>
      %parallel_loop3A_249 = tpu.assume_multiple %parallel_loop3A_248, 32 : i32
      %parallel_loop3A_250 = vector.extract_strided_slice %parallel_loop3A_79 {offsets = [5], sizes = [1], strides = [1]} : vector<16xi32> to vector<1xi32>
      %parallel_loop3A_251 = vector.extract %parallel_loop3A_250[0] : i32 from vector<1xi32>
      %parallel_loop3A_252 = tpu.assume_multiple %parallel_loop3A_251, 32 : i32
      %parallel_loop3A_253 = arith.index_cast %parallel_loop3A_246 : i32 to index
      %parallel_loop3A_254 = arith.index_cast %parallel_loop3A_249 : i32 to index
      %parallel_loop3A_255 = tpu.vector_load %arg15[%parallel_loop3A_253, %parallel_loop3A_254] {strides = array<i32>} : memref<256x128xf32, #tpu.memory_space<vmem>>, vector<16xf32>,
      %parallel_loop3A_256 = arith.constant 16 : i32
      %parallel_loop3A_257 = arith.addi %parallel_loop3A_249, %parallel_loop3A_256 : i32
      %parallel_loop3A_258 = arith.index_cast %parallel_loop3A_246 : i32 to index
      %parallel_loop3A_259 = arith.index_cast %parallel_loop3A_257 : i32 to index
      %parallel_loop3A_260 = tpu.vector_load %arg15[%parallel_loop3A_258, %parallel_loop3A_259] {strides = array<i32>} : memref<256x128xf32, #tpu.memory_space<vmem>>, vector<16xf32>,
      %parallel_loop3A_261 = arith.index_cast %parallel_loop3A_246 : i32 to index
      %parallel_loop3A_262 = arith.index_cast %parallel_loop3A_252 : i32 to index
      %parallel_loop3A_263 = tpu.vector_load %arg16[%parallel_loop3A_261, %parallel_loop3A_262] {strides = array<i32>} : memref<256x128xf32, #tpu.memory_space<vmem>>, vector<16xf32>,
      %parallel_loop3A_264 = arith.constant 16 : i32
      %parallel_loop3A_265 = arith.addi %parallel_loop3A_252, %parallel_loop3A_264 : i32
      %parallel_loop3A_266 = arith.index_cast %parallel_loop3A_246 : i32 to index
      %parallel_loop3A_267 = arith.index_cast %parallel_loop3A_265 : i32 to index
      %parallel_loop3A_268 = tpu.vector_load %arg16[%parallel_loop3A_266, %parallel_loop3A_267] {strides = array<i32>} : memref<256x128xf32, #tpu.memory_space<vmem>>, vector<16xf32>,
      %parallel_loop3A_269 = arith.mulf %parallel_loop3A_255, %parallel_loop3A_263 : vector<16xf32>
      %parallel_loop3A_270 = arith.mulf %parallel_loop3A_260, %parallel_loop3A_268 : vector<16xf32>
      %parallel_loop3A_271 = arith.addf %parallel_loop3A_269, %parallel_loop3A_270 : vector<16xf32>
      %parallel_loop3A_272 = arith.constant true
      %parallel_loop3A_273 = vector.broadcast %parallel_loop3A_272 : i1 to vector<16xi1>
      %parallel_loop3A_274 = tpu.scan <sum>, %parallel_loop3A_271 masked %parallel_loop3A_273 : vector<16xf32>, vector<16xi1> -> vector<16xf32>
      %parallel_loop3A_275 = arith.constant 5 : i32
      %parallel_loop3A_276 = vector.broadcast %parallel_loop3A_275 : i32 to vector<16xi32>
      %parallel_loop3A_277 = arith.addi %parallel_loop3A_68, %parallel_loop3A_276 : vector<16xi32>
      tpu.vector_store_idx %arg19[%parallel_loop3A_277], %parallel_loop3A_274 masked %eq3A_9 : memref<512xf32, #tpu.memory_space<vmem>>[vector<16xi32>], vector<16xf32>, vector<16xi1>
      %parallel_loop3A_278 = arith.constant 6 : i32
      %parallel_loop3A_279 = arith.addi %parallel_loop3A_71, %parallel_loop3A_278 : i32
      %parallel_loop3A_280 = vector.extract_strided_slice %parallel_loop3A_75 {offsets = [6], sizes = [1], strides = [1]} : vector<16xi32> to vector<1xi32>
      %parallel_loop3A_281 = vector.extract %parallel_loop3A_280[0] : i32 from vector<1xi32>
      %parallel_loop3A_282 = tpu.assume_multiple %parallel_loop3A_281, 32 : i32
      %parallel_loop3A_283 = vector.extract_strided_slice %parallel_loop3A_79 {offsets = [6], sizes = [1], strides = [1]} : vector<16xi32> to vector<1xi32>
      %parallel_loop3A_284 = vector.extract %parallel_loop3A_283[0] : i32 from vector<1xi32>
      %parallel_loop3A_285 = tpu.assume_multiple %parallel_loop3A_284, 32 : i32
      %parallel_loop3A_286 = arith.index_cast %parallel_loop3A_279 : i32 to index
      %parallel_loop3A_287 = arith.index_cast %parallel_loop3A_282 : i32 to index
      %parallel_loop3A_288 = tpu.vector_load %arg15[%parallel_loop3A_286, %parallel_loop3A_287] {strides = array<i32>} : memref<256x128xf32, #tpu.memory_space<vmem>>, vector<16xf32>,
      %parallel_loop3A_289 = arith.constant 16 : i32
      %parallel_loop3A_290 = arith.addi %parallel_loop3A_282, %parallel_loop3A_289 : i32
      %parallel_loop3A_291 = arith.index_cast %parallel_loop3A_279 : i32 to index
      %parallel_loop3A_292 = arith.index_cast %parallel_loop3A_290 : i32 to index
      %parallel_loop3A_293 = tpu.vector_load %arg15[%parallel_loop3A_291, %parallel_loop3A_292] {strides = array<i32>} : memref<256x128xf32, #tpu.memory_space<vmem>>, vector<16xf32>,
      %parallel_loop3A_294 = arith.index_cast %parallel_loop3A_279 : i32 to index
      %parallel_loop3A_295 = arith.index_cast %parallel_loop3A_285 : i32 to index
      %parallel_loop3A_296 = tpu.vector_load %arg16[%parallel_loop3A_294, %parallel_loop3A_295] {strides = array<i32>} : memref<256x128xf32, #tpu.memory_space<vmem>>, vector<16xf32>,
      %parallel_loop3A_297 = arith.constant 16 : i32
      %parallel_loop3A_298 = arith.addi %parallel_loop3A_285, %parallel_loop3A_297 : i32
      %parallel_loop3A_299 = arith.index_cast %parallel_loop3A_279 : i32 to index
      %parallel_loop3A_300 = arith.index_cast %parallel_loop3A_298 : i32 to index
      %parallel_loop3A_301 = tpu.vector_load %arg16[%parallel_loop3A_299, %parallel_loop3A_300] {strides = array<i32>} : memref<256x128xf32, #tpu.memory_space<vmem>>, vector<16xf32>,
      %parallel_loop3A_302 = arith.mulf %parallel_loop3A_288, %parallel_loop3A_296 : vector<16xf32>
      %parallel_loop3A_303 = arith.mulf %parallel_loop3A_293, %parallel_loop3A_301 : vector<16xf32>
      %parallel_loop3A_304 = arith.addf %parallel_loop3A_302, %parallel_loop3A_303 : vector<16xf32>
      %parallel_loop3A_305 = arith.constant true
      %parallel_loop3A_306 = vector.broadcast %parallel_loop3A_305 : i1 to vector<16xi1>
      %parallel_loop3A_307 = tpu.scan <sum>, %parallel_loop3A_304 masked %parallel_loop3A_306 : vector<16xf32>, vector<16xi1> -> vector<16xf32>
      %parallel_loop3A_308 = arith.constant 6 : i32
      %parallel_loop3A_309 = vector.broadcast %parallel_loop3A_308 : i32 to vector<16xi32>
      %parallel_loop3A_310 = arith.addi %parallel_loop3A_68, %parallel_loop3A_309 : vector<16xi32>
      tpu.vector_store_idx %arg19[%parallel_loop3A_310], %parallel_loop3A_307 masked %eq3A_9 : memref<512xf32, #tpu.memory_space<vmem>>[vector<16xi32>], vector<16xf32>, vector<16xi1>
      %parallel_loop3A_311 = arith.constant 7 : i32
      %parallel_loop3A_312 = arith.addi %parallel_loop3A_71, %parallel_loop3A_311 : i32
      %parallel_loop3A_313 = vector.extract_strided_slice %parallel_loop3A_75 {offsets = [7], sizes = [1], strides = [1]} : vector<16xi32> to vector<1xi32>
      %parallel_loop3A_314 = vector.extract %parallel_loop3A_313[0] : i32 from vector<1xi32>
      %parallel_loop3A_315 = tpu.assume_multiple %parallel_loop3A_314, 32 : i32
      %parallel_loop3A_316 = vector.extract_strided_slice %parallel_loop3A_79 {offsets = [7], sizes = [1], strides = [1]} : vector<16xi32> to vector<1xi32>
      %parallel_loop3A_317 = vector.extract %parallel_loop3A_316[0] : i32 from vector<1xi32>
      %parallel_loop3A_318 = tpu.assume_multiple %parallel_loop3A_317, 32 : i32
      %parallel_loop3A_319 = arith.index_cast %parallel_loop3A_312 : i32 to index
      %parallel_loop3A_320 = arith.index_cast %parallel_loop3A_315 : i32 to index
      %parallel_loop3A_321 = tpu.vector_load %arg15[%parallel_loop3A_319, %parallel_loop3A_320] {strides = array<i32>} : memref<256x128xf32, #tpu.memory_space<vmem>>, vector<16xf32>,
      %parallel_loop3A_322 = arith.constant 16 : i32
      %parallel_loop3A_323 = arith.addi %parallel_loop3A_315, %parallel_loop3A_322 : i32
      %parallel_loop3A_324 = arith.index_cast %parallel_loop3A_312 : i32 to index
      %parallel_loop3A_325 = arith.index_cast %parallel_loop3A_323 : i32 to index
      %parallel_loop3A_326 = tpu.vector_load %arg15[%parallel_loop3A_324, %parallel_loop3A_325] {strides = array<i32>} : memref<256x128xf32, #tpu.memory_space<vmem>>, vector<16xf32>,
      %parallel_loop3A_327 = arith.index_cast %parallel_loop3A_312 : i32 to index
      %parallel_loop3A_328 = arith.index_cast %parallel_loop3A_318 : i32 to index
      %parallel_loop3A_329 = tpu.vector_load %arg16[%parallel_loop3A_327, %parallel_loop3A_328] {strides = array<i32>} : memref<256x128xf32, #tpu.memory_space<vmem>>, vector<16xf32>,
      %parallel_loop3A_330 = arith.constant 16 : i32
      %parallel_loop3A_331 = arith.addi %parallel_loop3A_318, %parallel_loop3A_330 : i32
      %parallel_loop3A_332 = arith.index_cast %parallel_loop3A_312 : i32 to index
      %parallel_loop3A_333 = arith.index_cast %parallel_loop3A_331 : i32 to index
      %parallel_loop3A_334 = tpu.vector_load %arg16[%parallel_loop3A_332, %parallel_loop3A_333] {strides = array<i32>} : memref<256x128xf32, #tpu.memory_space<vmem>>, vector<16xf32>,
      %parallel_loop3A_335 = arith.mulf %parallel_loop3A_321, %parallel_loop3A_329 : vector<16xf32>
      %parallel_loop3A_336 = arith.mulf %parallel_loop3A_326, %parallel_loop3A_334 : vector<16xf32>
      %parallel_loop3A_337 = arith.addf %parallel_loop3A_335, %parallel_loop3A_336 : vector<16xf32>
      %parallel_loop3A_338 = arith.constant true
      %parallel_loop3A_339 = vector.broadcast %parallel_loop3A_338 : i1 to vector<16xi1>
      %parallel_loop3A_340 = tpu.scan <sum>, %parallel_loop3A_337 masked %parallel_loop3A_339 : vector<16xf32>, vector<16xi1> -> vector<16xf32>
      %parallel_loop3A_341 = arith.constant 7 : i32
      %parallel_loop3A_342 = vector.broadcast %parallel_loop3A_341 : i32 to vector<16xi32>
      %parallel_loop3A_343 = arith.addi %parallel_loop3A_68, %parallel_loop3A_342 : vector<16xi32>
      tpu.vector_store_idx %arg19[%parallel_loop3A_343], %parallel_loop3A_340 masked %eq3A_9 : memref<512xf32, #tpu.memory_space<vmem>>[vector<16xi32>], vector<16xf32>, vector<16xi1>
      %parallel_loop3A_344 = arith.constant 8 : i32
      %parallel_loop3A_345 = arith.addi %parallel_loop3A_71, %parallel_loop3A_344 : i32
      %parallel_loop3A_346 = vector.extract_strided_slice %parallel_loop3A_75 {offsets = [8], sizes = [1], strides = [1]} : vector<16xi32> to vector<1xi32>
      %parallel_loop3A_347 = vector.extract %parallel_loop3A_346[0] : i32 from vector<1xi32>
      %parallel_loop3A_348 = tpu.assume_multiple %parallel_loop3A_347, 32 : i32
      %parallel_loop3A_349 = vector.extract_strided_slice %parallel_loop3A_79 {offsets = [8], sizes = [1], strides = [1]} : vector<16xi32> to vector<1xi32>
      %parallel_loop3A_350 = vector.extract %parallel_loop3A_349[0] : i32 from vector<1xi32>
      %parallel_loop3A_351 = tpu.assume_multiple %parallel_loop3A_350, 32 : i32
      %parallel_loop3A_352 = arith.index_cast %parallel_loop3A_345 : i32 to index
      %parallel_loop3A_353 = arith.index_cast %parallel_loop3A_348 : i32 to index
      %parallel_loop3A_354 = tpu.vector_load %arg15[%parallel_loop3A_352, %parallel_loop3A_353] {strides = array<i32>} : memref<256x128xf32, #tpu.memory_space<vmem>>, vector<16xf32>,
      %parallel_loop3A_355 = arith.constant 16 : i32
      %parallel_loop3A_356 = arith.addi %parallel_loop3A_348, %parallel_loop3A_355 : i32
      %parallel_loop3A_357 = arith.index_cast %parallel_loop3A_345 : i32 to index
      %parallel_loop3A_358 = arith.index_cast %parallel_loop3A_356 : i32 to index
      %parallel_loop3A_359 = tpu.vector_load %arg15[%parallel_loop3A_357, %parallel_loop3A_358] {strides = array<i32>} : memref<256x128xf32, #tpu.memory_space<vmem>>, vector<16xf32>,
      %parallel_loop3A_360 = arith.index_cast %parallel_loop3A_345 : i32 to index
      %parallel_loop3A_361 = arith.index_cast %parallel_loop3A_351 : i32 to index
      %parallel_loop3A_362 = tpu.vector_load %arg16[%parallel_loop3A_360, %parallel_loop3A_361] {strides = array<i32>} : memref<256x128xf32, #tpu.memory_space<vmem>>, vector<16xf32>,
      %parallel_loop3A_363 = arith.constant 16 : i32
      %parallel_loop3A_364 = arith.addi %parallel_loop3A_351, %parallel_loop3A_363 : i32
      %parallel_loop3A_365 = arith.index_cast %parallel_loop3A_345 : i32 to index
      %parallel_loop3A_366 = arith.index_cast %parallel_loop3A_364 : i32 to index
      %parallel_loop3A_367 = tpu.vector_load %arg16[%parallel_loop3A_365, %parallel_loop3A_366] {strides = array<i32>} : memref<256x128xf32, #tpu.memory_space<vmem>>, vector<16xf32>,
      %parallel_loop3A_368 = arith.mulf %parallel_loop3A_354, %parallel_loop3A_362 : vector<16xf32>
      %parallel_loop3A_369 = arith.mulf %parallel_loop3A_359, %parallel_loop3A_367 : vector<16xf32>
      %parallel_loop3A_370 = arith.addf %parallel_loop3A_368, %parallel_loop3A_369 : vector<16xf32>
      %parallel_loop3A_371 = arith.constant true
      %parallel_loop3A_372 = vector.broadcast %parallel_loop3A_371 : i1 to vector<16xi1>
      %parallel_loop3A_373 = tpu.scan <sum>, %parallel_loop3A_370 masked %parallel_loop3A_372 : vector<16xf32>, vector<16xi1> -> vector<16xf32>
      %parallel_loop3A_374 = arith.constant 8 : i32
      %parallel_loop3A_375 = vector.broadcast %parallel_loop3A_374 : i32 to vector<16xi32>
      %parallel_loop3A_376 = arith.addi %parallel_loop3A_68, %parallel_loop3A_375 : vector<16xi32>
      tpu.vector_store_idx %arg19[%parallel_loop3A_376], %parallel_loop3A_373 masked %eq3A_9 : memref<512xf32, #tpu.memory_space<vmem>>[vector<16xi32>], vector<16xf32>, vector<16xi1>
      %parallel_loop3A_377 = arith.constant 9 : i32
      %parallel_loop3A_378 = arith.addi %parallel_loop3A_71, %parallel_loop3A_377 : i32
      %parallel_loop3A_379 = vector.extract_strided_slice %parallel_loop3A_75 {offsets = [9], sizes = [1], strides = [1]} : vector<16xi32> to vector<1xi32>
      %parallel_loop3A_380 = vector.extract %parallel_loop3A_379[0] : i32 from vector<1xi32>
      %parallel_loop3A_381 = tpu.assume_multiple %parallel_loop3A_380, 32 : i32
      %parallel_loop3A_382 = vector.extract_strided_slice %parallel_loop3A_79 {offsets = [9], sizes = [1], strides = [1]} : vector<16xi32> to vector<1xi32>
      %parallel_loop3A_383 = vector.extract %parallel_loop3A_382[0] : i32 from vector<1xi32>
      %parallel_loop3A_384 = tpu.assume_multiple %parallel_loop3A_383, 32 : i32
      %parallel_loop3A_385 = arith.index_cast %parallel_loop3A_378 : i32 to index
      %parallel_loop3A_386 = arith.index_cast %parallel_loop3A_381 : i32 to index
      %parallel_loop3A_387 = tpu.vector_load %arg15[%parallel_loop3A_385, %parallel_loop3A_386] {strides = array<i32>} : memref<256x128xf32, #tpu.memory_space<vmem>>, vector<16xf32>,
      %parallel_loop3A_388 = arith.constant 16 : i32
      %parallel_loop3A_389 = arith.addi %parallel_loop3A_381, %parallel_loop3A_388 : i32
      %parallel_loop3A_390 = arith.index_cast %parallel_loop3A_378 : i32 to index
      %parallel_loop3A_391 = arith.index_cast %parallel_loop3A_389 : i32 to index
      %parallel_loop3A_392 = tpu.vector_load %arg15[%parallel_loop3A_390, %parallel_loop3A_391] {strides = array<i32>} : memref<256x128xf32, #tpu.memory_space<vmem>>, vector<16xf32>,
      %parallel_loop3A_393 = arith.index_cast %parallel_loop3A_378 : i32 to index
      %parallel_loop3A_394 = arith.index_cast %parallel_loop3A_384 : i32 to index
      %parallel_loop3A_395 = tpu.vector_load %arg16[%parallel_loop3A_393, %parallel_loop3A_394] {strides = array<i32>} : memref<256x128xf32, #tpu.memory_space<vmem>>, vector<16xf32>,
      %parallel_loop3A_396 = arith.constant 16 : i32
      %parallel_loop3A_397 = arith.addi %parallel_loop3A_384, %parallel_loop3A_396 : i32
      %parallel_loop3A_398 = arith.index_cast %parallel_loop3A_378 : i32 to index
      %parallel_loop3A_399 = arith.index_cast %parallel_loop3A_397 : i32 to index
      %parallel_loop3A_400 = tpu.vector_load %arg16[%parallel_loop3A_398, %parallel_loop3A_399] {strides = array<i32>} : memref<256x128xf32, #tpu.memory_space<vmem>>, vector<16xf32>,
      %parallel_loop3A_401 = arith.mulf %parallel_loop3A_387, %parallel_loop3A_395 : vector<16xf32>
      %parallel_loop3A_402 = arith.mulf %parallel_loop3A_392, %parallel_loop3A_400 : vector<16xf32>
      %parallel_loop3A_403 = arith.addf %parallel_loop3A_401, %parallel_loop3A_402 : vector<16xf32>
      %parallel_loop3A_404 = arith.constant true
      %parallel_loop3A_405 = vector.broadcast %parallel_loop3A_404 : i1 to vector<16xi1>
      %parallel_loop3A_406 = tpu.scan <sum>, %parallel_loop3A_403 masked %parallel_loop3A_405 : vector<16xf32>, vector<16xi1> -> vector<16xf32>
      %parallel_loop3A_407 = arith.constant 9 : i32
      %parallel_loop3A_408 = vector.broadcast %parallel_loop3A_407 : i32 to vector<16xi32>
      %parallel_loop3A_409 = arith.addi %parallel_loop3A_68, %parallel_loop3A_408 : vector<16xi32>
      tpu.vector_store_idx %arg19[%parallel_loop3A_409], %parallel_loop3A_406 masked %eq3A_9 : memref<512xf32, #tpu.memory_space<vmem>>[vector<16xi32>], vector<16xf32>, vector<16xi1>
      %parallel_loop3A_410 = arith.constant 10 : i32
      %parallel_loop3A_411 = arith.addi %parallel_loop3A_71, %parallel_loop3A_410 : i32
      %parallel_loop3A_412 = vector.extract_strided_slice %parallel_loop3A_75 {offsets = [10], sizes = [1], strides = [1]} : vector<16xi32> to vector<1xi32>
      %parallel_loop3A_413 = vector.extract %parallel_loop3A_412[0] : i32 from vector<1xi32>
      %parallel_loop3A_414 = tpu.assume_multiple %parallel_loop3A_413, 32 : i32
      %parallel_loop3A_415 = vector.extract_strided_slice %parallel_loop3A_79 {offsets = [10], sizes = [1], strides = [1]} : vector<16xi32> to vector<1xi32>
      %parallel_loop3A_416 = vector.extract %parallel_loop3A_415[0] : i32 from vector<1xi32>
      %parallel_loop3A_417 = tpu.assume_multiple %parallel_loop3A_416, 32 : i32
      %parallel_loop3A_418 = arith.index_cast %parallel_loop3A_411 : i32 to index
      %parallel_loop3A_419 = arith.index_cast %parallel_loop3A_414 : i32 to index
      %parallel_loop3A_420 = tpu.vector_load %arg15[%parallel_loop3A_418, %parallel_loop3A_419] {strides = array<i32>} : memref<256x128xf32, #tpu.memory_space<vmem>>, vector<16xf32>,
      %parallel_loop3A_421 = arith.constant 16 : i32
      %parallel_loop3A_422 = arith.addi %parallel_loop3A_414, %parallel_loop3A_421 : i32
      %parallel_loop3A_423 = arith.index_cast %parallel_loop3A_411 : i32 to index
      %parallel_loop3A_424 = arith.index_cast %parallel_loop3A_422 : i32 to index
      %parallel_loop3A_425 = tpu.vector_load %arg15[%parallel_loop3A_423, %parallel_loop3A_424] {strides = array<i32>} : memref<256x128xf32, #tpu.memory_space<vmem>>, vector<16xf32>,
      %parallel_loop3A_426 = arith.index_cast %parallel_loop3A_411 : i32 to index
      %parallel_loop3A_427 = arith.index_cast %parallel_loop3A_417 : i32 to index
      %parallel_loop3A_428 = tpu.vector_load %arg16[%parallel_loop3A_426, %parallel_loop3A_427] {strides = array<i32>} : memref<256x128xf32, #tpu.memory_space<vmem>>, vector<16xf32>,
      %parallel_loop3A_429 = arith.constant 16 : i32
      %parallel_loop3A_430 = arith.addi %parallel_loop3A_417, %parallel_loop3A_429 : i32
      %parallel_loop3A_431 = arith.index_cast %parallel_loop3A_411 : i32 to index
      %parallel_loop3A_432 = arith.index_cast %parallel_loop3A_430 : i32 to index
      %parallel_loop3A_433 = tpu.vector_load %arg16[%parallel_loop3A_431, %parallel_loop3A_432] {strides = array<i32>} : memref<256x128xf32, #tpu.memory_space<vmem>>, vector<16xf32>,
      %parallel_loop3A_434 = arith.mulf %parallel_loop3A_420, %parallel_loop3A_428 : vector<16xf32>
      %parallel_loop3A_435 = arith.mulf %parallel_loop3A_425, %parallel_loop3A_433 : vector<16xf32>
      %parallel_loop3A_436 = arith.addf %parallel_loop3A_434, %parallel_loop3A_435 : vector<16xf32>
      %parallel_loop3A_437 = arith.constant true
      %parallel_loop3A_438 = vector.broadcast %parallel_loop3A_437 : i1 to vector<16xi1>
      %parallel_loop3A_439 = tpu.scan <sum>, %parallel_loop3A_436 masked %parallel_loop3A_438 : vector<16xf32>, vector<16xi1> -> vector<16xf32>
      %parallel_loop3A_440 = arith.constant 10 : i32
      %parallel_loop3A_441 = vector.broadcast %parallel_loop3A_440 : i32 to vector<16xi32>
      %parallel_loop3A_442 = arith.addi %parallel_loop3A_68, %parallel_loop3A_441 : vector<16xi32>
      tpu.vector_store_idx %arg19[%parallel_loop3A_442], %parallel_loop3A_439 masked %eq3A_9 : memref<512xf32, #tpu.memory_space<vmem>>[vector<16xi32>], vector<16xf32>, vector<16xi1>
      %parallel_loop3A_443 = arith.constant 11 : i32
      %parallel_loop3A_444 = arith.addi %parallel_loop3A_71, %parallel_loop3A_443 : i32
      %parallel_loop3A_445 = vector.extract_strided_slice %parallel_loop3A_75 {offsets = [11], sizes = [1], strides = [1]} : vector<16xi32> to vector<1xi32>
      %parallel_loop3A_446 = vector.extract %parallel_loop3A_445[0] : i32 from vector<1xi32>
      %parallel_loop3A_447 = tpu.assume_multiple %parallel_loop3A_446, 32 : i32
      %parallel_loop3A_448 = vector.extract_strided_slice %parallel_loop3A_79 {offsets = [11], sizes = [1], strides = [1]} : vector<16xi32> to vector<1xi32>
      %parallel_loop3A_449 = vector.extract %parallel_loop3A_448[0] : i32 from vector<1xi32>
      %parallel_loop3A_450 = tpu.assume_multiple %parallel_loop3A_449, 32 : i32
      %parallel_loop3A_451 = arith.index_cast %parallel_loop3A_444 : i32 to index
      %parallel_loop3A_452 = arith.index_cast %parallel_loop3A_447 : i32 to index
      %parallel_loop3A_453 = tpu.vector_load %arg15[%parallel_loop3A_451, %parallel_loop3A_452] {strides = array<i32>} : memref<256x128xf32, #tpu.memory_space<vmem>>, vector<16xf32>,
      %parallel_loop3A_454 = arith.constant 16 : i32
      %parallel_loop3A_455 = arith.addi %parallel_loop3A_447, %parallel_loop3A_454 : i32
      %parallel_loop3A_456 = arith.index_cast %parallel_loop3A_444 : i32 to index
      %parallel_loop3A_457 = arith.index_cast %parallel_loop3A_455 : i32 to index
      %parallel_loop3A_458 = tpu.vector_load %arg15[%parallel_loop3A_456, %parallel_loop3A_457] {strides = array<i32>} : memref<256x128xf32, #tpu.memory_space<vmem>>, vector<16xf32>,
      %parallel_loop3A_459 = arith.index_cast %parallel_loop3A_444 : i32 to index
      %parallel_loop3A_460 = arith.index_cast %parallel_loop3A_450 : i32 to index
      %parallel_loop3A_461 = tpu.vector_load %arg16[%parallel_loop3A_459, %parallel_loop3A_460] {strides = array<i32>} : memref<256x128xf32, #tpu.memory_space<vmem>>, vector<16xf32>,
      %parallel_loop3A_462 = arith.constant 16 : i32
      %parallel_loop3A_463 = arith.addi %parallel_loop3A_450, %parallel_loop3A_462 : i32
      %parallel_loop3A_464 = arith.index_cast %parallel_loop3A_444 : i32 to index
      %parallel_loop3A_465 = arith.index_cast %parallel_loop3A_463 : i32 to index
      %parallel_loop3A_466 = tpu.vector_load %arg16[%parallel_loop3A_464, %parallel_loop3A_465] {strides = array<i32>} : memref<256x128xf32, #tpu.memory_space<vmem>>, vector<16xf32>,
      %parallel_loop3A_467 = arith.mulf %parallel_loop3A_453, %parallel_loop3A_461 : vector<16xf32>
      %parallel_loop3A_468 = arith.mulf %parallel_loop3A_458, %parallel_loop3A_466 : vector<16xf32>
      %parallel_loop3A_469 = arith.addf %parallel_loop3A_467, %parallel_loop3A_468 : vector<16xf32>
      %parallel_loop3A_470 = arith.constant true
      %parallel_loop3A_471 = vector.broadcast %parallel_loop3A_470 : i1 to vector<16xi1>
      %parallel_loop3A_472 = tpu.scan <sum>, %parallel_loop3A_469 masked %parallel_loop3A_471 : vector<16xf32>, vector<16xi1> -> vector<16xf32>
      %parallel_loop3A_473 = arith.constant 11 : i32
      %parallel_loop3A_474 = vector.broadcast %parallel_loop3A_473 : i32 to vector<16xi32>
      %parallel_loop3A_475 = arith.addi %parallel_loop3A_68, %parallel_loop3A_474 : vector<16xi32>
      tpu.vector_store_idx %arg19[%parallel_loop3A_475], %parallel_loop3A_472 masked %eq3A_9 : memref<512xf32, #tpu.memory_space<vmem>>[vector<16xi32>], vector<16xf32>, vector<16xi1>
      %parallel_loop3A_476 = arith.constant 12 : i32
      %parallel_loop3A_477 = arith.addi %parallel_loop3A_71, %parallel_loop3A_476 : i32
      %parallel_loop3A_478 = vector.extract_strided_slice %parallel_loop3A_75 {offsets = [12], sizes = [1], strides = [1]} : vector<16xi32> to vector<1xi32>
      %parallel_loop3A_479 = vector.extract %parallel_loop3A_478[0] : i32 from vector<1xi32>
      %parallel_loop3A_480 = tpu.assume_multiple %parallel_loop3A_479, 32 : i32
      %parallel_loop3A_481 = vector.extract_strided_slice %parallel_loop3A_79 {offsets = [12], sizes = [1], strides = [1]} : vector<16xi32> to vector<1xi32>
      %parallel_loop3A_482 = vector.extract %parallel_loop3A_481[0] : i32 from vector<1xi32>
      %parallel_loop3A_483 = tpu.assume_multiple %parallel_loop3A_482, 32 : i32
      %parallel_loop3A_484 = arith.index_cast %parallel_loop3A_477 : i32 to index
      %parallel_loop3A_485 = arith.index_cast %parallel_loop3A_480 : i32 to index
      %parallel_loop3A_486 = tpu.vector_load %arg15[%parallel_loop3A_484, %parallel_loop3A_485] {strides = array<i32>} : memref<256x128xf32, #tpu.memory_space<vmem>>, vector<16xf32>,
      %parallel_loop3A_487 = arith.constant 16 : i32
      %parallel_loop3A_488 = arith.addi %parallel_loop3A_480, %parallel_loop3A_487 : i32
      %parallel_loop3A_489 = arith.index_cast %parallel_loop3A_477 : i32 to index
      %parallel_loop3A_490 = arith.index_cast %parallel_loop3A_488 : i32 to index
      %parallel_loop3A_491 = tpu.vector_load %arg15[%parallel_loop3A_489, %parallel_loop3A_490] {strides = array<i32>} : memref<256x128xf32, #tpu.memory_space<vmem>>, vector<16xf32>,
      %parallel_loop3A_492 = arith.index_cast %parallel_loop3A_477 : i32 to index
      %parallel_loop3A_493 = arith.index_cast %parallel_loop3A_483 : i32 to index
      %parallel_loop3A_494 = tpu.vector_load %arg16[%parallel_loop3A_492, %parallel_loop3A_493] {strides = array<i32>} : memref<256x128xf32, #tpu.memory_space<vmem>>, vector<16xf32>,
      %parallel_loop3A_495 = arith.constant 16 : i32
      %parallel_loop3A_496 = arith.addi %parallel_loop3A_483, %parallel_loop3A_495 : i32
      %parallel_loop3A_497 = arith.index_cast %parallel_loop3A_477 : i32 to index
      %parallel_loop3A_498 = arith.index_cast %parallel_loop3A_496 : i32 to index
      %parallel_loop3A_499 = tpu.vector_load %arg16[%parallel_loop3A_497, %parallel_loop3A_498] {strides = array<i32>} : memref<256x128xf32, #tpu.memory_space<vmem>>, vector<16xf32>,
      %parallel_loop3A_500 = arith.mulf %parallel_loop3A_486, %parallel_loop3A_494 : vector<16xf32>
      %parallel_loop3A_501 = arith.mulf %parallel_loop3A_491, %parallel_loop3A_499 : vector<16xf32>
      %parallel_loop3A_502 = arith.addf %parallel_loop3A_500, %parallel_loop3A_501 : vector<16xf32>
      %parallel_loop3A_503 = arith.constant true
      %parallel_loop3A_504 = vector.broadcast %parallel_loop3A_503 : i1 to vector<16xi1>
      %parallel_loop3A_505 = tpu.scan <sum>, %parallel_loop3A_502 masked %parallel_loop3A_504 : vector<16xf32>, vector<16xi1> -> vector<16xf32>
      %parallel_loop3A_506 = arith.constant 12 : i32
      %parallel_loop3A_507 = vector.broadcast %parallel_loop3A_506 : i32 to vector<16xi32>
      %parallel_loop3A_508 = arith.addi %parallel_loop3A_68, %parallel_loop3A_507 : vector<16xi32>
      tpu.vector_store_idx %arg19[%parallel_loop3A_508], %parallel_loop3A_505 masked %eq3A_9 : memref<512xf32, #tpu.memory_space<vmem>>[vector<16xi32>], vector<16xf32>, vector<16xi1>
      %parallel_loop3A_509 = arith.constant 13 : i32
      %parallel_loop3A_510 = arith.addi %parallel_loop3A_71, %parallel_loop3A_509 : i32
      %parallel_loop3A_511 = vector.extract_strided_slice %parallel_loop3A_75 {offsets = [13], sizes = [1], strides = [1]} : vector<16xi32> to vector<1xi32>
      %parallel_loop3A_512 = vector.extract %parallel_loop3A_511[0] : i32 from vector<1xi32>
      %parallel_loop3A_513 = tpu.assume_multiple %parallel_loop3A_512, 32 : i32
      %parallel_loop3A_514 = vector.extract_strided_slice %parallel_loop3A_79 {offsets = [13], sizes = [1], strides = [1]} : vector<16xi32> to vector<1xi32>
      %parallel_loop3A_515 = vector.extract %parallel_loop3A_514[0] : i32 from vector<1xi32>
      %parallel_loop3A_516 = tpu.assume_multiple %parallel_loop3A_515, 32 : i32
      %parallel_loop3A_517 = arith.index_cast %parallel_loop3A_510 : i32 to index
      %parallel_loop3A_518 = arith.index_cast %parallel_loop3A_513 : i32 to index
      %parallel_loop3A_519 = tpu.vector_load %arg15[%parallel_loop3A_517, %parallel_loop3A_518] {strides = array<i32>} : memref<256x128xf32, #tpu.memory_space<vmem>>, vector<16xf32>,
      %parallel_loop3A_520 = arith.constant 16 : i32
      %parallel_loop3A_521 = arith.addi %parallel_loop3A_513, %parallel_loop3A_520 : i32
      %parallel_loop3A_522 = arith.index_cast %parallel_loop3A_510 : i32 to index
      %parallel_loop3A_523 = arith.index_cast %parallel_loop3A_521 : i32 to index
      %parallel_loop3A_524 = tpu.vector_load %arg15[%parallel_loop3A_522, %parallel_loop3A_523] {strides = array<i32>} : memref<256x128xf32, #tpu.memory_space<vmem>>, vector<16xf32>,
      %parallel_loop3A_525 = arith.index_cast %parallel_loop3A_510 : i32 to index
      %parallel_loop3A_526 = arith.index_cast %parallel_loop3A_516 : i32 to index
      %parallel_loop3A_527 = tpu.vector_load %arg16[%parallel_loop3A_525, %parallel_loop3A_526] {strides = array<i32>} : memref<256x128xf32, #tpu.memory_space<vmem>>, vector<16xf32>,
      %parallel_loop3A_528 = arith.constant 16 : i32
      %parallel_loop3A_529 = arith.addi %parallel_loop3A_516, %parallel_loop3A_528 : i32
      %parallel_loop3A_530 = arith.index_cast %parallel_loop3A_510 : i32 to index
      %parallel_loop3A_531 = arith.index_cast %parallel_loop3A_529 : i32 to index
      %parallel_loop3A_532 = tpu.vector_load %arg16[%parallel_loop3A_530, %parallel_loop3A_531] {strides = array<i32>} : memref<256x128xf32, #tpu.memory_space<vmem>>, vector<16xf32>,
      %parallel_loop3A_533 = arith.mulf %parallel_loop3A_519, %parallel_loop3A_527 : vector<16xf32>
      %parallel_loop3A_534 = arith.mulf %parallel_loop3A_524, %parallel_loop3A_532 : vector<16xf32>
      %parallel_loop3A_535 = arith.addf %parallel_loop3A_533, %parallel_loop3A_534 : vector<16xf32>
      %parallel_loop3A_536 = arith.constant true
      %parallel_loop3A_537 = vector.broadcast %parallel_loop3A_536 : i1 to vector<16xi1>
      %parallel_loop3A_538 = tpu.scan <sum>, %parallel_loop3A_535 masked %parallel_loop3A_537 : vector<16xf32>, vector<16xi1> -> vector<16xf32>
      %parallel_loop3A_539 = arith.constant 13 : i32
      %parallel_loop3A_540 = vector.broadcast %parallel_loop3A_539 : i32 to vector<16xi32>
      %parallel_loop3A_541 = arith.addi %parallel_loop3A_68, %parallel_loop3A_540 : vector<16xi32>
      tpu.vector_store_idx %arg19[%parallel_loop3A_541], %parallel_loop3A_538 masked %eq3A_9 : memref<512xf32, #tpu.memory_space<vmem>>[vector<16xi32>], vector<16xf32>, vector<16xi1>
      %parallel_loop3A_542 = arith.constant 14 : i32
      %parallel_loop3A_543 = arith.addi %parallel_loop3A_71, %parallel_loop3A_542 : i32
      %parallel_loop3A_544 = vector.extract_strided_slice %parallel_loop3A_75 {offsets = [14], sizes = [1], strides = [1]} : vector<16xi32> to vector<1xi32>
      %parallel_loop3A_545 = vector.extract %parallel_loop3A_544[0] : i32 from vector<1xi32>
      %parallel_loop3A_546 = tpu.assume_multiple %parallel_loop3A_545, 32 : i32
      %parallel_loop3A_547 = vector.extract_strided_slice %parallel_loop3A_79 {offsets = [14], sizes = [1], strides = [1]} : vector<16xi32> to vector<1xi32>
      %parallel_loop3A_548 = vector.extract %parallel_loop3A_547[0] : i32 from vector<1xi32>
      %parallel_loop3A_549 = tpu.assume_multiple %parallel_loop3A_548, 32 : i32
      %parallel_loop3A_550 = arith.index_cast %parallel_loop3A_543 : i32 to index
      %parallel_loop3A_551 = arith.index_cast %parallel_loop3A_546 : i32 to index
      %parallel_loop3A_552 = tpu.vector_load %arg15[%parallel_loop3A_550, %parallel_loop3A_551] {strides = array<i32>} : memref<256x128xf32, #tpu.memory_space<vmem>>, vector<16xf32>,
      %parallel_loop3A_553 = arith.constant 16 : i32
      %parallel_loop3A_554 = arith.addi %parallel_loop3A_546, %parallel_loop3A_553 : i32
      %parallel_loop3A_555 = arith.index_cast %parallel_loop3A_543 : i32 to index
      %parallel_loop3A_556 = arith.index_cast %parallel_loop3A_554 : i32 to index
      %parallel_loop3A_557 = tpu.vector_load %arg15[%parallel_loop3A_555, %parallel_loop3A_556] {strides = array<i32>} : memref<256x128xf32, #tpu.memory_space<vmem>>, vector<16xf32>,
      %parallel_loop3A_558 = arith.index_cast %parallel_loop3A_543 : i32 to index
      %parallel_loop3A_559 = arith.index_cast %parallel_loop3A_549 : i32 to index
      %parallel_loop3A_560 = tpu.vector_load %arg16[%parallel_loop3A_558, %parallel_loop3A_559] {strides = array<i32>} : memref<256x128xf32, #tpu.memory_space<vmem>>, vector<16xf32>,
      %parallel_loop3A_561 = arith.constant 16 : i32
      %parallel_loop3A_562 = arith.addi %parallel_loop3A_549, %parallel_loop3A_561 : i32
      %parallel_loop3A_563 = arith.index_cast %parallel_loop3A_543 : i32 to index
      %parallel_loop3A_564 = arith.index_cast %parallel_loop3A_562 : i32 to index
      %parallel_loop3A_565 = tpu.vector_load %arg16[%parallel_loop3A_563, %parallel_loop3A_564] {strides = array<i32>} : memref<256x128xf32, #tpu.memory_space<vmem>>, vector<16xf32>,
      %parallel_loop3A_566 = arith.mulf %parallel_loop3A_552, %parallel_loop3A_560 : vector<16xf32>
      %parallel_loop3A_567 = arith.mulf %parallel_loop3A_557, %parallel_loop3A_565 : vector<16xf32>
      %parallel_loop3A_568 = arith.addf %parallel_loop3A_566, %parallel_loop3A_567 : vector<16xf32>
      %parallel_loop3A_569 = arith.constant true
      %parallel_loop3A_570 = vector.broadcast %parallel_loop3A_569 : i1 to vector<16xi1>
      %parallel_loop3A_571 = tpu.scan <sum>, %parallel_loop3A_568 masked %parallel_loop3A_570 : vector<16xf32>, vector<16xi1> -> vector<16xf32>
      %parallel_loop3A_572 = arith.constant 14 : i32
      %parallel_loop3A_573 = vector.broadcast %parallel_loop3A_572 : i32 to vector<16xi32>
      %parallel_loop3A_574 = arith.addi %parallel_loop3A_68, %parallel_loop3A_573 : vector<16xi32>
      tpu.vector_store_idx %arg19[%parallel_loop3A_574], %parallel_loop3A_571 masked %eq3A_9 : memref<512xf32, #tpu.memory_space<vmem>>[vector<16xi32>], vector<16xf32>, vector<16xi1>
      %parallel_loop3A_575 = arith.constant 15 : i32
      %parallel_loop3A_576 = arith.addi %parallel_loop3A_71, %parallel_loop3A_575 : i32
      %parallel_loop3A_577 = vector.extract_strided_slice %parallel_loop3A_75 {offsets = [15], sizes = [1], strides = [1]} : vector<16xi32> to vector<1xi32>
      %parallel_loop3A_578 = vector.extract %parallel_loop3A_577[0] : i32 from vector<1xi32>
      %parallel_loop3A_579 = tpu.assume_multiple %parallel_loop3A_578, 32 : i32
      %parallel_loop3A_580 = vector.extract_strided_slice %parallel_loop3A_79 {offsets = [15], sizes = [1], strides = [1]} : vector<16xi32> to vector<1xi32>
      %parallel_loop3A_581 = vector.extract %parallel_loop3A_580[0] : i32 from vector<1xi32>
      %parallel_loop3A_582 = tpu.assume_multiple %parallel_loop3A_581, 32 : i32
      %parallel_loop3A_583 = arith.index_cast %parallel_loop3A_576 : i32 to index
      %parallel_loop3A_584 = arith.index_cast %parallel_loop3A_579 : i32 to index
      %parallel_loop3A_585 = tpu.vector_load %arg15[%parallel_loop3A_583, %parallel_loop3A_584] {strides = array<i32>} : memref<256x128xf32, #tpu.memory_space<vmem>>, vector<16xf32>,
      %parallel_loop3A_586 = arith.constant 16 : i32
      %parallel_loop3A_587 = arith.addi %parallel_loop3A_579, %parallel_loop3A_586 : i32
      %parallel_loop3A_588 = arith.index_cast %parallel_loop3A_576 : i32 to index
      %parallel_loop3A_589 = arith.index_cast %parallel_loop3A_587 : i32 to index
      %parallel_loop3A_590 = tpu.vector_load %arg15[%parallel_loop3A_588, %parallel_loop3A_589] {strides = array<i32>} : memref<256x128xf32, #tpu.memory_space<vmem>>, vector<16xf32>,
      %parallel_loop3A_591 = arith.index_cast %parallel_loop3A_576 : i32 to index
      %parallel_loop3A_592 = arith.index_cast %parallel_loop3A_582 : i32 to index
      %parallel_loop3A_593 = tpu.vector_load %arg16[%parallel_loop3A_591, %parallel_loop3A_592] {strides = array<i32>} : memref<256x128xf32, #tpu.memory_space<vmem>>, vector<16xf32>,
      %parallel_loop3A_594 = arith.constant 16 : i32
      %parallel_loop3A_595 = arith.addi %parallel_loop3A_582, %parallel_loop3A_594 : i32
      %parallel_loop3A_596 = arith.index_cast %parallel_loop3A_576 : i32 to index
      %parallel_loop3A_597 = arith.index_cast %parallel_loop3A_595 : i32 to index
      %parallel_loop3A_598 = tpu.vector_load %arg16[%parallel_loop3A_596, %parallel_loop3A_597] {strides = array<i32>} : memref<256x128xf32, #tpu.memory_space<vmem>>, vector<16xf32>,
      %parallel_loop3A_599 = arith.mulf %parallel_loop3A_585, %parallel_loop3A_593 : vector<16xf32>
      %parallel_loop3A_600 = arith.mulf %parallel_loop3A_590, %parallel_loop3A_598 : vector<16xf32>
      %parallel_loop3A_601 = arith.addf %parallel_loop3A_599, %parallel_loop3A_600 : vector<16xf32>
      %parallel_loop3A_602 = arith.constant true
      %parallel_loop3A_603 = vector.broadcast %parallel_loop3A_602 : i1 to vector<16xi1>
      %parallel_loop3A_604 = tpu.scan <sum>, %parallel_loop3A_601 masked %parallel_loop3A_603 : vector<16xf32>, vector<16xi1> -> vector<16xf32>
      %parallel_loop3A_605 = arith.constant 15 : i32
      %parallel_loop3A_606 = vector.broadcast %parallel_loop3A_605 : i32 to vector<16xi32>
      %parallel_loop3A_607 = arith.addi %parallel_loop3A_68, %parallel_loop3A_606 : vector<16xi32>
      tpu.vector_store_idx %arg19[%parallel_loop3A_607], %parallel_loop3A_604 masked %eq3A_9 : memref<512xf32, #tpu.memory_space<vmem>>[vector<16xi32>], vector<16xf32>, vector<16xi1>
      %parallel_loop3A_608 = arith.constant 16 : i32
      %parallel_loop3A_609 = vector.broadcast %parallel_loop3A_608 : i32 to vector<16xi32>
      %parallel_loop3A_610 = arith.addi %parallel_loop3A_68, %parallel_loop3A_609 : vector<16xi32>
      scf.yield %parallel_loop3A_610 : vector<16xi32>
    } {sc.loop_unroll_factor = 1 : i64, sc.parallel_access}
    %dma_wait3A_60 = arith.constant 0 : i32
    %dma_wait3A_61 = tpu.memref_slice %arg6[%dma_wait3A_60] : memref<1000000xf32, #tpu.memory_space<hbm>> -> memref<1000000xf32, #tpu.memory_space<hbm>>
    tpu.wait_indirect_dma semaphore(%arg22 : memref<!tpu.dma_semaphore, #tpu.memory_space<semaphore_mem>>) src(%dma_wait3A_61 : memref<1000000xf32, #tpu.memory_space<hbm>>) dst(%arg17 : memref<512xf32, #tpu.memory_space<vmem>>)
    %dma_wait3A_62 = arith.constant 0 : i32
    %dma_wait3A_63 = tpu.memref_slice %arg7[%dma_wait3A_62] : memref<1000000xf32, #tpu.memory_space<hbm>> -> memref<1000000xf32, #tpu.memory_space<hbm>>
    tpu.wait_indirect_dma semaphore(%arg22 : memref<!tpu.dma_semaphore, #tpu.memory_space<semaphore_mem>>) src(%dma_wait3A_63 : memref<1000000xf32, #tpu.memory_space<hbm>>) dst(%arg18 : memref<512xf32, #tpu.memory_space<vmem>>)
    %parallel_loop3A_64 = arith.constant 0 : i32
    %parallel_loop3A_65 = arith.constant 32 : i32
    %parallel_loop3A_66 = arith.constant 1 : i32
    scf.for %parallel_loop3A_67 = %parallel_loop3A_64 to %parallel_loop3A_65 step %parallel_loop3A_66  : i32 {
      %parallel_loop3A_68 = arith.constant 16 : i32
      %parallel_loop3A_69 = arith.muli %parallel_loop3A_67, %parallel_loop3A_68 : i32
      %parallel_loop3A_70 = tpu.assume_multiple %parallel_loop3A_69, 16 : i32
      %parallel_loop3A_71 = arith.index_cast %parallel_loop3A_70 : i32 to index
      %parallel_loop3A_72 = tpu.vector_load %arg19[%parallel_loop3A_71] {strides = array<i32>} : memref<512xf32, #tpu.memory_space<vmem>>, vector<16xf32>,
      %parallel_loop3A_73 = arith.index_cast %parallel_loop3A_70 : i32 to index
      %parallel_loop3A_74 = tpu.vector_load %arg17[%parallel_loop3A_73] {strides = array<i32>} : memref<512xf32, #tpu.memory_space<vmem>>, vector<16xf32>,
      %parallel_loop3A_75 = arith.addf %parallel_loop3A_72, %parallel_loop3A_74 : vector<16xf32>
      %parallel_loop3A_76 = arith.index_cast %parallel_loop3A_70 : i32 to index
      %parallel_loop3A_77 = tpu.vector_load %arg18[%parallel_loop3A_76] {strides = array<i32>} : memref<512xf32, #tpu.memory_space<vmem>>, vector<16xf32>,
      %parallel_loop3A_78 = arith.addf %parallel_loop3A_75, %parallel_loop3A_77 : vector<16xf32>
      %parallel_loop3A_79 = arith.index_cast %parallel_loop3A_70 : i32 to index
      %parallel_loop3A_80 = tpu.vector_load %arg19[%parallel_loop3A_79] {strides = array<i32>} : memref<512xf32, #tpu.memory_space<vmem>>, vector<16xf32>,
      tpu.vector_store %arg19[%parallel_loop3A_79], %parallel_loop3A_78 {strides = array<i32>} : memref<512xf32, #tpu.memory_space<vmem>>, vector<16xf32>,
    } {sc.loop_unroll_factor = 1 : i64, sc.parallel_access}
    "tpu.region"() ({
      %run_scoped3A = tpu.sem_alloc : memref<!tpu.dma_semaphore, #tpu.memory_space<semaphore_mem>>
      %dma_start3A_67 = tpu.memref_slice %arg8[%mul3A_2] : memref<16384xf32, #tpu.memory_space<hbm>> -> memref<512xf32, #tpu.memory_space<hbm>>
      %dma_start3A_68 = tpu.memref_slice %arg8[%mul3A_2] : memref<16384xf32, #tpu.memory_space<hbm>> -> memref<512xf32, #tpu.memory_space<hbm>>
      tpu.enqueue_dma source(%arg19 : memref<512xf32, #tpu.memory_space<vmem>>) target(%dma_start3A_68 : memref<512xf32, #tpu.memory_space<hbm>>) target_semaphore(%run_scoped3A : memref<!tpu.dma_semaphore, #tpu.memory_space<semaphore_mem>>)
      %dma_wait3A_69 = tpu.memref_slice %arg8[%mul3A_2] : memref<16384xf32, #tpu.memory_space<hbm>> -> memref<512xf32, #tpu.memory_space<hbm>>
      %dma_wait3A_70 = tpu.memref_slice %arg8[%mul3A_2] : memref<16384xf32, #tpu.memory_space<hbm>> -> memref<512xf32, #tpu.memory_space<hbm>>
      tpu.wait_dma2 semaphore(%run_scoped3A : memref<!tpu.dma_semaphore, #tpu.memory_space<semaphore_mem>>) src(%arg19 : memref<512xf32, #tpu.memory_space<vmem>>) dst(%dma_wait3A_70 : memref<512xf32, #tpu.memory_space<hbm>>)
      tpu.yield
    }) : () -> ()
    return
  }
}

</mosaic_0001>

<sc_bundles>
// kernel: kernel.3.cloned.1.call-start
scs
__scs_entry_jumppad:
0x0: {  	(pc) =	sbr.rel $0x88, $3  }
0x1: {  	(tag) =	ssettag $0x0;
	lr =	simm.s32 $0x1  }
0x2: {  	[smem:$0x3F9B] =	sst lr;
	_ =	strace $0xD0000000  }
0x3: {  	_ = 	snop  }
0x4: {  	_ = 	snop  }
0x5: {  	_ = 	snop  }
0x6: {  	_ = 	snop  }
0x7: {  	_ = 	snop  }
__scs_overlays_trampoline_lowered:
0x8: {  	[smem:$0x3FAA] =	sst s0  }
0x9: {  	[smem:$0x3FAB] =	sst s1  }
0xa: {  	[smem:$0x3FAC] =	sst s2  }
0xb: {  	[smem:$0x3FAD] =	sst s3  }
0xc: {  	[smem:$0x3FAE] =	sst s4  }
0xd: {  	[smem:$0x3FAF] =	sst s5  }
0xe: {  	[smem:$0x3FB0] =	sst s6  }
0xf: {  	[smem:$0x3FB1] =	sst s7  }
0x10: {  	[smem:$0x3FB2] =	sst s8  }
0x11: {  	[smem:$0x3FB3] =	sst s9;
	s0 =	simm.s32 @!p0 $0x0  }
0x12: {  	s1 =	sld [smem:$0x3F99];
	s0 =	simm.s32 @p0 $0x1  }
0x13: {  	[smem:$0x3FB4] =	sst s0;
	s0 =	simm.s32 @!p1 $0x0  }
0x14: {  	s2 =	sld [smem:$0x3F98];
	s0 =	simm.s32 @p1 $0x1  }
0x15: {  	[smem:$0x3FB5] =	sst s0;
	s0 =	simm.s32 @!p2 $0x0  }
0x16: {  	s3 =	sld [smem:$0x3FDB];
	s0 =	simm.s32 @p2 $0x1  }
0x17: {  	s4 =	simm.s32 $0x1BF5;
	[smem:$0x3FB7] =	sst s0  }
0x18: {  	s0 =	sld [smem:$0x3F9A];
	_ =	swait.ge [sflag:s4], $0x0  }
0x19: {  	s7 =	sld [smem:$0x3F9B]  }
0x1a: {  	s8 =	sadd.s32 $0xFFFFE003, lr  }
0x1b: {  	s9 =	sadd.s32 $0xFFFFFEF7, lr;
	s5 =	simm.s32 $0xFFFFFFFF;
	p2 =	slt.u32 s8, $0xFFFFF086  }
0x1c: {  	p1 =	slt.u32 s9, $0xF7A;
	s5 =	simm.s32 @!p2 $0x0  }
0x1d: {  	s5 =	simm.s32 @p1 $0x1;
	p0 =	seq.s32 s7, s2  }
0x1e: {  	s7 =	smul.u32 @!p0 $0xF7A, s2;
	p2 =	seq.s32 @!p0 s5, $0x0  }
0x1f: {  	s9 =	smul.u32 $0xF7A, s1;
	s8 =	simm.s32 @!p0 $0x1BF5;
	p2 =	por !p2, p0  }
0x20: {  	[sflag:s8] =	ssyncset.s32 @!p0 $0xFFFFF086;
	s6 =	sadd.s32 @!p0 s3, s7;
	s7 =	simm.s32 @!p0 $0x108  }
0x21: {  	s3 =	sadd.s32 s3, s9;
	s6 =	sadd.s32 @!p0 $0x88, s6;
	s7 =	simm.s32 @p2 $0x1082  }
0x22: {  	[simem:s7], [sflag:s8] =	dma.local @!p0 [hbm:s6], $0xF7A  }
0x23: {  	s9 =	sor.u32 $0xD0000000, s2;
	s6 =	simm.s32 $0x108;
	_ =	swait.ge @!p0 [sflag:s8], $0x0  }
0x24: {  	s3 =	sadd.s32 $0x88, s3;
	s6 =	simm.s32 @!p1 $0x1082;
	[sflag:s4] =	ssyncset.s32 $0xFFFFF086  }
0x25: {  	[simem:s6], [sflag:s4] =	dma.local [hbm:s3], $0xF7A  }
0x26: {  	[smem:$0x3F9B] =	sst s1;
	(tag) =	ssettag s2;
	_ =	strace s9  }
0x27: {  	s1 =	sld [smem:$0x3FAB]  }
0x28: {  	s2 =	sld [smem:$0x3FAC]  }
0x29: {  	s4 =	sld [smem:$0x3FAE]  }
0x2a: {  	p0 =	seq.s32 s5, $0x0;
	s5 =	sld [smem:$0x3FAF]  }
0x2b: {  	s6 =	sld [smem:$0x3FB0]  }
0x2c: {  	s7 =	sld [smem:$0x3FB1]  }
0x2d: {  	s3 =	simm.s32 $0x108;
	s8 =	sld [smem:$0x3FB2]  }
0x2e: {  	s3 =	simm.s32 @!p0 $0x1082;
	s9 =	sld [smem:$0x3FB3]  }
0x2f: {  	lr =	sadd.s32 s0, s3;
	s0 =	sld [smem:$0x3FAA]  }
0x30: {  	s3 =	sld [smem:$0x3FAD]  }
0x31: {  	[smem:$0x3FB6] =	sst s10  }
0x32: {  	s10 =	sld [smem:$0x3FB4];
	_ =	sdelay $0x3  }
0x33: {  	p0 =	seq.s32 s10, $0x1;
	s10 =	sld [smem:$0x3FB6];
	_ =	sdelay $0x3  }
0x34: {  	[smem:$0x3FB6] =	sst s10  }
0x35: {  	s10 =	sld [smem:$0x3FB5];
	_ =	sdelay $0x3  }
0x36: {  	p1 =	seq.s32 s10, $0x1;
	s10 =	sld [smem:$0x3FB6];
	_ =	sdelay $0x3  }
0x37: {  	[smem:$0x3FB6] =	sst s10  }
0x38: {  	s10 =	sld [smem:$0x3FB7]  }
0x39: {  	_ = 	snop;
	(pc) =	sbr.ind lr, $3  }
0x3a: {  	_ = 	snop  }
0x3b: {  	_ = 	snop  }
0x3c: {  	p2 =	seq.s32 s10, $0x1;
	s10 =	sld [smem:$0x3FB6]  }
0x3d: {  	_ =	shalt  }
0x3e: {  	_ =	shalt  }
0x3f: {  	_ =	shalt  }
0x40: {  	_ =	shalt  }
0x41: {  	_ =	shalt  }
0x42: {  	_ =	shalt  }
0x43: {  	_ =	shalt  }
0x44: {  	_ =	shalt  }
0x45: {  	_ =	shalt  }
0x46: {  	_ =	shalt  }
0x47: {  	_ =	shalt  }
0x48: {  	_ =	shalt  }
0x49: {  	_ =	shalt  }
0x4a: {  	_ =	shalt  }
0x4b: {  	_ =	shalt  }
0x4c: {  	_ =	shalt  }
0x4d: {  	_ =	shalt  }
0x4e: {  	_ =	shalt  }
0x4f: {  	_ =	shalt  }
0x50: {  	_ =	shalt  }
0x51: {  	_ =	shalt  }
0x52: {  	_ =	shalt  }
0x53: {  	_ =	shalt  }
0x54: {  	_ =	shalt  }
0x55: {  	_ =	shalt  }
0x56: {  	_ =	shalt  }
0x57: {  	_ =	shalt  }
0x58: {  	_ =	shalt  }
0x59: {  	_ =	shalt  }
0x5a: {  	_ =	shalt  }
0x5b: {  	_ =	shalt  }
0x5c: {  	_ =	shalt  }
0x5d: {  	_ =	shalt  }
0x5e: {  	_ =	shalt  }
0x5f: {  	_ =	shalt  }
0x60: {  	_ =	shalt  }
0x61: {  	_ =	shalt  }
0x62: {  	_ =	shalt  }
0x63: {  	_ =	shalt  }
0x64: {  	_ =	shalt  }
0x65: {  	_ =	shalt  }
0x66: {  	_ =	shalt  }
0x67: {  	_ =	shalt  }
0x68: {  	_ =	shalt  }
0x69: {  	_ =	shalt  }
0x6a: {  	_ =	shalt  }
0x6b: {  	_ =	shalt  }
0x6c: {  	_ =	shalt  }
0x6d: {  	_ =	shalt  }
0x6e: {  	_ =	shalt  }
0x6f: {  	_ =	shalt  }
0x70: {  	_ =	shalt  }
0x71: {  	_ =	shalt  }
0x72: {  	_ =	shalt  }
0x73: {  	_ =	shalt  }
0x74: {  	_ =	shalt  }
0x75: {  	_ =	shalt  }
0x76: {  	_ =	shalt  }
0x77: {  	_ =	shalt  }
0x78: {  	_ =	shalt  }
0x79: {  	_ =	shalt  }
0x7a: {  	_ =	shalt  }
0x7b: {  	_ =	shalt  }
0x7c: {  	_ =	shalt  }
0x7d: {  	_ =	shalt  }
0x7e: {  	_ =	shalt  }
0x7f: {  	_ =	shalt  }
0x80: {  	_ =	shalt  }
0x81: {  	_ =	shalt  }
0x82: {  	_ =	shalt  }
0x83: {  	_ =	shalt  }
0x84: {  	_ =	shalt  }
0x85: {  	_ =	shalt  }
0x86: {  	_ =	shalt  }
0x87: {  	_ =	shalt  }
.Lfunc_end0:
.L_simem_size_0:
called_computation_lowered:
.L_overlay_start_0:
0x88: {  	s2 =	sld [smem:$0x3FD9]  }
0x89: {  	s3 =	sld [smem:$0x3FFE];
	_ =	sdelay $0x1  }
0x8a: {  	s1 =	srdreg.scid  }
0x8b: {  	s0 =	sand.u32 $0x1, s1  }
0x8c: {  	s17 =	sshll.u32 s0, $0xA;
	s2 =	sadd.s32 s3, s2  }
0x8d: {  	s2 =	sadd.s32 s2, s17  }
0x8e: {  	[smem:$0x3FC2] =	sst s2  }
0x8f: {  	_ = 	snop  }
0x90: {  	s2 =	sld [smem:$0x3FC9]  }
0x91: {  	s18 =	sld [smem:$0x3FC8]  }
0x92: {  	s4 =	sld [smem:$0x3FD0];
	(tm) =	ssettm $0x1  }
0x93: {  	s5 =	sld [smem:$0x3FFB];
	_ =	sdelay $0x3  }
0x94: {  	_ =	strace s5  }
0x95: {  	s5 =	sld [smem:$0x3FFC];
	_ =	sdelay $0x3  }
0x96: {  	_ =	strace s5  }
0x97: {  	s5 =	sld [smem:$0x3FFD];
	_ =	sdelay $0x3  }
0x98: {  	_ =	strace s5  }
0x99: {  	_ =	strace $0x8FFFFFFF  }
0x9a: {  	s19 =	sld [smem:$0x3FDB];
	_ =	sdelay $0x1  }
0x9b: {  	s6 =	simm.s32 $_scs_section_size  }
0x9c: {  	s7 =	simm.s32 $_size__tile_overlayer_lowered;
	s8 =	simm.s32 $_tile_overlayer_lowered  }
0x9d: {  	s22 =	simm.s32 $0x1BFF;
	s21 =	sshll.u32 s8, $0x1;
	s5 =	sadd.s32 s6, s19  }
0x9e: {  	s9 =	simm.s32 $0x0;
	s20 =	sshll.u32 s7, $0x1;
	s7 =	sadd.s32 s21, s5  }
0x9f: {  	[timem:s9], [sflag:s22] =	dma.local [hbm:s7], s20  }
0xa0: {  	_ =	swait.ge [sflag:s22], s20  }
0xa1: {  	s6 =	ssub.s32 $0x0, s20;
	[sflag:s22] =	ssyncset.done $0x0  }
0xa2: {  	[sflag:s22] =	ssyncadd.s32 s6;
	_ =	sdelay $0x1  }
0xa3: {  	s23 =	simm.s32 $0x1B8B  }
0xa4: {  	_ =	swait.ge [sflag:s23], $0x1  }
0xa5: {  	[sflag:s23] =	ssyncset.done $0x0  }
0xa6: {  	s25 =	simm.s32 $0x1B8E;
	s24 =	sld [smem:$0x3FFE];
	[sflag:s23] =	ssyncadd.s32 $0xFFFFFFFF  }
0xa7: {  	s26 =	simm.s32 $execute0_lowered;
	[smem:$0x3FD2] =	sst s25  }
0xa8: {  	s7 =	sshll.u32 s26, $0x1;
	_ =	strace $0x80000046;
	[dreg:$0x1] =	wrdreg $0xFFFFFFFF  }
0xa9: {  	s28 =	simm.s32 $_size_execute0_lowered;
	s5 =	sadd.s32 s5, s7;
	[dreg:$0x0] =	wrdreg $0x0  }
0xaa: {  	s7 =	sshll.u32 s28, $0x1;
	[dreg:$0x2] =	wrdreg s5  }
0xab: {  	[dreg:$0x3] =	wrdreg s7  }
0xac: {  	[dreg:$0x4] =	wrdreg $0xC0  }
0xad: {  	_ =	task [dreg:s9], $0x5FFFF  }
0xae: {  	[dreg:$0x1] =	wrdreg $0xFFFFFFFF  }
0xaf: {  	[dreg:$0x0] =	wrdreg $0x60  }
0xb0: {  	[dreg:$0x2] =	wrdreg s2  }
0xb1: {  	[dreg:$0x3] =	wrdreg s18  }
0xb2: {  	[dreg:$0x4] =	wrdreg s24  }
0xb3: {  	[dreg:$0x5] =	wrdreg s4  }
0xb4: {  	[dreg:$0x6] =	wrdreg $0x9  }
0xb5: {  	_ =	task.clear_ibuf [dreg:s9], $0x7FFFF;
	_ =	strace $0x90000046  }
0xb6: {  	s29 =	simm.s32 $0x9;
	_ =	strace $0x80000048  }
0xb7: {  	_ =	swait.ge [sflag:s29], $0x1  }
0xb8: {  	[sflag:s29] =	ssyncadd.s32 $0xFFFFFFFF  }
0xb9: {  	_ =	strace $0x90000048  }
0xba: {  	_ =	sfence  }
0xbb: {  	s30 =	sld [smem:$0x0];
	_ =	sdelay $0x2  }
0xbc: {  	s31 =	sshll.u32 s1, $0xD;
	s1 =	sshrl.u32 s1, $0x2  }
0xbd: {  	s3 =	sand.u32 $0x4000, s31;
	s1 =	sadd.s32 s1, s30  }
0xbe: {  	s0 =	sor.u32 s3, s0;
	s1 =	sshll.u32 s1, $0x11  }
0xbf: {  	s0 =	sor.u32 s1, s0  }
0xc0: {  	s0 =	sadd.s32 $0x8F2B, s0  }
0xc1: {  	[sflag:s0] =	ssyncadd.remote.s32 $0x1  }
0xc2: {  	_ =	sfence.sel $0xFFFF  }
0xc3: {  	[dreg:$0x0] =	wrdreg $0xFFFFFFFF;
	(pc) =	sbr.abs _section_cstart, $3  }
0xc4: {  	[dreg:$0x1] =	wrdreg $0xFFFFFFFF  }
0xc5: {  	_ =	task.clear_ibuf [dreg:s9], $0x2FFFF;
	_ =	strace $0x9FFFFFFF  }
0xc6: {  	(tm) =	ssettm $0x7FFFFFFF  }
0xc7: {  	_ =	shalt  }
tec
execute0_lowered:
.L_overlay_start_1:
0x0: {  	(tag) =	ssettag $0x1  }
0x1: {  	s0 =	rddreg [dreg:$0x0]  }
0x2: {  	s1 =	rddreg [dreg:$0x1]  }
0x3: {  	s6 =	rddreg [dreg:$0x2]  }
0x4: {  	s2 =	rddreg [dreg:$0x3];
	s7 =	simm.s32 $0x0  }
0x5: {  	s25 =	srdreg.scid;
	[smem:$0x7FF] =	sst s7  }
0x6: {  	s5 =	stileid.u32;
	s3 =	sadd.s32 $0xF42400, s6;
	s4 =	sadd.s32 $0x1312E00, s6  }
0x7: {  	_ =	strace $0x80000047;
	[smem:$0x7F7] =	sst s3;
	s3 =	sand.u32 $0x1, s25  }
0x8: {  	s5 =	sshll.u32 s5, $0x7;
	s26 =	ssub.s32 $0x2, s3;
	s3 =	sshll.u32 s3, $0x6  }
0x9: {  	s6 =	sadd.s32 $0x1EA00, s6;
	[smem:$0x7F8] =	sst s4;
	s3 =	sor.u32 s3, s5  }
0xa: {  	[smem:$0x7F9] =	sst s6;
	s0 =	sadd.s32 s0, s3  }
0xb: {  	s28 =	sshrl.u32 s26, $0x1;
	s29 =	sadd.s32 s1, s3;
	[smem:$0x7FA] =	sst s0  }
0xc: {  	s4 =	ssub.s32 s26, s28;
	s30 =	sadd.s32 s2, s3;
	[smem:$0x7FB] =	sst s29  }
0xd: {  	s5 =	simm.s32 $0x11000;
	[smem:$0x7FC] =	sst s30;
	s31 =	smax.u32 s4, $0x1  }
0xe: {  	vm0 =	vcmask $0x3F3C;
	s1 =	simm.s32 $0x4;
	s2 =	simm.s32 $0x0;
	[smem:$0x7FD] =	sst s31  }
.LBB2_1:
0xf: {  	s0 =	sld [smem:$0x7FA];
	_ =	sdelay $0x1  }
0x10: {  	[smem:$0x7F6] =	sst s2  }
0x11: {  	[tilespmem:s7], [sflag:$0x4] =	stream.linear.gather [hbm4b:s0+s7], $0x200, $0x38;
	[tilespmem:$0x11200] =	vst v63  }
0x12: {  	_ =	swait.ge [sflag:s1], $0x200  }
0x13: {  	s25 =	sld [smem:$0x7FB]  }
0x14: {  	[sflag:s1] =	ssyncset.done $0x0  }
0x15: {  	s26 =	simm.s32 $0x200;
	[sflag:s1] =	ssyncadd.s32 $0xFFFFFE00  }
0x16: {  	[tilespmem:s26], [sflag:$0x4] =	stream.linear.gather [hbm4b:s25+s7], $0x200, $0x38;
	[tilespmem:$0x11200] =	vst v63  }
0x17: {  	_ =	swait.ge [sflag:s1], $0x200  }
0x18: {  	[sflag:s1] =	ssyncset.done $0x0  }
0x19: {  	s30 =	sld [smem:$0x7F9];
	[sflag:s1] =	ssyncadd.s32 $0xFFFFFE00  }
0x1a: {  	s29 =	simm.s32 $0x10C00;
	s28 =	rddreg [dreg:$0x2]  }
0x1b: {  	[tilespmem:s29], [sflag:$0x3] =	stream.indirect.gather [hbm4b:s28+s26], $0x1, s7, s26, $0xb8;
	[tilespmem:$0x11200] =	vst v63  }
0x1c: {  	s31 =	simm.s32 $0x10E00;
	s0 =	simm.s32 $0x0  }
0x1d: {  	[tilespmem:s31], [sflag:$0x3] =	stream.indirect.gather [hbm4b:s30+s26], $0x1, s26, s26, $0xb8;
	[tilespmem:$0x11200] =	vst v63  }
0x1e: {  	v1 =	vld [tilespmem:s0+$0x200]  }
0x1f: {  	v0 =	vld [tilespmem:s0+$0x0];
	_ =	sdelay $0x1  }
0x20: {  	s1 =	simm.s32 $0x40  }
.LBB2_2:
0x21: {  	p0 =	sne.s32 s1, $0x7C0  }
.Ltmp0:
0x22: {  	s2 =	sshra.s32 s1, $0x2;
	s1 =	sadd.s32 $0x40, s1;
	v2 =	vshra.s32 v1, $0x2;
	v3 =	vshll.u32 v1, $0x5;
	(pc) =	sbr.rel @p0 .LBB2_2-.Ltmp0, $4  }
0x23: {  	v1 =	vld [tilespmem:s2+$0x200];
	v4 =	vshra.s32 v0, $0x2;
	[tilespmem:s0+$0x600] =	vst v2;
	v2 =	vshll.u32 v0, $0x5;
	v3 =	vand.u32 $0x60, v3  }
0x24: {  	v0 =	vld [tilespmem:s2+$0x0];
	v2 =	vand.u32 $0x60, v2;
	[tilespmem:s0+$0xA00] =	vst v3  }
0x25: {  	[tilespmem:s0+$0x800] =	vst v2  }
0x26: {  	[tilespmem:s0+$0x400] =	vst v4;
	s0 =	smov.u32 s2  }
0x27: {  	_ = 	snop  }
0x28: {  	v2 =	vshra.s32 v1, $0x2;
	v1 =	vshll.u32 v1, $0x5  }
0x29: {  	[tilespmem:s0+$0x600] =	vst v2;
	v1 =	vand.u32 $0x60, v1  }
0x2a: {  	v2 =	vshll.u32 v0, $0x5;
	v0 =	vshra.s32 v0, $0x2;
	[tilespmem:s0+$0xA00] =	vst v1  }
0x2b: {  	v2 =	vand.u32 $0x60, v2;
	[tilespmem:s0+$0x400] =	vst v0  }
0x2c: {  	[tilespmem:s0+$0x800] =	vst v2  }
0x2d: {  	s0 =	sld [smem:$0x7F7]  }
0x2e: {  	s1 =	simm.s32 $0x100  }
0x2f: {  	s2 =	simm.s32 $0x400;
	s3 =	simm.s32 $0xC00;
	s24 =	sld [smem:$0x7F8]  }
0x30: {  	[tilespmem:s3], [sflag:$0x1] =	stream.indirect.gather [hbm4b:s0+s1], $0x80, s2, s1, $0xb8;
	[tilespmem:$0x11200] =	vst v63  }
0x31: {  	s25 =	simm.s32 $0x600;
	s26 =	simm.s32 $0x8C00;
	s2 =	simm.s32 $0x1  }
0x32: {  	[tilespmem:s26], [sflag:$0x2] =	stream.indirect.gather [hbm4b:s24+s1], $0x80, s25, s1, $0xb8;
	[tilespmem:$0x11200] =	vst v63  }
0x33: {  	_ =	swait.ge [sflag:s2], $0x8000  }
0x34: {  	[sflag:s2] =	ssyncset.done $0x0  }
0x35: {  	s3 =	simm.s32 $0x2;
	[sflag:s2] =	ssyncadd.s32 $0xFFFF8000  }
0x36: {  	_ =	swait.ge [sflag:s3], $0x8000  }
0x37: {  	[sflag:s3] =	ssyncset.done $0x0  }
0x38: {  	s4 =	simm.s32 $0x800;
	[sflag:s3] =	ssyncadd.s32 $0xFFFF8000  }
0x39: {  	v0 =	vld [tilespmem:s4+$0x0]  }
0x3a: {  	s6 =	simm.s32 $0xA00  }
0x3b: {  	v1 =	vld [tilespmem:s6+$0x0];
	_ =	sdelay $0x2  }
0x3c: {  	v0 =	vshll.u32 v0, $0x2  }
0x3d: {  	v0 =	vshra.s32 v0, $0x2  }
0x3e: {  	v1 =	vshll.u32 v1, $0x2;
	(v2sf) =	vpush v0, $0x0  }
0x3f: {  	v1 =	vshra.s32 v1, $0x2  }
0x40: {  	(v2sf) =	vpush v1, $0x0;
	_ =	sdelay $0xc  }
0x41: {  	s7 =	spop (v2sf)  }
0x42: {  	s0 =	sand.u32 $0xFFFFFFE0, s7  }
0x43: {  	s8 =	spop (v2sf);
	s0 =	sadd.s32 $0x0, s0  }
0x44: {  	s1 =	sand.u32 $0xFFFFFFE0, s8;
	v2 =	vld [tilespmem:s0+$0xC00]  }
0x45: {  	s1 =	sadd.s32 $0x0, s1;
	v5 =	vld [tilespmem:s0+$0xC10]  }
0x46: {  	v3 =	vld [tilespmem:s1+$0x8C00]  }
0x47: {  	v4 =	vld [tilespmem:s1+$0x8C10];
	_ =	sdelay $0x2  }
0x48: {  	(v2sf) =	vpush v1, $0x1;
	_ =	sdelay $0x1  }
0x49: {  	(v2sf) =	vpush v0, $0x1;
	v2 =	vmul.f32 v3, v2;
	v3 =	vmul.f32 v4, v5;
	_ =	sdelay $0x1  }
0x4a: {  	v2 =	vadd.f32 v3, v2;
	_ =	sdelay $0x1  }
0x4b: {  	(xrf2) =	vadd.scan.msk.f32 $0xffff, v2;
	_ =	sdelay $0x5  }
0x4c: {  	v4 =	vimm.s32 $0x0;
	_ =	sdelay $0x2  }
0x4d: {  	(v2sf) =	vpush v0, $0x2;
	s9 =	spop (v2sf)  }
0x4e: {  	(v2sf) =	vpush v1, $0x2;
	s0 =	sand.u32 $0xFFFFFFE0, s9;
	v2, _, _ =	vpop (xrf2)  }
0x4f: {  	(v2sf) =	vpush v0, $0x3;
	s10 =	spop (v2sf);
	s0 =	sadd.s32 $0x0, s0;
	[tilespmem:v4+s5+$0x0] =	vst.idx.msk vm0, v2  }
0x50: {  	(v2sf) =	vpush v1, $0x3;
	s1 =	sand.u32 $0xFFFFFFE0, s10;
	v2 =	vld [tilespmem:s0+$0x8C80]  }
0x51: {  	(v2sf) =	vpush v0, $0x4;
	s1 =	sadd.s32 $0x0, s1;
	v3 =	vld [tilespmem:s0+$0x8C90]  }
0x52: {  	(v2sf) =	vpush v1, $0x4;
	v5 =	vld [tilespmem:s1+$0xC90]  }
0x53: {  	(v2sf) =	vpush v0, $0x5;
	v6 =	vld [tilespmem:s1+$0xC80]  }
0x54: {  	(v2sf) =	vpush v1, $0x5  }
0x55: {  	(v2sf) =	vpush v1, $0x6  }
0x56: {  	(v2sf) =	vpush v0, $0x6  }
0x57: {  	(v2sf) =	vpush v0, $0x7  }
0x58: {  	(v2sf) =	vpush v1, $0x7;
	v3 =	vmul.f32 v3, v5;
	v2 =	vmul.f32 v2, v6  }
0x59: {  	(v2sf) =	vpush v0, $0x8  }
0x5a: {  	(v2sf) =	vpush v1, $0x8;
	v2 =	vadd.f32 v3, v2  }
0x5b: {  	(v2sf) =	vpush v0, $0x9  }
0x5c: {  	s11 =	spop (v2sf);
	(v2sf) =	vpush v1, $0x9;
	(xrf2) =	vadd.scan.msk.f32 $0xffff, v2  }
0x5d: {  	s12 =	spop (v2sf);
	(v2sf) =	vpush v0, $0xA  }
0x5e: {  	s7 =	spop (v2sf);
	(v2sf) =	vpush v1, $0xA  }
0x5f: {  	(v2sf) =	vpush v0, $0xB;
	s0 =	spop (v2sf)  }
0x60: {  	s4 =	spop (v2sf);
	(v2sf) =	vpush v1, $0xB  }
0x61: {  	s14 =	simm.s32 $0x810;
	s2 =	spop (v2sf);
	(v2sf) =	vpush v0, $0xC  }
0x62: {  	s6 =	simm.s32 $0xA10;
	s9 =	spop (v2sf);
	(v2sf) =	vpush v1, $0xC;
	v3 =	vor.u32 $0x1, v4;
	v2 =	vld [tilespmem:s14+$0x0]  }
0x63: {  	s8 =	spop (v2sf);
	(v2sf) =	vpush v1, $0xD;
	v5 =	vld [tilespmem:s6+$0x0]  }
0x64: {  	s17 =	spop (v2sf);
	(v2sf) =	vpush v0, $0xD  }
0x65: {  	s5 =	spop (v2sf);
	(v2sf) =	vpush v0, $0xE  }
0x66: {  	s15 =	simm.s32 $0x11000;
	s1 =	sand.u32 $0xFFFFFFE0, s11;
	(v2sf) =	vpush v1, $0xE;
	v6, _, _ =	vpop (xrf2)  }
0x67: {  	s16 =	sadd.s32 $0x0, s1;
	s13 =	spop (v2sf);
	(v2sf) =	vpush v0, $0xF;
	v0 =	vshll.u32 v2, $0x2;
	[tilespmem:v3+s15+$0x0] =	vst.idx.msk vm0, v6  }
0x68: {  	s3 =	sand.u32 $0xFFFFFFE0, s12;
	s10 =	spop (v2sf);
	(v2sf) =	vpush v1, $0xF;
	v1 =	vshra.s32 v0, $0x2;
	v0 =	vshll.u32 v5, $0x2;
	v3 =	vld [tilespmem:s16+$0xD00]  }
0x69: {  	s11 =	sadd.s32 $0x0, s3;
	s19 =	spop (v2sf);
	v2 =	vshra.s32 v0, $0x2;
	v0 =	vld [tilespmem:s16+$0xD10]  }
0x6a: {  	s23 =	spop (v2sf);
	(v2sf) =	vpush v1, $0x0;
	v5 =	vld [tilespmem:s11+$0x8D10]  }
0x6b: {  	s24 =	spop (v2sf);
	v6 =	vld [tilespmem:s11+$0x8D00]  }
0x6c: {  	s6 =	spop (v2sf);
	(v2sf) =	vpush v2, $0x0  }
0x6d: {  	s18 =	spop (v2sf)  }
0x6e: {  	s20 =	spop (v2sf)  }
0x6f: {  	s21 =	spop (v2sf)  }
0x70: {  	s22 =	spop (v2sf);
	[smem:$0x772] =	sst s18;
	v0 =	vmul.f32 v5, v0;
	v3 =	vmul.f32 v6, v3  }
0x71: {  	s25 =	spop (v2sf);
	[smem:$0x773] =	sst s20  }
0x72: {  	s26 =	spop (v2sf);
	[smem:$0x775] =	sst s21;
	v0 =	vadd.f32 v0, v3  }
0x73: {  	s3 =	spop (v2sf);
	[smem:$0x776] =	sst s22  }
0x74: {  	[smem:$0x779] =	sst s25;
	s11 =	spop (v2sf);
	(xrf2) =	vadd.scan.msk.f32 $0xffff, v0  }
0x75: {  	[smem:$0x77A] =	sst s26;
	s12 =	spop (v2sf)  }
0x76: {  	[smem:$0x77E] =	sst s3;
	s14 =	spop (v2sf)  }
0x77: {  	[smem:$0x77F] =	sst s11;
	s16 =	spop (v2sf)  }
0x78: {  	[smem:$0x781] =	sst s12;
	s18 =	spop (v2sf)  }
0x79: {  	[smem:$0x782] =	sst s14;
	s20 =	spop (v2sf)  }
0x7a: {  	[smem:$0x783] =	sst s16;
	v0 =	vor.u32 $0x2, v4;
	s11 =	sand.u32 $0xFFFFFFE0, s20  }
0x7b: {  	[smem:$0x784] =	sst s18;
	s12 =	spop (v2sf);
	s11 =	sadd.s32 $0x800, s11  }
0x7c: {  	s12 =	sand.u32 $0xFFFFFFE0, s12;
	v7 =	vld [tilespmem:s11+$0xC00]  }
0x7d: {  	s12 =	sadd.s32 $0x800, s12;
	v8 =	vld [tilespmem:s11+$0xC10]  }
0x7e: {  	s7 =	sand.u32 $0xFFFFFFE0, s7;
	v3 =	vld [tilespmem:s12+$0x8C00];
	v6, _, _ =	vpop (xrf2)  }
0x7f: {  	s7 =	sadd.s32 $0x0, s7;
	v5 =	vld [tilespmem:s12+$0x8C10];
	[tilespmem:v0+s15+$0x0] =	vst.idx.msk vm0, v6  }
0x80: {  	s0 =	sand.u32 $0xFFFFFFE0, s0;
	v0 =	vld [tilespmem:s7+$0xD80]  }
0x81: {  	s0 =	sadd.s32 $0x0, s0;
	v6 =	vld [tilespmem:s7+$0xD90]  }
0x82: {  	(v2sf) =	vpush v2, $0x1;
	v9 =	vld [tilespmem:s0+$0x8D80]  }
0x83: {  	v10 =	vld [tilespmem:s0+$0x8D90]  }
0x84: {  	(v2sf) =	vpush v1, $0x1;
	v3 =	vmul.f32 v3, v7;
	v5 =	vmul.f32 v5, v8;
	_ =	sdelay $0x1  }
0x85: {  	v3 =	vadd.f32 v5, v3;
	_ =	sdelay $0x1  }
0x86: {  	(xrf2) =	vadd.scan.msk.f32 $0xffff, v3;
	v0 =	vmul.f32 v9, v0;
	v3 =	vmul.f32 v10, v6;
	_ =	sdelay $0x1  }
0x87: {  	v0 =	vadd.f32 v3, v0;
	_ =	sdelay $0x1  }
0x88: {  	(xrf2) =	vadd.scan.msk.f32 $0xffff, v0  }
0x89: {  	(v2sf) =	vpush v1, $0x2  }
0x8a: {  	(v2sf) =	vpush v2, $0x2;
	v0 =	vadd.s32 $0x10, v4  }
0x8b: {  	(v2sf) =	vpush v1, $0x3  }
0x8c: {  	(v2sf) =	vpush v2, $0x3  }
0x8d: {  	(v2sf) =	vpush v1, $0x4;
	s21 =	spop (v2sf)  }
0x8e: {  	(v2sf) =	vpush v2, $0x4;
	s0 =	sand.u32 $0xFFFFFFE0, s21;
	v5 =	vor.u32 $0x3, v4;
	v3, _, _ =	vpop (xrf2)  }
0x8f: {  	(v2sf) =	vpush v1, $0x5;
	s22 =	spop (v2sf);
	s0 =	sadd.s32 $0x800, s0;
	[tilespmem:v0+s15+$0x0] =	vst.idx.msk vm0, v3  }
0x90: {  	(v2sf) =	vpush v2, $0x5;
	s7 =	sand.u32 $0xFFFFFFE0, s22;
	v3 =	vld [tilespmem:s0+$0x8C80]  }
0x91: {  	(v2sf) =	vpush v2, $0x6;
	s7 =	sadd.s32 $0x800, s7;
	v6 =	vld [tilespmem:s0+$0x8C90]  }
0x92: {  	(v2sf) =	vpush v1, $0x6;
	v8 =	vld [tilespmem:s7+$0xC90];
	v7, _, _ =	vpop (xrf2)  }
0x93: {  	s25 =	sand.u32 $0xFFFFFFE0, s4;
	(v2sf) =	vpush v1, $0x7;
	[tilespmem:v5+s15+$0x0] =	vst.idx.msk vm0, v7;
	v5 =	vld [tilespmem:s7+$0xC80]  }
0x94: {  	(v2sf) =	vpush v2, $0x7;
	s0 =	sadd.s32 $0x0, s25  }
0x95: {  	s2 =	sand.u32 $0xFFFFFFE0, s2;
	(v2sf) =	vpush v1, $0x8;
	v7 =	vld [tilespmem:s0+$0xE00]  }
0x96: {  	s26 =	sadd.s32 $0x0, s2;
	(v2sf) =	vpush v2, $0x8;
	v9 =	vld [tilespmem:s0+$0xE10]  }
0x97: {  	v10 =	vld [tilespmem:s26+$0x8E00]  }
0x98: {  	s1 =	spop (v2sf);
	(v2sf) =	vpush v1, $0x9;
	v6 =	vmul.f32 v6, v8;
	v11 =	vld [tilespmem:s26+$0x8E10];
	v3 =	vmul.f32 v3, v5  }
0x99: {  	s18 =	spop (v2sf);
	(v2sf) =	vpush v2, $0x9  }
0x9a: {  	s11 =	spop (v2sf);
	(v2sf) =	vpush v1, $0xA;
	v3 =	vadd.f32 v6, v3  }
0x9b: {  	s12 =	spop (v2sf);
	(v2sf) =	vpush v2, $0xA  }
0x9c: {  	s26 =	spop (v2sf);
	(xrf2) =	vadd.scan.msk.f32 $0xffff, v3  }
0x9d: {  	(v2sf) =	vpush v1, $0xB;
	s31 =	spop (v2sf);
	v5 =	vmul.f32 v11, v9;
	v3 =	vmul.f32 v10, v7  }
0x9e: {  	(v2sf) =	vpush v2, $0xB;
	s25 =	spop (v2sf)  }
0x9f: {  	s16 =	simm.s32 $0x820;
	(v2sf) =	vpush v1, $0xC;
	s22 =	spop (v2sf);
	v3 =	vadd.f32 v5, v3  }
0xa0: {  	(v2sf) =	vpush v2, $0xC;
	v5 =	vld [tilespmem:s16+$0x0];
	s16 =	spop (v2sf)  }
0xa1: {  	s20 =	simm.s32 $0xA20;
	(v2sf) =	vpush v2, $0xD;
	s14 =	spop (v2sf);
	(xrf2) =	vadd.scan.msk.f32 $0xffff, v3  }
0xa2: {  	(v2sf) =	vpush v1, $0xD;
	v6 =	vld [tilespmem:s20+$0x0];
	v3 =	vor.u32 $0x1, v0;
	s4 =	spop (v2sf)  }
0xa3: {  	(v2sf) =	vpush v1, $0xE;
	s3 =	spop (v2sf)  }
0xa4: {  	(v2sf) =	vpush v2, $0xE;
	s7 =	spop (v2sf)  }
0xa5: {  	(v2sf) =	vpush v1, $0xF;
	s21 =	spop (v2sf)  }
0xa6: {  	(v2sf) =	vpush v2, $0xF;
	v1 =	vshll.u32 v5, $0x2;
	[smem:$0x774] =	sst s21;
	v5, _, _ =	vpop (xrf2)  }
0xa7: {  	s0 =	sand.u32 $0xFFFFFFE0, s1;
	v2 =	vshll.u32 v6, $0x2;
	v6 =	vor.u32 $0x4, v4;
	v1 =	vshra.s32 v1, $0x2;
	s2 =	spop (v2sf);
	[tilespmem:v3+s15+$0x0] =	vst.idx.msk vm0, v5  }
0xa8: {  	s0 =	sadd.s32 $0x800, s0;
	v2 =	vshra.s32 v2, $0x2;
	(v2sf) =	vpush v1, $0x0;
	s20 =	spop (v2sf);
	[smem:$0x778] =	sst s2  }
0xa9: {  	s18 =	sand.u32 $0xFFFFFFE0, s18;
	(v2sf) =	vpush v2, $0x0;
	s2 =	spop (v2sf);
	v3 =	vld [tilespmem:s0+$0xD00];
	[smem:$0x777] =	sst s20  }
0xaa: {  	s21 =	sadd.s32 $0x800, s18;
	(v2sf) =	vpush v2, $0x1;
	s18 =	spop (v2sf);
	v5 =	vld [tilespmem:s0+$0xD10];
	[smem:$0x77D] =	sst s2  }
0xab: {  	(v2sf) =	vpush v1, $0x1;
	v8, _, _ =	vpop (xrf2);
	v7 =	vld [tilespmem:s21+$0x8D10];
	[smem:$0x780] =	sst s18  }
0xac: {  	s9 =	sand.u32 $0xFFFFFFE0, s9;
	(v2sf) =	vpush v1, $0x2;
	v9 =	vld [tilespmem:s21+$0x8D00];
	[tilespmem:v6+s15+$0x0] =	vst.idx.msk vm0, v8;
	s21 =	spop (v2sf)  }
0xad: {  	s20 =	sadd.s32 $0x0, s9;
	(v2sf) =	vpush v2, $0x2;
	[smem:$0x785] =	sst s21;
	s2 =	spop (v2sf)  }
0xae: {  	s8 =	sand.u32 $0xFFFFFFE0, s8;
	(v2sf) =	vpush v1, $0x3;
	v6 =	vld [tilespmem:s20+$0xE80];
	[smem:$0x786] =	sst s2;
	s18 =	spop (v2sf)  }
0xaf: {  	s9 =	sadd.s32 $0x0, s8;
	(v2sf) =	vpush v2, $0x3;
	v8 =	vld [tilespmem:s20+$0xE90];
	[smem:$0x787] =	sst s18;
	s20 =	spop (v2sf)  }
0xb0: {  	(v2sf) =	vpush v1, $0x4;
	v10 =	vld [tilespmem:s9+$0x8E80];
	[smem:$0x788] =	sst s20  }
0xb1: {  	(v2sf) =	vpush v2, $0x4;
	s21 =	spop (v2sf);
	v11 =	vld [tilespmem:s9+$0x8E90]  }
0xb2: {  	v5 =	vmul.f32 v7, v5;
	(v2sf) =	vpush v1, $0x5;
	v3 =	vmul.f32 v9, v3;
	s1 =	spop (v2sf)  }
0xb3: {  	(v2sf) =	vpush v2, $0x5;
	s2 =	spop (v2sf)  }
0xb4: {  	(v2sf) =	vpush v2, $0x6;
	v3 =	vadd.f32 v5, v3;
	s8 =	spop (v2sf)  }
0xb5: {  	(v2sf) =	vpush v1, $0x6;
	s9 =	spop (v2sf)  }
0xb6: {  	(v2sf) =	vpush v1, $0x7;
	v5 =	vmul.f32 v10, v6;
	(xrf2) =	vadd.scan.msk.f32 $0xffff, v3;
	s18 =	spop (v2sf);
	v3 =	vmul.f32 v11, v8  }
0xb7: {  	[smem:$0x789] =	sst s21;
	(v2sf) =	vpush v2, $0x7;
	s20 =	spop (v2sf)  }
0xb8: {  	[smem:$0x78C] =	sst s1;
	(v2sf) =	vpush v1, $0x8;
	s21 =	spop (v2sf);
	v3 =	vadd.f32 v3, v5  }
0xb9: {  	[smem:$0x78E] =	sst s2;
	(v2sf) =	vpush v2, $0x8;
	s2 =	spop (v2sf)  }
0xba: {  	[smem:$0x790] =	sst s8;
	s29 =	spop (v2sf);
	(xrf2) =	vadd.scan.msk.f32 $0xffff, v3  }
0xbb: {  	[smem:$0x792] =	sst s9;
	s28 =	spop (v2sf)  }
0xbc: {  	s0 =	sand.u32 $0xFFFFFFE0, s20;
	s9 =	sand.u32 $0xFFFFFFE0, s21;
	v3 =	vor.u32 $0x2, v0;
	s21 =	spop (v2sf)  }
0xbd: {  	[smem:$0x793] =	sst s18;
	(v2sf) =	vpush v1, $0x9;
	s1 =	sadd.s32 $0x1000, s0;
	s30 =	spop (v2sf)  }
0xbe: {  	v9 =	vld [tilespmem:s1+$0xC00];
	s8 =	spop (v2sf)  }
0xbf: {  	s9 =	sadd.s32 $0x1000, s9;
	v10 =	vld [tilespmem:s1+$0xC10];
	s20 =	spop (v2sf)  }
0xc0: {  	s11 =	sand.u32 $0xFFFFFFE0, s11;
	v8 =	vor.u32 $0x5, v4;
	(v2sf) =	vpush v2, $0x9;
	v5 =	vld [tilespmem:s9+$0x8C00];
	v7, _, _ =	vpop (xrf2);
	s18 =	spop (v2sf)  }
0xc1: {  	s0 =	sadd.s32 $0x800, s11;
	v6 =	vld [tilespmem:s9+$0x8C10];
	[tilespmem:v3+s15+$0x0] =	vst.idx.msk vm0, v7;
	s11 =	spop (v2sf)  }
0xc2: {  	s1 =	sand.u32 $0xFFFFFFE0, s12;
	v3 =	vld [tilespmem:s0+$0xD80];
	s12 =	spop (v2sf)  }
0xc3: {  	(v2sf) =	vpush v1, $0xA;
	v7 =	vld [tilespmem:s0+$0xD90];
	s0 =	sadd.s32 $0x800, s1;
	s9 =	spop (v2sf)  }
0xc4: {  	(v2sf) =	vpush v2, $0xA;
	s1 =	sand.u32 $0xFFFFFFE0, s17;
	v12 =	vld [tilespmem:s0+$0x8D80];
	s17 =	spop (v2sf);
	v11, _, _ =	vpop (xrf2)  }
0xc5: {  	(v2sf) =	vpush v1, $0xB;
	v13 =	vld [tilespmem:s0+$0x8D90];
	s0 =	sadd.s32 $0x0, s1;
	s1 =	spop (v2sf);
	[tilespmem:v8+s15+$0x0] =	vst.idx.msk vm0, v11  }
0xc6: {  	(v2sf) =	vpush v2, $0xB;
	[smem:$0x77B] =	sst s1;
	s1 =	sand.u32 $0xFFFFFFE0, s5;
	s5 =	spop (v2sf)  }
0xc7: {  	v5 =	vmul.f32 v5, v9;
	v6 =	vmul.f32 v6, v10;
	(v2sf) =	vpush v1, $0xC;
	v8 =	vld [tilespmem:s0+$0x8F00];
	[smem:$0x77C] =	sst s5;
	s5 =	spop (v2sf)  }
0xc8: {  	(v2sf) =	vpush v2, $0xC;
	v9 =	vld [tilespmem:s0+$0x8F10];
	s0 =	sadd.s32 $0x0, s1;
	[smem:$0x796] =	sst s5;
	s5 =	spop (v2sf)  }
0xc9: {  	v5 =	vadd.f32 v6, v5;
	(v2sf) =	vpush v2, $0xD;
	v6 =	vld [tilespmem:s0+$0xF10];
	[smem:$0x797] =	sst s5  }
0xca: {  	(v2sf) =	vpush v1, $0xD;
	v10 =	vld [tilespmem:s0+$0xF00]  }
0xcb: {  	(xrf2) =	vadd.scan.msk.f32 $0xffff, v5;
	v3 =	vmul.f32 v12, v3;
	v5 =	vmul.f32 v13, v7;
	(v2sf) =	vpush v1, $0xE  }
0xcc: {  	s1 =	spop (v2sf);
	(v2sf) =	vpush v2, $0xE  }
0xcd: {  	(v2sf) =	vpush v1, $0xF;
	v1 =	vadd.f32 v5, v3;
	_ =	sdelay $0x1  }
0xce: {  	s5 =	spop (v2sf);
	(v2sf) =	vpush v2, $0xF;
	(xrf2) =	vadd.scan.msk.f32 $0xffff, v1;
	v2 =	vmul.f32 v9, v6;
	v3 =	vmul.f32 v8, v10;
	_ =	sdelay $0x1  }
0xcf: {  	[smem:$0x798] =	sst s1;
	v1 =	vadd.s32 $0x10, v0;
	v2 =	vadd.f32 v2, v3  }
0xd0: {  	[smem:$0x799] =	sst s5;
	s1 =	spop (v2sf)  }
0xd1: {  	[smem:$0x79A] =	sst s1;
	s5 =	spop (v2sf);
	(xrf2) =	vadd.scan.msk.f32 $0xffff, v2  }
0xd2: {  	[smem:$0x79B] =	sst s5;
	s1 =	spop (v2sf)  }
0xd3: {  	s2 =	sand.u32 $0xFFFFFFE0, s2;
	[smem:$0x79D] =	sst s1;
	v3 =	vor.u32 $0x3, v0;
	v2, _, _ =	vpop (xrf2)  }
0xd4: {  	s0 =	sadd.s32 $0x1000, s2;
	[tilespmem:v1+s15+$0x0] =	vst.idx.msk vm0, v2  }
0xd5: {  	s5 =	sand.u32 $0xFFFFFFE0, s29;
	v2 =	vld [tilespmem:s0+$0x8C80]  }
0xd6: {  	s1 =	sadd.s32 $0x1000, s5;
	v5 =	vld [tilespmem:s0+$0x8C90]  }
0xd7: {  	s2 =	sand.u32 $0xFFFFFFE0, s26;
	v8 =	vor.u32 $0x6, v4;
	v6, _, _ =	vpop (xrf2);
	v7 =	vld [tilespmem:s1+$0xC90]  }
0xd8: {  	s5 =	sadd.s32 $0x800, s2;
	v9 =	vld [tilespmem:s1+$0xC80];
	[tilespmem:v3+s15+$0x0] =	vst.idx.msk vm0, v6  }
0xd9: {  	s26 =	sand.u32 $0xFFFFFFE0, s31;
	v3 =	vld [tilespmem:s5+$0xE00]  }
0xda: {  	s2 =	sadd.s32 $0x800, s26;
	v6 =	vld [tilespmem:s5+$0xE10]  }
0xdb: {  	s5 =	sand.u32 $0xFFFFFFE0, s13;
	v11 =	vld [tilespmem:s2+$0x8E00];
	v10, _, _ =	vpop (xrf2)  }
0xdc: {  	v12 =	vld [tilespmem:s2+$0x8E10];
	s13 =	sadd.s32 $0x0, s5;
	[tilespmem:v8+s15+$0x0] =	vst.idx.msk vm0, v10  }
0xdd: {  	s26 =	sand.u32 $0xFFFFFFE0, s10;
	v5 =	vmul.f32 v5, v7;
	v2 =	vmul.f32 v2, v9;
	v7 =	vld [tilespmem:s13+$0xF80]  }
0xde: {  	s1 =	sadd.s32 $0x0, s26;
	v8 =	vld [tilespmem:s13+$0xF90]  }
0xdf: {  	v2 =	vadd.f32 v5, v2;
	v5 =	vld [tilespmem:s1+$0x8F80]  }
0xe0: {  	v9 =	vld [tilespmem:s1+$0x8F90]  }
0xe1: {  	(xrf2) =	vadd.scan.msk.f32 $0xffff, v2;
	v2 =	vmul.f32 v11, v3;
	v3 =	vmul.f32 v12, v6;
	_ =	sdelay $0x1  }
0xe2: {  	v2 =	vadd.f32 v3, v2;
	_ =	sdelay $0x1  }
0xe3: {  	v3 =	vmul.f32 v5, v7;
	(xrf2) =	vadd.scan.msk.f32 $0xffff, v2;
	v2 =	vmul.f32 v9, v8;
	_ =	sdelay $0x1  }
0xe4: {  	s2 =	simm.s32 $0x830;
	v6 =	vor.u32 $0x1, v1;
	v2 =	vadd.f32 v2, v3  }
0xe5: {  	s5 =	simm.s32 $0xA30;
	v5 =	vld [tilespmem:s2+$0x0]  }
0xe6: {  	v3 =	vld [tilespmem:s5+$0x0];
	(xrf2) =	vadd.scan.msk.f32 $0xffff, v2;
	_ =	sdelay $0x1  }
0xe7: {  	s10 =	sand.u32 $0xFFFFFFE0, s28;
	v7 =	vor.u32 $0x4, v0;
	v2, _, _ =	vpop (xrf2)  }
0xe8: {  	s0 =	sadd.s32 $0x1000, s10;
	[tilespmem:v6+s15+$0x0] =	vst.idx.msk vm0, v2  }
0xe9: {  	s13 =	sand.u32 $0xFFFFFFE0, s21;
	v5 =	vshll.u32 v5, $0x2;
	v6 =	vld [tilespmem:s0+$0xD00]  }
0xea: {  	s21 =	sadd.s32 $0x1000, s13;
	v5 =	vshra.s32 v5, $0x2;
	v2 =	vshll.u32 v3, $0x2;
	v8 =	vld [tilespmem:s0+$0xD10]  }
0xeb: {  	s26 =	sand.u32 $0xFFFFFFE0, s25;
	v10 =	vor.u32 $0x7, v4;
	(v2sf) =	vpush v5, $0x0;
	v3 =	vshra.s32 v2, $0x2;
	v2 =	vld [tilespmem:s21+$0x8D10];
	v9, _, _ =	vpop (xrf2)  }
0xec: {  	s1 =	sadd.s32 $0x800, s26;
	v11 =	vld [tilespmem:s21+$0x8D00];
	[tilespmem:v7+s15+$0x0] =	vst.idx.msk vm0, v9  }
0xed: {  	s2 =	sand.u32 $0xFFFFFFE0, s22;
	(v2sf) =	vpush v3, $0x0;
	v7 =	vld [tilespmem:s1+$0xE80]  }
0xee: {  	s5 =	sadd.s32 $0x800, s2;
	v9 =	vld [tilespmem:s1+$0xE90]  }
0xef: {  	s10 =	sand.u32 $0xFFFFFFE0, s19;
	s21 =	spop (v2sf);
	v12 =	vld [tilespmem:s5+$0x8E80];
	v13, _, _ =	vpop (xrf2)  }
0xf0: {  	s13 =	sadd.s32 $0x0, s10;
	s22 =	spop (v2sf);
	v14 =	vld [tilespmem:s5+$0x8E90];
	[tilespmem:v10+s15+$0x0] =	vst.idx.msk vm0, v13  }
0xf1: {  	s19 =	sand.u32 $0xFFFFFFE0, s23;
	s25 =	spop (v2sf);
	v2 =	vmul.f32 v2, v8;
	v6 =	vmul.f32 v11, v6;
	v8 =	vld [tilespmem:s13+$0x1000];
	[smem:$0x7A0] =	sst s22  }
0xf2: {  	s23 =	sadd.s32 $0x0, s19;
	s26 =	spop (v2sf);
	v10 =	vld [tilespmem:s13+$0x1010];
	[smem:$0x7A2] =	sst s25  }
0xf3: {  	v2 =	vadd.f32 v2, v6;
	v6 =	vld [tilespmem:s23+$0x9000];
	[smem:$0x7A4] =	sst s26  }
0xf4: {  	v11 =	vld [tilespmem:s23+$0x9010]  }
0xf5: {  	s31 =	spop (v2sf);
	v7 =	vmul.f32 v12, v7;
	(xrf2) =	vadd.scan.msk.f32 $0xffff, v2;
	v2 =	vmul.f32 v14, v9  }
0xf6: {  	s1 =	spop (v2sf)  }
0xf7: {  	s29 =	spop (v2sf);
	v2 =	vadd.f32 v2, v7  }
0xf8: {  	s19 =	spop (v2sf)  }
0xf9: {  	s22 =	spop (v2sf);
	(xrf2) =	vadd.scan.msk.f32 $0xffff, v2;
	v6 =	vmul.f32 v6, v8;
	v2 =	vmul.f32 v11, v10  }
0xfa: {  	s2 =	spop (v2sf)  }
0xfb: {  	v7 =	vor.u32 $0x2, v1;
	s0 =	sand.u32 $0xFFFFFFE0, s2;
	v2 =	vadd.f32 v2, v6  }
0xfc: {  	[smem:$0x7A6] =	sst s1;
	s5 =	spop (v2sf);
	s0 =	sadd.s32 $0x1800, s0  }
0xfd: {  	s1 =	sand.u32 $0xFFFFFFE0, s5;
	v10 =	vld [tilespmem:s0+$0xC00];
	(xrf2) =	vadd.scan.msk.f32 $0xffff, v2  }
0xfe: {  	v11 =	vld [tilespmem:s0+$0xC10];
	s1 =	sadd.s32 $0x1800, s1  }
0xff: {  	s10 =	sand.u32 $0xFFFFFFE0, s30;
	v9 =	vor.u32 $0x5, v0;
	v6 =	vld [tilespmem:s1+$0x8C10];
	v8, _, _ =	vpop (xrf2)  }
0x100: {  	s13 =	sadd.s32 $0x1000, s10;
	v2 =	vld [tilespmem:s1+$0x8C00];
	[tilespmem:v7+s15+$0x0] =	vst.idx.msk vm0, v8  }
0x101: {  	s23 =	sand.u32 $0xFFFFFFE0, s8;
	v7 =	vld [tilespmem:s13+$0xD80]  }
0x102: {  	s25 =	sadd.s32 $0x1000, s23;
	v8 =	vld [tilespmem:s13+$0xD90]  }
0x103: {  	v13 =	vor.u32 $0x8, v4;
	s26 =	sand.u32 $0xFFFFFFE0, s16;
	v14 =	vld [tilespmem:s25+$0x8D80];
	v12, _, _ =	vpop (xrf2)  }
0x104: {  	s1 =	sadd.s32 $0x800, s26;
	v15 =	vld [tilespmem:s25+$0x8D90];
	[tilespmem:v9+s15+$0x0] =	vst.idx.msk vm0, v12  }
0x105: {  	s2 =	sand.u32 $0xFFFFFFE0, s14;
	v6 =	vmul.f32 v6, v11;
	v2 =	vmul.f32 v2, v10;
	v9 =	vld [tilespmem:s1+$0x8F00]  }
0x106: {  	(v2sf) =	vpush v3, $0x1;
	s5 =	sadd.s32 $0x800, s2;
	v10 =	vld [tilespmem:s1+$0x8F10]  }
0x107: {  	s6 =	sand.u32 $0xFFFFFFE0, s6;
	v12 =	vld [tilespmem:s5+$0xF00];
	v2 =	vadd.f32 v6, v2;
	v11, _, _ =	vpop (xrf2)  }
0x108: {  	(v2sf) =	vpush v5, $0x1;
	s8 =	sadd.s32 $0x0, s6;
	v6 =	vld [tilespmem:s5+$0xF10];
	[tilespmem:v13+s15+$0x0] =	vst.idx.msk vm0, v11  }
0x109: {  	s10 =	sand.u32 $0xFFFFFFE0, s24;
	(xrf2) =	vadd.scan.msk.f32 $0xffff, v2;
	v2 =	vmul.f32 v15, v8;
	v8 =	vld [tilespmem:s8+$0x9080]  }
0x10a: {  	s13 =	sadd.s32 $0x0, s10;
	v7 =	vmul.f32 v14, v7;
	v11 =	vld [tilespmem:s8+$0x9090]  }
0x10b: {  	v13 =	vld [tilespmem:s13+$0x1090]  }
0x10c: {  	v2 =	vadd.f32 v2, v7;
	v7 =	vld [tilespmem:s13+$0x1080];
	_ =	sdelay $0x2  }
0x10d: {  	v9 =	vmul.f32 v9, v12;
	v6 =	vmul.f32 v10, v6;
	_ =	sdelay $0x1  }
0x10e: {  	(xrf2) =	vadd.scan.msk.f32 $0xffff, v2;
	v6 =	vadd.f32 v6, v9;
	v9 =	vmul.f32 v11, v13;
	v7 =	vmul.f32 v8, v7  }
0x10f: {  	v2 =	vadd.s32 $0x10, v1  }
0x110: {  	v7 =	vadd.f32 v9, v7  }
0x111: {  	(v2sf) =	vpush v5, $0x2;
	(xrf2) =	vadd.scan.msk.f32 $0xffff, v6  }
0x112: {  	(v2sf) =	vpush v3, $0x2;
	s14 =	spop (v2sf);
	v6, _, _ =	vpop (xrf2);
	(xrf2) =	vadd.scan.msk.f32 $0xffff, v7  }
0x113: {  	(v2sf) =	vpush v5, $0x3;
	s0 =	sand.u32 $0xFFFFFFE0, s14  }
0x114: {  	(v2sf) =	vpush v3, $0x3;
	s16 =	spop (v2sf);
	s0 =	sadd.s32 $0x1800, s0;
	v8 =	vor.u32 $0x3, v1;
	[tilespmem:v2+s15+$0x0] =	vst.idx.msk vm0, v6  }
0x115: {  	(v2sf) =	vpush v5, $0x4;
	s1 =	sand.u32 $0xFFFFFFE0, s16;
	v6 =	vld [tilespmem:s0+$0x8C80]  }
0x116: {  	(v2sf) =	vpush v3, $0x4;
	s23 =	sadd.s32 $0x1800, s1;
	v7 =	vld [tilespmem:s0+$0x8C90]  }
0x117: {  	(v2sf) =	vpush v5, $0x5;
	v11 =	vor.u32 $0x6, v0;
	v12 =	vld [tilespmem:s23+$0xC80]  }
0x118: {  	s24 =	sand.u32 $0xFFFFFFE0, s20;
	(v2sf) =	vpush v3, $0x5;
	v13 =	vor.u32 $0x9, v4;
	v10 =	vld [tilespmem:s23+$0xC90];
	v9, _, _ =	vpop (xrf2)  }
0x119: {  	(v2sf) =	vpush v3, $0x6;
	s25 =	sadd.s32 $0x1000, s24;
	[tilespmem:v8+s15+$0x0] =	vst.idx.msk vm0, v9  }
0x11a: {  	(v2sf) =	vpush v5, $0x6;
	s26 =	sand.u32 $0xFFFFFFE0, s18;
	v8 =	vld [tilespmem:s25+$0xE00]  }
0x11b: {  	(v2sf) =	vpush v5, $0x7;
	s2 =	sadd.s32 $0x1000, s26;
	v9 =	vld [tilespmem:s25+$0xE10];
	v14, _, _ =	vpop (xrf2)  }
0x11c: {  	v15 =	vld [tilespmem:s2+$0x8E00];
	[tilespmem:v11+s15+$0x0] =	vst.idx.msk vm0, v14;
	v6 =	vmul.f32 v6, v12;
	v12, _, _ =	vpop (xrf2)  }
0x11d: {  	(v2sf) =	vpush v3, $0x7;
	s5 =	sand.u32 $0xFFFFFFE0, s4;
	v16 =	vld [tilespmem:s2+$0x8E10];
	v7 =	vmul.f32 v7, v10;
	s13 =	sld [smem:$0x772];
	[tilespmem:v13+s15+$0x0] =	vst.idx.msk vm0, v12  }
0x11e: {  	(v2sf) =	vpush v5, $0x8;
	s6 =	sadd.s32 $0x800, s5;
	s16 =	sld [smem:$0x773]  }
0x11f: {  	(v2sf) =	vpush v3, $0x8;
	s8 =	sand.u32 $0xFFFFFFE0, s3;
	v10 =	vld [tilespmem:s6+$0xF80];
	v6 =	vadd.f32 v7, v6  }
0x120: {  	(v2sf) =	vpush v5, $0x9;
	s18 =	spop (v2sf);
	s10 =	sadd.s32 $0x800, s8;
	v11 =	vld [tilespmem:s6+$0xF90];
	s1 =	sand.u32 $0xFFFFFFE0, s13  }
0x121: {  	(v2sf) =	vpush v3, $0x9;
	s23 =	spop (v2sf);
	v14 =	vld [tilespmem:s10+$0x8F90];
	(xrf2) =	vadd.scan.msk.f32 $0xffff, v6;
	s14 =	sadd.s32 $0x0, s1;
	s1 =	sand.u32 $0xFFFFFFE0, s16  }
0x122: {  	(v2sf) =	vpush v5, $0xA;
	v7 =	vld [tilespmem:s10+$0x8F80];
	v6 =	vmul.f32 v15, v8;
	v8 =	vmul.f32 v16, v9;
	s20 =	sadd.s32 $0x0, s1;
	s1 =	spop (v2sf)  }
0x123: {  	(v2sf) =	vpush v3, $0xA;
	v9 =	vld [tilespmem:s14+$0x1100];
	s3 =	spop (v2sf)  }
0x124: {  	(v2sf) =	vpush v5, $0xB;
	v12 =	vld [tilespmem:s14+$0x1110];
	v6 =	vadd.f32 v8, v6;
	s2 =	spop (v2sf)  }
0x125: {  	(v2sf) =	vpush v3, $0xB;
	v8 =	vld [tilespmem:s20+$0x9100];
	s0 =	spop (v2sf)  }
0x126: {  	(v2sf) =	vpush v5, $0xC;
	(xrf2) =	vadd.scan.msk.f32 $0xffff, v6;
	v13 =	vld [tilespmem:s20+$0x9110];
	s5 =	spop (v2sf)  }
0x127: {  	s24 =	simm.s32 $0x840;
	v7 =	vmul.f32 v7, v10;
	v6 =	vmul.f32 v14, v11;
	v11 =	vor.u32 $0x1, v2;
	s13 =	spop (v2sf)  }
0x128: {  	s25 =	simm.s32 $0xA40;
	v10 =	vld [tilespmem:s24+$0x0];
	(v2sf) =	vpush v3, $0xC;
	s26 =	spop (v2sf)  }
0x129: {  	v6 =	vadd.f32 v6, v7;
	v7 =	vld [tilespmem:s25+$0x0];
	(v2sf) =	vpush v3, $0xD;
	[smem:$0x7A7] =	sst s26;
	s10 =	spop (v2sf)  }
0x12a: {  	(v2sf) =	vpush v5, $0xD;
	[smem:$0x7A8] =	sst s10;
	s14 =	spop (v2sf)  }
0x12b: {  	(xrf2) =	vadd.scan.msk.f32 $0xffff, v6;
	(v2sf) =	vpush v5, $0xE;
	v8 =	vmul.f32 v8, v9;
	v6 =	vmul.f32 v13, v12;
	v9, _, _ =	vpop (xrf2);
	[smem:$0x7A9] =	sst s14  }
0x12c: {  	s4 =	sand.u32 $0xFFFFFFE0, s18;
	(v2sf) =	vpush v3, $0xE;
	v12 =	vor.u32 $0x4, v1;
	s16 =	spop (v2sf);
	[tilespmem:v11+s15+$0x0] =	vst.idx.msk vm0, v9  }
0x12d: {  	s4 =	sadd.s32 $0x1800, s4;
	(v2sf) =	vpush v5, $0xF;
	v8 =	vadd.f32 v6, v8;
	s18 =	spop (v2sf);
	[smem:$0x7AA] =	sst s16  }
0x12e: {  	s6 =	sand.u32 $0xFFFFFFE0, s23;
	(v2sf) =	vpush v3, $0xF;
	v3 =	vshll.u32 v7, $0x2;
	s23 =	spop (v2sf);
	v7 =	vld [tilespmem:s4+$0xD00];
	[smem:$0x7AB] =	sst s18  }
0x12f: {  	s20 =	sadd.s32 $0x1800, s6;
	v5 =	vshll.u32 v10, $0x2;
	(xrf2) =	vadd.scan.msk.f32 $0xffff, v8;
	s25 =	spop (v2sf);
	v8 =	vld [tilespmem:s4+$0xD10];
	[smem:$0x7AD] =	sst s23  }
0x130: {  	v6 =	vshra.s32 v5, $0x2;
	v5 =	vshra.s32 v3, $0x2;
	v9, _, _ =	vpop (xrf2);
	v3 =	vld [tilespmem:s20+$0x8D10];
	[smem:$0x7AF] =	sst s25  }
0x131: {  	s24 =	sand.u32 $0xFFFFFFE0, s11;
	(v2sf) =	vpush v6, $0x0;
	s8 =	spop (v2sf);
	[tilespmem:v12+s15+$0x0] =	vst.idx.msk vm0, v9  }
0x132: {  	v10 =	vor.u32 $0x7, v0;
	s26 =	sadd.s32 $0x1000, s24;
	(v2sf) =	vpush v5, $0x0;
	v11 =	vld [tilespmem:s20+$0x8D00];
	[smem:$0x7B1] =	sst s8  }
0x133: {  	v9 =	vld [tilespmem:s26+$0xE80];
	s11 =	spop (v2sf)  }
0x134: {  	s10 =	sand.u32 $0xFFFFFFE0, s12;
	[smem:$0x7B3] =	sst s11;
	s14 =	spop (v2sf)  }
0x135: {  	s12 =	sadd.s32 $0x1000, s10;
	v12 =	vld [tilespmem:s26+$0xE90];
	[smem:$0x7B5] =	sst s14;
	s18 =	spop (v2sf)  }
0x136: {  	v14, _, _ =	vpop (xrf2);
	v13 =	vld [tilespmem:s12+$0x8E80];
	[smem:$0x7B7] =	sst s18  }
0x137: {  	[tilespmem:v10+s15+$0x0] =	vst.idx.msk vm0, v14  }
0x138: {  	s23 =	spop (v2sf);
	s24 =	sld [smem:$0x774]  }
0x139: {  	v15 =	vor.u32 $0xA, v4;
	s16 =	sand.u32 $0xFFFFFFE0, s7;
	v16 =	vld [tilespmem:s12+$0x8E90];
	[smem:$0x7B9] =	sst s23  }
0x13a: {  	s20 =	sadd.s32 $0x800, s16;
	s25 =	spop (v2sf);
	s8 =	sld [smem:$0x775]  }
0x13b: {  	v3 =	vmul.f32 v3, v8;
	v7 =	vmul.f32 v11, v7;
	s7 =	spop (v2sf);
	v8 =	vld [tilespmem:s20+$0x1000];
	[smem:$0x7BC] =	sst s25;
	s6 =	sand.u32 $0xFFFFFFE0, s24  }
0x13c: {  	s10 =	spop (v2sf);
	v10 =	vld [tilespmem:s20+$0x1010];
	[smem:$0x7BD] =	sst s7;
	s26 =	sadd.s32 $0x800, s6  }
0x13d: {  	v11, _, _ =	vpop (xrf2);
	v3 =	vadd.f32 v3, v7;
	v7 =	vld [tilespmem:s26+$0x9000];
	[smem:$0x7BE] =	sst s10  }
0x13e: {  	v14 =	vld [tilespmem:s26+$0x9010];
	[tilespmem:v15+s15+$0x0] =	vst.idx.msk vm0, v11  }
0x13f: {  	(xrf2) =	vadd.scan.msk.f32 $0xffff, v3;
	v9 =	vmul.f32 v13, v9;
	v3 =	vmul.f32 v16, v12;
	s14 =	sld [smem:$0x776]  }
0x140: {  	s12 =	spop (v2sf);
	s6 =	sand.u32 $0xFFFFFFE0, s8  }
0x141: {  	s16 =	spop (v2sf);
	s11 =	sadd.s32 $0x0, s6;
	v3 =	vadd.f32 v3, v9;
	[smem:$0x7BF] =	sst s12  }
0x142: {  	s20 =	spop (v2sf);
	v11 =	vld [tilespmem:s11+$0x1180];
	[smem:$0x7C0] =	sst s16;
	s6 =	sand.u32 $0xFFFFFFE0, s14  }
0x143: {  	s23 =	spop (v2sf);
	(xrf2) =	vadd.scan.msk.f32 $0xffff, v3;
	v12 =	vld [tilespmem:s11+$0x1190];
	[smem:$0x7C1] =	sst s20;
	v7 =	vmul.f32 v7, v8;
	s18 =	sadd.s32 $0x0, s6;
	v3 =	vmul.f32 v14, v10  }
0x144: {  	v9 =	vld [tilespmem:s18+$0x9180];
	[smem:$0x7C2] =	sst s23  }
0x145: {  	s24 =	spop (v2sf);
	v13 =	vld [tilespmem:s18+$0x9190];
	v3 =	vadd.f32 v3, v7  }
0x146: {  	s25 =	spop (v2sf)  }
0x147: {  	s26 =	spop (v2sf);
	(xrf2) =	vadd.scan.msk.f32 $0xffff, v3  }
0x148: {  	v8 =	vor.u32 $0x2, v2;
	s6 =	sand.u32 $0xFFFFFFE0, s26  }
0x149: {  	s6 =	sadd.s32 $0x2000, s6;
	[smem:$0x7C3] =	sst s24  }
0x14a: {  	s4 =	sand.u32 $0xFFFFFFE0, s25;
	v10 =	vld [tilespmem:s6+$0x8C10];
	v3 =	vmul.f32 v9, v11;
	v7 =	vmul.f32 v13, v12  }
0x14b: {  	s4 =	sadd.s32 $0x2000, s4;
	v9 =	vld [tilespmem:s6+$0x8C00];
	v12 =	vor.u32 $0x5, v1  }
0x14c: {  	s1 =	sand.u32 $0xFFFFFFE0, s1;
	v11, _, _ =	vpop (xrf2);
	v13 =	vld [tilespmem:s4+$0xC00];
	v3 =	vadd.f32 v7, v3  }
0x14d: {  	s1 =	sadd.s32 $0x1800, s1;
	s3 =	sand.u32 $0xFFFFFFE0, s3;
	v14 =	vor.u32 $0x8, v0;
	[tilespmem:v8+s15+$0x0] =	vst.idx.msk vm0, v11;
	v7 =	vld [tilespmem:s4+$0xC10]  }
0x14e: {  	s7 =	sadd.s32 $0x1800, s3;
	v8 =	vld [tilespmem:s1+$0xD90];
	(xrf2) =	vadd.scan.msk.f32 $0xffff, v3  }
0x14f: {  	v11, _, _ =	vpop (xrf2);
	v15 =	vld [tilespmem:s7+$0x8D80]  }
0x150: {  	s8 =	sand.u32 $0xFFFFFFE0, s9;
	v16 =	vld [tilespmem:s7+$0x8D90];
	[tilespmem:v12+s15+$0x0] =	vst.idx.msk vm0, v11  }
0x151: {  	(v2sf) =	vpush v5, $0x1;
	s9 =	sadd.s32 $0x1000, s8;
	s10 =	sand.u32 $0xFFFFFFE0, s17;
	v3 =	vld [tilespmem:s1+$0xD80];
	s12 =	sld [smem:$0x777];
	v12, _, _ =	vpop (xrf2)  }
0x152: {  	(v2sf) =	vpush v6, $0x1;
	s11 =	sadd.s32 $0x1000, s10;
	v9 =	vmul.f32 v9, v13;
	v11 =	vld [tilespmem:s9+$0x8F10];
	v7 =	vmul.f32 v10, v7;
	[tilespmem:v14+s15+$0x0] =	vst.idx.msk vm0, v12  }
0x153: {  	v17 =	vld [tilespmem:s11+$0xF00];
	s16 =	sld [smem:$0x778]  }
0x154: {  	v13 =	vor.u32 $0xB, v4;
	v10 =	vld [tilespmem:s9+$0x8F00];
	s3 =	sand.u32 $0xFFFFFFE0, s12;
	v7 =	vadd.f32 v7, v9  }
0x155: {  	v9 =	vld [tilespmem:s11+$0xF10];
	s14 =	sadd.s32 $0x800, s3  }
0x156: {  	(xrf2) =	vadd.scan.msk.f32 $0xffff, v7;
	v7 =	vmul.f32 v16, v8;
	v8 =	vld [tilespmem:s14+$0x9080];
	s3 =	sand.u32 $0xFFFFFFE0, s16  }
0x157: {  	v3 =	vmul.f32 v15, v3;
	v12 =	vld [tilespmem:s14+$0x9090];
	s17 =	sadd.s32 $0x800, s3  }
0x158: {  	s18 =	sld [smem:$0x779];
	v14 =	vld [tilespmem:s17+$0x1090];
	v15, _, _ =	vpop (xrf2)  }
0x159: {  	v3 =	vadd.f32 v7, v3;
	v7 =	vld [tilespmem:s17+$0x1080];
	[tilespmem:v13+s15+$0x0] =	vst.idx.msk vm0, v15  }
0x15a: {  	s23 =	sld [smem:$0x77A]  }
0x15b: {  	s3 =	sand.u32 $0xFFFFFFE0, s18  }
0x15c: {  	v10 =	vmul.f32 v10, v17;
	s20 =	sadd.s32 $0x0, s3;
	v9 =	vmul.f32 v11, v9  }
0x15d: {  	(xrf2) =	vadd.scan.msk.f32 $0xffff, v3;
	v3 =	vadd.s32 $0x10, v2;
	v11 =	vld [tilespmem:s20+$0x1200];
	s3 =	sand.u32 $0xFFFFFFE0, s23  }
0x15e: {  	v13 =	vld [tilespmem:s20+$0x1210];
	v9 =	vadd.f32 v9, v10;
	v12 =	vmul.f32 v12, v14;
	v7 =	vmul.f32 v8, v7;
	s24 =	sadd.s32 $0x0, s3  }
0x15f: {  	v15 =	vld [tilespmem:s24+$0x9200]  }
0x160: {  	s25 =	spop (v2sf);
	(xrf2) =	vadd.scan.msk.f32 $0xffff, v9;
	v10 =	vld [tilespmem:s24+$0x9210];
	v7 =	vadd.f32 v12, v7  }
0x161: {  	s26 =	spop (v2sf)  }
0x162: {  	s3 =	sand.u32 $0xFFFFFFE0, s26;
	v8, _, _ =	vpop (xrf2);
	(xrf2) =	vadd.scan.msk.f32 $0xffff, v7  }
0x163: {  	s1 =	sand.u32 $0xFFFFFFE0, s25;
	v9 =	vor.u32 $0x3, v2;
	s4 =	sadd.s32 $0x2000, s3;
	[tilespmem:v3+s15+$0x0] =	vst.idx.msk vm0, v8  }
0x164: {  	s1 =	sadd.s32 $0x2000, s1;
	v14 =	vld [tilespmem:s4+$0xC80]  }
0x165: {  	v8 =	vmul.f32 v15, v11;
	v11 =	vld [tilespmem:s1+$0x8C80];
	v7 =	vmul.f32 v10, v13  }
0x166: {  	v10 =	vld [tilespmem:s1+$0x8C90];
	v13 =	vor.u32 $0x6, v1  }
0x167: {  	v12, _, _ =	vpop (xrf2);
	v7 =	vadd.f32 v7, v8;
	v8 =	vld [tilespmem:s4+$0xC90]  }
0x168: {  	[tilespmem:v9+s15+$0x0] =	vst.idx.msk vm0, v12;
	v12 =	vor.u32 $0x9, v0;
	_ =	sdelay $0x1  }
0x169: {  	s2 =	sand.u32 $0xFFFFFFE0, s2;
	v15, _, _ =	vpop (xrf2)  }
0x16a: {  	s0 =	sand.u32 $0xFFFFFFE0, s0;
	s6 =	sadd.s32 $0x1800, s2;
	s7 =	sld [smem:$0x77B];
	[tilespmem:v13+s15+$0x0] =	vst.idx.msk vm0, v15  }
0x16b: {  	s0 =	sadd.s32 $0x1800, s0;
	v9 =	vld [tilespmem:s6+$0xE10];
	s9 =	sld [smem:$0x77C];
	v8 =	vmul.f32 v10, v8;
	v10 =	vmul.f32 v11, v14;
	v11, _, _ =	vpop (xrf2)  }
0x16c: {  	v16 =	vld [tilespmem:s0+$0x8E00];
	(xrf2) =	vadd.scan.msk.f32 $0xffff, v7;
	s11 =	sld [smem:$0x77D];
	[tilespmem:v12+s15+$0x0] =	vst.idx.msk vm0, v11  }
0x16d: {  	(v2sf) =	vpush v6, $0x2;
	v17 =	vld [tilespmem:s0+$0x8E10];
	s1 =	sand.u32 $0xFFFFFFE0, s7;
	s14 =	sld [smem:$0x77E]  }
0x16e: {  	v7 =	vld [tilespmem:s6+$0xE00];
	s8 =	sadd.s32 $0x1000, s1;
	s16 =	sld [smem:$0x77F]  }
0x16f: {  	v13 =	vld [tilespmem:s8+$0xF80];
	s1 =	sand.u32 $0xFFFFFFE0, s9;
	s17 =	sld [smem:$0x780]  }
0x170: {  	v15 =	vld [tilespmem:s8+$0xF90];
	s20 =	sld [smem:$0x782];
	s10 =	sadd.s32 $0x1000, s1  }
0x171: {  	(v2sf) =	vpush v5, $0x2;
	s24 =	sld [smem:$0x783];
	s1 =	sand.u32 $0xFFFFFFE0, s11;
	v14 =	vld [tilespmem:s10+$0x8F80]  }
0x172: {  	v18 =	vor.u32 $0xC, v4;
	(v2sf) =	vpush v6, $0x3;
	s25 =	sld [smem:$0x784];
	v19 =	vld [tilespmem:s10+$0x8F90];
	s12 =	sadd.s32 $0x800, s1  }
0x173: {  	v8 =	vadd.f32 v8, v10;
	s18 =	sld [smem:$0x781];
	s3 =	sand.u32 $0xFFFFFFE0, s17;
	v10 =	vld [tilespmem:s12+$0x1100];
	s0 =	sand.u32 $0xFFFFFFE0, s20  }
0x174: {  	v11 =	vld [tilespmem:s12+$0x1110];
	[smem:$0x7BB] =	sst s0;
	s23 =	sadd.s32 $0x800, s3;
	s3 =	sand.u32 $0xFFFFFFE0, s24  }
0x175: {  	(v2sf) =	vpush v5, $0x3;
	[smem:$0x7E1] =	sst s3;
	s3 =	sand.u32 $0xFFFFFFE0, s25  }
0x176: {  	(xrf2) =	vadd.scan.msk.f32 $0xffff, v8;
	v8 =	vmul.f32 v17, v9;
	v9, _, _ =	vpop (xrf2);
	[smem:$0x7E5] =	sst s3  }
0x177: {  	s26 =	sld [smem:$0x785];
	[tilespmem:v18+s15+$0x0] =	vst.idx.msk vm0, v9  }
0x178: {  	s7 =	sld [smem:$0x786]  }
0x179: {  	(v2sf) =	vpush v6, $0x4;
	s9 =	sld [smem:$0x787]  }
0x17a: {  	s12 =	sld [smem:$0x788]  }
0x17b: {  	s17 =	sld [smem:$0x789]  }
0x17c: {  	s6 =	spop (v2sf);
	s24 =	sld [smem:$0x78C]  }
0x17d: {  	s1 =	sand.u32 $0xFFFFFFE0, s14;
	s2 =	sand.u32 $0xFFFFFFE0, s16;
	s25 =	sld [smem:$0x78E]  }
0x17e: {  	(v2sf) =	vpush v5, $0x4;
	s20 =	sadd.s32 $0x0, s2;
	s3 =	sadd.s32 $0x0, s1;
	s2 =	sld [smem:$0x790]  }
0x17f: {  	v12 =	vld [tilespmem:s23+$0x9100];
	s1 =	sand.u32 $0xFFFFFFE0, s9;
	s0 =	sand.u32 $0xFFFFFFE0, s12;
	s12 =	sld [smem:$0x793]  }
0x180: {  	(v2sf) =	vpush v6, $0x5;
	v7 =	vmul.f32 v16, v7;
	s10 =	spop (v2sf);
	v16 =	vld [tilespmem:s23+$0x9110];
	[smem:$0x7D9] =	sst s1  }
0x181: {  	s11 =	spop (v2sf);
	s1 =	sand.u32 $0xFFFFFFE0, s24;
	s24 =	sld [smem:$0x79A]  }
0x182: {  	v7 =	vadd.f32 v8, v7;
	v8 =	vld [tilespmem:s3+$0x9280];
	[smem:$0x7C4] =	sst s11  }
0x183: {  	s11 =	sld [smem:$0x792]  }
0x184: {  	s14 =	spop (v2sf);
	v9 =	vld [tilespmem:s3+$0x9290];
	[smem:$0x7DB] =	sst s0  }
0x185: {  	(v2sf) =	vpush v5, $0x5;
	s8 =	sand.u32 $0xFFFFFFE0, s18;
	s18 =	simm.s32 $0x850;
	[smem:$0x7C5] =	sst s14  }
0x186: {  	(v2sf) =	vpush v5, $0x6;
	[smem:$0x78B] =	sst s18  }
0x187: {  	(v2sf) =	vpush v6, $0x6;
	s0 =	sand.u32 $0xFFFFFFE0, s17;
	s17 =	sld [smem:$0x796]  }
0x188: {  	(v2sf) =	vpush v6, $0x7;
	s16 =	simm.s32 $0x850;
	s23 =	spop (v2sf);
	[smem:$0x78A] =	sst s0  }
0x189: {  	(v2sf) =	vpush v5, $0x7;
	v13 =	vmul.f32 v14, v13;
	v14 =	vld [tilespmem:s16+$0x0];
	[smem:$0x7C6] =	sst s23  }
0x18a: {  	(v2sf) =	vpush v6, $0x8;
	[smem:$0x78D] =	sst s1  }
0x18b: {  	(v2sf) =	vpush v5, $0x8;
	s23 =	sld [smem:$0x799]  }
0x18c: {  	(v2sf) =	vpush v6, $0x9;
	s1 =	sand.u32 $0xFFFFFFE0, s25;
	s25 =	sand.u32 $0xFFFFFFE0, s6;
	s6 =	sld [smem:$0x79B]  }
0x18d: {  	(v2sf) =	vpush v5, $0x9;
	s4 =	sand.u32 $0xFFFFFFE0, s26;
	s26 =	spop (v2sf);
	[smem:$0x78F] =	sst s1  }
0x18e: {  	(v2sf) =	vpush v6, $0xA;
	(xrf2) =	vadd.scan.msk.f32 $0xffff, v7;
	v7 =	vmul.f32 v19, v15;
	s0 =	sand.u32 $0xFFFFFFE0, s2;
	v15 =	vld [tilespmem:s20+$0x1290];
	[smem:$0x7C7] =	sst s26  }
0x18f: {  	(v2sf) =	vpush v5, $0xA;
	s3 =	spop (v2sf);
	v17 =	vld [tilespmem:s20+$0x1280];
	[smem:$0x791] =	sst s0  }
0x190: {  	(v2sf) =	vpush v6, $0xB;
	s14 =	simm.s32 $0xA50;
	[smem:$0x7C8] =	sst s3  }
0x191: {  	(v2sf) =	vpush v5, $0xB;
	[smem:$0x795] =	sst s14  }
0x192: {  	(v2sf) =	vpush v6, $0xC;
	s0 =	sand.u32 $0xFFFFFFE0, s11;
	s20 =	sld [smem:$0x798]  }
0x193: {  	(v2sf) =	vpush v5, $0xC;
	[smem:$0x7EA] =	sst s0;
	s0 =	sand.u32 $0xFFFFFFE0, s12  }
0x194: {  	(v2sf) =	vpush v5, $0xD;
	v18 =	vor.u32 $0x1, v3;
	s9 =	simm.s32 $0xA50;
	s16 =	spop (v2sf);
	[smem:$0x794] =	sst s0  }
0x195: {  	(v2sf) =	vpush v6, $0xD;
	v7 =	vadd.f32 v7, v13;
	v13 =	vld [tilespmem:s9+$0x0];
	[smem:$0x7CA] =	sst s16;
	s2 =	sand.u32 $0xFFFFFFE0, s20  }
0x196: {  	(v2sf) =	vpush v6, $0xE;
	[smem:$0x7D6] =	sst s2;
	s2 =	sand.u32 $0xFFFFFFE0, s23  }
0x197: {  	(v2sf) =	vpush v5, $0xE;
	[smem:$0x7D5] =	sst s2;
	s2 =	sand.u32 $0xFFFFFFE0, s24  }
0x198: {  	s30 =	spop (v2sf);
	(v2sf) =	vpush v6, $0xF;
	v6, _, _ =	vpop (xrf2);
	[smem:$0x7F5] =	sst s2  }
0x199: {  	(xrf2) =	vadd.scan.msk.f32 $0xffff, v7;
	v10 =	vmul.f32 v12, v10;
	v7 =	vmul.f32 v16, v11;
	s18 =	sld [smem:$0x797];
	s9 =	sand.u32 $0xFFFFFFE0, s6;
	[tilespmem:v18+s15+$0x0] =	vst.idx.msk vm0, v6  }
0x19a: {  	s3 =	sadd.s32 $0x1000, s9;
	s11 =	sld [smem:$0x79D]  }
0x19b: {  	v7 =	vadd.f32 v7, v10;
	s2 =	sadd.s32 $0x2000, s25;
	[smem:$0x79C] =	sst s3  }
0x19c: {  	v12 =	vor.u32 $0x4, v2;
	s14 =	sand.u32 $0xFFFFFFE0, s21;
	s16 =	sld [smem:$0x7A0];
	v10 =	vld [tilespmem:s2+$0xD00]  }
0x19d: {  	s10 =	sand.u32 $0xFFFFFFE0, s10;
	(xrf2) =	vadd.scan.msk.f32 $0xffff, v7;
	v7 =	vmul.f32 v8, v17;
	v8 =	vld [tilespmem:s2+$0xD10];
	[smem:$0x79F] =	sst s14;
	s2 =	sand.u32 $0xFFFFFFE0, s11  }
0x19e: {  	s28 =	spop (v2sf);
	s12 =	sadd.s32 $0x2000, s10;
	v11 =	vshll.u32 v14, $0x2;
	v9 =	vmul.f32 v9, v15;
	[smem:$0x79E] =	sst s2  }
0x19f: {  	s26 =	spop (v2sf);
	(v2sf) =	vpush v5, $0xF;
	v5 =	vshra.s32 v11, $0x2;
	s2 =	sand.u32 $0xFFFFFFE0, s16;
	v11 =	vld [tilespmem:s12+$0x8D10]  }
0x1a0: {  	v7 =	vadd.f32 v9, v7;
	v6 =	vshll.u32 v13, $0x2;
	v13, _, _ =	vpop (xrf2);
	v9 =	vld [tilespmem:s12+$0x8D00];
	[smem:$0x7A1] =	sst s2  }
0x1a1: {  	[tilespmem:v12+s15+$0x0] =	vst.idx.msk vm0, v13  }
0x1a2: {  	s20 =	sld [smem:$0x7A2];
	_ =	sdelay $0x2  }
0x1a3: {  	s3 =	sand.u32 $0xFFFFFFE0, s20  }
0x1a4: {  	[smem:$0x7A3] =	sst s3  }
0x1a5: {  	s3 =	sld [smem:$0x7A4]  }
0x1a6: {  	s5 =	sand.u32 $0xFFFFFFE0, s5;
	v14 =	vor.u32 $0x7, v1;
	s10 =	sld [smem:$0x7A6]  }
0x1a7: {  	s0 =	sand.u32 $0xFFFFFFE0, s17;
	s17 =	sadd.s32 $0x1800, s5  }
0x1a8: {  	v12 =	vld [tilespmem:s17+$0xE80];
	s2 =	sand.u32 $0xFFFFFFE0, s3  }
0x1a9: {  	s24 =	sand.u32 $0xFFFFFFE0, s13;
	(xrf2) =	vadd.scan.msk.f32 $0xffff, v7;
	v7 =	vld [tilespmem:s17+$0xE90];
	s3 =	sand.u32 $0xFFFFFFE0, s10;
	[smem:$0x7A5] =	sst s2  }
0x1aa: {  	s6 =	sadd.s32 $0x1800, s24;
	v15, _, _ =	vpop (xrf2);
	[dreg:$0x17] =	wrdreg s3  }
0x1ab: {  	v13 =	vld [tilespmem:s6+$0x8E80];
	[tilespmem:v14+s15+$0x0] =	vst.idx.msk vm0, v15  }
0x1ac: {  	s11 =	sand.u32 $0xFFFFFFE0, s19;
	v17 =	vld [tilespmem:s6+$0x8E90];
	s6 =	sld [smem:$0x7A9]  }
0x1ad: {  	s0 =	sadd.s32 $0x1000, s0;
	[dreg:$0xb] =	wrdreg s11  }
0x1ae: {  	v16 =	vor.u32 $0xA, v0;
	v9 =	vmul.f32 v9, v10;
	s10 =	sld [smem:$0x7AA];
	v10 =	vld [tilespmem:s0+$0x1000]  }
0x1af: {  	s1 =	sand.u32 $0xFFFFFFE0, s18;
	s24 =	sand.u32 $0xFFFFFFE0, s29;
	v8 =	vmul.f32 v11, v8;
	v11 =	vld [tilespmem:s0+$0x1010];
	s0 =	sand.u32 $0xFFFFFFE0, s6  }
0x1b0: {  	s29 =	sand.u32 $0xFFFFFFE0, s22;
	s22 =	sadd.s32 $0x1000, s1;
	[smem:$0x7F2] =	sst s0  }
0x1b1: {  	v8 =	vadd.f32 v8, v9;
	s5 =	sld [smem:$0x7A8];
	s0 =	sand.u32 $0xFFFFFFE0, s10;
	v9 =	vld [tilespmem:s22+$0x9000]  }
0x1b2: {  	v14, _, _ =	vpop (xrf2);
	v18 =	vld [tilespmem:s22+$0x9010];
	[smem:$0x7F4] =	sst s0  }
0x1b3: {  	s12 =	sld [smem:$0x7A7];
	[tilespmem:v16+s15+$0x0] =	vst.idx.msk vm0, v14  }
0x1b4: {  	s22 =	sadd.s32 $0x800, s4;
	s4 =	sld [smem:$0x7AB]  }
0x1b5: {  	s1 =	sand.u32 $0xFFFFFFE0, s5;
	s5 =	sld [smem:$0x7AD];
	_ =	sdelay $0x1  }
0x1b6: {  	s0 =	sand.u32 $0xFFFFFFE0, s4  }
0x1b7: {  	[smem:$0x7AC] =	sst s0;
	s0 =	sand.u32 $0xFFFFFFE0, s5  }
0x1b8: {  	[smem:$0x7AE] =	sst s0  }
0x1b9: {  	(xrf2) =	vadd.scan.msk.f32 $0xffff, v8;
	s6 =	sld [smem:$0x7AF];
	v8 =	vld [tilespmem:s22+$0x1180]  }
0x1ba: {  	v12 =	vmul.f32 v13, v12;
	v13 =	vld [tilespmem:s22+$0x1190];
	s22 =	sld [smem:$0x7B1]  }
0x1bb: {  	s5 =	sld [smem:$0x7B3]  }
0x1bc: {  	s0 =	sand.u32 $0xFFFFFFE0, s6  }
0x1bd: {  	v15 =	vor.u32 $0xD, v4;
	[smem:$0x7B0] =	sst s0;
	s0 =	sand.u32 $0xFFFFFFE0, s22  }
0x1be: {  	s7 =	sand.u32 $0xFFFFFFE0, s7;
	v7 =	vmul.f32 v17, v7;
	[smem:$0x7B2] =	sst s0;
	s0 =	sand.u32 $0xFFFFFFE0, s5  }
0x1bf: {  	s7 =	sadd.s32 $0x800, s7;
	[smem:$0x7B4] =	sst s0  }
0x1c0: {  	v7 =	vadd.f32 v7, v12;
	v12 =	vld [tilespmem:s7+$0x9180]  }
0x1c1: {  	v14, _, _ =	vpop (xrf2);
	v16 =	vld [tilespmem:s7+$0x9190];
	s7 =	sld [smem:$0x7B5]  }
0x1c2: {  	[tilespmem:v15+s15+$0x0] =	vst.idx.msk vm0, v14  }
0x1c3: {  	s22 =	sadd.s32 $0x0, s8;
	s8 =	sld [smem:$0x7B7]  }
0x1c4: {  	s0 =	sand.u32 $0xFFFFFFE0, s7  }
0x1c5: {  	s0 =	sadd.s32 $0x1800, s0  }
0x1c6: {  	[smem:$0x7B6] =	sst s0;
	s0 =	sand.u32 $0xFFFFFFE0, s8  }
0x1c7: {  	s25 =	spop (v2sf);
	[smem:$0x7B8] =	sst s0  }
0x1c8: {  	s23 =	spop (v2sf);
	v9 =	vmul.f32 v9, v10;
	v10 =	vld [tilespmem:s22+$0x1300]  }
0x1c9: {  	(v2sf) =	vpush v5, $0x0;
	s9 =	spop (v2sf);
	v6 =	vshra.s32 v6, $0x2;
	(xrf2) =	vadd.scan.msk.f32 $0xffff, v7;
	v7 =	vmul.f32 v18, v11;
	v11 =	vld [tilespmem:s22+$0x1310];
	s22 =	sld [smem:$0x7B9]  }
0x1ca: {  	s21 =	spop (v2sf);
	(v2sf) =	vpush v6, $0x0  }
0x1cb: {  	s18 =	spop (v2sf)  }
0x1cc: {  	s13 =	spop (v2sf);
	s7 =	sand.u32 $0xFFFFFFE0, s22;
	s22 =	sld [smem:$0x7BC]  }
0x1cd: {  	s16 =	spop (v2sf)  }
0x1ce: {  	s14 =	spop (v2sf);
	s20 =	sand.u32 $0xFFFFFFE0, s31;
	s8 =	sld [smem:$0x7BB]  }
0x1cf: {  	s17 =	spop (v2sf);
	s31 =	sand.u32 $0xFFFFFFE0, s22;
	s22 =	sld [smem:$0x7BD]  }
0x1d0: {  	s19 =	spop (v2sf);
	[smem:$0x7BA] =	sst s7  }
0x1d1: {  	s3 =	sand.u32 $0xFFFFFFE0, s12;
	s12 =	spop (v2sf);
	[dreg:$0x1b] =	wrdreg s31  }
0x1d2: {  	s11 =	spop (v2sf);
	s31 =	sand.u32 $0xFFFFFFE0, s22;
	s22 =	sld [smem:$0x7BE]  }
0x1d3: {  	s10 =	spop (v2sf);
	s7 =	sadd.s32 $0x0, s8;
	[dreg:$0x19] =	wrdreg s31  }
0x1d4: {  	s4 =	spop (v2sf);
	v7 =	vadd.f32 v7, v9;
	v9 =	vld [tilespmem:s7+$0x9300]  }
0x1d5: {  	s6 =	spop (v2sf);
	v15 =	vld [tilespmem:s7+$0x9310];
	s7 =	sand.u32 $0xFFFFFFE0, s22;
	s22 =	sld [smem:$0x7BF]  }
0x1d6: {  	s5 =	spop (v2sf)  }
0x1d7: {  	s2 =	spop (v2sf);
	[dreg:$0x11] =	wrdreg s7  }
0x1d8: {  	s0 =	spop (v2sf);
	s7 =	sand.u32 $0xFFFFFFE0, s22;
	s22 =	sld [smem:$0x7C0]  }
0x1d9: {  	s8 =	spop (v2sf)  }
0x1da: {  	s8 =	sand.u32 $0xFFFFFFE0, s8;
	[dreg:$0xf] =	wrdreg s7  }
0x1db: {  	s7 =	sadd.s32 $0x2800, s8;
	s8 =	sand.u32 $0xFFFFFFE0, s22;
	s22 =	sld [smem:$0x7C1]  }
0x1dc: {  	_ =	sdelay $0x1  }
0x1dd: {  	[dreg:$0xc] =	wrdreg s8;
	s8 =	sand.u32 $0xFFFFFFE0, s22  }
0x1de: {  	[dreg:$0x9] =	wrdreg s8  }
0x1df: {  	s8 =	sld [smem:$0x7C2];
	_ =	sdelay $0x1  }
0x1e0: {  	(xrf2) =	vadd.scan.msk.f32 $0xffff, v7;
	v7 =	vmul.f32 v12, v8;
	s22 =	sld [smem:$0x7C3];
	v12 =	vld [tilespmem:s7+$0x8C00]  }
0x1e1: {  	v8 =	vmul.f32 v16, v13;
	v13 =	vld [tilespmem:s7+$0x8C10];
	s7 =	sand.u32 $0xFFFFFFE0, s8;
	s8 =	sld [smem:$0x7C4]  }
0x1e2: {  	[dreg:$0x7] =	wrdreg s7  }
0x1e3: {  	s7 =	sand.u32 $0xFFFFFFE0, s22;
	s22 =	sld [smem:$0x7C5];
	_ =	sdelay $0x1  }
0x1e4: {  	[dreg:$0x5] =	wrdreg s7  }
0x1e5: {  	s7 =	sand.u32 $0xFFFFFFE0, s8;
	s8 =	sand.u32 $0xFFFFFFE0, s22;
	s22 =	sld [smem:$0x7C6]  }
0x1e6: {  	_ =	sdelay $0x1  }
0x1e7: {  	s22 =	sand.u32 $0xFFFFFFE0, s22  }
0x1e8: {  	[smem:$0x7ED] =	sst s22  }
0x1e9: {  	s0 =	sand.u32 $0xFFFFFFE0, s0;
	s22 =	sld [smem:$0x7C7]  }
0x1ea: {  	s0 =	sadd.s32 $0x2800, s0  }
0x1eb: {  	v18 =	vld [tilespmem:s0+$0xC00]  }
0x1ec: {  	v14 =	vor.u32 $0x2, v3;
	v7 =	vadd.f32 v8, v7;
	v8 =	vld [tilespmem:s0+$0xC10];
	s0 =	sand.u32 $0xFFFFFFE0, s22;
	s22 =	sld [smem:$0x7C8];
	_ =	sdelay $0x2  }
0x1ed: {  	[smem:$0x7EF] =	sst s0;
	s0 =	sand.u32 $0xFFFFFFE0, s22  }
0x1ee: {  	v16, _, _ =	vpop (xrf2);
	[smem:$0x7C9] =	sst s0  }
0x1ef: {  	[tilespmem:v14+s15+$0x0] =	vst.idx.msk vm0, v16  }
0x1f0: {  	s22 =	sld [smem:$0x7CA];
	_ =	sdelay $0x2  }
0x1f1: {  	s0 =	sadd.s32 $0x2000, s7;
	s7 =	sand.u32 $0xFFFFFFE0, s22  }
0x1f2: {  	s22 =	sand.u32 $0xFFFFFFE0, s30;
	[smem:$0x7CB] =	sst s7  }
0x1f3: {  	[smem:$0x7CC] =	sst s22;
	s22 =	sand.u32 $0xFFFFFFE0, s28  }
0x1f4: {  	[smem:$0x7CD] =	sst s22  }
0x1f5: {  	(xrf2) =	vadd.scan.msk.f32 $0xffff, v7;
	s7 =	sand.u32 $0xFFFFFFE0, s26;
	v7 =	vld [tilespmem:s0+$0xD80]  }
0x1f6: {  	s22 =	sand.u32 $0xFFFFFFE0, s25;
	v14 =	vld [tilespmem:s0+$0xD90];
	[smem:$0x7CE] =	sst s7  }
0x1f7: {  	v17 =	vor.u32 $0x5, v2;
	s26 =	sand.u32 $0xFFFFFFE0, s23;
	[smem:$0x7CF] =	sst s22  }
0x1f8: {  	s25 =	sadd.s32 $0x2000, s8;
	s8 =	sand.u32 $0xFFFFFFE0, s9;
	[smem:$0x7D0] =	sst s26  }
0x1f9: {  	[smem:$0x7D1] =	sst s8  }
0x1fa: {  	v11 =	vmul.f32 v15, v11;
	s9 =	sand.u32 $0xFFFFFFE0, s21;
	v15 =	vld [tilespmem:s25+$0x8D80]  }
0x1fb: {  	(v2sf) =	vpush v6, $0x1;
	v9 =	vmul.f32 v9, v10;
	v10, _, _ =	vpop (xrf2);
	v19 =	vld [tilespmem:s25+$0x8D90];
	[smem:$0x7D2] =	sst s9  }
0x1fc: {  	s18 =	sand.u32 $0xFFFFFFE0, s18;
	(v2sf) =	vpush v5, $0x1;
	[tilespmem:v17+s15+$0x0] =	vst.idx.msk vm0, v10  }
0x1fd: {  	(v2sf) =	vpush v5, $0x2;
	v16 =	vor.u32 $0x8, v1;
	s21 =	sand.u32 $0xFFFFFFE0, s13;
	[smem:$0x7D3] =	sst s18  }
0x1fe: {  	(v2sf) =	vpush v6, $0x2;
	s3 =	sadd.s32 $0x1800, s3;
	[dreg:$0x1f] =	wrdreg s21  }
0x1ff: {  	(v2sf) =	vpush v5, $0x3;
	s22 =	sand.u32 $0xFFFFFFE0, s16;
	v10 =	vld [tilespmem:s3+$0x8F00]  }
0x200: {  	(v2sf) =	vpush v6, $0x3;
	v9 =	vadd.f32 v11, v9;
	v11 =	vld [tilespmem:s3+$0x8F10];
	s3 =	sadd.s32 $0x2000, s22  }
0x201: {  	(v2sf) =	vpush v5, $0x4;
	v17, _, _ =	vpop (xrf2);
	[smem:$0x7D4] =	sst s3  }
0x202: {  	(v2sf) =	vpush v6, $0x4;
	s23 =	sadd.s32 $0x1800, s1;
	[tilespmem:v16+s15+$0x0] =	vst.idx.msk vm0, v17  }
0x203: {  	(v2sf) =	vpush v5, $0x5;
	v8 =	vmul.f32 v13, v8;
	s9 =	sand.u32 $0xFFFFFFE0, s19;
	v13 =	vld [tilespmem:s23+$0xF10];
	s25 =	sld [smem:$0x7D5]  }
0x204: {  	(v2sf) =	vpush v6, $0x5;
	v12 =	vmul.f32 v12, v18;
	v18 =	vld [tilespmem:s23+$0xF00];
	[dreg:$0x15] =	wrdreg s9  }
0x205: {  	s12 =	sand.u32 $0xFFFFFFE0, s12;
	(v2sf) =	vpush v6, $0x6;
	s18 =	sld [smem:$0x7D6]  }
0x206: {  	(v2sf) =	vpush v5, $0x6;
	(xrf2) =	vadd.scan.msk.f32 $0xffff, v9;
	v9 =	vor.u32 $0xB, v0;
	[dreg:$0x13] =	wrdreg s12;
	s26 =	sadd.s32 $0x1000, s25  }
0x207: {  	s4 =	sand.u32 $0xFFFFFFE0, s4;
	(v2sf) =	vpush v5, $0x7;
	v8 =	vadd.f32 v8, v12;
	v12 =	vld [tilespmem:s26+$0x9080]  }
0x208: {  	(v2sf) =	vpush v6, $0x7;
	s19 =	sadd.s32 $0x1000, s18;
	v16 =	vld [tilespmem:s26+$0x9090];
	[smem:$0x7D7] =	sst s4  }
0x209: {  	s6 =	sand.u32 $0xFFFFFFE0, s6;
	(v2sf) =	vpush v5, $0x8;
	v7 =	vmul.f32 v15, v7;
	v15 =	vld [tilespmem:s19+$0x1090]  }
0x20a: {  	(v2sf) =	vpush v6, $0x8;
	(xrf2) =	vadd.scan.msk.f32 $0xffff, v8;
	s7 =	spop (v2sf);
	v8 =	vmul.f32 v19, v14;
	v14, _, _ =	vpop (xrf2);
	v17 =	vld [tilespmem:s19+$0x1080];
	[smem:$0x7D8] =	sst s6  }
0x20b: {  	(v2sf) =	vpush v5, $0x9;
	s8 =	spop (v2sf);
	[tilespmem:v9+s15+$0x0] =	vst.idx.msk vm0, v14  }
0x20c: {  	(v2sf) =	vpush v6, $0x9;
	s0 =	spop (v2sf);
	s23 =	sld [smem:$0x7D9]  }
0x20d: {  	s5 =	sand.u32 $0xFFFFFFE0, s5;
	(v2sf) =	vpush v5, $0xA;
	s1 =	spop (v2sf);
	s21 =	sand.u32 $0xFFFFFFE0, s11  }
0x20e: {  	(v2sf) =	vpush v6, $0xA;
	s22 =	sand.u32 $0xFFFFFFE0, s14;
	s3 =	spop (v2sf);
	s11 =	sld [smem:$0x7DB]  }
0x20f: {  	(v2sf) =	vpush v5, $0xB;
	s14 =	spop (v2sf);
	[smem:$0x7DA] =	sst s5;
	s6 =	sadd.s32 $0x800, s23  }
0x210: {  	s0 =	sand.u32 $0xFFFFFFE0, s0;
	(v2sf) =	vpush v6, $0xB;
	s12 =	spop (v2sf);
	v7 =	vadd.f32 v8, v7;
	v8 =	vld [tilespmem:s6+$0x1200]  }
0x211: {  	s13 =	sand.u32 $0xFFFFFFE0, s1;
	(v2sf) =	vpush v5, $0xC;
	s9 =	spop (v2sf);
	v14 =	vld [tilespmem:s6+$0x1210];
	s6 =	sadd.s32 $0x800, s11  }
0x212: {  	(v2sf) =	vpush v6, $0xC;
	s25 =	sand.u32 $0xFFFFFFE0, s7;
	s18 =	sand.u32 $0xFFFFFFE0, s3;
	s4 =	spop (v2sf);
	v11 =	vmul.f32 v11, v13;
	v13 =	vld [tilespmem:s6+$0x9200]  }
0x213: {  	(v2sf) =	vpush v6, $0xD;
	(xrf2) =	vadd.scan.msk.f32 $0xffff, v7;
	s26 =	sand.u32 $0xFFFFFFE0, s10;
	v7 =	vmul.f32 v10, v18;
	s10 =	spop (v2sf);
	v9 =	vor.u32 $0xE, v4;
	v18 =	vld [tilespmem:s6+$0x9210];
	[smem:$0x7DC] =	sst s0  }
0x214: {  	(v2sf) =	vpush v5, $0xD;
	s19 =	sand.u32 $0xFFFFFFE0, s2;
	s2 =	spop (v2sf);
	[smem:$0x7DD] =	sst s13  }
0x215: {  	(v2sf) =	vpush v5, $0xE;
	s7 =	spop (v2sf);
	s23 =	sand.u32 $0xFFFFFFE0, s14;
	[smem:$0x7DE] =	sst s18  }
0x216: {  	s5 =	sadd.s32 $0x2800, s25;
	(v2sf) =	vpush v6, $0xE;
	s25 =	sand.u32 $0xFFFFFFE0, s12;
	[smem:$0x7DF] =	sst s23  }
0x217: {  	s16 =	spop (v2sf);
	(v2sf) =	vpush v5, $0xF;
	v5, _, _ =	vpop (xrf2);
	[smem:$0x7E0] =	sst s25  }
0x218: {  	[tilespmem:v9+s15+$0x0] =	vst.idx.msk vm0, v5  }
0x219: {  	s6 =	sld [smem:$0x7E1]  }
0x21a: {  	s13 =	sand.u32 $0xFFFFFFE0, s9  }
0x21b: {  	s14 =	sand.u32 $0xFFFFFFE0, s4;
	[smem:$0x7E2] =	sst s13  }
0x21c: {  	(v2sf) =	vpush v6, $0xF;
	v6 =	vadd.f32 v11, v7;
	[smem:$0x7E3] =	sst s14;
	s11 =	sadd.s32 $0x0, s6  }
0x21d: {  	s18 =	sand.u32 $0xFFFFFFE0, s10;
	s23 =	sld [smem:$0x7E5];
	v9 =	vld [tilespmem:s11+$0x1380]  }
0x21e: {  	v10 =	vadd.s32 $0x10, v3;
	(xrf2) =	vadd.scan.msk.f32 $0xffff, v6;
	s9 =	sand.u32 $0xFFFFFFE0, s2;
	v6 =	vld [tilespmem:s11+$0x1390];
	[smem:$0x7E4] =	sst s18  }
0x21f: {  	v7 =	vmul.f32 v12, v17;
	v5 =	vmul.f32 v16, v15;
	[smem:$0x7E6] =	sst s9;
	s11 =	sand.u32 $0xFFFFFFE0, s7  }
0x220: {  	s1 =	spop (v2sf);
	s25 =	sadd.s32 $0x0, s23;
	[smem:$0x7E7] =	sst s11  }
0x221: {  	s3 =	spop (v2sf);
	s14 =	sand.u32 $0xFFFFFFE0, s16;
	v5 =	vadd.f32 v5, v7;
	v7 =	vld [tilespmem:s25+$0x9380]  }
0x222: {  	v12, _, _ =	vpop (xrf2);
	s12 =	spop (v2sf);
	v8 =	vmul.f32 v13, v8;
	v13 =	vmul.f32 v18, v14;
	v14 =	vld [tilespmem:s25+$0x9390];
	[smem:$0x7E8] =	sst s14  }
0x223: {  	v11 =	vor.u32 $0x3, v3;
	s4 =	spop (v2sf);
	s23 =	sand.u32 $0xFFFFFFE0, s3;
	[tilespmem:v10+s15+$0x0] =	vst.idx.msk vm0, v12  }
0x224: {  	s10 =	spop (v2sf);
	[smem:$0x7E9] =	sst s23  }
0x225: {  	s10 =	sand.u32 $0xFFFFFFE0, s10;
	v12 =	vld [tilespmem:s5+$0x8C80]  }
0x226: {  	(xrf2) =	vadd.scan.msk.f32 $0xffff, v5;
	v5 =	vadd.f32 v13, v8;
	v8 =	vld [tilespmem:s5+$0x8C90];
	s5 =	sand.u32 $0xFFFFFFE0, s4;
	[smem:$0x7EC] =	sst s10  }
0x227: {  	s8 =	sand.u32 $0xFFFFFFE0, s8;
	s13 =	spop (v2sf);
	v13, _, _ =	vpop (xrf2);
	[smem:$0x7EB] =	sst s5  }
0x228: {  	s31 =	sand.u32 $0xFFFFFFE0, s12;
	s16 =	spop (v2sf);
	s12 =	sld [smem:$0x7EA];
	[tilespmem:v11+s15+$0x0] =	vst.idx.msk vm0, v13  }
0x229: {  	s6 =	sadd.s32 $0x2800, s8;
	s7 =	sand.u32 $0xFFFFFFE0, s13;
	s13 =	sld [smem:$0x7ED]  }
0x22a: {  	s18 =	sand.u32 $0xFFFFFFE0, s1;
	s1 =	sand.u32 $0xFFFFFFE0, s16;
	s25 =	spop (v2sf)  }
0x22b: {  	s8 =	spop (v2sf);
	s23 =	sadd.s32 $0x2800, s1;
	v15 =	vld [tilespmem:s6+$0xC90];
	s3 =	sld [smem:$0x7EF]  }
0x22c: {  	v16 =	vor.u32 $0x6, v2;
	(xrf2) =	vadd.scan.msk.f32 $0xffff, v5;
	s11 =	spop (v2sf);
	v5 =	vld [tilespmem:s6+$0xC80];
	[smem:$0x7EE] =	sst s23;
	s14 =	sadd.s32 $0x2000, s13  }
0x22d: {  	s9 =	sand.u32 $0xFFFFFFE0, s25;
	s10 =	sand.u32 $0xFFFFFFE0, s11;
	s15 =	spop (v2sf);
	v17 =	vld [tilespmem:s14+$0xE00]  }
0x22e: {  	s25 =	spop (v2sf);
	s4 =	sadd.s32 $0x2000, s3;
	v18 =	vld [tilespmem:s14+$0xE10];
	[smem:$0x7F0] =	sst s10  }
0x22f: {  	s13 =	sand.u32 $0xFFFFFFE0, s25;
	v20 =	vld [tilespmem:s4+$0x8E00]  }
0x230: {  	s5 =	simm.s32 $0x11000;
	v11, _, _ =	vpop (xrf2);
	v21 =	vld [tilespmem:s4+$0x8E10];
	[smem:$0x7F1] =	sst s13  }
0x231: {  	s16 =	sand.u32 $0xFFFFFFE0, s8;
	[tilespmem:v16+s5+$0x0] =	vst.idx.msk vm0, v11  }
0x232: {  	s8 =	spop (v2sf);
	s14 =	sand.u32 $0xFFFFFFE0, s15;
	s15 =	sld [smem:$0x7F2]  }
0x233: {  	v7 =	vmul.f32 v7, v9;
	s4 =	sand.u32 $0xFFFFFFE0, s8  }
0x234: {  	v8 =	vmul.f32 v8, v15;
	v9 =	vmul.f32 v12, v5;
	[smem:$0x7F3] =	sst s4  }
0x235: {  	v19 =	vor.u32 $0x9, v1;
	v6 =	vmul.f32 v14, v6;
	s8 =	sld [smem:$0x7F4];
	s23 =	sadd.s32 $0x1800, s15  }
0x236: {  	s17 =	sand.u32 $0xFFFFFFE0, s17;
	s30 =	simm.s32 $0x800;
	s11 =	spop (v2sf);
	v8 =	vadd.f32 v8, v9;
	v12 =	vld [tilespmem:s23+$0xF80]  }
0x237: {  	s28 =	simm.s32 $0x2000;
	v14 =	vadd.f32 v6, v7;
	s25 =	spop (v2sf);
	v13 =	vld [tilespmem:s23+$0xF90];
	s23 =	sld [smem:$0x7F5]  }
0x238: {  	v6 =	vor.u32 $0xF, v2;
	s10 =	sand.u32 $0xFFFFFFE0, s11;
	s6 =	spop (v2sf);
	s13 =	sadd.s32 $0x1800, s8  }
0x239: {  	v22, _, _ =	vpop (xrf2);
	v7 =	vor.u32 $0xF, v3;
	(xrf2) =	vadd.scan.msk.f32 $0xffff, v14;
	s11 =	sand.u32 $0xFFFFFFE0, s25;
	v5 =	vor.u32 $0xF, v1;
	v11 =	vor.u32 $0xF, v4;
	s4 =	simm.s32 $0xC000;
	s15 =	spop (v2sf);
	v15 =	vld [tilespmem:s13+$0x8F80]  }
0x23a: {  	v4 =	vor.u32 $0xF, v0;
	v9 =	vor.u32 $0xF, v10;
	(xrf2) =	vadd.scan.msk.f32 $0xffff, v8;
	s8 =	sand.u32 $0xFFFFFFE0, s6;
	s6 =	simm.s32 $0x1800;
	v8 =	vmovc v10;
	v16 =	vld [tilespmem:s13+$0x8F90];
	[tilespmem:v19+s5+$0x0] =	vst.idx.msk vm0, v22;
	s3 =	sadd.s32 $0x1000, s23  }
0x23b: {  	s25 =	sand.u32 $0xFFFFFFE0, s15;
	v19 =	vmul.f32 v20, v17;
	v20 =	vmul.f32 v21, v18;
	v17 =	vor.u32 $0xC, v0;
	v18, _, _ =	vpop (xrf2);
	s15 =	simm.s32 $0x2800;
	s23 =	simm.s32 $0x1000;
	v14 =	vld [tilespmem:s3+$0x1100]  }
.LBB2_4:
0x23c: {  	[smem:$0x76A] =	sst s11  }
0x23d: {  	[smem:$0x76C] =	sst s18  }
0x23e: {  	[smem:$0x76D] =	sst s8  }
0x23f: {  	[smem:$0x76E] =	sst s7  }
0x240: {  	s0 =	sld [smem:$0x78B]  }
0x241: {  	s2 =	sld [smem:$0x795]  }
0x242: {  	s11 =	rddreg [dreg:$0x5]  }
0x243: {  	s7 =	smov.u32 s25;
	s25 =	sld [smem:$0x78D]  }
0x244: {  	[smem:$0x766] =	sst s7  }
0x245: {  	s13 =	smov.u32 s11;
	s11 =	sld [smem:$0x7B6]  }
0x246: {  	[smem:$0x770] =	sst s13  }
0x247: {  	s8 =	sadd.s32 $0x2000, s4;
	s18 =	smov.u32 s19;
	s19 =	sld [smem:$0x79C]  }
0x248: {  	[smem:$0x771] =	sst s8  }
0x249: {  	[dreg:$0x5] =	wrdreg s18  }
0x24a: {  	s8 =	sld [smem:$0x78A]  }
0x24b: {  	s2 =	sadd.s32 $0x10, s2;
	s18 =	sld [smem:$0x7D4]  }
0x24c: {  	s0 =	sadd.s32 $0x10, s0;
	[smem:$0x795] =	sst s2  }
0x24d: {  	[smem:$0x78B] =	sst s0  }
0x24e: {  	v12 =	vmul.f32 v15, v12;
	v15 =	vld [tilespmem:s0+$0x0];
	s0 =	sld [smem:$0x7EE]  }
0x24f: {  	v22 =	vld [tilespmem:s2+$0x0];
	s13 =	smov.u32 s11;
	s2 =	sld [smem:$0x79E]  }
0x250: {  	[smem:$0x79C] =	sst s13  }
0x251: {  	v21 =	vld [tilespmem:s3+$0x1110];
	s13 =	rddreg [dreg:$0x11]  }
0x252: {  	v19 =	vadd.f32 v20, v19;
	v20 =	vld [tilespmem:s19+$0x9100];
	s3 =	sadd.s32 s30, s8;
	s8 =	sld [smem:$0x7A5]  }
0x253: {  	v23 =	vld [tilespmem:s19+$0x9110];
	s19 =	smov.u32 s18;
	s18 =	smov.u32 s13;
	s13 =	sld [smem:$0x7F3]  }
0x254: {  	[smem:$0x7B6] =	sst s19  }
0x255: {  	[smem:$0x7A5] =	sst s18  }
0x256: {  	s7 =	smov.u32 s0;
	s19 =	smov.u32 s21;
	s21 =	sld [smem:$0x7F1]  }
0x257: {  	v13 =	vmul.f32 v16, v13;
	[smem:$0x7D4] =	sst s7  }
0x258: {  	s1 =	smov.u32 s4;
	v16, _, _ =	vpop (xrf2);
	[tilespmem:v17+s5+$0x0] =	vst.idx.msk vm0, v18;
	[dreg:$0x11] =	wrdreg s19  }
0x259: {  	p0 =	sne.s32 s4, $0x1E000;
	v12 =	vadd.f32 v13, v12;
	s4 =	sadd.s32 s30, s25;
	v13 =	vld [tilespmem:s3+$0x9280];
	[tilespmem:v11+s5+$0x0] =	vst.idx.msk vm0, v16;
	s7 =	rddreg [dreg:$0xf]  }
0x25a: {  	v16 =	vld [tilespmem:s4+$0x1290];
	s19 =	sld [smem:$0x7DC]  }
0x25b: {  	v17 =	vld [tilespmem:s3+$0x9290];
	s3 =	smov.u32 s20;
	s20 =	sld [smem:$0x7DD]  }
0x25c: {  	v18 =	vld [tilespmem:s4+$0x1280];
	s4 =	sld [smem:$0x7E4]  }
0x25d: {  	[smem:$0x78D] =	sst s3  }
0x25e: {  	s11 =	smov.u32 s8;
	s3 =	sld [smem:$0x7CB]  }
0x25f: {  	s8 =	smov.u32 s7;
	[smem:$0x78A] =	sst s11  }
0x260: {  	s18 =	smov.u32 s13;
	[smem:$0x769] =	sst s8  }
0x261: {  	(xrf2) =	vadd.scan.msk.f32 $0xffff, v19;
	[smem:$0x76F] =	sst s18  }
0x262: {  	v19 =	vor.u32 $0x1, v10;
	s25 =	smov.u32 s21;
	s21 =	sld [smem:$0x7C9]  }
0x263: {  	s8 =	sld [smem:$0x7AC]  }
0x264: {  	(xrf2) =	vadd.scan.msk.f32 $0xffff, v12;
	s18 =	sld [smem:$0x7E9]  }
0x265: {  	v11 =	vmovc v4;
	v4 =	vmovc v5;
	v5 =	vmov v6;
	v6 =	vmov v7;
	v7 =	vmov v9;
	s11 =	smov.u32 s26;
	[smem:$0x767] =	sst s25  }
0x266: {  	v9, _, _ =	vpop (xrf2);
	v12 =	vshll.u32 v15, $0x2;
	v15 =	vor.u32 $0x4, v3;
	v14 =	vmul.f32 v20, v14;
	[dreg:$0xf] =	wrdreg s11  }
0x267: {  	[tilespmem:v19+s5+$0x0] =	vst.idx.msk vm0, v9;
	v19 =	vmul.f32 v23, v21;
	v12 =	vshra.s32 v12, $0x2;
	v9 =	vshll.u32 v22, $0x2;
	s0 =	sadd.s32 s15, s19;
	s25 =	sld [smem:$0x7E3]  }
0x268: {  	v9 =	vshra.s32 v9, $0x2;
	(v2sf) =	vpush v12, $0x0;
	s7 =	smov.u32 s4;
	s11 =	sld [smem:$0x7D0];
	v20 =	vld [tilespmem:s0+$0xD00]  }
0x269: {  	v21 =	vld [tilespmem:s0+$0xD10];
	s0 =	sadd.s32 s15, s20;
	v14 =	vadd.f32 v19, v14;
	(v2sf) =	vpush v9, $0x0;
	[smem:$0x7CB] =	sst s7  }
0x26a: {  	s20 =	sld [smem:$0x7AE];
	v19 =	vld [tilespmem:s0+$0x8D10];
	(v2sf) =	vpush v9, $0x1  }
0x26b: {  	v22 =	vor.u32 $0x7, v2;
	s7 =	sld [smem:$0x791];
	v16 =	vmul.f32 v17, v16;
	v17, _, _ =	vpop (xrf2);
	(xrf2) =	vadd.scan.msk.f32 $0xffff, v14  }
0x26c: {  	v13 =	vmul.f32 v13, v18;
	s19 =	smov.u32 s18;
	s18 =	sld [smem:$0x78F];
	v14 =	vld [tilespmem:s0+$0x8D00];
	[tilespmem:v15+s5+$0x0] =	vst.idx.msk vm0, v17;
	s0 =	sadd.s32 s28, s21  }
0x26d: {  	[smem:$0x7D0] =	sst s19;
	v15 =	vld [tilespmem:s0+$0xE80]  }
0x26e: {  	(v2sf) =	vpush v12, $0x1;
	s26 =	smov.u32 s25;
	s21 =	sld [smem:$0x7D1];
	v13 =	vadd.f32 v16, v13;
	v16 =	vld [tilespmem:s0+$0xE90];
	s0 =	sadd.s32 s28, s3  }
0x26f: {  	s13 =	smov.u32 s11;
	[smem:$0x7C9] =	sst s26;
	(v2sf) =	vpush v12, $0x2;
	v18 =	vld [tilespmem:s0+$0x8E80];
	v17 =	vmul.f32 v19, v21;
	v19, _, _ =	vpop (xrf2)  }
0x270: {  	[smem:$0x7AC] =	sst s13;
	(xrf2) =	vadd.scan.msk.f32 $0xffff, v13;
	v13 =	vld [tilespmem:s0+$0x8E90];
	s0 =	sadd.s32 s6, s8;
	[tilespmem:v22+s5+$0x0] =	vst.idx.msk vm0, v19  }
0x271: {  	s3 =	sld [smem:$0x7B8];
	(v2sf) =	vpush v9, $0x2;
	v14 =	vmul.f32 v14, v20;
	v20 =	vor.u32 $0xA, v1;
	v19 =	vld [tilespmem:s0+$0x1000]  }
0x272: {  	s26 =	smov.u32 s31;
	s13 =	sld [smem:$0x79F];
	v21 =	vld [tilespmem:s0+$0x1010];
	s0 =	sadd.s32 s6, s20  }
0x273: {  	[smem:$0x7D1] =	sst s26;
	(v2sf) =	vpush v12, $0x3;
	s25 =	smov.u32 s21;
	v22 =	vadd.f32 v17, v14;
	v17 =	vld [tilespmem:s0+$0x9000]  }
0x274: {  	s19 =	sadd.s32 s30, s18;
	[smem:$0x7AE] =	sst s25;
	s4 =	smov.u32 s3  }
0x275: {  	(v2sf) =	vpush v9, $0x3;
	s8 =	smov.u32 s9;
	s9 =	smov.u32 s24;
	[smem:$0x79E] =	sst s4;
	v14, _, _ =	vpop (xrf2)  }
0x276: {  	s24 =	sshra.s32 s1, $0x2;
	[smem:$0x76B] =	sst s8;
	v15 =	vmul.f32 v18, v15;
	v18 =	vld [tilespmem:s0+$0x9010];
	s0 =	sadd.s32 s23, s2;
	v13 =	vmul.f32 v13, v16;
	[tilespmem:v20+s5+$0x0] =	vst.idx.msk vm0, v14  }
0x277: {  	(v2sf) =	vpush v12, $0x4;
	[smem:$0x791] =	sst s9;
	s5 =	smov.u32 s22;
	v14 =	vld [tilespmem:s0+$0x1180];
	s11 =	spop (v2sf)  }
0x278: {  	(v2sf) =	vpush v9, $0x4;
	v13 =	vadd.f32 v13, v15;
	[smem:$0x7B8] =	sst s5;
	v15 =	vmul.f32 v17, v19;
	v17 =	vld [tilespmem:s0+$0x1190];
	s0 =	sadd.s32 s23, s13;
	s20 =	spop (v2sf)  }
0x279: {  	(v2sf) =	vpush v12, $0x5;
	s3 =	sand.u32 $0xFFFFFFE0, s11;
	s11 =	sld [smem:$0x7BA];
	s25 =	spop (v2sf)  }
0x27a: {  	(xrf2) =	vadd.scan.msk.f32 $0xffff, v22;
	v16 =	vor.u32 $0xD, v0;
	s22 =	sand.u32 $0xFFFFFFE0, s20;
	s20 =	smov.u32 s17;
	s26 =	sand.u32 $0xFFFFFFE0, s25  }
0x27b: {  	(v2sf) =	vpush v9, $0x5;
	s1 =	sadd.s32 s24, s3;
	[smem:$0x7BA] =	sst s20;
	s3 =	sadd.s32 s24, s26  }
0x27c: {  	(v2sf) =	vpush v9, $0x6;
	s13 =	smov.u32 s11;
	s26 =	smov.u32 s16;
	s16 =	rddreg [dreg:$0xc]  }
0x27d: {  	s21 =	simm.s32 $0x11000;
	(v2sf) =	vpush v12, $0x6;
	s2 =	spop (v2sf);
	[smem:$0x79F] =	sst s13  }
0x27e: {  	s4 =	sadd.s32 s30, s7;
	(v2sf) =	vpush v12, $0x7;
	(xrf2) =	vadd.scan.msk.f32 $0xffff, v13;
	v13 =	vmul.f32 v18, v21;
	v18 =	vld [tilespmem:s0+$0x9180];
	v19, _, _ =	vpop (xrf2);
	s7 =	spop (v2sf);
	[smem:$0x768] =	sst s26  }
0x27f: {  	(v2sf) =	vpush v9, $0x7;
	v20 =	vld [tilespmem:s0+$0x9190];
	[tilespmem:v16+s21+$0x0] =	vst.idx.msk vm0, v19;
	s0 =	sand.u32 $0xFFFFFFE0, s7;
	s17 =	smov.u32 s16;
	s16 =	sld [smem:$0x7DF]  }
0x280: {  	v16 =	vor.u32 $0x2, v10;
	v13 =	vadd.f32 v13, v15;
	v15 =	vld [tilespmem:s19+$0x1300];
	s9 =	spop (v2sf);
	[smem:$0x7DC] =	sst s0  }
0x281: {  	(v2sf) =	vpush v12, $0x8;
	s8 =	sadd.s32 s24, s22;
	v19 =	vld [tilespmem:s19+$0x1310];
	s18 =	sand.u32 $0xFFFFFFE0, s9;
	s9 =	rddreg [dreg:$0x17]  }
0x282: {  	s25 =	sand.u32 $0xFFFFFFE0, s2;
	(xrf2) =	vadd.scan.msk.f32 $0xffff, v13;
	v13 =	vld [tilespmem:s4+$0x9300];
	s19 =	spop (v2sf);
	[dreg:$0x17] =	wrdreg s17  }
0x283: {  	(v2sf) =	vpush v9, $0x8;
	s26 =	smov.u32 s10;
	v14 =	vmul.f32 v18, v14;
	v18 =	vld [tilespmem:s4+$0x9310];
	[smem:$0x7DD] =	sst s18;
	s4 =	sand.u32 $0xFFFFFFE0, s19  }
0x284: {  	(v2sf) =	vpush v12, $0x9;
	s22 =	spop (v2sf);
	v21, _, _ =	vpop (xrf2);
	s11 =	smov.u32 s9;
	s19 =	sld [smem:$0x7D7]  }
0x285: {  	(v2sf) =	vpush v9, $0x9;
	v17 =	vmul.f32 v20, v17;
	v20 =	vld [tilespmem:s1+$0xC00];
	s0 =	smov.u32 s14;
	s5 =	sand.u32 $0xFFFFFFE0, s22;
	[tilespmem:v16+s21+$0x0] =	vst.idx.msk vm0, v21;
	[smem:$0x78F] =	sst s11  }
0x286: {  	(v2sf) =	vpush v12, $0xA;
	s2 =	spop (v2sf);
	s17 =	sadd.s32 s15, s16;
	s16 =	sld [smem:$0x7E6];
	v16 =	vld [tilespmem:s8+$0x8C00]  }
0x287: {  	v22 =	vor.u32 $0x5, v3;
	(v2sf) =	vpush v9, $0xA;
	v14 =	vadd.f32 v17, v14;
	s11 =	smov.u32 s4;
	s13 =	spop (v2sf);
	v17 =	vld [tilespmem:s8+$0x8C10];
	s8 =	sld [smem:$0x7DE]  }
0x288: {  	(v2sf) =	vpush v12, $0xB;
	[smem:$0x7DE] =	sst s11;
	s18 =	spop (v2sf);
	s20 =	smov.u32 s19  }
0x289: {  	(v2sf) =	vpush v9, $0xB;
	s14 =	sand.u32 $0xFFFFFFE0, s2;
	[dreg:$0xc] =	wrdreg s20;
	s2 =	sand.u32 $0xFFFFFFE0, s18  }
0x28a: {  	(v2sf) =	vpush v12, $0xC;
	s7 =	spop (v2sf);
	s20 =	smov.u32 s5;
	[smem:$0x7E3] =	sst s2  }
0x28b: {  	v23 =	vor.u32 $0x8, v2;
	(v2sf) =	vpush v9, $0xC;
	v13 =	vmul.f32 v13, v15;
	v15 =	vld [tilespmem:s1+$0xC10];
	v21, _, _ =	vpop (xrf2);
	s9 =	sadd.s32 s15, s8;
	s10 =	spop (v2sf);
	[smem:$0x7DF] =	sst s20  }
0x28c: {  	s22 =	sand.u32 $0xFFFFFFE0, s13;
	(v2sf) =	vpush v9, $0xD;
	(xrf2) =	vadd.scan.msk.f32 $0xffff, v14;
	v14 =	vmul.f32 v18, v19;
	s2 =	sld [smem:$0x7A1];
	v18 =	vld [tilespmem:s9+$0xD80];
	[tilespmem:v22+s21+$0x0] =	vst.idx.msk vm0, v21;
	s13 =	spop (v2sf)  }
0x28d: {  	s1 =	sand.u32 $0xFFFFFFE0, s7;
	(v2sf) =	vpush v12, $0xD;
	v19 =	vld [tilespmem:s9+$0xD90];
	s19 =	spop (v2sf);
	s9 =	sld [smem:$0x7CC]  }
0x28e: {  	[smem:$0x7E4] =	sst s1;
	s1 =	sand.u32 $0xFFFFFFE0, s10;
	(v2sf) =	vpush v12, $0xE;
	v13 =	vadd.f32 v14, v13;
	s8 =	spop (v2sf)  }
0x28f: {  	v14 =	vmul.f32 v16, v20;
	s4 =	sand.u32 $0xFFFFFFE0, s13;
	(v2sf) =	vpush v9, $0xE;
	v16 =	vld [tilespmem:s17+$0x8D80];
	s13 =	sand.u32 $0xFFFFFFE0, s8;
	s8 =	sld [smem:$0x7CD]  }
0x290: {  	(v2sf) =	vpush v12, $0xF;
	v12 =	vld [tilespmem:s17+$0x8D90];
	v20, _, _ =	vpop (xrf2);
	(xrf2) =	vadd.scan.msk.f32 $0xffff, v13;
	v13 =	vmul.f32 v17, v15;
	s17 =	smov.u32 s16;
	s11 =	spop (v2sf);
	s10 =	sadd.s32 s28, s9  }
0x291: {  	s18 =	sand.u32 $0xFFFFFFE0, s19;
	[smem:$0x7CC] =	sst s17;
	s19 =	sand.u32 $0xFFFFFFE0, s11;
	v15 =	vld [tilespmem:s10+$0x8F00];
	[tilespmem:v23+s21+$0x0] =	vst.idx.msk vm0, v20  }
0x292: {  	s20 =	spop (v2sf);
	v13 =	vadd.f32 v13, v14;
	s11 =	sld [smem:$0x7B0];
	s9 =	sadd.s32 s28, s8;
	v17 =	vld [tilespmem:s10+$0x8F10]  }
0x293: {  	[smem:$0x7E9] =	sst s19;
	s31 =	sand.u32 $0xFFFFFFE0, s20;
	v14 =	vld [tilespmem:s9+$0xF10]  }
0x294: {  	s19 =	smov.u32 s1;
	s10 =	spop (v2sf);
	(xrf2) =	vadd.scan.msk.f32 $0xffff, v13;
	v13 =	vld [tilespmem:s9+$0xF00];
	s9 =	sld [smem:$0x7B2]  }
0x295: {  	s7 =	sadd.s32 s6, s11;
	s16 =	spop (v2sf);
	s11 =	sld [smem:$0x7E7]  }
0x296: {  	[smem:$0x7E6] =	sst s19;
	s17 =	sand.u32 $0xFFFFFFE0, s10;
	s20 =	spop (v2sf)  }
0x297: {  	v20 =	vor.u32 $0xB, v1;
	s19 =	sand.u32 $0xFFFFFFE0, s16;
	s1 =	sand.u32 $0xFFFFFFE0, s20;
	s10 =	spop (v2sf)  }
0x298: {  	(v2sf) =	vpush v9, $0xF;
	s5 =	sadd.s32 s6, s9;
	s16 =	smov.u32 s11;
	s8 =	sand.u32 $0xFFFFFFE0, s10  }
0x299: {  	s20 =	spop (v2sf);
	[smem:$0x7CD] =	sst s16;
	s9 =	sadd.s32 s24, s8  }
0x29a: {  	v16 =	vmul.f32 v16, v18;
	v12 =	vmul.f32 v12, v19;
	v18 =	vld [tilespmem:s7+$0x1090];
	s10 =	spop (v2sf);
	[smem:$0x7EE] =	sst s9;
	s9 =	sand.u32 $0xFFFFFFE0, s20  }
0x29b: {  	v21, _, _ =	vpop (xrf2);
	v19 =	vld [tilespmem:s5+$0x9080];
	s16 =	sand.u32 $0xFFFFFFE0, s10;
	s11 =	spop (v2sf);
	s20 =	smov.u32 s4  }
0x29c: {  	v12 =	vadd.f32 v12, v16;
	v16 =	vld [tilespmem:s5+$0x9090];
	[tilespmem:v20+s21+$0x0] =	vst.idx.msk vm0, v21;
	s10 =	sand.u32 $0xFFFFFFE0, s11;
	s8 =	spop (v2sf);
	s11 =	sld [smem:$0x7A3]  }
0x29d: {  	v22 =	vor.u32 $0xE, v0;
	s5 =	sadd.s32 s23, s2;
	v14 =	vmul.f32 v17, v14;
	v17 =	vld [tilespmem:s7+$0x1080];
	[smem:$0x7E7] =	sst s20;
	s4 =	spop (v2sf)  }
0x29e: {  	(xrf2) =	vadd.scan.msk.f32 $0xffff, v12;
	v12 =	vld [tilespmem:s5+$0x1200];
	s20 =	sld [smem:$0x7D2];
	s7 =	sand.u32 $0xFFFFFFE0, s4  }
0x29f: {  	v13 =	vmul.f32 v15, v13;
	v15 =	vld [tilespmem:s5+$0x1210];
	s5 =	sadd.s32 s23, s11;
	[smem:$0x7F1] =	sst s7  }
0x2a0: {  	s11 =	spop (v2sf);
	s7 =	sadd.s32 s30, s12;
	s12 =	sld [smem:$0x7EB]  }
0x2a1: {  	v10 =	vadd.s32 $0x10, v10;
	v20, _, _ =	vpop (xrf2);
	s2 =	smov.u32 s20;
	s20 =	sand.u32 $0xFFFFFFE0, s11;
	s11 =	sld [smem:$0x794]  }
0x2a2: {  	v21 =	vld [tilespmem:s5+$0x9200];
	[tilespmem:v22+s21+$0x0] =	vst.idx.msk vm0, v20;
	[smem:$0x7B0] =	sst s2;
	s2 =	spop (v2sf)  }
0x2a3: {  	v13 =	vadd.f32 v14, v13;
	v14 =	vmul.f32 v16, v18;
	v16 =	vld [tilespmem:s5+$0x9210];
	[smem:$0x7F3] =	sst s20;
	s4 =	sand.u32 $0xFFFFFFE0, s2;
	s20 =	smov.u32 s12  }
0x2a4: {  	v17 =	vmul.f32 v19, v17;
	v18 =	vld [tilespmem:s7+$0x1380];
	s2 =	spop (v2sf);
	[smem:$0x7D2] =	sst s20;
	s5 =	sadd.s32 s30, s11  }
0x2a5: {  	(xrf2) =	vadd.scan.msk.f32 $0xffff, v13;
	v19, _, _ =	vpop (xrf2);
	v13 =	vld [tilespmem:s7+$0x1390];
	s11 =	smov.u32 s17;
	s17 =	smov.u32 s19;
	s19 =	sld [smem:$0x766]  }
0x2a6: {  	s12 =	sand.u32 $0xFFFFFFE0, s2;
	v14 =	vadd.f32 v14, v17;
	s20 =	spop (v2sf);
	v17 =	vld [tilespmem:s5+$0x9380];
	[tilespmem:v10+s21+$0x0] =	vst.idx.msk vm0, v19;
	[smem:$0x7EB] =	sst s11  }
0x2a7: {  	s7 =	sand.u32 $0xFFFFFFE0, s20;
	s2 =	spop (v2sf);
	s20 =	sld [smem:$0x7D3];
	v19 =	vld [tilespmem:s5+$0x9390]  }
0x2a8: {  	v0 =	vmovc v1;
	v1 =	vmovc v2;
	v2 =	vmov v3;
	v3 =	vmov v8;
	v12 =	vmul.f32 v21, v12;
	s5 =	sadd.s32 s24, s25;
	v21 =	vld [tilespmem:s3+$0x8C80];
	s25 =	sand.u32 $0xFFFFFFE0, s2;
	s2 =	rddreg [dreg:$0x15]  }
0x2a9: {  	v20 =	vor.u32 $0x3, v3;
	s30 =	smov.u32 s23;
	s23 =	smov.u32 s6;
	(xrf2) =	vadd.scan.msk.f32 $0xffff, v14;
	v14 =	vmul.f32 v16, v15;
	v15 =	vld [tilespmem:s3+$0x8C90];
	s3 =	sld [smem:$0x7EC]  }
0x2aa: {  	s6 =	smov.u32 s28;
	s28 =	smov.u32 s15;
	[smem:$0x7EC] =	sst s17  }
0x2ab: {  	s17 =	smov.u32 s10;
	s10 =	smov.u32 s4;
	s4 =	sld [smem:$0x7E8]  }
0x2ac: {  	s15 =	smov.u32 s24;
	s24 =	smov.u32 s20;
	s20 =	rddreg [dreg:$0x1b]  }
0x2ad: {  	v16, _, _ =	vpop (xrf2);
	[smem:$0x7B2] =	sst s24  }
0x2ae: {  	v12 =	vadd.f32 v14, v12;
	v14 =	vld [tilespmem:s5+$0xC90];
	[tilespmem:v20+s21+$0x0] =	vst.idx.msk vm0, v16;
	s21 =	sld [smem:$0x767]  }
0x2af: {  	s24 =	smov.u32 s20;
	s20 =	sld [smem:$0x7F0]  }
0x2b0: {  	[smem:$0x7F0] =	sst s17  }
0x2b1: {  	s17 =	smov.u32 s0;
	s0 =	rddreg [dreg:$0x7]  }
0x2b2: {  	[smem:$0x7A1] =	sst s24  }
0x2b3: {  	s11 =	smov.u32 s3;
	s3 =	sld [smem:$0x7E0]  }
0x2b4: {  	[smem:$0x7D3] =	sst s11  }
0x2b5: {  	s11 =	smov.u32 s2;
	s2 =	rddreg [dreg:$0x13]  }
0x2b6: {  	[dreg:$0x13] =	wrdreg s17  }
0x2b7: {  	s17 =	sld [smem:$0x768]  }
0x2b8: {  	[dreg:$0x1b] =	wrdreg s11  }
0x2b9: {  	s8 =	sand.u32 $0xFFFFFFE0, s8;
	s24 =	smov.u32 s20;
	s20 =	rddreg [dreg:$0x19]  }
0x2ba: {  	s11 =	smov.u32 s14;
	s14 =	smov.u32 s8;
	s8 =	sld [smem:$0x7D8]  }
0x2bb: {  	[dreg:$0x15] =	wrdreg s24  }
0x2bc: {  	[smem:$0x7E0] =	sst s11  }
0x2bd: {  	s24 =	smov.u32 s20;
	s11 =	smov.u32 s2;
	s2 =	rddreg [dreg:$0x9]  }
0x2be: {  	s20 =	smov.u32 s26;
	s26 =	smov.u32 s22;
	s22 =	sld [smem:$0x76A]  }
0x2bf: {  	[smem:$0x7A3] =	sst s24  }
0x2c0: {  	[dreg:$0x19] =	wrdreg s11  }
0x2c1: {  	[smem:$0x7D7] =	sst s20  }
0x2c2: {  	s20 =	sld [smem:$0x769]  }
0x2c3: {  	s24 =	sld [smem:$0x7E2]  }
0x2c4: {  	[smem:$0x7E2] =	sst s26  }
0x2c5: {  	s11 =	smov.u32 s8;
	s8 =	smov.u32 s4;
	s4 =	sld [smem:$0x7DA]  }
0x2c6: {  	[dreg:$0x9] =	wrdreg s11  }
0x2c7: {  	v16 =	vor.u32 $0x6, v2;
	s3 =	sadd.s32 s28, s3;
	s26 =	smov.u32 s22;
	s22 =	sld [smem:$0x76B]  }
0x2c8: {  	v17 =	vmul.f32 v17, v18;
	v18 =	vld [tilespmem:s5+$0xC80];
	s11 =	smov.u32 s12;
	s12 =	smov.u32 s18;
	s18 =	sld [smem:$0x76C]  }
0x2c9: {  	(xrf2) =	vadd.scan.msk.f32 $0xffff, v12;
	v12 =	vmul.f32 v19, v13;
	v19 =	vld [tilespmem:s3+$0xE00];
	[smem:$0x7D8] =	sst s26  }
0x2ca: {  	s5 =	simm.s32 $0x11000;
	v20 =	vld [tilespmem:s3+$0xE10];
	s3 =	sadd.s32 s28, s24;
	[smem:$0x7E8] =	sst s12  }
0x2cb: {  	v13, _, _ =	vpop (xrf2);
	s24 =	smov.u32 s2;
	s26 =	rddreg [dreg:$0xb];
	s2 =	smov.u32 s0  }
0x2cc: {  	v12 =	vadd.f32 v12, v17;
	v17 =	vld [tilespmem:s3+$0x8E00];
	[tilespmem:v16+s5+$0x0] =	vst.idx.msk vm0, v13;
	[dreg:$0xb] =	wrdreg s2  }
0x2cd: {  	v13 =	vmul.f32 v21, v18;
	v18 =	vld [tilespmem:s3+$0x8E10];
	s3 =	sld [smem:$0x7CE]  }
0x2ce: {  	s12 =	smov.u32 s26;
	[smem:$0x7CE] =	sst s8  }
0x2cf: {  	v22 =	vor.u32 $0x9, v1;
	s26 =	smov.u32 s18;
	s18 =	smov.u32 s13;
	s13 =	sld [smem:$0x76D]  }
0x2d0: {  	s8 =	sld [smem:$0x7CF]  }
0x2d1: {  	[smem:$0x7CF] =	sst s26  }
0x2d2: {  	v14 =	vmul.f32 v15, v14;
	s3 =	sadd.s32 s6, s3;
	s26 =	smov.u32 s13;
	s13 =	sld [smem:$0x76E]  }
0x2d3: {  	(xrf2) =	vadd.scan.msk.f32 $0xffff, v12;
	v15, _, _ =	vpop (xrf2);
	v12 =	vld [tilespmem:s3+$0xF80];
	[smem:$0x7DA] =	sst s26  }
0x2d4: {  	v14 =	vadd.f32 v14, v13;
	v13 =	vld [tilespmem:s3+$0xF90];
	s3 =	sadd.s32 s6, s8;
	[tilespmem:v22+s5+$0x0] =	vst.idx.msk vm0, v15;
	s8 =	smov.u32 s4;
	s4 =	rddreg [dreg:$0x1f]  }
0x2d5: {  	v15 =	vld [tilespmem:s3+$0x8F80];
	[dreg:$0x7] =	wrdreg s8  }
0x2d6: {  	s8 =	smov.u32 s7;
	v16 =	vld [tilespmem:s3+$0x8F90];
	s3 =	sld [smem:$0x7B4];
	s7 =	smov.u32 s4  }
0x2d7: {  	s4 =	smov.u32 s29;
	[smem:$0x7B4] =	sst s7  }
.Ltmp1:
0x2d8: {  	[smem:$0x794] =	sst s4;
	(pc) =	sbr.rel @p0 .LBB2_4-.Ltmp1, $4  }
0x2d9: {  	s26 =	smov.u32 s13;
	s13 =	sld [smem:$0x770]  }
0x2da: {  	s4 =	sld [smem:$0x771]  }
0x2db: {  	v9 =	vor.u32 $0xF, v10;
	v8 =	vmov v10;
	[dreg:$0x1f] =	wrdreg s26;
	s3 =	sadd.s32 s23, s3  }
0x2dc: {  	(xrf2) =	vadd.scan.msk.f32 $0xffff, v14;
	v19 =	vmul.f32 v17, v19;
	v17 =	vor.u32 $0xC, v0;
	v20 =	vmul.f32 v18, v20;
	v18, _, _ =	vpop (xrf2);
	s7 =	smov.u32 s1;
	s26 =	sld [smem:$0x76F];
	v14 =	vld [tilespmem:s3+$0x1100];
	s29 =	smov.u32 s13  }
0x2dd: {  	_ =	sdelay $0x4  }
0x2de: {  	s0 =	sld [smem:$0x79C];
	v23 =	vor.u32 $0x1, v10;
	v19 =	vadd.f32 v20, v19  }
0x2df: {  	[tilespmem:v17+s5+$0x0] =	vst.idx.msk vm0, v18  }
0x2e0: {  	v21 =	vld [tilespmem:s3+$0x1110];
	s1 =	sld [smem:$0x78A]  }
0x2e1: {  	v17, _, _ =	vpop (xrf2);
	v20 =	vld [tilespmem:s0+$0x9100]  }
0x2e2: {  	s2 =	sld [smem:$0x78D];
	v22 =	vld [tilespmem:s0+$0x9110];
	(xrf2) =	vadd.scan.msk.f32 $0xffff, v19;
	v19, _, _ =	vpop (xrf2)  }
0x2e3: {  	v12 =	vmul.f32 v15, v12;
	v13 =	vmul.f32 v16, v13;
	s1 =	sadd.s32 s30, s1;
	[tilespmem:v23+s5+$0x0] =	vst.idx.msk vm0, v19  }
0x2e4: {  	v15 =	vld [tilespmem:s1+$0x9280];
	s4 =	sld [smem:$0x7DC]  }
0x2e5: {  	v12 =	vadd.f32 v13, v12;
	s3 =	sadd.s32 s30, s2;
	v16 =	vld [tilespmem:s1+$0x9290]  }
0x2e6: {  	v13 =	vld [tilespmem:s3+$0x1290];
	s13 =	sld [smem:$0x7DD]  }
0x2e7: {  	(xrf2) =	vadd.scan.msk.f32 $0xffff, v12;
	v18 =	vld [tilespmem:s3+$0x1280];
	v14 =	vmul.f32 v20, v14;
	v12 =	vmul.f32 v22, v21;
	s0 =	sadd.s32 s15, s4  }
0x2e8: {  	v19 =	vld [tilespmem:s0+$0xD00]  }
0x2e9: {  	v21 =	vor.u32 $0x4, v3;
	v12 =	vadd.f32 v12, v14;
	v20 =	vld [tilespmem:s0+$0xD10];
	s0 =	sadd.s32 s15, s13  }
0x2ea: {  	v14 =	vld [tilespmem:s0+$0x8D10]  }
0x2eb: {  	(xrf2) =	vadd.scan.msk.f32 $0xffff, v12;
	v22 =	vld [tilespmem:s0+$0x8D00];
	_ =	sdelay $0x1  }
0x2ec: {  	v13 =	vmul.f32 v16, v13;
	v16 =	vor.u32 $0x7, v2;
	v12 =	vmul.f32 v15, v18;
	v15, _, _ =	vpop (xrf2)  }
0x2ed: {  	[tilespmem:v21+s5+$0x0] =	vst.idx.msk vm0, v15  }
0x2ee: {  	v12 =	vadd.f32 v13, v12;
	s1 =	sld [smem:$0x7C9]  }
0x2ef: {  	v14 =	vmul.f32 v14, v20;
	v15 =	vmul.f32 v22, v19  }
0x2f0: {  	s2 =	sld [smem:$0x7CB];
	(xrf2) =	vadd.scan.msk.f32 $0xffff, v12;
	v19, _, _ =	vpop (xrf2);
	v20 =	vor.u32 $0xA, v1  }
0x2f1: {  	s0 =	sadd.s32 s28, s1;
	[tilespmem:v16+s5+$0x0] =	vst.idx.msk vm0, v19;
	v14 =	vadd.f32 v14, v15  }
0x2f2: {  	v13 =	vld [tilespmem:s0+$0xE80];
	s3 =	sld [smem:$0x7AC]  }
0x2f3: {  	v12 =	vld [tilespmem:s0+$0xE90];
	s0 =	sadd.s32 s28, s2;
	(xrf2) =	vadd.scan.msk.f32 $0xffff, v14  }
0x2f4: {  	v18 =	vld [tilespmem:s0+$0x8E80];
	v19, _, _ =	vpop (xrf2);
	s4 =	sld [smem:$0x7AE]  }
0x2f5: {  	v21 =	vld [tilespmem:s0+$0x8E90];
	s0 =	sadd.s32 s6, s3;
	[tilespmem:v20+s5+$0x0] =	vst.idx.msk vm0, v19  }
0x2f6: {  	v22 =	vor.u32 $0xD, v0;
	v15 =	vld [tilespmem:s0+$0x1000];
	s13 =	sld [smem:$0x79E]  }
0x2f7: {  	v16 =	vld [tilespmem:s0+$0x1010];
	s0 =	sadd.s32 s6, s4  }
0x2f8: {  	s1 =	sld [smem:$0x79F];
	v14 =	vld [tilespmem:s0+$0x9000]  }
0x2f9: {  	v10 =	vor.u32 $0x2, v10;
	v23 =	vld [tilespmem:s0+$0x9010];
	s0 =	sadd.s32 s23, s13  }
0x2fa: {  	v13 =	vmul.f32 v18, v13;
	v12 =	vmul.f32 v21, v12;
	v20, _, _ =	vpop (xrf2);
	s2 =	sld [smem:$0x78F];
	v18 =	vld [tilespmem:s0+$0x1180]  }
0x2fb: {  	[tilespmem:v22+s5+$0x0] =	vst.idx.msk vm0, v20;
	v19 =	vld [tilespmem:s0+$0x1190];
	s0 =	sadd.s32 s23, s1  }
0x2fc: {  	v12 =	vadd.f32 v12, v13;
	s3 =	sld [smem:$0x791];
	v13 =	vld [tilespmem:s0+$0x9180]  }
0x2fd: {  	v21 =	vld [tilespmem:s0+$0x9190];
	s0 =	sadd.s32 s30, s2;
	v22, _, _ =	vpop (xrf2)  }
0x2fe: {  	(xrf2) =	vadd.scan.msk.f32 $0xffff, v12;
	v14 =	vmul.f32 v14, v15;
	v12 =	vmul.f32 v23, v16;
	v15 =	vld [tilespmem:s0+$0x1300];
	[tilespmem:v10+s5+$0x0] =	vst.idx.msk vm0, v22  }
0x2ff: {  	v16 =	vld [tilespmem:s0+$0x1310];
	s0 =	sadd.s32 s30, s3;
	s4 =	sld [smem:$0x7DE]  }
0x300: {  	v20 =	vld [tilespmem:s0+$0x9310];
	v12 =	vadd.f32 v12, v14  }
0x301: {  	v14 =	vld [tilespmem:s0+$0x9300];
	s13 =	sld [smem:$0x7DF]  }
0x302: {  	(xrf2) =	vadd.scan.msk.f32 $0xffff, v12;
	v12 =	vmul.f32 v13, v18;
	v13 =	vmul.f32 v21, v19;
	s0 =	sadd.s32 s15, s4  }
0x303: {  	v10 =	vld [tilespmem:s0+$0xD80]  }
0x304: {  	v12 =	vadd.f32 v13, v12;
	v18 =	vld [tilespmem:s0+$0xD90];
	s0 =	sadd.s32 s15, s13  }
0x305: {  	v19 =	vor.u32 $0x5, v3;
	v13 =	vld [tilespmem:s0+$0x8D80]  }
0x306: {  	v14 =	vmul.f32 v14, v15;
	(xrf2) =	vadd.scan.msk.f32 $0xffff, v12;
	v12 =	vmul.f32 v20, v16;
	v21 =	vld [tilespmem:s0+$0x8D90];
	_ =	sdelay $0x1  }
0x307: {  	v12 =	vadd.f32 v12, v14  }
0x308: {  	v15, _, _ =	vpop (xrf2);
	v16 =	vor.u32 $0x8, v2  }
0x309: {  	[tilespmem:v19+s5+$0x0] =	vst.idx.msk vm0, v15;
	(xrf2) =	vadd.scan.msk.f32 $0xffff, v12  }
0x30a: {  	s1 =	sld [smem:$0x7CC];
	v10 =	vmul.f32 v13, v10;
	v13 =	vmul.f32 v21, v18;
	_ =	sdelay $0x1  }
0x30b: {  	s2 =	sld [smem:$0x7CD];
	v15, _, _ =	vpop (xrf2);
	v18 =	vor.u32 $0xB, v1;
	v10 =	vadd.f32 v13, v10  }
0x30c: {  	s0 =	sadd.s32 s28, s1;
	[tilespmem:v16+s5+$0x0] =	vst.idx.msk vm0, v15  }
0x30d: {  	v12 =	vld [tilespmem:s0+$0x8F00];
	s3 =	sld [smem:$0x7B2];
	(xrf2) =	vadd.scan.msk.f32 $0xffff, v10  }
0x30e: {  	v0 =	vor.u32 $0xE, v0;
	v14 =	vld [tilespmem:s0+$0x8F10];
	s0 =	sadd.s32 s28, s2  }
0x30f: {  	v19 =	vld [tilespmem:s0+$0xF10];
	s4 =	sld [smem:$0x7B0];
	v16, _, _ =	vpop (xrf2)  }
0x310: {  	v20 =	vld [tilespmem:s0+$0xF00];
	s0 =	sadd.s32 s6, s3;
	[tilespmem:v18+s5+$0x0] =	vst.idx.msk vm0, v16  }
0x311: {  	v13 =	vld [tilespmem:s0+$0x9080];
	s13 =	sld [smem:$0x7A1]  }
0x312: {  	v15 =	vld [tilespmem:s0+$0x9090];
	s0 =	sadd.s32 s6, s4;
	s1 =	sld [smem:$0x7A3];
	[tilespmem:v11+s5+$0x0] =	vst.idx.msk vm0, v17;
	v11, _, _ =	vpop (xrf2)  }
0x313: {  	v10 =	vld [tilespmem:s0+$0x1090];
	[tilespmem:v0+s5+$0x0] =	vst.idx.msk vm0, v11;
	v0 =	vor.u32 $0x3, v8  }
0x314: {  	v21 =	vld [tilespmem:s0+$0x1080];
	s0 =	sadd.s32 s23, s13  }
0x315: {  	v16 =	vld [tilespmem:s0+$0x1200]  }
0x316: {  	s2 =	sadd.s32 s30, s12;
	v14 =	vmul.f32 v14, v19;
	v12 =	vmul.f32 v12, v20;
	v18 =	vld [tilespmem:s0+$0x1210]  }
0x317: {  	v19 =	vld [tilespmem:s2+$0x1380];
	s3 =	sld [smem:$0x794];
	v22, _, _ =	vpop (xrf2)  }
0x318: {  	v12 =	vadd.f32 v14, v12;
	s0 =	sadd.s32 s23, s1;
	v20 =	vld [tilespmem:s2+$0x1390];
	[tilespmem:v0+s5+$0x0] =	vst.idx.msk vm0, v22  }
0x319: {  	v17 =	vld [tilespmem:s0+$0x9200];
	s4 =	sld [smem:$0x7E0]  }
0x31a: {  	v11 =	vld [tilespmem:s0+$0x9210];
	s0 =	sadd.s32 s30, s3;
	(xrf2) =	vadd.scan.msk.f32 $0xffff, v12  }
0x31b: {  	v14 =	vld [tilespmem:s0+$0x9380];
	s12 =	sld [smem:$0x7E2]  }
0x31c: {  	v23 =	vld [tilespmem:s0+$0x9390];
	v0 =	vmul.f32 v15, v10;
	v10 =	vmul.f32 v13, v21;
	s0 =	sadd.s32 s15, s4  }
0x31d: {  	v12 =	vld [tilespmem:s0+$0xE00]  }
0x31e: {  	v0 =	vadd.f32 v0, v10;
	v13 =	vld [tilespmem:s0+$0xE10];
	s0 =	sadd.s32 s15, s12  }
0x31f: {  	v16 =	vmul.f32 v17, v16;
	v10 =	vld [tilespmem:s0+$0x8E00]  }
0x320: {  	(xrf2) =	vadd.scan.msk.f32 $0xffff, v0;
	v0 =	vmul.f32 v11, v18;
	v11 =	vor.u32 $0x6, v3;
	v14 =	vmul.f32 v14, v19;
	v15 =	vld [tilespmem:s0+$0x8E10];
	_ =	sdelay $0x1  }
0x321: {  	v0 =	vadd.f32 v0, v16;
	v16 =	vmul.f32 v23, v20;
	_ =	sdelay $0x1  }
0x322: {  	(xrf2) =	vadd.scan.msk.f32 $0xffff, v0;
	v0 =	vmul.f32 v10, v12;
	v12 =	vadd.f32 v16, v14;
	v14, _, _ =	vpop (xrf2)  }
0x323: {  	v10 =	vmul.f32 v15, v13;
	[tilespmem:v11+s5+$0x0] =	vst.idx.msk vm0, v14  }
0x324: {  	s13 =	sld [smem:$0x7CE]  }
0x325: {  	v0 =	vadd.f32 v10, v0  }
0x326: {  	v13 =	vor.u32 $0x9, v2;
	(xrf2) =	vadd.scan.msk.f32 $0xffff, v12;
	s1 =	sld [smem:$0x7CF]  }
0x327: {  	(xrf2) =	vadd.scan.msk.f32 $0xffff, v0;
	s0 =	sadd.s32 s28, s13  }
0x328: {  	v10 =	vld [tilespmem:s0+$0xF80]  }
0x329: {  	v0 =	vld [tilespmem:s0+$0xF90];
	s0 =	sadd.s32 s28, s1  }
0x32a: {  	v14 =	vor.u32 $0xC, v1;
	v11, _, _ =	vpop (xrf2);
	v12 =	vld [tilespmem:s0+$0x8F80]  }
0x32b: {  	[tilespmem:v13+s5+$0x0] =	vst.idx.msk vm0, v11;
	v15 =	vld [tilespmem:s0+$0x8F90]  }
0x32c: {  	s3 =	sld [smem:$0x7B6]  }
0x32d: {  	v18 =	vor.u32 $0x4, v8;
	s2 =	sld [smem:$0x7B4]  }
0x32e: {  	v16, _, _ =	vpop (xrf2)  }
0x32f: {  	[tilespmem:v14+s5+$0x0] =	vst.idx.msk vm0, v16;
	v17 =	vld [tilespmem:s3+$0x9100]  }
0x330: {  	s0 =	sadd.s32 s6, s2;
	v19 =	vld [tilespmem:s3+$0x9110];
	s4 =	sld [smem:$0x7A5];
	v10 =	vmul.f32 v12, v10;
	v12 =	vmul.f32 v15, v0;
	v0, _, _ =	vpop (xrf2)  }
0x331: {  	v11 =	vld [tilespmem:s0+$0x1100];
	v16, _, _ =	vpop (xrf2)  }
0x332: {  	s12 =	sadd.s32 s23, s20;
	v13 =	vld [tilespmem:s0+$0x1110];
	[tilespmem:v18+s5+$0x0] =	vst.idx.msk vm0, v16  }
0x333: {  	v20 =	vld [tilespmem:s12+$0x1280];
	s0 =	sadd.s32 s23, s4;
	v10 =	vadd.f32 v12, v10;
	s13 =	sld [smem:$0x7E3]  }
0x334: {  	v14 =	vld [tilespmem:s0+$0x9280]  }
0x335: {  	v15 =	vld [tilespmem:s0+$0x9290];
	(xrf2) =	vadd.scan.msk.f32 $0xffff, v10;
	s20 =	sld [smem:$0x7E4]  }
0x336: {  	v12 =	vld [tilespmem:s12+$0x1290];
	s0 =	sadd.s32 s15, s13  }
0x337: {  	v11 =	vmul.f32 v17, v11;
	v10 =	vmul.f32 v19, v13;
	v13 =	vld [tilespmem:s0+$0xE80]  }
0x338: {  	v16 =	vld [tilespmem:s0+$0xE90];
	s0 =	sadd.s32 s15, s20  }
0x339: {  	v10 =	vadd.f32 v10, v11;
	v11 =	vld [tilespmem:s0+$0x8E80]  }
0x33a: {  	v17 =	vld [tilespmem:s0+$0x8E90]  }
0x33b: {  	v12 =	vmul.f32 v15, v12;
	(xrf2) =	vadd.scan.msk.f32 $0xffff, v10;
	v10 =	vmul.f32 v14, v20;
	v14 =	vor.u32 $0x7, v3;
	_ =	sdelay $0x1  }
0x33c: {  	v10 =	vadd.f32 v12, v10;
	_ =	sdelay $0x1  }
0x33d: {  	(xrf2) =	vadd.scan.msk.f32 $0xffff, v10;
	v10 =	vmul.f32 v11, v13;
	v11 =	vmul.f32 v17, v16;
	v12, _, _ =	vpop (xrf2)  }
0x33e: {  	[tilespmem:v14+s5+$0x0] =	vst.idx.msk vm0, v12  }
0x33f: {  	v13 =	vor.u32 $0xA, v2;
	v10 =	vadd.f32 v11, v10;
	s1 =	sld [smem:$0x7D0];
	_ =	sdelay $0x1  }
0x340: {  	s2 =	sld [smem:$0x7D1];
	(xrf2) =	vadd.scan.msk.f32 $0xffff, v10  }
0x341: {  	s0 =	sadd.s32 s28, s1  }
0x342: {  	v14, _, _ =	vpop (xrf2);
	v11 =	vld [tilespmem:s0+$0x1000]  }
0x343: {  	[tilespmem:v13+s5+$0x0] =	vst.idx.msk vm0, v14;
	v10 =	vld [tilespmem:s0+$0x1010];
	s0 =	sadd.s32 s28, s2  }
0x344: {  	s3 =	sld [smem:$0x7B8];
	v12 =	vld [tilespmem:s0+$0x9000]  }
0x345: {  	v15 =	vor.u32 $0xD, v1;
	v16 =	vld [tilespmem:s0+$0x9010]  }
0x346: {  	v19 =	vor.u32 $0x5, v8;
	s4 =	sld [smem:$0x7BA]  }
0x347: {  	s0 =	sadd.s32 s6, s3  }
0x348: {  	v13 =	vld [tilespmem:s0+$0x1180]  }
0x349: {  	v18, _, _ =	vpop (xrf2);
	v14 =	vld [tilespmem:s0+$0x1190];
	s0 =	sadd.s32 s6, s4  }
0x34a: {  	s12 =	rddreg [dreg:$0x17];
	[tilespmem:v15+s5+$0x0] =	vst.idx.msk vm0, v18;
	v17 =	vld [tilespmem:s0+$0x9180];
	v11 =	vmul.f32 v12, v11;
	v10 =	vmul.f32 v16, v10;
	v16, _, _ =	vpop (xrf2)  }
0x34b: {  	s13 =	sadd.s32 s23, s24;
	v20 =	vld [tilespmem:s0+$0x9190];
	[tilespmem:v19+s5+$0x0] =	vst.idx.msk vm0, v16  }
0x34c: {  	v18 =	vld [tilespmem:s13+$0x9310];
	s0 =	sadd.s32 s23, s12;
	v10 =	vadd.f32 v10, v11;
	s20 =	sld [smem:$0x7E6]  }
0x34d: {  	v12 =	vld [tilespmem:s0+$0x1300]  }
0x34e: {  	v15 =	vld [tilespmem:s0+$0x1310];
	(xrf2) =	vadd.scan.msk.f32 $0xffff, v10;
	s24 =	sld [smem:$0x7E7]  }
0x34f: {  	v11 =	vld [tilespmem:s13+$0x9300];
	s0 =	sadd.s32 s15, s20  }
0x350: {  	v10 =	vmul.f32 v17, v13;
	v13 =	vmul.f32 v20, v14;
	v14 =	vld [tilespmem:s0+$0x8F00]  }
0x351: {  	v16 =	vld [tilespmem:s0+$0x8F10];
	s0 =	sadd.s32 s15, s24  }
0x352: {  	v10 =	vadd.f32 v13, v10;
	v13 =	vld [tilespmem:s0+$0xF10]  }
0x353: {  	v17 =	vld [tilespmem:s0+$0xF00]  }
0x354: {  	v11 =	vmul.f32 v11, v12;
	v12 =	vor.u32 $0x8, v3;
	(xrf2) =	vadd.scan.msk.f32 $0xffff, v10;
	v10 =	vmul.f32 v18, v15;
	_ =	sdelay $0x1  }
0x355: {  	v10 =	vadd.f32 v10, v11;
	_ =	sdelay $0x1  }
0x356: {  	(xrf2) =	vadd.scan.msk.f32 $0xffff, v10;
	v10 =	vmul.f32 v16, v13;
	v11 =	vmul.f32 v14, v17;
	v13, _, _ =	vpop (xrf2)  }
0x357: {  	[tilespmem:v12+s5+$0x0] =	vst.idx.msk vm0, v13  }
0x358: {  	v14 =	vor.u32 $0xB, v2;
	v10 =	vadd.f32 v10, v11;
	s1 =	sld [smem:$0x7D3];
	_ =	sdelay $0x1  }
0x359: {  	s2 =	sld [smem:$0x7D2];
	(xrf2) =	vadd.scan.msk.f32 $0xffff, v10  }
0x35a: {  	s0 =	sadd.s32 s28, s1  }
0x35b: {  	v13, _, _ =	vpop (xrf2);
	v11 =	vld [tilespmem:s0+$0x9080]  }
0x35c: {  	[tilespmem:v14+s5+$0x0] =	vst.idx.msk vm0, v13;
	v10 =	vld [tilespmem:s0+$0x9090];
	s0 =	sadd.s32 s28, s2  }
0x35d: {  	v1 =	vor.u32 $0xE, v1;
	s3 =	rddreg [dreg:$0x1b];
	v12 =	vld [tilespmem:s0+$0x1090]  }
0x35e: {  	v15 =	vld [tilespmem:s0+$0x1080];
	s0 =	sadd.s32 s6, s3  }
0x35f: {  	v18 =	vor.u32 $0x6, v8;
	s4 =	rddreg [dreg:$0x19];
	v13 =	vld [tilespmem:s0+$0x1200]  }
0x360: {  	v14 =	vld [tilespmem:s0+$0x1210];
	s0 =	sadd.s32 s6, s4  }
0x361: {  	v16, _, _ =	vpop (xrf2);
	v17 =	vld [tilespmem:s0+$0x9200]  }
0x362: {  	s13 =	sadd.s32 s23, s29;
	v19 =	vld [tilespmem:s0+$0x9210];
	[tilespmem:v1+s5+$0x0] =	vst.idx.msk vm0, v16  }
0x363: {  	s12 =	rddreg [dreg:$0xb];
	v20 =	vld [tilespmem:s13+$0x9380];
	v21, _, _ =	vpop (xrf2)  }
0x364: {  	v22 =	vld [tilespmem:s13+$0x9390];
	s0 =	sadd.s32 s23, s12;
	[tilespmem:v18+s5+$0x0] =	vst.idx.msk vm0, v21  }
0x365: {  	v1 =	vld [tilespmem:s0+$0x1380];
	v10 =	vmul.f32 v10, v12;
	v11 =	vmul.f32 v11, v15;
	s20 =	sld [smem:$0x7E8]  }
0x366: {  	s23 =	sadd.s32 s15, s18;
	v16 =	vld [tilespmem:s0+$0x1390]  }
0x367: {  	v10 =	vadd.f32 v10, v11;
	v11 =	vld [tilespmem:s23+$0x8F80]  }
0x368: {  	v18 =	vld [tilespmem:s23+$0x8F90];
	s0 =	sadd.s32 s15, s20  }
0x369: {  	(xrf2) =	vadd.scan.msk.f32 $0xffff, v10;
	v12 =	vld [tilespmem:s0+$0xF80]  }
0x36a: {  	v13 =	vmul.f32 v17, v13;
	v10 =	vmul.f32 v19, v14;
	v15 =	vld [tilespmem:s0+$0xF90];
	_ =	sdelay $0x1  }
0x36b: {  	v1 =	vmul.f32 v20, v1;
	v10 =	vadd.f32 v10, v13;
	v13 =	vmul.f32 v22, v16;
	_ =	sdelay $0x1  }
0x36c: {  	v1 =	vadd.f32 v13, v1  }
0x36d: {  	(xrf2) =	vadd.scan.msk.f32 $0xffff, v10;
	v10 =	vmul.f32 v11, v12;
	v11 =	vmul.f32 v18, v15;
	v12 =	vor.u32 $0x9, v3;
	_ =	sdelay $0x1  }
0x36e: {  	v10 =	vadd.f32 v11, v10  }
0x36f: {  	(xrf2) =	vadd.scan.msk.f32 $0xffff, v1  }
0x370: {  	v1, _, _ =	vpop (xrf2);
	(xrf2) =	vadd.scan.msk.f32 $0xffff, v10  }
0x371: {  	[tilespmem:v12+s5+$0x0] =	vst.idx.msk vm0, v1  }
0x372: {  	v10 =	vor.u32 $0xC, v2;
	s24 =	rddreg [dreg:$0x1f]  }
0x373: {  	s1 =	sld [smem:$0x7D4];
	s0 =	sadd.s32 s28, s24  }
0x374: {  	v11 =	vld [tilespmem:s0+$0x1100]  }
0x375: {  	v12 =	vld [tilespmem:s0+$0x1110]  }
0x376: {  	v14 =	vor.u32 $0x7, v8;
	v1, _, _ =	vpop (xrf2);
	v13 =	vld [tilespmem:s1+$0x9100]  }
0x377: {  	v15 =	vld [tilespmem:s1+$0x9110];
	[tilespmem:v10+s5+$0x0] =	vst.idx.msk vm0, v1  }
0x378: {  	s2 =	rddreg [dreg:$0x11]  }
0x379: {  	v1, _, _ =	vpop (xrf2);
	s0 =	sadd.s32 s6, s2  }
0x37a: {  	s3 =	rddreg [dreg:$0xf];
	v10 =	vld [tilespmem:s0+$0x9280];
	v18, _, _ =	vpop (xrf2)  }
0x37b: {  	v16 =	vld [tilespmem:s0+$0x9290];
	s0 =	sadd.s32 s6, s3;
	[tilespmem:v14+s5+$0x0] =	vst.idx.msk vm0, v18  }
0x37c: {  	v17 =	vld [tilespmem:s0+$0x1290];
	v11 =	vmul.f32 v13, v11;
	v12 =	vmul.f32 v15, v12;
	s4 =	sld [smem:$0x7E9]  }
0x37d: {  	s12 =	sadd.s32 s15, s31;
	v19 =	vld [tilespmem:s0+$0x1280]  }
0x37e: {  	v11 =	vadd.f32 v12, v11;
	v12 =	vld [tilespmem:s12+$0x9000]  }
0x37f: {  	v15 =	vld [tilespmem:s12+$0x9010];
	s0 =	sadd.s32 s15, s4  }
0x380: {  	v13 =	vld [tilespmem:s0+$0x1000]  }
0x381: {  	v14 =	vld [tilespmem:s0+$0x1010]  }
0x382: {  	v16 =	vmul.f32 v16, v17;
	v10 =	vmul.f32 v10, v19;
	_ =	sdelay $0x1  }
0x383: {  	v10 =	vadd.f32 v16, v10  }
0x384: {  	(xrf2) =	vadd.scan.msk.f32 $0xffff, v11  }
0x385: {  	(xrf2) =	vadd.scan.msk.f32 $0xffff, v10;
	v10 =	vmul.f32 v12, v13;
	v11 =	vmul.f32 v15, v14;
	_ =	sdelay $0x1  }
0x386: {  	v10 =	vadd.f32 v11, v10;
	_ =	sdelay $0x1  }
0x387: {  	(xrf2) =	vadd.scan.msk.f32 $0xffff, v10;
	_ =	sdelay $0x1  }
0x388: {  	v12 =	vor.u32 $0xA, v3;
	_ =	sdelay $0x2  }
0x389: {  	v11 =	vor.u32 $0xD, v2  }
0x38a: {  	v15 =	vor.u32 $0x8, v8;
	v10, _, _ =	vpop (xrf2)  }
0x38b: {  	s13 =	sadd.s32 s28, s22;
	[tilespmem:v12+s5+$0x0] =	vst.idx.msk vm0, v10  }
0x38c: {  	v10 =	vld [tilespmem:s13+$0x1180]  }
0x38d: {  	s18 =	sadd.s32 s28, s17;
	v14, _, _ =	vpop (xrf2);
	v12 =	vld [tilespmem:s13+$0x1190]  }
0x38e: {  	v13 =	vld [tilespmem:s18+$0x9180];
	s20 =	rddreg [dreg:$0xc];
	[tilespmem:v11+s5+$0x0] =	vst.idx.msk vm0, v14;
	v18, _, _ =	vpop (xrf2)  }
0x38f: {  	v16 =	vld [tilespmem:s18+$0x9190];
	s0 =	sadd.s32 s6, s20;
	s22 =	rddreg [dreg:$0x9];
	[tilespmem:v15+s5+$0x0] =	vst.idx.msk vm0, v18  }
0x390: {  	v11 =	vld [tilespmem:s0+$0x1300];
	s23 =	sld [smem:$0x7EC]  }
0x391: {  	v14 =	vld [tilespmem:s0+$0x1310];
	s0 =	sadd.s32 s6, s22  }
0x392: {  	v17 =	vld [tilespmem:s0+$0x9300];
	s24 =	sld [smem:$0x7EB]  }
0x393: {  	v19 =	vld [tilespmem:s0+$0x9310];
	s0 =	sadd.s32 s15, s23  }
0x394: {  	v10 =	vmul.f32 v13, v10;
	v12 =	vmul.f32 v16, v12;
	v13 =	vld [tilespmem:s0+$0x9080]  }
0x395: {  	v15 =	vld [tilespmem:s0+$0x9090];
	s0 =	sadd.s32 s15, s24  }
0x396: {  	v10 =	vadd.f32 v12, v10;
	v12 =	vld [tilespmem:s0+$0x1090]  }
0x397: {  	v16 =	vld [tilespmem:s0+$0x1080]  }
0x398: {  	v11 =	vmul.f32 v17, v11;
	(xrf2) =	vadd.scan.msk.f32 $0xffff, v10;
	v10 =	vmul.f32 v19, v14;
	_ =	sdelay $0x1  }
0x399: {  	v10 =	vadd.f32 v10, v11;
	_ =	sdelay $0x1  }
0x39a: {  	(xrf2) =	vadd.scan.msk.f32 $0xffff, v10;
	v10 =	vmul.f32 v15, v12;
	v11 =	vmul.f32 v13, v16;
	_ =	sdelay $0x1  }
0x39b: {  	v12 =	vor.u32 $0xB, v3;
	v10 =	vadd.f32 v10, v11;
	_ =	sdelay $0x2  }
0x39c: {  	(xrf2) =	vadd.scan.msk.f32 $0xffff, v10  }
0x39d: {  	v2 =	vor.u32 $0xE, v2;
	v10, _, _ =	vpop (xrf2)  }
0x39e: {  	[tilespmem:v12+s5+$0x0] =	vst.idx.msk vm0, v10  }
0x39f: {  	s1 =	rddreg [dreg:$0x15]  }
0x3a0: {  	s0 =	sadd.s32 s28, s1  }
0x3a1: {  	v12, _, _ =	vpop (xrf2);
	s2 =	rddreg [dreg:$0x13];
	v10 =	vld [tilespmem:s0+$0x1200]  }
0x3a2: {  	v14 =	vor.u32 $0x9, v8;
	[tilespmem:v2+s5+$0x0] =	vst.idx.msk vm0, v12;
	v11 =	vld [tilespmem:s0+$0x1210];
	s0 =	sadd.s32 s28, s2  }
0x3a3: {  	s3 =	rddreg [dreg:$0x7];
	v13 =	vld [tilespmem:s0+$0x9200]  }
0x3a4: {  	v2 =	vld [tilespmem:s0+$0x9210];
	s0 =	sadd.s32 s6, s3  }
0x3a5: {  	s4 =	rddreg [dreg:$0x5];
	v12 =	vld [tilespmem:s0+$0x1380]  }
0x3a6: {  	v15 =	vld [tilespmem:s0+$0x1390];
	s0 =	sadd.s32 s6, s4;
	v17, _, _ =	vpop (xrf2)  }
0x3a7: {  	v16 =	vld [tilespmem:s0+$0x9380];
	[tilespmem:v14+s5+$0x0] =	vst.idx.msk vm0, v17  }
0x3a8: {  	s7 =	sadd.s32 s15, s7;
	v18 =	vld [tilespmem:s0+$0x9390];
	s12 =	sld [smem:$0x7EE]  }
0x3a9: {  	v14 =	vld [tilespmem:s7+$0x1100]  }
0x3aa: {  	v17 =	vld [tilespmem:s7+$0x1110]  }
0x3ab: {  	v19 =	vld [tilespmem:s12+$0x9100]  }
0x3ac: {  	v20 =	vld [tilespmem:s12+$0x9110]  }
0x3ad: {  	v10 =	vmul.f32 v13, v10;
	v2 =	vmul.f32 v2, v11;
	_ =	sdelay $0x1  }
0x3ae: {  	v2 =	vadd.f32 v2, v10  }
0x3af: {  	v10 =	vmul.f32 v16, v12;
	v11 =	vmul.f32 v18, v15  }
0x3b0: {  	(xrf2) =	vadd.scan.msk.f32 $0xffff, v2;
	v2 =	vmul.f32 v19, v14;
	v12 =	vmul.f32 v20, v17  }
0x3b1: {  	v10 =	vadd.f32 v11, v10  }
0x3b2: {  	v2 =	vadd.f32 v12, v2  }
0x3b3: {  	(xrf2) =	vadd.scan.msk.f32 $0xffff, v10  }
0x3b4: {  	(xrf2) =	vadd.scan.msk.f32 $0xffff, v2;
	_ =	sdelay $0x1  }
0x3b5: {  	v2 =	vor.u32 $0xC, v3;
	_ =	sdelay $0x3  }
0x3b6: {  	v11 =	vor.u32 $0xA, v8;
	v10, _, _ =	vpop (xrf2)  }
0x3b7: {  	s13 =	sadd.s32 s28, s21;
	[tilespmem:v2+s5+$0x0] =	vst.idx.msk vm0, v10  }
0x3b8: {  	s17 =	sadd.s32 s28, s26;
	v2 =	vld [tilespmem:s13+$0x9280]  }
0x3b9: {  	v10, _, _ =	vpop (xrf2);
	v12 =	vld [tilespmem:s17+$0x1290]  }
0x3ba: {  	v13 =	vld [tilespmem:s13+$0x9290];
	v14, _, _ =	vpop (xrf2)  }
0x3bb: {  	s18 =	sadd.s32 s15, s9;
	v15 =	vld [tilespmem:s17+$0x1280];
	[tilespmem:v11+s5+$0x0] =	vst.idx.msk vm0, v14  }
0x3bc: {  	v11 =	vld [tilespmem:s18+$0x1180]  }
0x3bd: {  	s20 =	sadd.s32 s15, s16;
	v14 =	vld [tilespmem:s18+$0x1190]  }
0x3be: {  	v16 =	vld [tilespmem:s20+$0x9180]  }
0x3bf: {  	v17 =	vld [tilespmem:s20+$0x9190]  }
0x3c0: {  	v12 =	vmul.f32 v13, v12;
	v2 =	vmul.f32 v2, v15;
	_ =	sdelay $0x1  }
0x3c1: {  	v2 =	vadd.f32 v12, v2;
	_ =	sdelay $0x1  }
0x3c2: {  	(xrf2) =	vadd.scan.msk.f32 $0xffff, v2;
	v2 =	vmul.f32 v16, v11;
	v11 =	vmul.f32 v17, v14;
	_ =	sdelay $0x1  }
0x3c3: {  	v2 =	vadd.f32 v11, v2;
	_ =	sdelay $0x1  }
0x3c4: {  	(xrf2) =	vadd.scan.msk.f32 $0xffff, v2;
	_ =	sdelay $0x1  }
0x3c5: {  	v2 =	vor.u32 $0xD, v3;
	_ =	sdelay $0x3  }
0x3c6: {  	s21 =	sld [smem:$0x7D7];
	v12 =	vor.u32 $0xB, v8;
	v11, _, _ =	vpop (xrf2)  }
0x3c7: {  	[tilespmem:v2+s5+$0x0] =	vst.idx.msk vm0, v11  }
0x3c8: {  	s22 =	sld [smem:$0x7D8]  }
0x3c9: {  	s0 =	sadd.s32 s28, s21  }
0x3ca: {  	v2 =	vld [tilespmem:s0+$0x1300];
	v14, _, _ =	vpop (xrf2)  }
0x3cb: {  	v11 =	vld [tilespmem:s0+$0x1310];
	s1 =	sadd.s32 s28, s22;
	[tilespmem:v12+s5+$0x0] =	vst.idx.msk vm0, v14  }
0x3cc: {  	v13 =	vld [tilespmem:s1+$0x9300];
	s23 =	sld [smem:$0x7F0]  }
0x3cd: {  	s24 =	sadd.s32 s15, s14;
	v15 =	vld [tilespmem:s1+$0x9310]  }
0x3ce: {  	v16 =	vld [tilespmem:s24+$0x9200]  }
0x3cf: {  	v17 =	vld [tilespmem:s24+$0x9210];
	s0 =	sadd.s32 s15, s23  }
0x3d0: {  	v12 =	vld [tilespmem:s0+$0x1200]  }
0x3d1: {  	v14 =	vld [tilespmem:s0+$0x1210]  }
0x3d2: {  	v2 =	vmul.f32 v13, v2;
	v11 =	vmul.f32 v15, v11;
	_ =	sdelay $0x1  }
0x3d3: {  	v2 =	vadd.f32 v11, v2;
	_ =	sdelay $0x1  }
0x3d4: {  	(xrf2) =	vadd.scan.msk.f32 $0xffff, v2;
	v2 =	vmul.f32 v16, v12;
	v11 =	vmul.f32 v17, v14;
	_ =	sdelay $0x1  }
0x3d5: {  	v2 =	vadd.f32 v11, v2;
	_ =	sdelay $0x1  }
0x3d6: {  	(xrf2) =	vadd.scan.msk.f32 $0xffff, v2;
	_ =	sdelay $0x3  }
0x3d7: {  	v2 =	vor.u32 $0xE, v3;
	_ =	sdelay $0x1  }
0x3d8: {  	v11 =	vor.u32 $0xC, v8;
	_ =	sdelay $0x1  }
0x3d9: {  	v3, _, _ =	vpop (xrf2)  }
0x3da: {  	[tilespmem:v2+s5+$0x0] =	vst.idx.msk vm0, v3  }
0x3db: {  	s26 =	sld [smem:$0x7DA];
	v13, _, _ =	vpop (xrf2)  }
0x3dc: {  	s1 =	sadd.s32 s28, s19;
	[tilespmem:v11+s5+$0x0] =	vst.idx.msk vm0, v13  }
0x3dd: {  	v12 =	vld [tilespmem:s1+$0x9380];
	s2 =	sld [smem:$0x7F1]  }
0x3de: {  	v14 =	vld [tilespmem:s1+$0x9390];
	s0 =	sadd.s32 s28, s26;
	s3 =	sld [smem:$0x7F3]  }
0x3df: {  	v2 =	vld [tilespmem:s0+$0x1380]  }
0x3e0: {  	v3 =	vld [tilespmem:s0+$0x1390];
	s0 =	sadd.s32 s15, s2  }
0x3e1: {  	s1 =	sadd.s32 s15, s3;
	v11 =	vld [tilespmem:s0+$0x9280]  }
0x3e2: {  	v13 =	vld [tilespmem:s1+$0x1290]  }
0x3e3: {  	v15 =	vld [tilespmem:s0+$0x9290]  }
0x3e4: {  	v16 =	vld [tilespmem:s1+$0x1280];
	_ =	sdelay $0x3  }
0x3e5: {  	v2 =	vmul.f32 v12, v2;
	v3 =	vmul.f32 v14, v3  }
0x3e6: {  	v12 =	vmul.f32 v15, v13;
	v11 =	vmul.f32 v11, v16  }
0x3e7: {  	v2 =	vadd.f32 v3, v2  }
0x3e8: {  	v3 =	vadd.f32 v12, v11  }
0x3e9: {  	(xrf2) =	vadd.scan.msk.f32 $0xffff, v2  }
0x3ea: {  	(xrf2) =	vadd.scan.msk.f32 $0xffff, v3;
	_ =	sdelay $0x5  }
0x3eb: {  	v2 =	vor.u32 $0xD, v8;
	_ =	sdelay $0x2  }
0x3ec: {  	v3, _, _ =	vpop (xrf2)  }
0x3ed: {  	v11, _, _ =	vpop (xrf2)  }
0x3ee: {  	s4 =	sadd.s32 s15, s10;
	[tilespmem:v2+s5+$0x0] =	vst.idx.msk vm0, v11  }
0x3ef: {  	v2 =	vld [tilespmem:s4+$0x1300]  }
0x3f0: {  	s6 =	sadd.s32 s15, s11;
	v11 =	vld [tilespmem:s4+$0x1310]  }
0x3f1: {  	v12 =	vld [tilespmem:s6+$0x9300]  }
0x3f2: {  	v13 =	vld [tilespmem:s6+$0x9310];
	_ =	sdelay $0x4  }
0x3f3: {  	v2 =	vmul.f32 v12, v2;
	v11 =	vmul.f32 v13, v11;
	_ =	sdelay $0x1  }
0x3f4: {  	v2 =	vadd.f32 v11, v2;
	_ =	sdelay $0x1  }
0x3f5: {  	(xrf2) =	vadd.scan.msk.f32 $0xffff, v2;
	_ =	sdelay $0x5  }
0x3f6: {  	v2 =	vor.u32 $0xE, v8;
	_ =	sdelay $0x3  }
0x3f7: {  	v8, _, _ =	vpop (xrf2)  }
0x3f8: {  	s7 =	sadd.s32 s15, s8;
	[tilespmem:v2+s5+$0x0] =	vst.idx.msk vm0, v8  }
0x3f9: {  	v2 =	vld [tilespmem:s7+$0x1380]  }
0x3fa: {  	s8 =	sadd.s32 s15, s25;
	v8 =	vld [tilespmem:s7+$0x1390]  }
0x3fb: {  	v11 =	vld [tilespmem:s8+$0x9380]  }
0x3fc: {  	v12 =	vld [tilespmem:s8+$0x9390];
	_ =	sdelay $0x4  }
0x3fd: {  	v2 =	vmul.f32 v11, v2;
	v8 =	vmul.f32 v12, v8;
	_ =	sdelay $0x1  }
0x3fe: {  	v2 =	vadd.f32 v8, v2;
	_ =	sdelay $0x1  }
0x3ff: {  	(xrf2) =	vadd.scan.msk.f32 $0xffff, v2;
	_ =	sdelay $0x6  }
0x400: {  	[tilespmem:v4+s5+$0x0] =	vst.idx.msk vm0, v0  }
0x401: {  	[tilespmem:v5+s5+$0x0] =	vst.idx.msk vm0, v1  }
0x402: {  	[tilespmem:v6+s5+$0x0] =	vst.idx.msk vm0, v10  }
0x403: {  	[tilespmem:v7+s5+$0x0] =	vst.idx.msk vm0, v3;
	v0, _, _ =	vpop (xrf2)  }
0x404: {  	[tilespmem:v9+s5+$0x0] =	vst.idx.msk vm0, v0  }
0x405: {  	s9 =	sld [smem:$0x7F7]  }
0x406: {  	s10 =	simm.s32 $0x100  }
0x407: {  	s11 =	simm.s32 $0x500;
	s2 =	simm.s32 $0xC00;
	s12 =	sld [smem:$0x7F8]  }
0x408: {  	[tilespmem:s2], [sflag:$0x1] =	stream.indirect.gather [hbm4b:s9+s10], $0x80, s11, s10, $0xb8;
	[tilespmem:$0x11200] =	vst v63  }
0x409: {  	s14 =	simm.s32 $0x700;
	s13 =	simm.s32 $0x8C00;
	s15 =	simm.s32 $0x1  }
0x40a: {  	[tilespmem:s13], [sflag:$0x2] =	stream.indirect.gather [hbm4b:s12+s10], $0x80, s14, s10, $0xb8;
	[tilespmem:$0x11200] =	vst v63  }
0x40b: {  	_ =	swait.ge [sflag:s15], $0x8000  }
0x40c: {  	[sflag:s15] =	ssyncset.done $0x0  }
0x40d: {  	s16 =	simm.s32 $0x2;
	[sflag:s15] =	ssyncadd.s32 $0xFFFF8000  }
0x40e: {  	_ =	swait.ge [sflag:s16], $0x8000  }
0x40f: {  	[sflag:s16] =	ssyncset.done $0x0  }
0x410: {  	s17 =	simm.s32 $0x900;
	[sflag:s16] =	ssyncadd.s32 $0xFFFF8000  }
0x411: {  	v0 =	vld [tilespmem:s17+$0x0]  }
0x412: {  	s18 =	simm.s32 $0xB00  }
0x413: {  	v1 =	vld [tilespmem:s18+$0x0];
	_ =	sdelay $0x2  }
0x414: {  	v0 =	vshll.u32 v0, $0x2  }
0x415: {  	v0 =	vshra.s32 v0, $0x2  }
0x416: {  	v1 =	vshll.u32 v1, $0x2;
	(v2sf) =	vpush v0, $0x0  }
0x417: {  	v1 =	vshra.s32 v1, $0x2  }
0x418: {  	(v2sf) =	vpush v1, $0x0;
	_ =	sdelay $0xc  }
0x419: {  	s19 =	spop (v2sf)  }
0x41a: {  	s0 =	sand.u32 $0xFFFFFFE0, s19  }
0x41b: {  	s20 =	spop (v2sf);
	s0 =	sadd.s32 $0x0, s0  }
0x41c: {  	s1 =	sand.u32 $0xFFFFFFE0, s20;
	v2 =	vld [tilespmem:s0+$0xC00]  }
0x41d: {  	s1 =	sadd.s32 $0x0, s1;
	v5 =	vld [tilespmem:s0+$0xC10]  }
0x41e: {  	v3 =	vld [tilespmem:s1+$0x8C00]  }
0x41f: {  	v4 =	vld [tilespmem:s1+$0x8C10];
	_ =	sdelay $0x2  }
0x420: {  	(v2sf) =	vpush v1, $0x1;
	_ =	sdelay $0x1  }
0x421: {  	(v2sf) =	vpush v0, $0x1;
	v2 =	vmul.f32 v3, v2;
	v3 =	vmul.f32 v4, v5;
	_ =	sdelay $0x1  }
0x422: {  	v2 =	vadd.f32 v3, v2;
	_ =	sdelay $0x1  }
0x423: {  	(xrf2) =	vadd.scan.msk.f32 $0xffff, v2;
	_ =	sdelay $0x5  }
0x424: {  	v4 =	vimm.s32 $0x100;
	_ =	sdelay $0x2  }
0x425: {  	(v2sf) =	vpush v0, $0x2;
	s21 =	spop (v2sf)  }
0x426: {  	(v2sf) =	vpush v1, $0x2;
	s0 =	sand.u32 $0xFFFFFFE0, s21;
	v2, _, _ =	vpop (xrf2)  }
0x427: {  	(v2sf) =	vpush v0, $0x3;
	s22 =	spop (v2sf);
	s0 =	sadd.s32 $0x0, s0;
	[tilespmem:v4+s5+$0x0] =	vst.idx.msk vm0, v2  }
0x428: {  	(v2sf) =	vpush v1, $0x3;
	s1 =	sand.u32 $0xFFFFFFE0, s22;
	v2 =	vld [tilespmem:s0+$0x8C80]  }
0x429: {  	(v2sf) =	vpush v0, $0x4;
	s1 =	sadd.s32 $0x0, s1;
	v3 =	vld [tilespmem:s0+$0x8C90]  }
0x42a: {  	(v2sf) =	vpush v1, $0x4;
	v5 =	vld [tilespmem:s1+$0xC90]  }
0x42b: {  	(v2sf) =	vpush v0, $0x5;
	v6 =	vld [tilespmem:s1+$0xC80]  }
0x42c: {  	(v2sf) =	vpush v1, $0x5  }
0x42d: {  	(v2sf) =	vpush v1, $0x6  }
0x42e: {  	(v2sf) =	vpush v0, $0x6  }
0x42f: {  	(v2sf) =	vpush v0, $0x7  }
0x430: {  	(v2sf) =	vpush v1, $0x7;
	v3 =	vmul.f32 v3, v5;
	v2 =	vmul.f32 v2, v6  }
0x431: {  	(v2sf) =	vpush v0, $0x8  }
0x432: {  	(v2sf) =	vpush v1, $0x8;
	v2 =	vadd.f32 v3, v2  }
0x433: {  	(v2sf) =	vpush v0, $0x9  }
0x434: {  	s23 =	spop (v2sf);
	(v2sf) =	vpush v1, $0x9;
	(xrf2) =	vadd.scan.msk.f32 $0xffff, v2  }
0x435: {  	s4 =	spop (v2sf);
	(v2sf) =	vpush v0, $0xA  }
0x436: {  	s2 =	spop (v2sf);
	(v2sf) =	vpush v1, $0xA  }
0x437: {  	(v2sf) =	vpush v0, $0xB;
	s1 =	spop (v2sf)  }
0x438: {  	s5 =	spop (v2sf);
	(v2sf) =	vpush v1, $0xB  }
0x439: {  	s24 =	simm.s32 $0x910;
	s0 =	spop (v2sf);
	(v2sf) =	vpush v0, $0xC  }
0x43a: {  	s25 =	simm.s32 $0xB10;
	s12 =	spop (v2sf);
	(v2sf) =	vpush v1, $0xC;
	v3 =	vor.u32 $0x1, v4;
	v2 =	vld [tilespmem:s24+$0x0]  }
0x43b: {  	s9 =	spop (v2sf);
	(v2sf) =	vpush v1, $0xD;
	v5 =	vld [tilespmem:s25+$0x0]  }
0x43c: {  	s15 =	spop (v2sf);
	(v2sf) =	vpush v0, $0xD  }
0x43d: {  	s14 =	spop (v2sf);
	(v2sf) =	vpush v0, $0xE  }
0x43e: {  	s18 =	simm.s32 $0x11000;
	s26 =	sand.u32 $0xFFFFFFE0, s23;
	(v2sf) =	vpush v1, $0xE;
	v6, _, _ =	vpop (xrf2)  }
0x43f: {  	s3 =	sadd.s32 $0x0, s26;
	s10 =	spop (v2sf);
	(v2sf) =	vpush v0, $0xF;
	v0 =	vshll.u32 v2, $0x2;
	[tilespmem:v3+s18+$0x0] =	vst.idx.msk vm0, v6  }
0x440: {  	s4 =	sand.u32 $0xFFFFFFE0, s4;
	s13 =	spop (v2sf);
	(v2sf) =	vpush v1, $0xF;
	v1 =	vshra.s32 v0, $0x2;
	v0 =	vshll.u32 v5, $0x2;
	v3 =	vld [tilespmem:s3+$0xD00]  }
0x441: {  	s8 =	sadd.s32 $0x0, s4;
	s25 =	spop (v2sf);
	v2 =	vshra.s32 v0, $0x2;
	v0 =	vld [tilespmem:s3+$0xD10]  }
0x442: {  	s26 =	spop (v2sf);
	(v2sf) =	vpush v1, $0x0;
	v5 =	vld [tilespmem:s8+$0x8D10]  }
0x443: {  	s29 =	spop (v2sf);
	v6 =	vld [tilespmem:s8+$0x8D00]  }
0x444: {  	s7 =	spop (v2sf);
	(v2sf) =	vpush v2, $0x0  }
0x445: {  	s6 =	spop (v2sf)  }
0x446: {  	s8 =	spop (v2sf)  }
0x447: {  	s11 =	spop (v2sf)  }
0x448: {  	[smem:$0x6E6] =	sst s6;
	s16 =	spop (v2sf);
	v0 =	vmul.f32 v5, v0;
	v3 =	vmul.f32 v6, v3  }
0x449: {  	[smem:$0x6E7] =	sst s8;
	s17 =	spop (v2sf)  }
0x44a: {  	[smem:$0x6EA] =	sst s11;
	s19 =	spop (v2sf);
	v0 =	vadd.f32 v0, v3  }
0x44b: {  	[smem:$0x6EB] =	sst s16;
	s20 =	spop (v2sf)  }
0x44c: {  	[smem:$0x6EE] =	sst s17;
	s21 =	spop (v2sf);
	(xrf2) =	vadd.scan.msk.f32 $0xffff, v0  }
0x44d: {  	[smem:$0x6EF] =	sst s19;
	s22 =	spop (v2sf)  }
0x44e: {  	[smem:$0x6F1] =	sst s20;
	s23 =	spop (v2sf)  }
0x44f: {  	[smem:$0x6F2] =	sst s21;
	s24 =	spop (v2sf)  }
0x450: {  	[smem:$0x6F4] =	sst s22;
	s4 =	spop (v2sf)  }
0x451: {  	[smem:$0x6F5] =	sst s23;
	s6 =	spop (v2sf)  }
0x452: {  	v0 =	vor.u32 $0x2, v4;
	[smem:$0x6F6] =	sst s24;
	s8 =	sand.u32 $0xFFFFFFE0, s6  }
0x453: {  	[smem:$0x6F7] =	sst s4;
	s16 =	spop (v2sf);
	s8 =	sadd.s32 $0x800, s8  }
0x454: {  	s11 =	sand.u32 $0xFFFFFFE0, s16;
	v7 =	vld [tilespmem:s8+$0xC00]  }
0x455: {  	s11 =	sadd.s32 $0x800, s11;
	v8 =	vld [tilespmem:s8+$0xC10]  }
0x456: {  	s2 =	sand.u32 $0xFFFFFFE0, s2;
	v3 =	vld [tilespmem:s11+$0x8C00];
	v6, _, _ =	vpop (xrf2)  }
0x457: {  	s2 =	sadd.s32 $0x0, s2;
	v5 =	vld [tilespmem:s11+$0x8C10];
	[tilespmem:v0+s18+$0x0] =	vst.idx.msk vm0, v6  }
0x458: {  	s1 =	sand.u32 $0xFFFFFFE0, s1;
	v0 =	vld [tilespmem:s2+$0xD80]  }
0x459: {  	s1 =	sadd.s32 $0x0, s1;
	v6 =	vld [tilespmem:s2+$0xD90]  }
0x45a: {  	(v2sf) =	vpush v2, $0x1;
	v9 =	vld [tilespmem:s1+$0x8D80]  }
0x45b: {  	v10 =	vld [tilespmem:s1+$0x8D90]  }
0x45c: {  	(v2sf) =	vpush v1, $0x1;
	v3 =	vmul.f32 v3, v7;
	v5 =	vmul.f32 v5, v8;
	_ =	sdelay $0x1  }
0x45d: {  	v3 =	vadd.f32 v5, v3;
	_ =	sdelay $0x1  }
0x45e: {  	(xrf2) =	vadd.scan.msk.f32 $0xffff, v3;
	v0 =	vmul.f32 v9, v0;
	v3 =	vmul.f32 v10, v6;
	_ =	sdelay $0x1  }
0x45f: {  	v0 =	vadd.f32 v3, v0;
	_ =	sdelay $0x1  }
0x460: {  	(xrf2) =	vadd.scan.msk.f32 $0xffff, v0  }
0x461: {  	(v2sf) =	vpush v1, $0x2  }
0x462: {  	(v2sf) =	vpush v2, $0x2;
	v0 =	vadd.s32 $0x10, v4  }
0x463: {  	(v2sf) =	vpush v1, $0x3  }
0x464: {  	(v2sf) =	vpush v2, $0x3  }
0x465: {  	(v2sf) =	vpush v1, $0x4;
	s17 =	spop (v2sf)  }
0x466: {  	(v2sf) =	vpush v2, $0x4;
	s1 =	sand.u32 $0xFFFFFFE0, s17;
	v5 =	vor.u32 $0x3, v4;
	v3, _, _ =	vpop (xrf2)  }
0x467: {  	(v2sf) =	vpush v1, $0x5;
	s19 =	spop (v2sf);
	s1 =	sadd.s32 $0x800, s1;
	[tilespmem:v0+s18+$0x0] =	vst.idx.msk vm0, v3  }
0x468: {  	(v2sf) =	vpush v2, $0x5;
	s2 =	sand.u32 $0xFFFFFFE0, s19;
	v3 =	vld [tilespmem:s1+$0x8C80]  }
0x469: {  	(v2sf) =	vpush v2, $0x6;
	s2 =	sadd.s32 $0x800, s2;
	v6 =	vld [tilespmem:s1+$0x8C90]  }
0x46a: {  	s20 =	sand.u32 $0xFFFFFFE0, s5;
	(v2sf) =	vpush v1, $0x6;
	v8 =	vld [tilespmem:s2+$0xC90];
	v7, _, _ =	vpop (xrf2)  }
0x46b: {  	(v2sf) =	vpush v1, $0x7;
	s1 =	sadd.s32 $0x0, s20;
	[tilespmem:v5+s18+$0x0] =	vst.idx.msk vm0, v7;
	v5 =	vld [tilespmem:s2+$0xC80]  }
0x46c: {  	s0 =	sand.u32 $0xFFFFFFE0, s0;
	(v2sf) =	vpush v2, $0x7;
	v7 =	vld [tilespmem:s1+$0xE00]  }
0x46d: {  	s0 =	sadd.s32 $0x0, s0;
	(v2sf) =	vpush v1, $0x8;
	v9 =	vld [tilespmem:s1+$0xE10]  }
0x46e: {  	(v2sf) =	vpush v2, $0x8;
	v10 =	vld [tilespmem:s0+$0x8E00]  }
0x46f: {  	v11 =	vld [tilespmem:s0+$0x8E10]  }
0x470: {  	s21 =	spop (v2sf);
	(v2sf) =	vpush v1, $0x9;
	v6 =	vmul.f32 v6, v8;
	v3 =	vmul.f32 v3, v5  }
0x471: {  	s23 =	spop (v2sf);
	(v2sf) =	vpush v2, $0x9  }
0x472: {  	s17 =	spop (v2sf);
	(v2sf) =	vpush v1, $0xA;
	v3 =	vadd.f32 v6, v3  }
0x473: {  	s19 =	spop (v2sf);
	(v2sf) =	vpush v2, $0xA  }
0x474: {  	s4 =	spop (v2sf);
	v5 =	vmul.f32 v11, v9;
	(xrf2) =	vadd.scan.msk.f32 $0xffff, v3;
	v3 =	vmul.f32 v10, v7  }
0x475: {  	s24 =	simm.s32 $0x920;
	s31 =	spop (v2sf);
	(v2sf) =	vpush v1, $0xB  }
0x476: {  	(v2sf) =	vpush v2, $0xB;
	v3 =	vadd.f32 v5, v3;
	v5 =	vld [tilespmem:s24+$0x0];
	s24 =	spop (v2sf)  }
0x477: {  	(v2sf) =	vpush v1, $0xC;
	s22 =	spop (v2sf)  }
0x478: {  	(v2sf) =	vpush v2, $0xC;
	s16 =	spop (v2sf)  }
0x479: {  	s2 =	simm.s32 $0xB20;
	(v2sf) =	vpush v2, $0xD;
	(xrf2) =	vadd.scan.msk.f32 $0xffff, v3;
	s11 =	spop (v2sf)  }
0x47a: {  	v6 =	vld [tilespmem:s2+$0x0];
	(v2sf) =	vpush v1, $0xD;
	v3 =	vor.u32 $0x1, v0;
	s8 =	spop (v2sf)  }
0x47b: {  	(v2sf) =	vpush v1, $0xE;
	s6 =	spop (v2sf)  }
0x47c: {  	(v2sf) =	vpush v2, $0xE;
	s3 =	spop (v2sf)  }
0x47d: {  	(v2sf) =	vpush v1, $0xF;
	[smem:$0x6E8] =	sst s3;
	s5 =	spop (v2sf)  }
0x47e: {  	v1 =	vshll.u32 v5, $0x2;
	(v2sf) =	vpush v2, $0xF;
	v5, _, _ =	vpop (xrf2);
	[smem:$0x6E9] =	sst s5  }
0x47f: {  	s0 =	sand.u32 $0xFFFFFFE0, s21;
	s1 =	sand.u32 $0xFFFFFFE0, s23;
	v2 =	vshll.u32 v6, $0x2;
	v6 =	vor.u32 $0x4, v4;
	v1 =	vshra.s32 v1, $0x2;
	s20 =	spop (v2sf);
	[tilespmem:v3+s18+$0x0] =	vst.idx.msk vm0, v5  }
0x480: {  	s0 =	sadd.s32 $0x800, s0;
	v2 =	vshra.s32 v2, $0x2;
	(v2sf) =	vpush v1, $0x0;
	s21 =	spop (v2sf);
	[smem:$0x6ED] =	sst s20  }
0x481: {  	s23 =	sadd.s32 $0x800, s1;
	(v2sf) =	vpush v2, $0x0;
	s3 =	spop (v2sf);
	v3 =	vld [tilespmem:s0+$0xD00];
	[smem:$0x6EC] =	sst s21  }
0x482: {  	s5 =	sand.u32 $0xFFFFFFE0, s12;
	(v2sf) =	vpush v2, $0x1;
	s12 =	spop (v2sf);
	v5 =	vld [tilespmem:s0+$0xD10];
	[smem:$0x6F0] =	sst s3  }
0x483: {  	(v2sf) =	vpush v1, $0x1;
	v8, _, _ =	vpop (xrf2);
	v7 =	vld [tilespmem:s23+$0x8D10];
	[smem:$0x6F3] =	sst s12  }
0x484: {  	(v2sf) =	vpush v1, $0x2;
	s21 =	spop (v2sf);
	[tilespmem:v6+s18+$0x0] =	vst.idx.msk vm0, v8  }
0x485: {  	s20 =	sadd.s32 $0x0, s5;
	(v2sf) =	vpush v2, $0x2;
	s3 =	spop (v2sf);
	v9 =	vld [tilespmem:s23+$0x8D00];
	[smem:$0x6F8] =	sst s21  }
0x486: {  	(v2sf) =	vpush v1, $0x3;
	s23 =	sand.u32 $0xFFFFFFE0, s9;
	s9 =	spop (v2sf);
	v6 =	vld [tilespmem:s20+$0xE80];
	[smem:$0x6F9] =	sst s3  }
0x487: {  	(v2sf) =	vpush v2, $0x3;
	s5 =	sadd.s32 $0x0, s23;
	s12 =	spop (v2sf);
	v8 =	vld [tilespmem:s20+$0xE90];
	[smem:$0x6FA] =	sst s9  }
0x488: {  	(v2sf) =	vpush v1, $0x4;
	v10 =	vld [tilespmem:s5+$0x8E80];
	[smem:$0x6FB] =	sst s12  }
0x489: {  	(v2sf) =	vpush v2, $0x4;
	s20 =	spop (v2sf);
	v11 =	vld [tilespmem:s5+$0x8E90]  }
0x48a: {  	(v2sf) =	vpush v1, $0x5;
	v5 =	vmul.f32 v7, v5;
	s21 =	spop (v2sf);
	v3 =	vmul.f32 v9, v3  }
0x48b: {  	(v2sf) =	vpush v2, $0x5;
	s23 =	spop (v2sf)  }
0x48c: {  	(v2sf) =	vpush v2, $0x6;
	s1 =	spop (v2sf);
	v3 =	vadd.f32 v5, v3  }
0x48d: {  	(v2sf) =	vpush v1, $0x6;
	s2 =	spop (v2sf)  }
0x48e: {  	(v2sf) =	vpush v1, $0x7;
	s3 =	spop (v2sf);
	v5 =	vmul.f32 v10, v6;
	(xrf2) =	vadd.scan.msk.f32 $0xffff, v3;
	v3 =	vmul.f32 v11, v8  }
0x48f: {  	(v2sf) =	vpush v2, $0x7;
	s5 =	spop (v2sf)  }
0x490: {  	[smem:$0x6FC] =	sst s20;
	(v2sf) =	vpush v1, $0x8;
	s20 =	spop (v2sf);
	v3 =	vadd.f32 v3, v5  }
0x491: {  	[smem:$0x705] =	sst s2;
	(v2sf) =	vpush v2, $0x8;
	s2 =	spop (v2sf)  }
0x492: {  	[smem:$0x707] =	sst s3;
	s3 =	spop (v2sf);
	(xrf2) =	vadd.scan.msk.f32 $0xffff, v3  }
0x493: {  	[smem:$0x6FF] =	sst s21;
	s28 =	spop (v2sf)  }
0x494: {  	[smem:$0x701] =	sst s23;
	s9 =	sand.u32 $0xFFFFFFE0, s5;
	v3 =	vor.u32 $0x2, v0;
	s23 =	spop (v2sf)  }
0x495: {  	[smem:$0x703] =	sst s1;
	(v2sf) =	vpush v1, $0x9;
	s9 =	sadd.s32 $0x1000, s9;
	s30 =	spop (v2sf)  }
0x496: {  	s12 =	sand.u32 $0xFFFFFFE0, s20;
	v9 =	vld [tilespmem:s9+$0xC00];
	s20 =	spop (v2sf)  }
0x497: {  	s12 =	sadd.s32 $0x1000, s12;
	v10 =	vld [tilespmem:s9+$0xC10];
	s5 =	spop (v2sf)  }
0x498: {  	s21 =	sand.u32 $0xFFFFFFE0, s17;
	v8 =	vor.u32 $0x5, v4;
	(v2sf) =	vpush v2, $0x9;
	v5 =	vld [tilespmem:s12+$0x8C00];
	s17 =	spop (v2sf);
	v7, _, _ =	vpop (xrf2)  }
0x499: {  	s0 =	sadd.s32 $0x800, s21;
	v6 =	vld [tilespmem:s12+$0x8C10];
	s12 =	spop (v2sf);
	[tilespmem:v3+s18+$0x0] =	vst.idx.msk vm0, v7  }
0x49a: {  	s19 =	sand.u32 $0xFFFFFFE0, s19;
	s21 =	spop (v2sf);
	v3 =	vld [tilespmem:s0+$0xD80]  }
0x49b: {  	s19 =	sadd.s32 $0x800, s19;
	(v2sf) =	vpush v1, $0xA;
	v7 =	vld [tilespmem:s0+$0xD90];
	s9 =	spop (v2sf)  }
0x49c: {  	s1 =	sand.u32 $0xFFFFFFE0, s15;
	(v2sf) =	vpush v2, $0xA;
	v12 =	vld [tilespmem:s19+$0x8D80];
	s15 =	spop (v2sf);
	v11, _, _ =	vpop (xrf2)  }
0x49d: {  	(v2sf) =	vpush v1, $0xB;
	v13 =	vld [tilespmem:s19+$0x8D90];
	s0 =	sadd.s32 $0x0, s1;
	s19 =	spop (v2sf);
	[tilespmem:v8+s18+$0x0] =	vst.idx.msk vm0, v11  }
0x49e: {  	(v2sf) =	vpush v2, $0xB;
	s1 =	sand.u32 $0xFFFFFFE0, s14;
	s14 =	spop (v2sf);
	v8 =	vld [tilespmem:s0+$0x8F00]  }
0x49f: {  	v5 =	vmul.f32 v5, v9;
	v6 =	vmul.f32 v6, v10;
	(v2sf) =	vpush v1, $0xC;
	v9 =	vld [tilespmem:s0+$0x8F10];
	s0 =	sadd.s32 $0x0, s1;
	s1 =	spop (v2sf)  }
0x4a0: {  	(v2sf) =	vpush v2, $0xC;
	[smem:$0x70A] =	sst s1;
	s1 =	spop (v2sf)  }
0x4a1: {  	v5 =	vadd.f32 v6, v5;
	(v2sf) =	vpush v2, $0xD;
	v6 =	vld [tilespmem:s0+$0xF10];
	[smem:$0x70B] =	sst s1  }
0x4a2: {  	(v2sf) =	vpush v1, $0xD;
	v10 =	vld [tilespmem:s0+$0xF00]  }
0x4a3: {  	(xrf2) =	vadd.scan.msk.f32 $0xffff, v5;
	v3 =	vmul.f32 v12, v3;
	v5 =	vmul.f32 v13, v7;
	(v2sf) =	vpush v1, $0xE  }
0x4a4: {  	s1 =	spop (v2sf);
	(v2sf) =	vpush v2, $0xE  }
0x4a5: {  	(v2sf) =	vpush v1, $0xF;
	v1 =	vadd.f32 v5, v3;
	_ =	sdelay $0x1  }
0x4a6: {  	[smem:$0x70C] =	sst s1;
	s1 =	spop (v2sf);
	(v2sf) =	vpush v2, $0xF;
	(xrf2) =	vadd.scan.msk.f32 $0xffff, v1;
	v2 =	vmul.f32 v9, v6;
	v3 =	vmul.f32 v8, v10  }
0x4a7: {  	_ = 	snop  }
0x4a8: {  	v1 =	vadd.s32 $0x10, v0;
	v2 =	vadd.f32 v2, v3  }
0x4a9: {  	[smem:$0x70D] =	sst s1;
	s1 =	spop (v2sf)  }
0x4aa: {  	[smem:$0x70E] =	sst s1;
	s1 =	spop (v2sf);
	(xrf2) =	vadd.scan.msk.f32 $0xffff, v2  }
0x4ab: {  	[smem:$0x70F] =	sst s1;
	s1 =	spop (v2sf)  }
0x4ac: {  	[smem:$0x711] =	sst s1;
	s1 =	sand.u32 $0xFFFFFFE0, s2;
	v3 =	vor.u32 $0x3, v0;
	v2, _, _ =	vpop (xrf2)  }
0x4ad: {  	s0 =	sadd.s32 $0x1000, s1;
	[tilespmem:v1+s18+$0x0] =	vst.idx.msk vm0, v2  }
0x4ae: {  	s2 =	sand.u32 $0xFFFFFFE0, s3;
	v2 =	vld [tilespmem:s0+$0x8C80]  }
0x4af: {  	s3 =	sadd.s32 $0x1000, s2;
	v5 =	vld [tilespmem:s0+$0x8C90]  }
0x4b0: {  	s4 =	sand.u32 $0xFFFFFFE0, s4;
	v8 =	vor.u32 $0x6, v4;
	v6, _, _ =	vpop (xrf2);
	v7 =	vld [tilespmem:s3+$0xC90]  }
0x4b1: {  	s1 =	sadd.s32 $0x800, s4;
	v9 =	vld [tilespmem:s3+$0xC80];
	[tilespmem:v3+s18+$0x0] =	vst.idx.msk vm0, v6  }
0x4b2: {  	s2 =	sand.u32 $0xFFFFFFE0, s31;
	v3 =	vld [tilespmem:s1+$0xE00]  }
0x4b3: {  	s3 =	sadd.s32 $0x800, s2;
	v6 =	vld [tilespmem:s1+$0xE10]  }
0x4b4: {  	s4 =	sand.u32 $0xFFFFFFE0, s10;
	v11 =	vld [tilespmem:s3+$0x8E00];
	v10, _, _ =	vpop (xrf2)  }
0x4b5: {  	s10 =	sadd.s32 $0x0, s4;
	v12 =	vld [tilespmem:s3+$0x8E10];
	[tilespmem:v8+s18+$0x0] =	vst.idx.msk vm0, v10  }
0x4b6: {  	s13 =	sand.u32 $0xFFFFFFE0, s13;
	v5 =	vmul.f32 v5, v7;
	v2 =	vmul.f32 v2, v9;
	v7 =	vld [tilespmem:s10+$0xF80]  }
0x4b7: {  	s2 =	sadd.s32 $0x0, s13;
	v8 =	vld [tilespmem:s10+$0xF90]  }
0x4b8: {  	v2 =	vadd.f32 v5, v2;
	v5 =	vld [tilespmem:s2+$0x8F80]  }
0x4b9: {  	v9 =	vld [tilespmem:s2+$0x8F90]  }
0x4ba: {  	(xrf2) =	vadd.scan.msk.f32 $0xffff, v2;
	v2 =	vmul.f32 v11, v3;
	v3 =	vmul.f32 v12, v6;
	_ =	sdelay $0x1  }
0x4bb: {  	v2 =	vadd.f32 v3, v2;
	_ =	sdelay $0x1  }
0x4bc: {  	v3 =	vmul.f32 v5, v7;
	(xrf2) =	vadd.scan.msk.f32 $0xffff, v2;
	v2 =	vmul.f32 v9, v8;
	_ =	sdelay $0x1  }
0x4bd: {  	s3 =	simm.s32 $0x930;
	v6 =	vor.u32 $0x1, v1;
	v2 =	vadd.f32 v2, v3  }
0x4be: {  	s4 =	simm.s32 $0xB30;
	v5 =	vld [tilespmem:s3+$0x0]  }
0x4bf: {  	v3 =	vld [tilespmem:s4+$0x0];
	(xrf2) =	vadd.scan.msk.f32 $0xffff, v2;
	_ =	sdelay $0x1  }
0x4c0: {  	s10 =	sand.u32 $0xFFFFFFE0, s28;
	v7 =	vor.u32 $0x4, v0;
	v2, _, _ =	vpop (xrf2)  }
0x4c1: {  	s0 =	sadd.s32 $0x1000, s10;
	[tilespmem:v6+s18+$0x0] =	vst.idx.msk vm0, v2  }
0x4c2: {  	s13 =	sand.u32 $0xFFFFFFE0, s23;
	v5 =	vshll.u32 v5, $0x2;
	v6 =	vld [tilespmem:s0+$0xD00]  }
0x4c3: {  	s23 =	sadd.s32 $0x1000, s13;
	v5 =	vshra.s32 v5, $0x2;
	v2 =	vshll.u32 v3, $0x2;
	v8 =	vld [tilespmem:s0+$0xD10]  }
0x4c4: {  	s24 =	sand.u32 $0xFFFFFFE0, s24;
	v10 =	vor.u32 $0x7, v4;
	(v2sf) =	vpush v5, $0x0;
	v3 =	vshra.s32 v2, $0x2;
	v2 =	vld [tilespmem:s23+$0x8D10];
	v9, _, _ =	vpop (xrf2)  }
0x4c5: {  	s1 =	sadd.s32 $0x800, s24;
	v11 =	vld [tilespmem:s23+$0x8D00];
	[tilespmem:v7+s18+$0x0] =	vst.idx.msk vm0, v9  }
0x4c6: {  	s2 =	sand.u32 $0xFFFFFFE0, s22;
	(v2sf) =	vpush v3, $0x0;
	v7 =	vld [tilespmem:s1+$0xE80]  }
0x4c7: {  	s3 =	sadd.s32 $0x800, s2;
	v9 =	vld [tilespmem:s1+$0xE90]  }
0x4c8: {  	s22 =	spop (v2sf);
	s4 =	sand.u32 $0xFFFFFFE0, s25;
	v12 =	vld [tilespmem:s3+$0x8E80];
	v13, _, _ =	vpop (xrf2)  }
0x4c9: {  	s13 =	sand.u32 $0xFFFFFFE0, s26;
	s10 =	sadd.s32 $0x0, s4;
	s23 =	spop (v2sf);
	v14 =	vld [tilespmem:s3+$0x8E90];
	[tilespmem:v10+s18+$0x0] =	vst.idx.msk vm0, v13  }
0x4ca: {  	s24 =	sadd.s32 $0x0, s13;
	s13 =	spop (v2sf);
	v2 =	vmul.f32 v2, v8;
	v6 =	vmul.f32 v11, v6;
	v8 =	vld [tilespmem:s10+$0x1000];
	[smem:$0x714] =	sst s23  }
0x4cb: {  	s25 =	spop (v2sf);
	v10 =	vld [tilespmem:s10+$0x1010]  }
0x4cc: {  	v2 =	vadd.f32 v2, v6;
	v6 =	vld [tilespmem:s24+$0x9000];
	[smem:$0x717] =	sst s25  }
0x4cd: {  	v11 =	vld [tilespmem:s24+$0x9010]  }
0x4ce: {  	s26 =	spop (v2sf);
	v7 =	vmul.f32 v12, v7;
	(xrf2) =	vadd.scan.msk.f32 $0xffff, v2;
	v2 =	vmul.f32 v14, v9  }
0x4cf: {  	s1 =	spop (v2sf)  }
0x4d0: {  	s23 =	spop (v2sf);
	v2 =	vadd.f32 v2, v7  }
0x4d1: {  	s2 =	spop (v2sf)  }
0x4d2: {  	[smem:$0x718] =	sst s26;
	s3 =	spop (v2sf);
	(xrf2) =	vadd.scan.msk.f32 $0xffff, v2;
	v6 =	vmul.f32 v6, v8;
	v2 =	vmul.f32 v11, v10  }
0x4d3: {  	[smem:$0x719] =	sst s1;
	s4 =	spop (v2sf)  }
0x4d4: {  	[smem:$0x71A] =	sst s2;
	v7 =	vor.u32 $0x2, v1;
	s0 =	sand.u32 $0xFFFFFFE0, s4;
	v2 =	vadd.f32 v2, v6  }
0x4d5: {  	[smem:$0x71B] =	sst s3;
	s10 =	spop (v2sf);
	s0 =	sadd.s32 $0x1800, s0  }
0x4d6: {  	s1 =	sand.u32 $0xFFFFFFE0, s10;
	v10 =	vld [tilespmem:s0+$0xC00];
	(xrf2) =	vadd.scan.msk.f32 $0xffff, v2  }
0x4d7: {  	v11 =	vld [tilespmem:s0+$0xC10];
	s1 =	sadd.s32 $0x1800, s1  }
0x4d8: {  	v9 =	vor.u32 $0x5, v0;
	s24 =	sand.u32 $0xFFFFFFE0, s30;
	v2 =	vld [tilespmem:s1+$0x8C00];
	v8, _, _ =	vpop (xrf2)  }
0x4d9: {  	s25 =	sadd.s32 $0x1000, s24;
	v6 =	vld [tilespmem:s1+$0x8C10];
	[tilespmem:v7+s18+$0x0] =	vst.idx.msk vm0, v8  }
0x4da: {  	s26 =	sand.u32 $0xFFFFFFE0, s20;
	v7 =	vld [tilespmem:s25+$0xD80]  }
0x4db: {  	s1 =	sadd.s32 $0x1000, s26;
	v8 =	vld [tilespmem:s25+$0xD90]  }
0x4dc: {  	v13 =	vor.u32 $0x8, v4;
	s2 =	sand.u32 $0xFFFFFFE0, s16;
	v14 =	vld [tilespmem:s1+$0x8D80];
	v12, _, _ =	vpop (xrf2)  }
0x4dd: {  	(v2sf) =	vpush v3, $0x1;
	s3 =	sadd.s32 $0x800, s2;
	v15 =	vld [tilespmem:s1+$0x8D90];
	[tilespmem:v9+s18+$0x0] =	vst.idx.msk vm0, v12  }
0x4de: {  	s4 =	sand.u32 $0xFFFFFFE0, s11;
	v2 =	vmul.f32 v2, v10;
	v6 =	vmul.f32 v6, v11;
	v9 =	vld [tilespmem:s3+$0x8F00]  }
0x4df: {  	(v2sf) =	vpush v5, $0x1;
	s10 =	sadd.s32 $0x800, s4;
	v10 =	vld [tilespmem:s3+$0x8F10]  }
0x4e0: {  	s11 =	sand.u32 $0xFFFFFFE0, s7;
	v12 =	vld [tilespmem:s10+$0xF00];
	v2 =	vadd.f32 v6, v2;
	v11, _, _ =	vpop (xrf2)  }
0x4e1: {  	s16 =	sadd.s32 $0x0, s11;
	v6 =	vld [tilespmem:s10+$0xF10];
	[tilespmem:v13+s18+$0x0] =	vst.idx.msk vm0, v11  }
0x4e2: {  	s20 =	sand.u32 $0xFFFFFFE0, s29;
	(xrf2) =	vadd.scan.msk.f32 $0xffff, v2;
	v2 =	vmul.f32 v15, v8;
	v8 =	vld [tilespmem:s16+$0x9080]  }
0x4e3: {  	s24 =	sadd.s32 $0x0, s20;
	v7 =	vmul.f32 v14, v7;
	v11 =	vld [tilespmem:s16+$0x9090]  }
0x4e4: {  	v13 =	vld [tilespmem:s24+$0x1090]  }
0x4e5: {  	v2 =	vadd.f32 v2, v7;
	v7 =	vld [tilespmem:s24+$0x1080];
	_ =	sdelay $0x1  }
0x4e6: {  	v9 =	vmul.f32 v9, v12;
	v6 =	vmul.f32 v10, v6;
	(xrf2) =	vadd.scan.msk.f32 $0xffff, v2;
	_ =	sdelay $0x1  }
0x4e7: {  	v2 =	vadd.s32 $0x10, v1;
	v6 =	vadd.f32 v6, v9  }
0x4e8: {  	v9 =	vmul.f32 v11, v13;
	v7 =	vmul.f32 v8, v7  }
0x4e9: {  	(v2sf) =	vpush v5, $0x2;
	(xrf2) =	vadd.scan.msk.f32 $0xffff, v6  }
0x4ea: {  	(v2sf) =	vpush v3, $0x2;
	s25 =	spop (v2sf);
	v7 =	vadd.f32 v9, v7  }
0x4eb: {  	(v2sf) =	vpush v5, $0x3;
	s0 =	sand.u32 $0xFFFFFFE0, s25;
	v8 =	vor.u32 $0x3, v1;
	v6, _, _ =	vpop (xrf2)  }
0x4ec: {  	(v2sf) =	vpush v3, $0x3;
	s26 =	spop (v2sf);
	s0 =	sadd.s32 $0x1800, s0;
	[tilespmem:v2+s18+$0x0] =	vst.idx.msk vm0, v6;
	(xrf2) =	vadd.scan.msk.f32 $0xffff, v7  }
0x4ed: {  	(v2sf) =	vpush v5, $0x4;
	s1 =	sand.u32 $0xFFFFFFE0, s26;
	v6 =	vld [tilespmem:s0+$0x8C80]  }
0x4ee: {  	(v2sf) =	vpush v3, $0x4;
	s2 =	sadd.s32 $0x1800, s1;
	v7 =	vld [tilespmem:s0+$0x8C90]  }
0x4ef: {  	(v2sf) =	vpush v5, $0x5;
	s3 =	sand.u32 $0xFFFFFFE0, s5;
	v11 =	vor.u32 $0x6, v0;
	v10 =	vld [tilespmem:s2+$0xC90];
	v9, _, _ =	vpop (xrf2)  }
0x4f0: {  	(v2sf) =	vpush v3, $0x5;
	s4 =	sadd.s32 $0x1000, s3;
	v12 =	vld [tilespmem:s2+$0xC80];
	[tilespmem:v8+s18+$0x0] =	vst.idx.msk vm0, v9  }
0x4f1: {  	(v2sf) =	vpush v3, $0x6;
	s5 =	sand.u32 $0xFFFFFFE0, s17;
	v8 =	vld [tilespmem:s4+$0xE00]  }
0x4f2: {  	(v2sf) =	vpush v5, $0x6;
	s7 =	sadd.s32 $0x1000, s5;
	v13 =	vor.u32 $0x9, v4;
	v9 =	vld [tilespmem:s4+$0xE10]  }
0x4f3: {  	(v2sf) =	vpush v5, $0x7;
	s10 =	sand.u32 $0xFFFFFFE0, s8;
	v14, _, _ =	vpop (xrf2);
	v15 =	vld [tilespmem:s7+$0x8E00]  }
0x4f4: {  	(v2sf) =	vpush v3, $0x7;
	s11 =	sadd.s32 $0x800, s10;
	v16 =	vld [tilespmem:s7+$0x8E10];
	[tilespmem:v11+s18+$0x0] =	vst.idx.msk vm0, v14  }
0x4f5: {  	(v2sf) =	vpush v5, $0x8;
	s16 =	sand.u32 $0xFFFFFFE0, s6;
	v7 =	vmul.f32 v7, v10;
	v6 =	vmul.f32 v6, v12;
	v10 =	vld [tilespmem:s11+$0xF80];
	s20 =	sld [smem:$0x6E6]  }
0x4f6: {  	(v2sf) =	vpush v3, $0x8;
	s17 =	sadd.s32 $0x800, s16;
	v11 =	vld [tilespmem:s11+$0xF90];
	v12, _, _ =	vpop (xrf2)  }
0x4f7: {  	(v2sf) =	vpush v5, $0x9;
	v6 =	vadd.f32 v7, v6;
	v7 =	vld [tilespmem:s17+$0x8F80];
	[tilespmem:v13+s18+$0x0] =	vst.idx.msk vm0, v12  }
0x4f8: {  	(v2sf) =	vpush v3, $0x9;
	s26 =	spop (v2sf);
	v14 =	vld [tilespmem:s17+$0x8F90];
	s1 =	sand.u32 $0xFFFFFFE0, s20;
	s25 =	sld [smem:$0x6E7]  }
0x4f9: {  	(v2sf) =	vpush v5, $0xA;
	s8 =	spop (v2sf);
	(xrf2) =	vadd.scan.msk.f32 $0xffff, v6;
	v6 =	vmul.f32 v15, v8;
	v8 =	vmul.f32 v16, v9;
	s24 =	sadd.s32 $0x0, s1  }
0x4fa: {  	(v2sf) =	vpush v3, $0xA;
	s4 =	spop (v2sf);
	v9 =	vld [tilespmem:s24+$0x1100]  }
0x4fb: {  	(v2sf) =	vpush v5, $0xB;
	s10 =	simm.s32 $0x940;
	s3 =	spop (v2sf);
	v12 =	vld [tilespmem:s24+$0x1110];
	v6 =	vadd.f32 v8, v6;
	s1 =	sand.u32 $0xFFFFFFE0, s25  }
0x4fc: {  	(v2sf) =	vpush v3, $0xB;
	s2 =	spop (v2sf);
	v7 =	vmul.f32 v7, v10;
	v10 =	vld [tilespmem:s10+$0x0];
	s7 =	sadd.s32 $0x0, s1  }
0x4fd: {  	(v2sf) =	vpush v5, $0xC;
	s0 =	spop (v2sf);
	(xrf2) =	vadd.scan.msk.f32 $0xffff, v6;
	v6 =	vmul.f32 v14, v11;
	v8 =	vld [tilespmem:s7+$0x9100]  }
0x4fe: {  	(v2sf) =	vpush v3, $0xC;
	s11 =	simm.s32 $0xB40;
	s1 =	spop (v2sf);
	v13 =	vld [tilespmem:s7+$0x9110]  }
0x4ff: {  	(v2sf) =	vpush v3, $0xD;
	v11 =	vor.u32 $0x1, v2;
	v6 =	vadd.f32 v6, v7;
	v7 =	vld [tilespmem:s11+$0x0];
	s11 =	spop (v2sf)  }
0x500: {  	(v2sf) =	vpush v5, $0xD;
	s16 =	spop (v2sf)  }
0x501: {  	(v2sf) =	vpush v5, $0xE;
	[smem:$0x71C] =	sst s16;
	s17 =	spop (v2sf)  }
0x502: {  	(v2sf) =	vpush v3, $0xE;
	[smem:$0x71D] =	sst s17;
	s20 =	spop (v2sf)  }
0x503: {  	s5 =	sand.u32 $0xFFFFFFE0, s26;
	(v2sf) =	vpush v5, $0xF;
	(xrf2) =	vadd.scan.msk.f32 $0xffff, v6;
	[smem:$0x71E] =	sst s20;
	v8 =	vmul.f32 v8, v9;
	v6 =	vmul.f32 v13, v12;
	v9, _, _ =	vpop (xrf2)  }
0x504: {  	s5 =	sadd.s32 $0x1800, s5;
	v5 =	vshll.u32 v10, $0x2;
	s24 =	spop (v2sf);
	(v2sf) =	vpush v3, $0xF;
	v3 =	vshll.u32 v7, $0x2;
	[tilespmem:v11+s18+$0x0] =	vst.idx.msk vm0, v9  }
0x505: {  	s7 =	sand.u32 $0xFFFFFFE0, s8;
	v12 =	vor.u32 $0x4, v1;
	s25 =	spop (v2sf);
	v8 =	vadd.f32 v6, v8;
	[smem:$0x71F] =	sst s24;
	v6 =	vshra.s32 v5, $0x2  }
0x506: {  	s26 =	sadd.s32 $0x1800, s7;
	s7 =	spop (v2sf);
	v5 =	vshra.s32 v3, $0x2;
	v7 =	vld [tilespmem:s5+$0xD00];
	[smem:$0x720] =	sst s25;
	(v2sf) =	vpush v6, $0x0  }
0x507: {  	v9, _, _ =	vpop (xrf2);
	(xrf2) =	vadd.scan.msk.f32 $0xffff, v8;
	v8 =	vld [tilespmem:s5+$0xD10];
	[smem:$0x722] =	sst s7;
	(v2sf) =	vpush v5, $0x0  }
0x508: {  	v3 =	vld [tilespmem:s26+$0x8D10];
	s6 =	spop (v2sf)  }
0x509: {  	[smem:$0x724] =	sst s6  }
0x50a: {  	s8 =	sand.u32 $0xFFFFFFE0, s12;
	s12 =	spop (v2sf);
	[tilespmem:v12+s18+$0x0] =	vst.idx.msk vm0, v9  }
0x50b: {  	v10 =	vor.u32 $0x7, v0;
	v11 =	vld [tilespmem:s26+$0x8D00];
	[smem:$0x726] =	sst s12  }
0x50c: {  	s10 =	sadd.s32 $0x1000, s8;
	s17 =	spop (v2sf);
	s24 =	sld [smem:$0x6E8]  }
0x50d: {  	s16 =	sand.u32 $0xFFFFFFE0, s21;
	s21 =	spop (v2sf);
	v9 =	vld [tilespmem:s10+$0xE80];
	[smem:$0x728] =	sst s17  }
0x50e: {  	s20 =	sadd.s32 $0x1000, s16;
	s26 =	spop (v2sf);
	v12 =	vld [tilespmem:s10+$0xE90];
	[smem:$0x72A] =	sst s21  }
0x50f: {  	v14, _, _ =	vpop (xrf2);
	v13 =	vld [tilespmem:s20+$0x8E80];
	[smem:$0x72C] =	sst s26  }
0x510: {  	[tilespmem:v10+s18+$0x0] =	vst.idx.msk vm0, v14  }
0x511: {  	s10 =	spop (v2sf);
	s12 =	sld [smem:$0x6E9]  }
0x512: {  	v15 =	vor.u32 $0xA, v4;
	s25 =	sand.u32 $0xFFFFFFE0, s24;
	v16 =	vld [tilespmem:s20+$0x8E90];
	[smem:$0x72E] =	sst s10  }
0x513: {  	s17 =	spop (v2sf);
	s8 =	sadd.s32 $0x800, s25;
	s24 =	sld [smem:$0x6EA]  }
0x514: {  	v3 =	vmul.f32 v3, v8;
	v7 =	vmul.f32 v11, v7;
	s21 =	spop (v2sf);
	v8 =	vld [tilespmem:s8+$0x1000];
	[smem:$0x731] =	sst s17;
	s16 =	sand.u32 $0xFFFFFFE0, s12  }
0x515: {  	s26 =	spop (v2sf);
	v10 =	vld [tilespmem:s8+$0x1010];
	[smem:$0x732] =	sst s21;
	s20 =	sadd.s32 $0x800, s16  }
0x516: {  	v3 =	vadd.f32 v3, v7;
	v11, _, _ =	vpop (xrf2);
	v7 =	vld [tilespmem:s20+$0x9000];
	[smem:$0x733] =	sst s26  }
0x517: {  	v14 =	vld [tilespmem:s20+$0x9010];
	[tilespmem:v15+s18+$0x0] =	vst.idx.msk vm0, v11  }
0x518: {  	v9 =	vmul.f32 v13, v9;
	(xrf2) =	vadd.scan.msk.f32 $0xffff, v3;
	v3 =	vmul.f32 v16, v12;
	s10 =	sld [smem:$0x6EB]  }
0x519: {  	s8 =	spop (v2sf);
	s25 =	sand.u32 $0xFFFFFFE0, s24  }
0x51a: {  	s7 =	sadd.s32 $0x0, s25;
	s16 =	spop (v2sf);
	v3 =	vadd.f32 v3, v9;
	[smem:$0x734] =	sst s8  }
0x51b: {  	s20 =	spop (v2sf);
	v11 =	vld [tilespmem:s7+$0x1180];
	[smem:$0x735] =	sst s16;
	s12 =	sand.u32 $0xFFFFFFE0, s10  }
0x51c: {  	s21 =	spop (v2sf);
	(xrf2) =	vadd.scan.msk.f32 $0xffff, v3;
	v12 =	vld [tilespmem:s7+$0x1190];
	[smem:$0x736] =	sst s20;
	v7 =	vmul.f32 v7, v8;
	s17 =	sadd.s32 $0x0, s12;
	v3 =	vmul.f32 v14, v10  }
0x51d: {  	v9 =	vld [tilespmem:s17+$0x9180];
	[smem:$0x737] =	sst s21  }
0x51e: {  	s24 =	spop (v2sf);
	v13 =	vld [tilespmem:s17+$0x9190];
	v3 =	vadd.f32 v3, v7  }
0x51f: {  	s25 =	spop (v2sf)  }
0x520: {  	s26 =	spop (v2sf);
	(xrf2) =	vadd.scan.msk.f32 $0xffff, v3  }
0x521: {  	v8 =	vor.u32 $0x2, v2;
	s7 =	sand.u32 $0xFFFFFFE0, s26  }
0x522: {  	s7 =	sadd.s32 $0x2000, s7;
	[smem:$0x738] =	sst s24  }
0x523: {  	s5 =	sand.u32 $0xFFFFFFE0, s25;
	v10 =	vld [tilespmem:s7+$0x8C10];
	v3 =	vmul.f32 v9, v11;
	v7 =	vmul.f32 v13, v12  }
0x524: {  	s5 =	sadd.s32 $0x2000, s5;
	v9 =	vld [tilespmem:s7+$0x8C00];
	v12 =	vor.u32 $0x5, v1  }
0x525: {  	s4 =	sand.u32 $0xFFFFFFE0, s4;
	v11, _, _ =	vpop (xrf2);
	v13 =	vld [tilespmem:s5+$0xC00];
	v3 =	vadd.f32 v7, v3  }
0x526: {  	s4 =	sadd.s32 $0x1800, s4;
	s3 =	sand.u32 $0xFFFFFFE0, s3;
	v14 =	vor.u32 $0x8, v0;
	[tilespmem:v8+s18+$0x0] =	vst.idx.msk vm0, v11;
	v7 =	vld [tilespmem:s5+$0xC10]  }
0x527: {  	s3 =	sadd.s32 $0x1800, s3;
	v8 =	vld [tilespmem:s4+$0xD90];
	(xrf2) =	vadd.scan.msk.f32 $0xffff, v3  }
0x528: {  	v11, _, _ =	vpop (xrf2);
	v15 =	vld [tilespmem:s3+$0x8D80]  }
0x529: {  	v16 =	vld [tilespmem:s3+$0x8D90];
	s5 =	sand.u32 $0xFFFFFFE0, s9;
	[tilespmem:v12+s18+$0x0] =	vst.idx.msk vm0, v11  }
0x52a: {  	(v2sf) =	vpush v5, $0x1;
	s7 =	sand.u32 $0xFFFFFFE0, s15;
	s6 =	sadd.s32 $0x1000, s5;
	v3 =	vld [tilespmem:s4+$0xD80];
	s9 =	sld [smem:$0x6EC];
	v12, _, _ =	vpop (xrf2)  }
0x52b: {  	(v2sf) =	vpush v6, $0x1;
	s8 =	sadd.s32 $0x1000, s7;
	v9 =	vmul.f32 v9, v13;
	v11 =	vld [tilespmem:s6+$0x8F10];
	v7 =	vmul.f32 v10, v7;
	[tilespmem:v14+s18+$0x0] =	vst.idx.msk vm0, v12  }
0x52c: {  	v17 =	vld [tilespmem:s8+$0xF00];
	s12 =	sld [smem:$0x6ED]  }
0x52d: {  	v13 =	vor.u32 $0xB, v4;
	v10 =	vld [tilespmem:s6+$0x8F00];
	s4 =	sand.u32 $0xFFFFFFE0, s9;
	v7 =	vadd.f32 v7, v9  }
0x52e: {  	v9 =	vld [tilespmem:s8+$0xF10];
	s10 =	sadd.s32 $0x800, s4  }
0x52f: {  	(xrf2) =	vadd.scan.msk.f32 $0xffff, v7;
	v7 =	vmul.f32 v16, v8;
	v8 =	vld [tilespmem:s10+$0x9080];
	s4 =	sand.u32 $0xFFFFFFE0, s12  }
0x530: {  	v3 =	vmul.f32 v15, v3;
	v12 =	vld [tilespmem:s10+$0x9090];
	s15 =	sadd.s32 $0x800, s4  }
0x531: {  	s16 =	sld [smem:$0x6EE];
	v14 =	vld [tilespmem:s15+$0x1090];
	v15, _, _ =	vpop (xrf2)  }
0x532: {  	v3 =	vadd.f32 v7, v3;
	v7 =	vld [tilespmem:s15+$0x1080];
	[tilespmem:v13+s18+$0x0] =	vst.idx.msk vm0, v15  }
0x533: {  	s20 =	sld [smem:$0x6EF]  }
0x534: {  	s4 =	sand.u32 $0xFFFFFFE0, s16  }
0x535: {  	s17 =	sadd.s32 $0x0, s4  }
0x536: {  	v10 =	vmul.f32 v10, v17;
	v9 =	vmul.f32 v11, v9;
	(xrf2) =	vadd.scan.msk.f32 $0xffff, v3;
	v11 =	vld [tilespmem:s17+$0x1200];
	s4 =	sand.u32 $0xFFFFFFE0, s20  }
0x537: {  	v3 =	vadd.s32 $0x10, v2;
	v13 =	vld [tilespmem:s17+$0x1210];
	v12 =	vmul.f32 v12, v14;
	v7 =	vmul.f32 v8, v7;
	s21 =	sadd.s32 $0x0, s4  }
0x538: {  	v9 =	vadd.f32 v9, v10;
	v15 =	vld [tilespmem:s21+$0x9200]  }
0x539: {  	s24 =	spop (v2sf);
	v10 =	vld [tilespmem:s21+$0x9210];
	v7 =	vadd.f32 v12, v7  }
0x53a: {  	s25 =	spop (v2sf);
	(xrf2) =	vadd.scan.msk.f32 $0xffff, v9  }
0x53b: {  	s4 =	sand.u32 $0xFFFFFFE0, s25;
	v8, _, _ =	vpop (xrf2);
	(xrf2) =	vadd.scan.msk.f32 $0xffff, v7  }
0x53c: {  	s3 =	sand.u32 $0xFFFFFFE0, s24;
	v9 =	vor.u32 $0x3, v2;
	s26 =	sadd.s32 $0x2000, s4;
	[tilespmem:v3+s18+$0x0] =	vst.idx.msk vm0, v8  }
0x53d: {  	s3 =	sadd.s32 $0x2000, s3;
	v14 =	vld [tilespmem:s26+$0xC80]  }
0x53e: {  	v8 =	vmul.f32 v15, v11;
	v11 =	vld [tilespmem:s3+$0x8C80];
	v7 =	vmul.f32 v10, v13  }
0x53f: {  	v10 =	vld [tilespmem:s3+$0x8C90]  }
0x540: {  	v12, _, _ =	vpop (xrf2);
	v13 =	vor.u32 $0x6, v1;
	v7 =	vadd.f32 v7, v8;
	v8 =	vld [tilespmem:s26+$0xC90]  }
0x541: {  	[tilespmem:v9+s18+$0x0] =	vst.idx.msk vm0, v12;
	v12 =	vor.u32 $0x9, v0;
	_ =	sdelay $0x1  }
0x542: {  	s2 =	sand.u32 $0xFFFFFFE0, s2  }
0x543: {  	s2 =	sadd.s32 $0x1800, s2;
	s0 =	sand.u32 $0xFFFFFFE0, s0;
	v15, _, _ =	vpop (xrf2)  }
0x544: {  	s0 =	sadd.s32 $0x1800, s0;
	v9 =	vld [tilespmem:s2+$0xE10];
	[tilespmem:v13+s18+$0x0] =	vst.idx.msk vm0, v15;
	v8 =	vmul.f32 v10, v8;
	v10 =	vmul.f32 v11, v14;
	v11, _, _ =	vpop (xrf2)  }
0x545: {  	(v2sf) =	vpush v6, $0x2;
	v16 =	vld [tilespmem:s0+$0x8E00];
	(xrf2) =	vadd.scan.msk.f32 $0xffff, v7;
	s7 =	sld [smem:$0x6F0];
	[tilespmem:v12+s18+$0x0] =	vst.idx.msk vm0, v11  }
0x546: {  	s3 =	sand.u32 $0xFFFFFFE0, s19;
	v17 =	vld [tilespmem:s0+$0x8E10];
	s9 =	sld [smem:$0x6F1]  }
0x547: {  	(v2sf) =	vpush v5, $0x2;
	s4 =	sadd.s32 $0x1000, s3;
	v7 =	vld [tilespmem:s2+$0xE00];
	s10 =	sld [smem:$0x6F2]  }
0x548: {  	s5 =	sand.u32 $0xFFFFFFE0, s14;
	v13 =	vld [tilespmem:s4+$0xF80];
	s12 =	sld [smem:$0x6F3]  }
0x549: {  	(v2sf) =	vpush v6, $0x3;
	s6 =	sadd.s32 $0x1000, s5;
	v15 =	vld [tilespmem:s4+$0xF90];
	s15 =	sld [smem:$0x6F5]  }
0x54a: {  	v19 =	vld [tilespmem:s6+$0x8F90];
	s2 =	sand.u32 $0xFFFFFFE0, s7;
	s17 =	sld [smem:$0x6F6]  }
0x54b: {  	v18 =	vor.u32 $0xC, v4;
	v14 =	vld [tilespmem:s6+$0x8F80];
	s19 =	sld [smem:$0x6F7];
	s8 =	sadd.s32 $0x800, s2  }
0x54c: {  	(v2sf) =	vpush v5, $0x3;
	v8 =	vadd.f32 v8, v10;
	s14 =	sld [smem:$0x6F4];
	v10 =	vld [tilespmem:s8+$0x1100];
	s3 =	sand.u32 $0xFFFFFFE0, s12;
	s0 =	sand.u32 $0xFFFFFFE0, s15  }
0x54d: {  	v11 =	vld [tilespmem:s8+$0x1110];
	[smem:$0x730] =	sst s0;
	s16 =	sadd.s32 $0x800, s3;
	s3 =	sand.u32 $0xFFFFFFE0, s17  }
0x54e: {  	[smem:$0x754] =	sst s3;
	s3 =	sand.u32 $0xFFFFFFE0, s19  }
0x54f: {  	(xrf2) =	vadd.scan.msk.f32 $0xffff, v8;
	v8 =	vmul.f32 v17, v9;
	v9, _, _ =	vpop (xrf2);
	[smem:$0x758] =	sst s3  }
0x550: {  	s20 =	sld [smem:$0x6F8];
	[tilespmem:v18+s18+$0x0] =	vst.idx.msk vm0, v9  }
0x551: {  	s24 =	sld [smem:$0x6F9]  }
0x552: {  	(v2sf) =	vpush v6, $0x4;
	s25 =	sld [smem:$0x6FA]  }
0x553: {  	s5 =	sld [smem:$0x6FB]  }
0x554: {  	s8 =	spop (v2sf);
	s12 =	sld [smem:$0x6FC]  }
0x555: {  	s2 =	sand.u32 $0xFFFFFFE0, s9;
	s4 =	sand.u32 $0xFFFFFFE0, s10;
	s17 =	sld [smem:$0x6FF]  }
0x556: {  	s10 =	spop (v2sf);
	s21 =	sadd.s32 $0x0, s2;
	s19 =	sld [smem:$0x701]  }
0x557: {  	(v2sf) =	vpush v5, $0x4;
	v7 =	vmul.f32 v16, v7;
	s15 =	sadd.s32 $0x0, s4;
	v12 =	vld [tilespmem:s16+$0x9100];
	s4 =	sld [smem:$0x707];
	s2 =	sand.u32 $0xFFFFFFE0, s25  }
0x558: {  	s26 =	spop (v2sf);
	v16 =	vld [tilespmem:s16+$0x9110];
	[smem:$0x74D] =	sst s2  }
0x559: {  	(v2sf) =	vpush v6, $0x5;
	v7 =	vadd.f32 v8, v7;
	v8 =	vld [tilespmem:s21+$0x9280];
	[smem:$0x739] =	sst s26  }
0x55a: {  	s0 =	sand.u32 $0xFFFFFFE0, s5;
	s26 =	sld [smem:$0x705]  }
0x55b: {  	s6 =	spop (v2sf);
	v9 =	vld [tilespmem:s21+$0x9290];
	[smem:$0x74E] =	sst s0  }
0x55c: {  	s30 =	sand.u32 $0xFFFFFFE0, s14;
	s14 =	simm.s32 $0x950;
	[smem:$0x73A] =	sst s6  }
0x55d: {  	(v2sf) =	vpush v5, $0x5;
	[smem:$0x6FE] =	sst s14  }
0x55e: {  	(v2sf) =	vpush v5, $0x6;
	s21 =	sld [smem:$0x703]  }
0x55f: {  	(v2sf) =	vpush v6, $0x6;
	s0 =	sand.u32 $0xFFFFFFE0, s12;
	s12 =	sld [smem:$0x70B]  }
0x560: {  	(v2sf) =	vpush v6, $0x7;
	s14 =	sld [smem:$0x70C]  }
0x561: {  	(v2sf) =	vpush v5, $0x7;
	s9 =	simm.s32 $0x950;
	s16 =	spop (v2sf);
	[smem:$0x6FD] =	sst s0  }
0x562: {  	(v2sf) =	vpush v6, $0x8;
	v13 =	vmul.f32 v14, v13;
	s2 =	sand.u32 $0xFFFFFFE0, s17;
	v14 =	vld [tilespmem:s9+$0x0];
	[smem:$0x73B] =	sst s16  }
0x563: {  	(v2sf) =	vpush v5, $0x8;
	[smem:$0x700] =	sst s2  }
0x564: {  	(v2sf) =	vpush v6, $0x9;
	s9 =	sld [smem:$0x70A]  }
0x565: {  	(v2sf) =	vpush v5, $0x9;
	s2 =	sand.u32 $0xFFFFFFE0, s19;
	s19 =	sld [smem:$0x70F]  }
0x566: {  	(v2sf) =	vpush v6, $0xA;
	s3 =	sand.u32 $0xFFFFFFE0, s20;
	s20 =	spop (v2sf);
	[smem:$0x702] =	sst s2  }
0x567: {  	(v2sf) =	vpush v5, $0xA;
	(xrf2) =	vadd.scan.msk.f32 $0xffff, v7;
	v7 =	vmul.f32 v19, v15;
	s0 =	sand.u32 $0xFFFFFFE0, s21;
	v15 =	vld [tilespmem:s15+$0x1290];
	[smem:$0x73C] =	sst s20  }
0x568: {  	(v2sf) =	vpush v6, $0xB;
	s7 =	sand.u32 $0xFFFFFFE0, s24;
	s24 =	spop (v2sf);
	v17 =	vld [tilespmem:s15+$0x1280];
	[smem:$0x704] =	sst s0  }
0x569: {  	(v2sf) =	vpush v5, $0xB;
	s5 =	simm.s32 $0xB50;
	[smem:$0x73D] =	sst s24  }
0x56a: {  	(v2sf) =	vpush v6, $0xC;
	[smem:$0x709] =	sst s5  }
0x56b: {  	(v2sf) =	vpush v5, $0xC;
	s0 =	sand.u32 $0xFFFFFFE0, s26;
	s15 =	sld [smem:$0x70D]  }
0x56c: {  	(v2sf) =	vpush v5, $0xD;
	v18 =	vor.u32 $0x1, v3;
	[smem:$0x706] =	sst s0;
	s0 =	sand.u32 $0xFFFFFFE0, s4  }
0x56d: {  	(v2sf) =	vpush v6, $0xD;
	s25 =	simm.s32 $0xB50;
	s6 =	spop (v2sf);
	[smem:$0x708] =	sst s0  }
0x56e: {  	v7 =	vadd.f32 v7, v13;
	(v2sf) =	vpush v6, $0xE;
	s4 =	sand.u32 $0xFFFFFFE0, s14;
	v13 =	vld [tilespmem:s25+$0x0];
	[smem:$0x73F] =	sst s6  }
0x56f: {  	(v2sf) =	vpush v5, $0xE;
	[smem:$0x74B] =	sst s4;
	s4 =	sand.u32 $0xFFFFFFE0, s15  }
0x570: {  	s31 =	spop (v2sf);
	(v2sf) =	vpush v6, $0xF;
	v6, _, _ =	vpop (xrf2);
	s20 =	sand.u32 $0xFFFFFFE0, s19;
	[smem:$0x74A] =	sst s4  }
0x571: {  	s16 =	sld [smem:$0x70E];
	s5 =	sadd.s32 $0x1000, s20;
	[tilespmem:v18+s18+$0x0] =	vst.idx.msk vm0, v6  }
0x572: {  	(xrf2) =	vadd.scan.msk.f32 $0xffff, v7;
	v10 =	vmul.f32 v12, v10;
	v7 =	vmul.f32 v16, v11;
	[smem:$0x710] =	sst s5  }
0x573: {  	s17 =	sand.u32 $0xFFFFFFE0, s8;
	s5 =	sld [smem:$0x711]  }
0x574: {  	v7 =	vadd.f32 v7, v10;
	s4 =	sadd.s32 $0x2000, s17  }
0x575: {  	v12 =	vor.u32 $0x4, v2;
	s8 =	sand.u32 $0xFFFFFFE0, s22;
	s0 =	sand.u32 $0xFFFFFFE0, s9;
	s9 =	sld [smem:$0x714];
	v10 =	vld [tilespmem:s4+$0xD00]  }
0x576: {  	(xrf2) =	vadd.scan.msk.f32 $0xffff, v7;
	s21 =	sand.u32 $0xFFFFFFE0, s10;
	v7 =	vmul.f32 v8, v17;
	v8 =	vld [tilespmem:s4+$0xD10];
	[smem:$0x713] =	sst s8;
	s4 =	sand.u32 $0xFFFFFFE0, s5  }
0x577: {  	s28 =	spop (v2sf);
	v11 =	vshll.u32 v14, $0x2;
	s6 =	sadd.s32 $0x2000, s21;
	v9 =	vmul.f32 v9, v15;
	[smem:$0x712] =	sst s4  }
0x578: {  	s26 =	spop (v2sf);
	(v2sf) =	vpush v5, $0xF;
	v5 =	vshra.s32 v11, $0x2;
	s4 =	sand.u32 $0xFFFFFFE0, s9;
	v11 =	vld [tilespmem:s6+$0x8D10]  }
0x579: {  	v7 =	vadd.f32 v9, v7;
	v6 =	vshll.u32 v13, $0x2;
	v13, _, _ =	vpop (xrf2);
	v9 =	vld [tilespmem:s6+$0x8D00];
	[smem:$0x715] =	sst s4  }
0x57a: {  	[tilespmem:v12+s18+$0x0] =	vst.idx.msk vm0, v13  }
0x57b: {  	s20 =	sld [smem:$0x718]  }
0x57c: {  	s1 =	sand.u32 $0xFFFFFFE0, s1;
	s10 =	sand.u32 $0xFFFFFFE0, s13;
	v14 =	vor.u32 $0x7, v1;
	s5 =	sld [smem:$0x719]  }
0x57d: {  	s1 =	sadd.s32 $0x1800, s1;
	[smem:$0x716] =	sst s10  }
0x57e: {  	v12 =	vld [tilespmem:s1+$0xE80];
	s4 =	sand.u32 $0xFFFFFFE0, s20  }
0x57f: {  	(xrf2) =	vadd.scan.msk.f32 $0xffff, v7;
	v7 =	vld [tilespmem:s1+$0xE90];
	[dreg:$0x1d] =	wrdreg s4;
	s4 =	sand.u32 $0xFFFFFFE0, s5  }
0x580: {  	v15, _, _ =	vpop (xrf2);
	[dreg:$0x18] =	wrdreg s4  }
0x581: {  	s2 =	sand.u32 $0xFFFFFFE0, s12;
	s12 =	sld [smem:$0x717];
	[tilespmem:v14+s18+$0x0] =	vst.idx.msk vm0, v15  }
0x582: {  	s6 =	sld [smem:$0x71A]  }
0x583: {  	s11 =	sand.u32 $0xFFFFFFE0, s11  }
0x584: {  	s14 =	sadd.s32 $0x1800, s11;
	s8 =	sld [smem:$0x71B]  }
0x585: {  	s11 =	sadd.s32 $0x1000, s2;
	v13 =	vld [tilespmem:s14+$0x8E80];
	s2 =	sld [smem:$0x71E];
	s4 =	sand.u32 $0xFFFFFFE0, s6  }
0x586: {  	s0 =	sadd.s32 $0x1000, s0;
	v17 =	vld [tilespmem:s14+$0x8E90];
	[dreg:$0xd] =	wrdreg s4  }
0x587: {  	v16 =	vor.u32 $0xA, v0;
	v9 =	vmul.f32 v9, v10;
	s29 =	sand.u32 $0xFFFFFFE0, s8;
	s8 =	sld [smem:$0x71F];
	v10 =	vld [tilespmem:s0+$0x1000]  }
0x588: {  	v8 =	vmul.f32 v11, v8;
	v11 =	vld [tilespmem:s0+$0x1010];
	s0 =	sand.u32 $0xFFFFFFE0, s2  }
0x589: {  	[smem:$0x764] =	sst s0  }
0x58a: {  	v8 =	vadd.f32 v8, v9;
	s10 =	sld [smem:$0x71C];
	s0 =	sand.u32 $0xFFFFFFE0, s8;
	v9 =	vld [tilespmem:s11+$0x9000]  }
0x58b: {  	v14, _, _ =	vpop (xrf2);
	v18 =	vld [tilespmem:s11+$0x9010];
	[smem:$0x765] =	sst s0  }
0x58c: {  	s9 =	sand.u32 $0xFFFFFFE0, s12;
	s12 =	sld [smem:$0x71D];
	[tilespmem:v16+s18+$0x0] =	vst.idx.msk vm0, v14  }
0x58d: {  	s5 =	sand.u32 $0xFFFFFFE0, s10;
	s10 =	sld [smem:$0x720]  }
0x58e: {  	s2 =	sld [smem:$0x722];
	_ =	sdelay $0x1  }
0x58f: {  	s0 =	sand.u32 $0xFFFFFFE0, s10  }
0x590: {  	[smem:$0x721] =	sst s0;
	s0 =	sand.u32 $0xFFFFFFE0, s2  }
0x591: {  	s3 =	sadd.s32 $0x800, s3;
	[smem:$0x723] =	sst s0  }
0x592: {  	(xrf2) =	vadd.scan.msk.f32 $0xffff, v8;
	v8 =	vld [tilespmem:s3+$0x1180]  }
0x593: {  	v12 =	vmul.f32 v13, v12;
	v13 =	vld [tilespmem:s3+$0x1190];
	s3 =	sld [smem:$0x724]  }
0x594: {  	s8 =	sld [smem:$0x726]  }
0x595: {  	s2 =	sld [smem:$0x728]  }
0x596: {  	s0 =	sand.u32 $0xFFFFFFE0, s3  }
0x597: {  	v15 =	vor.u32 $0xD, v4;
	[smem:$0x725] =	sst s0;
	s0 =	sand.u32 $0xFFFFFFE0, s8  }
0x598: {  	v7 =	vmul.f32 v17, v7;
	[smem:$0x727] =	sst s0;
	s0 =	sand.u32 $0xFFFFFFE0, s2  }
0x599: {  	s7 =	sadd.s32 $0x800, s7;
	[smem:$0x729] =	sst s0  }
0x59a: {  	v7 =	vadd.f32 v7, v12;
	v12 =	vld [tilespmem:s7+$0x9180]  }
0x59b: {  	v14, _, _ =	vpop (xrf2);
	v16 =	vld [tilespmem:s7+$0x9190];
	s7 =	sld [smem:$0x72A]  }
0x59c: {  	[tilespmem:v15+s18+$0x0] =	vst.idx.msk vm0, v14  }
0x59d: {  	s2 =	sld [smem:$0x72C]  }
0x59e: {  	s0 =	sand.u32 $0xFFFFFFE0, s7  }
0x59f: {  	s0 =	sadd.s32 $0x1800, s0  }
0x5a0: {  	[smem:$0x72B] =	sst s0;
	s0 =	sand.u32 $0xFFFFFFE0, s2  }
0x5a1: {  	s7 =	sadd.s32 $0x0, s30;
	[smem:$0x72D] =	sst s0  }
0x5a2: {  	v9 =	vmul.f32 v9, v10;
	v10 =	vld [tilespmem:s7+$0x1300]  }
0x5a3: {  	(xrf2) =	vadd.scan.msk.f32 $0xffff, v7;
	v7 =	vmul.f32 v18, v11;
	v11 =	vld [tilespmem:s7+$0x1310];
	s7 =	sld [smem:$0x72E];
	_ =	sdelay $0x2  }
0x5a4: {  	s2 =	sand.u32 $0xFFFFFFE0, s7  }
0x5a5: {  	[smem:$0x72F] =	sst s2  }
0x5a6: {  	s2 =	sld [smem:$0x731];
	_ =	sdelay $0x2  }
0x5a7: {  	s2 =	sand.u32 $0xFFFFFFE0, s2  }
0x5a8: {  	[dreg:$0x1c] =	wrdreg s2  }
0x5a9: {  	s2 =	sld [smem:$0x732]  }
0x5aa: {  	s7 =	sld [smem:$0x730];
	_ =	sdelay $0x1  }
0x5ab: {  	s25 =	spop (v2sf);
	s2 =	sand.u32 $0xFFFFFFE0, s2  }
0x5ac: {  	s24 =	spop (v2sf);
	s7 =	sadd.s32 $0x0, s7;
	[dreg:$0x1a] =	wrdreg s2  }
0x5ad: {  	s15 =	sand.u32 $0xFFFFFFE0, s16;
	(v2sf) =	vpush v5, $0x0;
	s16 =	spop (v2sf);
	v6 =	vshra.s32 v6, $0x2;
	v7 =	vadd.f32 v7, v9;
	v9 =	vld [tilespmem:s7+$0x9300]  }
0x5ae: {  	s22 =	spop (v2sf);
	(v2sf) =	vpush v6, $0x0;
	v15 =	vld [tilespmem:s7+$0x9310];
	s7 =	sld [smem:$0x733]  }
0x5af: {  	s21 =	spop (v2sf)  }
0x5b0: {  	s13 =	spop (v2sf)  }
0x5b1: {  	s19 =	spop (v2sf);
	s2 =	sand.u32 $0xFFFFFFE0, s7;
	s7 =	sld [smem:$0x734]  }
0x5b2: {  	s17 =	spop (v2sf)  }
0x5b3: {  	s1 =	sand.u32 $0xFFFFFFE0, s23;
	s23 =	spop (v2sf)  }
0x5b4: {  	s20 =	spop (v2sf);
	[dreg:$0x12] =	wrdreg s2;
	s2 =	sand.u32 $0xFFFFFFE0, s7  }
0x5b5: {  	s14 =	spop (v2sf);
	[dreg:$0x10] =	wrdreg s2  }
0x5b6: {  	s6 =	sand.u32 $0xFFFFFFE0, s12;
	s12 =	spop (v2sf);
	s2 =	sld [smem:$0x735]  }
0x5b7: {  	s11 =	spop (v2sf)  }
0x5b8: {  	s4 =	spop (v2sf)  }
0x5b9: {  	s10 =	spop (v2sf);
	s2 =	sand.u32 $0xFFFFFFE0, s2  }
0x5ba: {  	s8 =	spop (v2sf);
	[dreg:$0xe] =	wrdreg s2  }
0x5bb: {  	s3 =	spop (v2sf);
	s2 =	sld [smem:$0x736]  }
0x5bc: {  	s0 =	spop (v2sf)  }
0x5bd: {  	s30 =	spop (v2sf)  }
0x5be: {  	s30 =	sand.u32 $0xFFFFFFE0, s30;
	s2 =	sand.u32 $0xFFFFFFE0, s2  }
0x5bf: {  	s7 =	sadd.s32 $0x2800, s30;
	[dreg:$0xa] =	wrdreg s2  }
0x5c0: {  	(xrf2) =	vadd.scan.msk.f32 $0xffff, v7;
	v7 =	vmul.f32 v12, v8;
	v12 =	vld [tilespmem:s7+$0x8C00]  }
0x5c1: {  	v8 =	vmul.f32 v16, v13;
	v13 =	vld [tilespmem:s7+$0x8C10];
	s7 =	sld [smem:$0x737];
	_ =	sdelay $0x2  }
0x5c2: {  	s2 =	sand.u32 $0xFFFFFFE0, s7;
	s7 =	sld [smem:$0x738];
	_ =	sdelay $0x2  }
0x5c3: {  	s0 =	sand.u32 $0xFFFFFFE0, s0;
	[dreg:$0x8] =	wrdreg s2;
	s2 =	sand.u32 $0xFFFFFFE0, s7  }
0x5c4: {  	s0 =	sadd.s32 $0x2800, s0;
	[dreg:$0x6] =	wrdreg s2  }
0x5c5: {  	v18 =	vld [tilespmem:s0+$0xC00]  }
0x5c6: {  	v7 =	vadd.f32 v8, v7;
	v8 =	vld [tilespmem:s0+$0xC10];
	s0 =	sld [smem:$0x73C];
	_ =	sdelay $0x2  }
0x5c7: {  	s0 =	sand.u32 $0xFFFFFFE0, s0  }
0x5c8: {  	[smem:$0x762] =	sst s0  }
0x5c9: {  	v14 =	vor.u32 $0x2, v3;
	s0 =	sld [smem:$0x73D];
	_ =	sdelay $0x1  }
0x5ca: {  	s7 =	sld [smem:$0x739]  }
0x5cb: {  	s30 =	sld [smem:$0x73B];
	s0 =	sand.u32 $0xFFFFFFE0, s0  }
0x5cc: {  	v16, _, _ =	vpop (xrf2);
	[smem:$0x73E] =	sst s0  }
0x5cd: {  	s2 =	sld [smem:$0x73A];
	s7 =	sand.u32 $0xFFFFFFE0, s7;
	[tilespmem:v14+s18+$0x0] =	vst.idx.msk vm0, v16  }
0x5ce: {  	s0 =	sadd.s32 $0x2000, s7;
	s7 =	sld [smem:$0x73F];
	_ =	sdelay $0x2  }
0x5cf: {  	s7 =	sand.u32 $0xFFFFFFE0, s7  }
0x5d0: {  	[smem:$0x740] =	sst s7;
	s7 =	sand.u32 $0xFFFFFFE0, s31  }
0x5d1: {  	[smem:$0x741] =	sst s7;
	s7 =	sand.u32 $0xFFFFFFE0, s28  }
0x5d2: {  	[smem:$0x742] =	sst s7  }
0x5d3: {  	(xrf2) =	vadd.scan.msk.f32 $0xffff, v7;
	s7 =	sand.u32 $0xFFFFFFE0, s26;
	v7 =	vld [tilespmem:s0+$0xD80]  }
0x5d4: {  	s25 =	sand.u32 $0xFFFFFFE0, s25;
	(v2sf) =	vpush v6, $0x1;
	v14 =	vld [tilespmem:s0+$0xD90];
	[smem:$0x743] =	sst s7  }
0x5d5: {  	s16 =	sand.u32 $0xFFFFFFE0, s16;
	(v2sf) =	vpush v5, $0x1;
	v17 =	vor.u32 $0x5, v2;
	[smem:$0x744] =	sst s25  }
0x5d6: {  	(v2sf) =	vpush v5, $0x2;
	s2 =	sand.u32 $0xFFFFFFE0, s2;
	s7 =	sand.u32 $0xFFFFFFE0, s24;
	[smem:$0x746] =	sst s16  }
0x5d7: {  	(v2sf) =	vpush v6, $0x2;
	s26 =	sadd.s32 $0x2000, s2;
	[smem:$0x745] =	sst s7  }
0x5d8: {  	(v2sf) =	vpush v5, $0x3;
	v11 =	vmul.f32 v15, v11;
	s24 =	sand.u32 $0xFFFFFFE0, s22;
	v15 =	vld [tilespmem:s26+$0x8D80]  }
0x5d9: {  	(v2sf) =	vpush v6, $0x3;
	v9 =	vmul.f32 v9, v10;
	v10, _, _ =	vpop (xrf2);
	v16 =	vor.u32 $0x8, v1;
	v19 =	vld [tilespmem:s26+$0x8D90];
	[smem:$0x747] =	sst s24  }
0x5da: {  	(v2sf) =	vpush v5, $0x4;
	s25 =	sadd.s32 $0x1800, s5;
	s5 =	sand.u32 $0xFFFFFFE0, s21;
	[tilespmem:v17+s18+$0x0] =	vst.idx.msk vm0, v10  }
0x5db: {  	(v2sf) =	vpush v6, $0x4;
	s21 =	sand.u32 $0xFFFFFFE0, s19;
	[smem:$0x748] =	sst s5  }
0x5dc: {  	(v2sf) =	vpush v5, $0x5;
	s5 =	sadd.s32 $0x2000, s21;
	v10 =	vld [tilespmem:s25+$0x8F00]  }
0x5dd: {  	(v2sf) =	vpush v6, $0x5;
	v9 =	vadd.f32 v11, v9;
	v17, _, _ =	vpop (xrf2);
	v11 =	vld [tilespmem:s25+$0x8F10];
	[smem:$0x749] =	sst s5  }
0x5de: {  	(v2sf) =	vpush v6, $0x6;
	[tilespmem:v16+s18+$0x0] =	vst.idx.msk vm0, v17  }
0x5df: {  	s6 =	sadd.s32 $0x1800, s6;
	(v2sf) =	vpush v5, $0x6;
	s22 =	sld [smem:$0x74A]  }
0x5e0: {  	(xrf2) =	vadd.scan.msk.f32 $0xffff, v9;
	v9 =	vor.u32 $0xB, v0;
	v12 =	vmul.f32 v12, v18;
	v8 =	vmul.f32 v13, v8;
	s31 =	sand.u32 $0xFFFFFFE0, s23;
	s23 =	sand.u32 $0xFFFFFFE0, s20;
	v13 =	vld [tilespmem:s6+$0xF10]  }
0x5e1: {  	s14 =	sand.u32 $0xFFFFFFE0, s14;
	(v2sf) =	vpush v5, $0x7;
	v18 =	vld [tilespmem:s6+$0xF00];
	[dreg:$0x16] =	wrdreg s23  }
0x5e2: {  	(v2sf) =	vpush v6, $0x7;
	v8 =	vadd.f32 v8, v12;
	[dreg:$0x14] =	wrdreg s14;
	s6 =	sadd.s32 $0x1000, s22  }
0x5e3: {  	s4 =	sand.u32 $0xFFFFFFE0, s4;
	(v2sf) =	vpush v5, $0x8;
	s25 =	sld [smem:$0x74B];
	v12 =	vld [tilespmem:s6+$0x9080]  }
0x5e4: {  	(v2sf) =	vpush v6, $0x8;
	(xrf2) =	vadd.scan.msk.f32 $0xffff, v8;
	v8 =	vmul.f32 v19, v14;
	v14, _, _ =	vpop (xrf2);
	v16 =	vld [tilespmem:s6+$0x9090];
	[smem:$0x74C] =	sst s4  }
0x5e5: {  	(v2sf) =	vpush v5, $0x9;
	s7 =	spop (v2sf);
	[tilespmem:v9+s18+$0x0] =	vst.idx.msk vm0, v14  }
0x5e6: {  	(v2sf) =	vpush v6, $0x9;
	s16 =	spop (v2sf);
	s14 =	sand.u32 $0xFFFFFFE0, s11;
	s11 =	sld [smem:$0x74D]  }
0x5e7: {  	s20 =	sand.u32 $0xFFFFFFE0, s3;
	(v2sf) =	vpush v5, $0xA;
	s0 =	spop (v2sf);
	s6 =	sadd.s32 $0x1000, s25  }
0x5e8: {  	s19 =	sand.u32 $0xFFFFFFE0, s8;
	(v2sf) =	vpush v6, $0xA;
	s2 =	spop (v2sf);
	v7 =	vmul.f32 v15, v7;
	v15 =	vld [tilespmem:s6+$0x1090];
	s25 =	sld [smem:$0x74E]  }
0x5e9: {  	s26 =	sand.u32 $0xFFFFFFE0, s13;
	(v2sf) =	vpush v5, $0xB;
	s5 =	spop (v2sf);
	v17 =	vld [tilespmem:s6+$0x1080];
	s6 =	sadd.s32 $0x800, s11  }
0x5ea: {  	s24 =	sand.u32 $0xFFFFFFE0, s17;
	s17 =	sand.u32 $0xFFFFFFE0, s7;
	(v2sf) =	vpush v6, $0xB;
	s13 =	spop (v2sf);
	v7 =	vadd.f32 v8, v7;
	v8 =	vld [tilespmem:s6+$0x1200]  }
0x5eb: {  	s21 =	sand.u32 $0xFFFFFFE0, s10;
	(v2sf) =	vpush v5, $0xC;
	s23 =	spop (v2sf);
	s7 =	sadd.s32 $0x800, s25;
	v14 =	vld [tilespmem:s6+$0x1210]  }
0x5ec: {  	s0 =	sand.u32 $0xFFFFFFE0, s0;
	(v2sf) =	vpush v6, $0xC;
	s22 =	sand.u32 $0xFFFFFFE0, s12;
	s12 =	spop (v2sf);
	(xrf2) =	vadd.scan.msk.f32 $0xffff, v7;
	v7 =	vmul.f32 v10, v18;
	v10 =	vld [tilespmem:s7+$0x9200]  }
0x5ed: {  	s2 =	sand.u32 $0xFFFFFFE0, s2;
	(v2sf) =	vpush v6, $0xD;
	s4 =	spop (v2sf);
	v9 =	vor.u32 $0xE, v4;
	v18 =	vld [tilespmem:s7+$0x9210];
	[smem:$0x74F] =	sst s0  }
0x5ee: {  	(v2sf) =	vpush v5, $0xD;
	s10 =	spop (v2sf);
	s11 =	sand.u32 $0xFFFFFFE0, s13;
	[smem:$0x750] =	sst s2  }
0x5ef: {  	s3 =	spop (v2sf);
	(v2sf) =	vpush v5, $0xE;
	s13 =	sand.u32 $0xFFFFFFE0, s23;
	[smem:$0x752] =	sst s11  }
0x5f0: {  	s8 =	spop (v2sf);
	(v2sf) =	vpush v6, $0xE;
	s7 =	sand.u32 $0xFFFFFFE0, s5;
	[smem:$0x753] =	sst s13  }
0x5f1: {  	s6 =	sadd.s32 $0x2800, s17;
	s17 =	spop (v2sf);
	(v2sf) =	vpush v5, $0xF;
	v5, _, _ =	vpop (xrf2);
	[smem:$0x751] =	sst s7  }
0x5f2: {  	[tilespmem:v9+s18+$0x0] =	vst.idx.msk vm0, v5  }
0x5f3: {  	s23 =	sld [smem:$0x754];
	_ =	sdelay $0x1  }
0x5f4: {  	v13 =	vmul.f32 v11, v13;
	s12 =	sand.u32 $0xFFFFFFE0, s12  }
0x5f5: {  	[smem:$0x755] =	sst s12;
	s25 =	sadd.s32 $0x0, s23;
	s23 =	sand.u32 $0xFFFFFFE0, s4  }
0x5f6: {  	(v2sf) =	vpush v6, $0xF;
	v6 =	vadd.f32 v13, v7;
	[smem:$0x756] =	sst s23  }
0x5f7: {  	s3 =	sand.u32 $0xFFFFFFE0, s3;
	s7 =	sld [smem:$0x758];
	v9 =	vld [tilespmem:s25+$0x1380]  }
0x5f8: {  	v11 =	vadd.s32 $0x10, v3;
	(xrf2) =	vadd.scan.msk.f32 $0xffff, v6;
	s12 =	sand.u32 $0xFFFFFFE0, s8;
	v6 =	vld [tilespmem:s25+$0x1390];
	[smem:$0x759] =	sst s3  }
0x5f9: {  	v7 =	vmul.f32 v12, v17;
	v5 =	vmul.f32 v16, v15;
	s25 =	sand.u32 $0xFFFFFFE0, s10;
	[smem:$0x75A] =	sst s12  }
0x5fa: {  	s10 =	sadd.s32 $0x0, s7;
	[smem:$0x757] =	sst s25  }
0x5fb: {  	s2 =	spop (v2sf);
	v5 =	vadd.f32 v5, v7;
	s25 =	sand.u32 $0xFFFFFFE0, s17;
	v7 =	vld [tilespmem:s10+$0x9380]  }
0x5fc: {  	v13, _, _ =	vpop (xrf2);
	s5 =	spop (v2sf);
	v8 =	vmul.f32 v10, v8;
	v10 =	vmul.f32 v18, v14;
	v14 =	vld [tilespmem:s10+$0x9390];
	[smem:$0x75B] =	sst s25  }
0x5fd: {  	s13 =	spop (v2sf);
	s5 =	sand.u32 $0xFFFFFFE0, s5;
	[tilespmem:v11+s18+$0x0] =	vst.idx.msk vm0, v13  }
0x5fe: {  	v12 =	vor.u32 $0x3, v3;
	s4 =	spop (v2sf);
	s7 =	sand.u32 $0xFFFFFFE0, s13;
	[smem:$0x75C] =	sst s5  }
0x5ff: {  	s16 =	sand.u32 $0xFFFFFFE0, s16;
	s11 =	spop (v2sf);
	[smem:$0x75D] =	sst s7  }
0x600: {  	s8 =	sadd.s32 $0x2800, s16;
	s4 =	sand.u32 $0xFFFFFFE0, s4;
	s23 =	spop (v2sf);
	v13 =	vld [tilespmem:s6+$0x8C80]  }
0x601: {  	(xrf2) =	vadd.scan.msk.f32 $0xffff, v5;
	v5 =	vadd.f32 v10, v8;
	s16 =	sand.u32 $0xFFFFFFE0, s11;
	s0 =	spop (v2sf);
	v8 =	vld [tilespmem:s6+$0x8C90];
	[smem:$0x75E] =	sst s4  }
0x602: {  	s12 =	sand.u32 $0xFFFFFFE0, s2;
	v10, _, _ =	vpop (xrf2);
	s2 =	sand.u32 $0xFFFFFFE0, s0;
	[smem:$0x75F] =	sst s16  }
0x603: {  	s30 =	sand.u32 $0xFFFFFFE0, s30;
	s2 =	sadd.s32 $0x2800, s2;
	v15 =	vld [tilespmem:s8+$0xC90];
	[tilespmem:v12+s18+$0x0] =	vst.idx.msk vm0, v10  }
0x604: {  	s11 =	sand.u32 $0xFFFFFFE0, s23;
	(xrf2) =	vadd.scan.msk.f32 $0xffff, v5;
	s5 =	spop (v2sf);
	v5 =	vld [tilespmem:s8+$0xC80];
	[smem:$0x760] =	sst s2  }
0x605: {  	s13 =	spop (v2sf);
	s5 =	sand.u32 $0xFFFFFFE0, s5;
	s10 =	sld [smem:$0x762]  }
0x606: {  	v16 =	vor.u32 $0x6, v2;
	s23 =	sadd.s32 $0x2000, s30;
	s17 =	spop (v2sf);
	[smem:$0x761] =	sst s5  }
0x607: {  	s16 =	sand.u32 $0xFFFFFFE0, s13;
	s25 =	spop (v2sf);
	s3 =	sand.u32 $0xFFFFFFE0, s17;
	v17 =	vld [tilespmem:s23+$0xE00]  }
0x608: {  	s8 =	spop (v2sf);
	v18 =	vld [tilespmem:s23+$0xE10];
	[dreg:$0x1e] =	wrdreg s3;
	s13 =	sadd.s32 $0x2000, s10  }
0x609: {  	v19 =	vor.u32 $0x9, v1;
	s2 =	sand.u32 $0xFFFFFFE0, s8;
	v20 =	vld [tilespmem:s13+$0x8E00]  }
0x60a: {  	v10, _, _ =	vpop (xrf2);
	v21 =	vld [tilespmem:s13+$0x8E10];
	[smem:$0x763] =	sst s2  }
0x60b: {  	v7 =	vmul.f32 v7, v9;
	v6 =	vmul.f32 v14, v6;
	[tilespmem:v16+s18+$0x0] =	vst.idx.msk vm0, v10  }
0x60c: {  	s28 =	simm.s32 $0x2000;
	s2 =	sld [smem:$0x764]  }
0x60d: {  	s5 =	simm.s32 $0x11000;
	s17 =	sand.u32 $0xFFFFFFE0, s25;
	v22, _, _ =	vpop (xrf2);
	s23 =	spop (v2sf);
	v14 =	vadd.f32 v6, v7;
	v8 =	vmul.f32 v8, v15;
	v9 =	vmul.f32 v13, v5  }
0x60e: {  	s3 =	sadd.s32 $0x1000, s15;
	s25 =	spop (v2sf);
	s8 =	sld [smem:$0x765];
	[tilespmem:v19+s5+$0x0] =	vst.idx.msk vm0, v22  }
0x60f: {  	s30 =	simm.s32 $0x800;
	s6 =	spop (v2sf);
	(xrf2) =	vadd.scan.msk.f32 $0xffff, v14;
	v9 =	vadd.f32 v8, v9;
	v14 =	vld [tilespmem:s3+$0x1100];
	s4 =	sadd.s32 $0x1800, s2  }
0x610: {  	v4 =	vor.u32 $0xF, v4;
	s15 =	simm.s32 $0x2800;
	s10 =	sand.u32 $0xFFFFFFE0, s25;
	s7 =	spop (v2sf);
	v12 =	vld [tilespmem:s4+$0xF80]  }
0x611: {  	v6 =	vor.u32 $0xF, v1;
	v7 =	vor.u32 $0xF, v2;
	v5 =	vor.u32 $0xF, v0;
	s18 =	sand.u32 $0xFFFFFFE0, s23;
	s25 =	spop (v2sf);
	s23 =	sadd.s32 $0x1800, s8;
	v13 =	vld [tilespmem:s4+$0xF90]  }
0x612: {  	s13 =	sand.u32 $0xFFFFFFE0, s6;
	v10 =	vor.u32 $0xF, v11;
	s6 =	simm.s32 $0x1800;
	v8 =	vor.u32 $0xF, v3;
	s25 =	sand.u32 $0xFFFFFFE0, s25;
	v19 =	vmul.f32 v20, v17;
	v15 =	vld [tilespmem:s23+$0x8F80]  }
0x613: {  	(xrf2) =	vadd.scan.msk.f32 $0xffff, v9;
	s8 =	sand.u32 $0xFFFFFFE0, s7;
	v20 =	vmul.f32 v21, v18;
	v17 =	vor.u32 $0xC, v0;
	v18, _, _ =	vpop (xrf2);
	v16 =	vld [tilespmem:s23+$0x8F90];
	s23 =	simm.s32 $0x1000;
	v9 =	vmov v11;
	s4 =	simm.s32 $0xC000  }
.LBB2_6:
0x614: {  	[smem:$0x6DB] =	sst s10  }
0x615: {  	[smem:$0x6DC] =	sst s21  }
0x616: {  	[smem:$0x6DF] =	sst s8  }
0x617: {  	[smem:$0x6E1] =	sst s11  }
0x618: {  	[smem:$0x6DE] =	sst s12  }
0x619: {  	s11 =	sld [smem:$0x6FE]  }
0x61a: {  	s2 =	sld [smem:$0x709]  }
0x61b: {  	s7 =	rddreg [dreg:$0x6]  }
0x61c: {  	s8 =	sld [smem:$0x710];
	s10 =	smov.u32 s25  }
0x61d: {  	s21 =	smov.u32 s7;
	[smem:$0x6DA] =	sst s10  }
0x61e: {  	[smem:$0x6E4] =	sst s21  }
0x61f: {  	s0 =	sadd.s32 $0x2000, s4;
	s21 =	sld [smem:$0x749]  }
0x620: {  	[smem:$0x6E5] =	sst s0  }
0x621: {  	s10 =	smov.u32 s9;
	s12 =	sadd.s32 $0x10, s11;
	s11 =	sld [smem:$0x6FD]  }
0x622: {  	[smem:$0x6FD] =	sst s10  }
0x623: {  	s0 =	smov.u32 s20;
	s10 =	rddreg [dreg:$0x10]  }
0x624: {  	s2 =	sadd.s32 $0x10, s2;
	[dreg:$0x6] =	wrdreg s0  }
0x625: {  	[smem:$0x709] =	sst s2  }
0x626: {  	[smem:$0x6FE] =	sst s12  }
0x627: {  	v12 =	vmul.f32 v15, v12;
	v15 =	vld [tilespmem:s12+$0x0];
	s12 =	sld [smem:$0x72B]  }
0x628: {  	s0 =	sld [smem:$0x700]  }
0x629: {  	v22 =	vld [tilespmem:s2+$0x0];
	s2 =	sld [smem:$0x760]  }
0x62a: {  	s25 =	smov.u32 s21;
	s21 =	smov.u32 s22;
	s22 =	sld [smem:$0x763]  }
0x62b: {  	v21 =	vld [tilespmem:s3+$0x1110];
	s3 =	smov.u32 s4;
	p0 =	sne.s32 s4, $0x1E000;
	[smem:$0x72B] =	sst s25  }
0x62c: {  	s4 =	sadd.s32 s30, s11;
	s11 =	smov.u32 s10;
	s10 =	sld [smem:$0x745]  }
0x62d: {  	s20 =	smov.u32 s12;
	s12 =	rddreg [dreg:$0x12]  }
0x62e: {  	[dreg:$0x12] =	wrdreg s21  }
0x62f: {  	v19 =	vadd.f32 v20, v19;
	v20 =	vld [tilespmem:s8+$0x9100];
	s21 =	sld [smem:$0x73E]  }
0x630: {  	v23 =	vld [tilespmem:s8+$0x9110];
	s8 =	smov.u32 s2;
	[smem:$0x710] =	sst s20  }
0x631: {  	[smem:$0x749] =	sst s8  }
0x632: {  	v13 =	vmul.f32 v16, v13;
	s8 =	rddreg [dreg:$0x1d]  }
0x633: {  	[tilespmem:v17+s5+$0x0] =	vst.idx.msk vm0, v18;
	v16, _, _ =	vpop (xrf2);
	s7 =	sadd.s32 s30, s0;
	s20 =	smov.u32 s12;
	[dreg:$0x1d] =	wrdreg s11  }
0x634: {  	v12 =	vadd.f32 v13, v12;
	v13 =	vld [tilespmem:s4+$0x9280];
	[tilespmem:v4+s5+$0x0] =	vst.idx.msk vm0, v16;
	s12 =	smov.u32 s14;
	s14 =	smov.u32 s18;
	s18 =	sld [smem:$0x74F]  }
0x635: {  	v16 =	vld [tilespmem:s7+$0x1290];
	s25 =	smov.u32 s22;
	s22 =	sld [smem:$0x756]  }
0x636: {  	v17 =	vld [tilespmem:s4+$0x9290];
	s4 =	sld [smem:$0x740]  }
0x637: {  	v18 =	vld [tilespmem:s7+$0x1280];
	s7 =	sld [smem:$0x757]  }
0x638: {  	[smem:$0x6E0] =	sst s20  }
0x639: {  	[smem:$0x6E3] =	sst s25  }
0x63a: {  	[dreg:$0x10] =	wrdreg s12  }
0x63b: {  	(xrf2) =	vadd.scan.msk.f32 $0xffff, v19;
	[smem:$0x6DD] =	sst s14  }
0x63c: {  	v19 =	vor.u32 $0x1, v11;
	s20 =	sld [smem:$0x750]  }
0x63d: {  	s12 =	sld [smem:$0x75C]  }
0x63e: {  	v4 =	vmov v5;
	s9 =	smov.u32 s8;
	s11 =	smov.u32 s10;
	s10 =	sld [smem:$0x761]  }
0x63f: {  	v5 =	vmovc v6;
	v6 =	vmov v7;
	v7 =	vmov v8;
	v8 =	vmov v10;
	(xrf2) =	vadd.scan.msk.f32 $0xffff, v12;
	[smem:$0x700] =	sst s9  }
0x640: {  	v14 =	vmul.f32 v20, v14;
	v10, _, _ =	vpop (xrf2);
	v12 =	vshll.u32 v15, $0x2;
	v15 =	vor.u32 $0x4, v3;
	s9 =	sld [smem:$0x721]  }
0x641: {  	[tilespmem:v19+s5+$0x0] =	vst.idx.msk vm0, v10;
	v19 =	vmul.f32 v23, v21;
	v12 =	vshra.s32 v12, $0x2;
	v10 =	vshll.u32 v22, $0x2;
	[smem:$0x721] =	sst s11;
	s0 =	sadd.s32 s15, s18  }
0x642: {  	v10 =	vshra.s32 v10, $0x2;
	(v2sf) =	vpush v12, $0x0;
	s18 =	sld [smem:$0x723];
	v20 =	vld [tilespmem:s0+$0xD00]  }
0x643: {  	s25 =	smov.u32 s22;
	s22 =	sld [smem:$0x75D];
	v21 =	vld [tilespmem:s0+$0xD10];
	s0 =	sadd.s32 s15, s20;
	v14 =	vadd.f32 v19, v14;
	(v2sf) =	vpush v10, $0x0  }
0x644: {  	s8 =	smov.u32 s7;
	[smem:$0x73E] =	sst s25;
	v19 =	vld [tilespmem:s0+$0x8D10]  }
0x645: {  	v22 =	vor.u32 $0x7, v2;
	[smem:$0x740] =	sst s8;
	v16 =	vmul.f32 v17, v16;
	(v2sf) =	vpush v10, $0x1;
	v17, _, _ =	vpop (xrf2);
	(xrf2) =	vadd.scan.msk.f32 $0xffff, v14  }
0x646: {  	s14 =	smov.u32 s12;
	s20 =	sld [smem:$0x746];
	v13 =	vmul.f32 v13, v18;
	v14 =	vld [tilespmem:s0+$0x8D00];
	[tilespmem:v15+s5+$0x0] =	vst.idx.msk vm0, v17;
	s0 =	sadd.s32 s28, s21  }
0x647: {  	s11 =	smov.u32 s10;
	[smem:$0x745] =	sst s14;
	v15 =	vld [tilespmem:s0+$0xE80]  }
0x648: {  	[smem:$0x6E2] =	sst s11;
	(v2sf) =	vpush v12, $0x1;
	s25 =	smov.u32 s22;
	v13 =	vadd.f32 v16, v13;
	v16 =	vld [tilespmem:s0+$0xE90];
	s0 =	sadd.s32 s28, s4  }
0x649: {  	(v2sf) =	vpush v12, $0x2;
	[smem:$0x746] =	sst s25;
	v18 =	vld [tilespmem:s0+$0x8E80];
	v17 =	vmul.f32 v19, v21;
	v19, _, _ =	vpop (xrf2)  }
0x64a: {  	s4 =	sld [smem:$0x712];
	(v2sf) =	vpush v10, $0x2;
	(xrf2) =	vadd.scan.msk.f32 $0xffff, v13;
	v13 =	vld [tilespmem:s0+$0x8E90];
	s0 =	sadd.s32 s6, s9;
	[tilespmem:v22+s5+$0x0] =	vst.idx.msk vm0, v19  }
0x64b: {  	s21 =	smov.u32 s20;
	s20 =	sld [smem:$0x702];
	v14 =	vmul.f32 v14, v20;
	v20 =	vor.u32 $0xA, v1;
	v19 =	vld [tilespmem:s0+$0x1000]  }
0x64c: {  	[smem:$0x723] =	sst s21;
	(v2sf) =	vpush v12, $0x3;
	v21 =	vld [tilespmem:s0+$0x1010];
	s0 =	sadd.s32 s6, s18  }
0x64d: {  	s12 =	smov.u32 s1;
	(v2sf) =	vpush v10, $0x3;
	s9 =	sld [smem:$0x704];
	v22 =	vadd.f32 v17, v14;
	v17 =	vld [tilespmem:s0+$0x9000]  }
0x64e: {  	[smem:$0x704] =	sst s12  }
0x64f: {  	s8 =	smov.u32 s24;
	s1 =	sshra.s32 s3, $0x2;
	(v2sf) =	vpush v12, $0x4;
	s18 =	sld [smem:$0x713];
	v14, _, _ =	vpop (xrf2)  }
0x650: {  	s21 =	simm.s32 $0x11000;
	(v2sf) =	vpush v10, $0x4;
	v15 =	vmul.f32 v18, v15;
	v18 =	vld [tilespmem:s0+$0x9010];
	s0 =	sadd.s32 s23, s4;
	v13 =	vmul.f32 v13, v16;
	[tilespmem:v20+s5+$0x0] =	vst.idx.msk vm0, v14;
	s5 =	sld [smem:$0x72D]  }
0x651: {  	s22 =	sadd.s32 s30, s20;
	[smem:$0x72D] =	sst s8;
	v14 =	vld [tilespmem:s0+$0x1180];
	s14 =	spop (v2sf)  }
0x652: {  	v13 =	vadd.f32 v13, v15;
	v15 =	vmul.f32 v17, v19;
	v17 =	vld [tilespmem:s0+$0x1190];
	s0 =	sadd.s32 s23, s18;
	s24 =	sand.u32 $0xFFFFFFE0, s14;
	s25 =	spop (v2sf)  }
0x653: {  	(v2sf) =	vpush v12, $0x5;
	(xrf2) =	vadd.scan.msk.f32 $0xffff, v22;
	s14 =	sld [smem:$0x72F];
	s7 =	smov.u32 s5;
	s5 =	sadd.s32 s30, s9  }
0x654: {  	(v2sf) =	vpush v10, $0x5;
	v16 =	vor.u32 $0xD, v0;
	s4 =	sadd.s32 s1, s24;
	s3 =	sand.u32 $0xFFFFFFE0, s25;
	s2 =	spop (v2sf)  }
0x655: {  	s24 =	smov.u32 s31;
	s31 =	smov.u32 s13;
	[smem:$0x712] =	sst s7  }
0x656: {  	(v2sf) =	vpush v10, $0x6;
	s10 =	sadd.s32 s1, s3;
	s8 =	sand.u32 $0xFFFFFFE0, s2;
	[smem:$0x72F] =	sst s24  }
0x657: {  	(v2sf) =	vpush v12, $0x6;
	s9 =	spop (v2sf);
	s18 =	smov.u32 s14;
	s14 =	rddreg [dreg:$0x18]  }
0x658: {  	(v2sf) =	vpush v12, $0x7;
	(xrf2) =	vadd.scan.msk.f32 $0xffff, v13;
	v13 =	vmul.f32 v18, v21;
	v18 =	vld [tilespmem:s0+$0x9180];
	v19, _, _ =	vpop (xrf2);
	s25 =	sand.u32 $0xFFFFFFE0, s9;
	s11 =	spop (v2sf);
	s9 =	sld [smem:$0x751]  }
0x659: {  	(v2sf) =	vpush v10, $0x7;
	v20 =	vld [tilespmem:s0+$0x9190];
	[tilespmem:v16+s21+$0x0] =	vst.idx.msk vm0, v19;
	v16 =	vor.u32 $0x2, v11;
	s0 =	sand.u32 $0xFFFFFFE0, s11;
	s12 =	spop (v2sf);
	[smem:$0x713] =	sst s18  }
0x65a: {  	(v2sf) =	vpush v12, $0x8;
	v13 =	vadd.f32 v13, v15;
	v15 =	vld [tilespmem:s22+$0x1300];
	s11 =	smov.u32 s16;
	s16 =	smov.u32 s14;
	[smem:$0x74F] =	sst s0  }
0x65b: {  	v19 =	vld [tilespmem:s22+$0x1310];
	s20 =	sand.u32 $0xFFFFFFE0, s12;
	s22 =	spop (v2sf);
	[smem:$0x702] =	sst s16  }
0x65c: {  	(v2sf) =	vpush v10, $0x8;
	s3 =	sadd.s32 s1, s8;
	(xrf2) =	vadd.scan.msk.f32 $0xffff, v13;
	v13 =	vld [tilespmem:s5+$0x9300];
	[smem:$0x750] =	sst s20;
	s0 =	spop (v2sf)  }
0x65d: {  	(v2sf) =	vpush v12, $0x9;
	v14 =	vmul.f32 v18, v14;
	v18 =	vld [tilespmem:s5+$0x9310];
	s5 =	sand.u32 $0xFFFFFFE0, s22;
	v21, _, _ =	vpop (xrf2);
	s20 =	rddreg [dreg:$0xe];
	s7 =	sand.u32 $0xFFFFFFE0, s0  }
0x65e: {  	v17 =	vmul.f32 v20, v17;
	v20 =	vld [tilespmem:s4+$0xC00];
	s2 =	spop (v2sf);
	[tilespmem:v16+s21+$0x0] =	vst.idx.msk vm0, v21;
	s22 =	smov.u32 s20;
	s0 =	sld [smem:$0x74C]  }
0x65f: {  	(v2sf) =	vpush v10, $0x9;
	v16 =	vld [tilespmem:s10+$0x8C00];
	s14 =	sand.u32 $0xFFFFFFE0, s2;
	s18 =	spop (v2sf);
	[dreg:$0x18] =	wrdreg s22  }
0x660: {  	(v2sf) =	vpush v12, $0xA;
	v14 =	vadd.f32 v17, v14;
	v17 =	vld [tilespmem:s10+$0x8C10];
	s10 =	sadd.s32 s15, s9;
	s22 =	sld [smem:$0x752];
	s9 =	smov.u32 s7  }
0x661: {  	(v2sf) =	vpush v10, $0xA;
	s13 =	sand.u32 $0xFFFFFFE0, s18;
	s18 =	smov.u32 s5;
	[smem:$0x752] =	sst s9  }
0x662: {  	v22 =	vor.u32 $0x5, v3;
	(v2sf) =	vpush v12, $0xB;
	s24 =	spop (v2sf);
	s2 =	smov.u32 s0;
	[smem:$0x751] =	sst s18  }
0x663: {  	(v2sf) =	vpush v10, $0xB;
	v13 =	vmul.f32 v13, v15;
	v15 =	vld [tilespmem:s4+$0xC10];
	s4 =	sand.u32 $0xFFFFFFE0, s24;
	s8 =	spop (v2sf);
	[dreg:$0xe] =	wrdreg s2  }
0x664: {  	(v2sf) =	vpush v12, $0xC;
	s9 =	smov.u32 s26;
	[smem:$0x756] =	sst s4;
	s12 =	sand.u32 $0xFFFFFFE0, s8  }
0x665: {  	(v2sf) =	vpush v10, $0xC;
	s26 =	smov.u32 s17;
	s16 =	spop (v2sf);
	[smem:$0x757] =	sst s12  }
0x666: {  	v23 =	vor.u32 $0x8, v2;
	(v2sf) =	vpush v10, $0xD;
	v21, _, _ =	vpop (xrf2);
	s24 =	sadd.s32 s15, s22;
	s20 =	spop (v2sf);
	s12 =	sld [smem:$0x741]  }
0x667: {  	(xrf2) =	vadd.scan.msk.f32 $0xffff, v14;
	v14 =	vmul.f32 v18, v19;
	v18 =	vld [tilespmem:s10+$0xD80];
	(v2sf) =	vpush v12, $0xD;
	[tilespmem:v22+s21+$0x0] =	vst.idx.msk vm0, v21;
	s4 =	sand.u32 $0xFFFFFFE0, s20;
	s2 =	spop (v2sf);
	s20 =	sld [smem:$0x759]  }
0x668: {  	s5 =	sand.u32 $0xFFFFFFE0, s16;
	(v2sf) =	vpush v12, $0xE;
	v19 =	vld [tilespmem:s10+$0xD90];
	s0 =	sand.u32 $0xFFFFFFE0, s2;
	s10 =	spop (v2sf)  }
0x669: {  	v13 =	vadd.f32 v14, v13;
	v14 =	vmul.f32 v16, v20;
	(v2sf) =	vpush v10, $0xE;
	v16 =	vld [tilespmem:s24+$0x8D80];
	s16 =	sadd.s32 s28, s12;
	s18 =	spop (v2sf);
	s12 =	sld [smem:$0x742]  }
0x66a: {  	(v2sf) =	vpush v12, $0xF;
	v12 =	vld [tilespmem:s24+$0x8D90];
	v20, _, _ =	vpop (xrf2);
	s22 =	smov.u32 s20;
	s7 =	sand.u32 $0xFFFFFFE0, s18;
	s18 =	sld [smem:$0x725]  }
0x66b: {  	(xrf2) =	vadd.scan.msk.f32 $0xffff, v13;
	v13 =	vmul.f32 v17, v15;
	s2 =	sand.u32 $0xFFFFFFE0, s10;
	v15 =	vld [tilespmem:s16+$0x8F00];
	[tilespmem:v23+s21+$0x0] =	vst.idx.msk vm0, v20;
	s24 =	spop (v2sf);
	[smem:$0x741] =	sst s22  }
0x66c: {  	[smem:$0x75C] =	sst s7;
	v17 =	vld [tilespmem:s16+$0x8F10];
	s7 =	sand.u32 $0xFFFFFFE0, s24;
	s16 =	spop (v2sf)  }
0x66d: {  	s24 =	smov.u32 s5;
	s22 =	smov.u32 s29;
	[smem:$0x75D] =	sst s7  }
0x66e: {  	s29 =	smov.u32 s19;
	s10 =	sadd.s32 s28, s12;
	s12 =	sld [smem:$0x75A]  }
0x66f: {  	s20 =	spop (v2sf);
	s8 =	sadd.s32 s6, s18;
	s18 =	sld [smem:$0x727]  }
0x670: {  	s17 =	sand.u32 $0xFFFFFFE0, s16;
	[smem:$0x759] =	sst s24;
	s16 =	spop (v2sf)  }
0x671: {  	s19 =	sand.u32 $0xFFFFFFE0, s20;
	s24 =	sand.u32 $0xFFFFFFE0, s16;
	s20 =	spop (v2sf)  }
0x672: {  	s16 =	smov.u32 s12;
	s7 =	sadd.s32 s6, s18;
	s18 =	spop (v2sf)  }
0x673: {  	v20 =	vor.u32 $0xB, v1;
	v13 =	vadd.f32 v13, v14;
	s5 =	sand.u32 $0xFFFFFFE0, s20;
	[smem:$0x742] =	sst s16;
	s16 =	spop (v2sf)  }
0x674: {  	(v2sf) =	vpush v10, $0xF;
	v14 =	vld [tilespmem:s10+$0xF10];
	s20 =	sld [smem:$0x715];
	s12 =	sand.u32 $0xFFFFFFE0, s18;
	s18 =	spop (v2sf)  }
0x675: {  	v16 =	vmul.f32 v16, v18;
	(xrf2) =	vadd.scan.msk.f32 $0xffff, v13;
	v12 =	vmul.f32 v12, v19;
	v13 =	vld [tilespmem:s10+$0xF00];
	s10 =	sand.u32 $0xFFFFFFE0, s18;
	s18 =	sld [smem:$0x747]  }
0x676: {  	v19 =	vld [tilespmem:s7+$0x9080];
	[smem:$0x761] =	sst s12  }
0x677: {  	v22 =	vor.u32 $0xE, v0;
	v21, _, _ =	vpop (xrf2);
	v12 =	vadd.f32 v12, v16;
	v16 =	vld [tilespmem:s7+$0x9090];
	s7 =	sadd.s32 s23, s20;
	s20 =	smov.u32 s4;
	s12 =	sld [smem:$0x716]  }
0x678: {  	v18 =	vld [tilespmem:s8+$0x1090];
	[tilespmem:v20+s21+$0x0] =	vst.idx.msk vm0, v21;
	[smem:$0x75A] =	sst s20;
	s20 =	smov.u32 s18  }
0x679: {  	v14 =	vmul.f32 v17, v14;
	v17 =	vld [tilespmem:s8+$0x1080];
	[smem:$0x725] =	sst s20  }
0x67a: {  	s5 =	sadd.s32 s1, s5;
	(xrf2) =	vadd.scan.msk.f32 $0xffff, v12;
	v12 =	vld [tilespmem:s7+$0x1200];
	s20 =	sld [smem:$0x706]  }
0x67b: {  	[smem:$0x760] =	sst s5;
	v13 =	vmul.f32 v15, v13;
	v20, _, _ =	vpop (xrf2);
	v15 =	vld [tilespmem:s7+$0x1210];
	s5 =	sadd.s32 s23, s12  }
0x67c: {  	v21 =	vld [tilespmem:s5+$0x9200];
	[tilespmem:v22+s21+$0x0] =	vst.idx.msk vm0, v20  }
0x67d: {  	s8 =	spop (v2sf);
	v13 =	vadd.f32 v14, v13;
	v14 =	vmul.f32 v16, v18;
	v16 =	vld [tilespmem:s5+$0x9210];
	s5 =	sld [smem:$0x75E];
	s7 =	sadd.s32 s30, s20  }
0x67e: {  	v11 =	vadd.s32 $0x10, v11;
	s4 =	spop (v2sf);
	v18 =	vld [tilespmem:s7+$0x1380]  }
0x67f: {  	s4 =	sand.u32 $0xFFFFFFE0, s4;
	s18 =	spop (v2sf);
	(xrf2) =	vadd.scan.msk.f32 $0xffff, v13;
	v13 =	vld [tilespmem:s7+$0x1390];
	s7 =	sld [smem:$0x708]  }
0x680: {  	[smem:$0x763] =	sst s4;
	s4 =	spop (v2sf);
	s20 =	smov.u32 s5  }
0x681: {  	v17 =	vmul.f32 v19, v17;
	[smem:$0x747] =	sst s20;
	s20 =	spop (v2sf)  }
0x682: {  	v19, _, _ =	vpop (xrf2);
	s12 =	sand.u32 $0xFFFFFFE0, s20;
	s20 =	spop (v2sf);
	s5 =	sadd.s32 s30, s7  }
0x683: {  	v14 =	vadd.f32 v14, v17;
	s30 =	smov.u32 s23;
	s7 =	sand.u32 $0xFFFFFFE0, s20;
	s20 =	spop (v2sf);
	v17 =	vld [tilespmem:s5+$0x9380];
	[tilespmem:v11+s21+$0x0] =	vst.idx.msk vm0, v19  }
0x684: {  	s23 =	smov.u32 s6;
	s6 =	smov.u32 s28;
	s28 =	smov.u32 s15;
	v19 =	vld [tilespmem:s5+$0x9390]  }
0x685: {  	v12 =	vmul.f32 v21, v12;
	s5 =	sadd.s32 s1, s25;
	v21 =	vld [tilespmem:s3+$0x8C80];
	s25 =	sand.u32 $0xFFFFFFE0, s20;
	s20 =	sld [smem:$0x6DA]  }
0x686: {  	(xrf2) =	vadd.scan.msk.f32 $0xffff, v14;
	v14 =	vmul.f32 v16, v15;
	s15 =	smov.u32 s1;
	s1 =	smov.u32 s17;
	v15 =	vld [tilespmem:s3+$0x8C90];
	s3 =	sld [smem:$0x748]  }
0x687: {  	[smem:$0x75E] =	sst s1  }
0x688: {  	s1 =	sld [smem:$0x75F]  }
0x689: {  	v0 =	vmovc v1;
	v1 =	vmov v2;
	v2 =	vmov v3;
	v3 =	vmov v9;
	s17 =	smov.u32 s3;
	s3 =	rddreg [dreg:$0x1c]  }
0x68a: {  	v20 =	vor.u32 $0x3, v3;
	[smem:$0x727] =	sst s17  }
0x68b: {  	s17 =	smov.u32 s1;
	s1 =	rddreg [dreg:$0x1e]  }
0x68c: {  	[smem:$0x748] =	sst s17  }
0x68d: {  	s17 =	smov.u32 s19;
	s19 =	rddreg [dreg:$0x16]  }
0x68e: {  	v16, _, _ =	vpop (xrf2);
	[smem:$0x75F] =	sst s17  }
0x68f: {  	v12 =	vadd.f32 v14, v12;
	v14 =	vld [tilespmem:s5+$0xC90];
	[tilespmem:v20+s21+$0x0] =	vst.idx.msk vm0, v16;
	s17 =	smov.u32 s3;
	s21 =	smov.u32 s19;
	s19 =	sld [smem:$0x753]  }
0x690: {  	[smem:$0x715] =	sst s17  }
0x691: {  	[dreg:$0x1c] =	wrdreg s21  }
0x692: {  	s17 =	smov.u32 s1;
	s21 =	smov.u32 s14;
	s14 =	rddreg [dreg:$0x14]  }
0x693: {  	[dreg:$0x16] =	wrdreg s17  }
0x694: {  	s4 =	sand.u32 $0xFFFFFFE0, s4;
	[smem:$0x753] =	sst s21  }
0x695: {  	s17 =	smov.u32 s10;
	s10 =	smov.u32 s4;
	s4 =	sld [smem:$0x729]  }
0x696: {  	[dreg:$0x1e] =	wrdreg s17  }
0x697: {  	s1 =	sadd.s32 s28, s19;
	s19 =	rddreg [dreg:$0x1a];
	s17 =	smov.u32 s14  }
0x698: {  	s8 =	sand.u32 $0xFFFFFFE0, s8;
	[dreg:$0x1a] =	wrdreg s17  }
0x699: {  	s14 =	smov.u32 s13;
	s17 =	smov.u32 s8;
	s8 =	sld [smem:$0x755]  }
0x69a: {  	[smem:$0x755] =	sst s14  }
0x69b: {  	s21 =	smov.u32 s19;
	s14 =	sld [smem:$0x6DD]  }
0x69c: {  	[smem:$0x716] =	sst s21  }
0x69d: {  	v16 =	vor.u32 $0x6, v2;
	s19 =	smov.u32 s26;
	s21 =	sld [smem:$0x6DB]  }
0x69e: {  	v17 =	vmul.f32 v17, v18;
	v18 =	vld [tilespmem:s5+$0xC80];
	[dreg:$0x14] =	wrdreg s19  }
0x69f: {  	s3 =	sadd.s32 s28, s8;
	s8 =	sld [smem:$0x743]  }
0x6a0: {  	(xrf2) =	vadd.scan.msk.f32 $0xffff, v12;
	v12 =	vmul.f32 v19, v13;
	v19 =	vld [tilespmem:s1+$0xE00];
	s26 =	smov.u32 s21;
	s21 =	sld [smem:$0x6DC]  }
0x6a1: {  	s5 =	simm.s32 $0x11000;
	v13, _, _ =	vpop (xrf2);
	v20 =	vld [tilespmem:s1+$0xE10];
	s19 =	rddreg [dreg:$0xa]  }
0x6a2: {  	v12 =	vadd.f32 v12, v17;
	s1 =	smov.u32 s19;
	s19 =	smov.u32 s0;
	v17 =	vld [tilespmem:s3+$0x8E00];
	[tilespmem:v16+s5+$0x0] =	vst.idx.msk vm0, v13;
	[smem:$0x74C] =	sst s26  }
0x6a3: {  	v13 =	vmul.f32 v21, v18;
	v18 =	vld [tilespmem:s3+$0x8E10];
	s3 =	sadd.s32 s6, s8;
	s8 =	rddreg [dreg:$0x8];
	s26 =	smov.u32 s21  }
0x6a4: {  	s21 =	smov.u32 s31;
	s31 =	smov.u32 s11;
	s11 =	sld [smem:$0x75B]  }
0x6a5: {  	[smem:$0x75B] =	sst s19  }
0x6a6: {  	[dreg:$0xa] =	wrdreg s26  }
0x6a7: {  	s26 =	rddreg [dreg:$0xd]  }
0x6a8: {  	s13 =	smov.u32 s12;
	s19 =	sld [smem:$0x6DE];
	s0 =	smov.u32 s26  }
0x6a9: {  	s12 =	smov.u32 s11;
	[smem:$0x706] =	sst s0;
	s11 =	smov.u32 s8  }
0x6aa: {  	s8 =	smov.u32 s7;
	s7 =	smov.u32 s9;
	s9 =	sld [smem:$0x6E0]  }
0x6ab: {  	[smem:$0x743] =	sst s12  }
0x6ac: {  	[dreg:$0xd] =	wrdreg s11  }
0x6ad: {  	s26 =	smov.u32 s19;
	s12 =	sld [smem:$0x744]  }
0x6ae: {  	v22 =	vor.u32 $0x9, v1;
	s0 =	smov.u32 s29;
	[smem:$0x744] =	sst s26  }
0x6af: {  	[dreg:$0x8] =	wrdreg s0  }
0x6b0: {  	v14 =	vmul.f32 v15, v14;
	[smem:$0x729] =	sst s7  }
0x6b1: {  	(xrf2) =	vadd.scan.msk.f32 $0xffff, v12;
	v12 =	vld [tilespmem:s3+$0xF80];
	s11 =	sld [smem:$0x6E1]  }
0x6b2: {  	v15, _, _ =	vpop (xrf2);
	v14 =	vadd.f32 v14, v13;
	v13 =	vld [tilespmem:s3+$0xF90];
	s7 =	sld [smem:$0x6E4];
	s3 =	sadd.s32 s6, s12  }
.Ltmp2:
0x6b3: {  	[tilespmem:v22+s5+$0x0] =	vst.idx.msk vm0, v15;
	s12 =	smov.u32 s2;
	s2 =	sld [smem:$0x6DF];
	(pc) =	sbr.rel @p0 .LBB2_6-.Ltmp2, $4  }
0x6b4: {  	s26 =	smov.u32 s11;
	s11 =	smov.u32 s24;
	s24 =	sld [smem:$0x6E2];
	v15 =	vld [tilespmem:s3+$0x8F80]  }
0x6b5: {  	s16 =	sand.u32 $0xFFFFFFE0, s16;
	v16 =	vld [tilespmem:s3+$0x8F90];
	s3 =	sadd.s32 s23, s4;
	s4 =	sld [smem:$0x6E5]  }
0x6b6: {  	v10 =	vor.u32 $0xF, v11;
	v9 =	vmov v11;
	s19 =	smov.u32 s2;
	s2 =	smov.u32 s22;
	s22 =	sld [smem:$0x6E3]  }
0x6b7: {  	s18 =	sand.u32 $0xFFFFFFE0, s18;
	(xrf2) =	vadd.scan.msk.f32 $0xffff, v14;
	v19 =	vmul.f32 v17, v19;
	v17 =	vor.u32 $0xC, v0;
	v20 =	vmul.f32 v18, v20;
	v18, _, _ =	vpop (xrf2);
	s29 =	smov.u32 s7;
	v14 =	vld [tilespmem:s3+$0x1100];
	[smem:$0x708] =	sst s2  }
0x6b8: {  	s2 =	sld [smem:$0x710];
	_ =	sdelay $0x1  }
0x6b9: {  	v21 =	vld [tilespmem:s3+$0x1110]  }
0x6ba: {  	v19 =	vadd.f32 v20, v19;
	v61 =	vld [tilespmem:s2+$0x9100]  }
0x6bb: {  	v22 =	vor.u32 $0x1, v11;
	v23 =	vld [tilespmem:s2+$0x9110]  }
0x6bc: {  	[tilespmem:v17+s5+$0x0] =	vst.idx.msk vm0, v18;
	v15 =	vmul.f32 v15, v12;
	v13 =	vmul.f32 v16, v13;
	(xrf2) =	vadd.scan.msk.f32 $0xffff, v19  }
0x6bd: {  	s0 =	sld [smem:$0x6FD]  }
0x6be: {  	v13 =	vadd.f32 v13, v15  }
0x6bf: {  	v12, _, _ =	vpop (xrf2);
	s2 =	sld [smem:$0x700]  }
0x6c0: {  	s3 =	sadd.s32 s30, s0;
	(xrf2) =	vadd.scan.msk.f32 $0xffff, v13;
	v14 =	vmul.f32 v61, v14;
	v26 =	vmul.f32 v23, v21;
	v24, _, _ =	vpop (xrf2)  }
0x6c1: {  	v62 =	vld [tilespmem:s3+$0x9280];
	[tilespmem:v22+s5+$0x0] =	vst.idx.msk vm0, v24  }
0x6c2: {  	v28 =	vor.u32 $0x4, v3;
	v17 =	vld [tilespmem:s3+$0x9290];
	s3 =	sadd.s32 s30, s2;
	v13 =	vadd.f32 v26, v14;
	s0 =	sld [smem:$0x74F]  }
0x6c3: {  	v63 =	vld [tilespmem:s3+$0x1290]  }
0x6c4: {  	v25 =	vld [tilespmem:s3+$0x1280];
	s3 =	sld [smem:$0x750];
	(xrf2) =	vadd.scan.msk.f32 $0xffff, v13  }
0x6c5: {  	s0 =	sadd.s32 s15, s0  }
0x6c6: {  	v32 =	vor.u32 $0x7, v2;
	v31, _, _ =	vpop (xrf2);
	v18 =	vld [tilespmem:s0+$0xD00]  }
0x6c7: {  	[tilespmem:v28+s5+$0x0] =	vst.idx.msk vm0, v31;
	v27 =	vld [tilespmem:s0+$0xD10];
	s0 =	sadd.s32 s15, s3  }
0x6c8: {  	s4 =	sld [smem:$0x73E];
	v29 =	vld [tilespmem:s0+$0x8D10]  }
0x6c9: {  	v22 =	vld [tilespmem:s0+$0x8D00]  }
0x6ca: {  	v37 =	vor.u32 $0xA, v1;
	s7 =	sld [smem:$0x740];
	v36, _, _ =	vpop (xrf2)  }
0x6cb: {  	v15 =	vmul.f32 v17, v63;
	v30 =	vmul.f32 v62, v25;
	[tilespmem:v32+s5+$0x0] =	vst.idx.msk vm0, v36;
	s0 =	sadd.s32 s28, s4  }
0x6cc: {  	s2 =	sld [smem:$0x721];
	v33 =	vld [tilespmem:s0+$0xE80]  }
0x6cd: {  	v13 =	vadd.f32 v15, v30;
	v16 =	vld [tilespmem:s0+$0xE90];
	s0 =	sadd.s32 s28, s7  }
0x6ce: {  	s3 =	sld [smem:$0x723];
	v35 =	vld [tilespmem:s0+$0x8E80];
	v14 =	vmul.f32 v29, v27;
	v34 =	vmul.f32 v22, v18;
	v40, _, _ =	vpop (xrf2)  }
0x6cf: {  	(xrf2) =	vadd.scan.msk.f32 $0xffff, v13;
	v38 =	vld [tilespmem:s0+$0x8E90];
	s0 =	sadd.s32 s6, s2;
	[tilespmem:v37+s5+$0x0] =	vst.idx.msk vm0, v40  }
0x6d0: {  	v17 =	vld [tilespmem:s0+$0x1000];
	v13 =	vadd.f32 v14, v34;
	s4 =	sld [smem:$0x712]  }
0x6d1: {  	v39 =	vld [tilespmem:s0+$0x1010];
	s0 =	sadd.s32 s6, s3  }
0x6d2: {  	v19 =	vld [tilespmem:s0+$0x9000];
	s7 =	sld [smem:$0x713];
	(xrf2) =	vadd.scan.msk.f32 $0xffff, v13  }
0x6d3: {  	v42 =	vld [tilespmem:s0+$0x9010];
	s0 =	sadd.s32 s23, s4  }
0x6d4: {  	v15 =	vmul.f32 v35, v33;
	v14 =	vmul.f32 v38, v16;
	v43 =	vld [tilespmem:s0+$0x1180]  }
0x6d5: {  	v41 =	vor.u32 $0xD, v0;
	v44 =	vld [tilespmem:s0+$0x1190];
	s0 =	sadd.s32 s23, s7  }
0x6d6: {  	v14 =	vadd.f32 v14, v15;
	v45 =	vld [tilespmem:s0+$0x9180]  }
0x6d7: {  	v21 =	vld [tilespmem:s0+$0x9190]  }
0x6d8: {  	v47 =	vor.u32 $0x2, v11;
	v17 =	vmul.f32 v19, v17;
	v13 =	vmul.f32 v42, v39;
	(xrf2) =	vadd.scan.msk.f32 $0xffff, v14  }
0x6d9: {  	s2 =	sld [smem:$0x702];
	v46, _, _ =	vpop (xrf2)  }
0x6da: {  	[tilespmem:v41+s5+$0x0] =	vst.idx.msk vm0, v46;
	v13 =	vadd.f32 v13, v17  }
0x6db: {  	s3 =	sld [smem:$0x704]  }
0x6dc: {  	s0 =	sadd.s32 s30, s2;
	v52 =	vmul.f32 v45, v43;
	v53 =	vmul.f32 v21, v44;
	v51, _, _ =	vpop (xrf2);
	(xrf2) =	vadd.scan.msk.f32 $0xffff, v13  }
0x6dd: {  	v48 =	vld [tilespmem:s0+$0x1300];
	[tilespmem:v47+s5+$0x0] =	vst.idx.msk vm0, v51  }
0x6de: {  	v56 =	vor.u32 $0x5, v3;
	v49 =	vld [tilespmem:s0+$0x1310];
	s0 =	sadd.s32 s30, s3;
	v11 =	vadd.f32 v53, v52;
	s4 =	sld [smem:$0x751]  }
0x6df: {  	v50 =	vld [tilespmem:s0+$0x9300]  }
0x6e0: {  	v22 =	vld [tilespmem:s0+$0x9310];
	s7 =	sld [smem:$0x752];
	(xrf2) =	vadd.scan.msk.f32 $0xffff, v11  }
0x6e1: {  	s0 =	sadd.s32 s15, s4  }
0x6e2: {  	v60 =	vor.u32 $0x8, v2;
	v59, _, _ =	vpop (xrf2);
	v54 =	vld [tilespmem:s0+$0xD80]  }
0x6e3: {  	[tilespmem:v56+s5+$0x0] =	vst.idx.msk vm0, v59;
	v55 =	vld [tilespmem:s0+$0xD90];
	s0 =	sadd.s32 s15, s7  }
0x6e4: {  	s2 =	sld [smem:$0x741];
	v57 =	vld [tilespmem:s0+$0x8D80]  }
0x6e5: {  	v14 =	vmul.f32 v50, v48;
	v58 =	vmul.f32 v22, v49;
	v20 =	vld [tilespmem:s0+$0x8D90]  }
0x6e6: {  	v29 =	vor.u32 $0xB, v1;
	s3 =	sld [smem:$0x742];
	v28, _, _ =	vpop (xrf2)  }
0x6e7: {  	v11 =	vadd.f32 v58, v14;
	s0 =	sadd.s32 s28, s2;
	[tilespmem:v60+s5+$0x0] =	vst.idx.msk vm0, v28  }
0x6e8: {  	v61 =	vld [tilespmem:s0+$0x8F00];
	s4 =	sld [smem:$0x727]  }
0x6e9: {  	(xrf2) =	vadd.scan.msk.f32 $0xffff, v11;
	v63 =	vld [tilespmem:s0+$0x8F10];
	s0 =	sadd.s32 s28, s3  }
0x6ea: {  	v18 =	vld [tilespmem:s0+$0xF10];
	v13 =	vmul.f32 v57, v54;
	v62 =	vmul.f32 v20, v55;
	s7 =	sld [smem:$0x725];
	v32, _, _ =	vpop (xrf2)  }
0x6eb: {  	v30 =	vld [tilespmem:s0+$0xF00];
	[tilespmem:v29+s5+$0x0] =	vst.idx.msk vm0, v32;
	s0 =	sadd.s32 s6, s4  }
0x6ec: {  	v13 =	vadd.f32 v62, v13;
	s2 =	sld [smem:$0x715];
	v16 =	vld [tilespmem:s0+$0x9080]  }
0x6ed: {  	v31 =	vld [tilespmem:s0+$0x9090];
	s0 =	sadd.s32 s6, s7  }
0x6ee: {  	s3 =	sld [smem:$0x716];
	(xrf2) =	vadd.scan.msk.f32 $0xffff, v13;
	v19 =	vld [tilespmem:s0+$0x1090]  }
0x6ef: {  	v0 =	vor.u32 $0xE, v0;
	v33 =	vld [tilespmem:s0+$0x1080];
	s0 =	sadd.s32 s23, s2  }
0x6f0: {  	v17 =	vld [tilespmem:s0+$0x1200]  }
0x6f1: {  	v20 =	vld [tilespmem:s0+$0x1210];
	s0 =	sadd.s32 s23, s3  }
0x6f2: {  	v35 =	vld [tilespmem:s0+$0x9200]  }
0x6f3: {  	v34, _, _ =	vpop (xrf2);
	v25 =	vld [tilespmem:s0+$0x9210]  }
0x6f4: {  	v24 =	vor.u32 $0x3, v9;
	v11 =	vmul.f32 v61, v30;
	[tilespmem:v0+s5+$0x0] =	vst.idx.msk vm0, v34;
	v0 =	vmul.f32 v63, v18  }
0x6f5: {  	s4 =	sld [smem:$0x706]  }
0x6f6: {  	v0 =	vadd.f32 v0, v11;
	v13 =	vmul.f32 v31, v19;
	v16 =	vmul.f32 v16, v33  }
0x6f7: {  	s7 =	sld [smem:$0x708]  }
0x6f8: {  	s0 =	sadd.s32 s30, s4;
	v13 =	vadd.f32 v13, v16;
	v17 =	vmul.f32 v35, v17;
	v42 =	vmul.f32 v25, v20;
	v39, _, _ =	vpop (xrf2);
	(xrf2) =	vadd.scan.msk.f32 $0xffff, v0  }
0x6f9: {  	v36 =	vld [tilespmem:s0+$0x1380];
	[tilespmem:v24+s5+$0x0] =	vst.idx.msk vm0, v39  }
0x6fa: {  	v37 =	vld [tilespmem:s0+$0x1390];
	s0 =	sadd.s32 s30, s7;
	(xrf2) =	vadd.scan.msk.f32 $0xffff, v13;
	v13 =	vadd.f32 v42, v17;
	s30 =	sld [smem:$0x753];
	_ =	sdelay $0x1  }
0x6fb: {  	v38 =	vld [tilespmem:s0+$0x9380];
	s2 =	sld [smem:$0x755];
	(xrf2) =	vadd.scan.msk.f32 $0xffff, v13  }
0x6fc: {  	v22 =	vld [tilespmem:s0+$0x9390];
	s0 =	sadd.s32 s15, s30  }
0x6fd: {  	v43 =	vor.u32 $0x6, v3;
	v0 =	vld [tilespmem:s0+$0xE00]  }
0x6fe: {  	v18 =	vld [tilespmem:s0+$0xE10];
	s0 =	sadd.s32 s15, s2  }
0x6ff: {  	v46 =	vor.u32 $0x9, v2;
	v40 =	vld [tilespmem:s0+$0x8E00]  }
0x700: {  	v41 =	vld [tilespmem:s0+$0x8E10]  }
0x701: {  	v50 =	vor.u32 $0xC, v1;
	v47, _, _ =	vpop (xrf2)  }
0x702: {  	[tilespmem:v43+s5+$0x0] =	vst.idx.msk vm0, v47  }
0x703: {  	v49, _, _ =	vpop (xrf2);
	s3 =	sld [smem:$0x743]  }
0x704: {  	v11 =	vmul.f32 v38, v36;
	v44 =	vmul.f32 v22, v37;
	s4 =	sld [smem:$0x744];
	[tilespmem:v46+s5+$0x0] =	vst.idx.msk vm0, v49  }
0x705: {  	v0 =	vmul.f32 v40, v0;
	v45 =	vmul.f32 v41, v18;
	s7 =	sld [smem:$0x729];
	v51, _, _ =	vpop (xrf2)  }
0x706: {  	v11 =	vadd.f32 v44, v11;
	s2 =	sadd.s32 s23, s9;
	s30 =	sld [smem:$0x72B];
	[tilespmem:v50+s5+$0x0] =	vst.idx.msk vm0, v51  }
0x707: {  	v0 =	vadd.f32 v45, v0;
	s0 =	sadd.s32 s28, s3;
	v16 =	vld [tilespmem:s2+$0x9280]  }
0x708: {  	(xrf2) =	vadd.scan.msk.f32 $0xffff, v11;
	v48 =	vld [tilespmem:s0+$0xF80]  }
0x709: {  	(xrf2) =	vadd.scan.msk.f32 $0xffff, v0;
	v0 =	vld [tilespmem:s0+$0xF90]  }
0x70a: {  	s0 =	sadd.s32 s28, s4;
	v52 =	vld [tilespmem:s30+$0x9100]  }
0x70b: {  	v15 =	vld [tilespmem:s0+$0x8F80]  }
0x70c: {  	v17 =	vld [tilespmem:s0+$0x8F90]  }
0x70d: {  	v54 =	vld [tilespmem:s30+$0x9110];
	s0 =	sadd.s32 s6, s7  }
0x70e: {  	v13 =	vld [tilespmem:s0+$0x1100]  }
0x70f: {  	v53 =	vor.u32 $0x4, v9;
	s3 =	rddreg [dreg:$0x1d];
	v14 =	vld [tilespmem:s0+$0x1110]  }
0x710: {  	v56 =	vld [tilespmem:s2+$0x9290];
	s0 =	sadd.s32 s23, s3  }
0x711: {  	v57 =	vld [tilespmem:s0+$0x1290];
	v11 =	vmul.f32 v15, v48;
	v55 =	vmul.f32 v17, v0  }
0x712: {  	v59 =	vld [tilespmem:s0+$0x1280];
	v0, _, _ =	vpop (xrf2)  }
0x713: {  	v11 =	vadd.f32 v55, v11;
	v58, _, _ =	vpop (xrf2)  }
0x714: {  	v13 =	vmul.f32 v52, v13;
	v60 =	vmul.f32 v54, v14;
	[tilespmem:v53+s5+$0x0] =	vst.idx.msk vm0, v58  }
0x715: {  	(xrf2) =	vadd.scan.msk.f32 $0xffff, v11;
	s4 =	sld [smem:$0x756]  }
0x716: {  	v11 =	vadd.f32 v60, v13  }
0x717: {  	v15 =	vmul.f32 v56, v57;
	v21 =	vmul.f32 v16, v59;
	s7 =	sld [smem:$0x757]  }
0x718: {  	(xrf2) =	vadd.scan.msk.f32 $0xffff, v11;
	s0 =	sadd.s32 s15, s4  }
0x719: {  	v11 =	vadd.f32 v15, v21;
	v61 =	vld [tilespmem:s0+$0xE80]  }
0x71a: {  	v18 =	vld [tilespmem:s0+$0xE90];
	s0 =	sadd.s32 s15, s7  }
0x71b: {  	v22 =	vor.u32 $0x7, v3;
	(xrf2) =	vadd.scan.msk.f32 $0xffff, v11;
	v62 =	vld [tilespmem:s0+$0x8E80]  }
0x71c: {  	v63 =	vld [tilespmem:s0+$0x8E90];
	_ =	sdelay $0x1  }
0x71d: {  	v26 =	vor.u32 $0xA, v2  }
0x71e: {  	v25, _, _ =	vpop (xrf2)  }
0x71f: {  	[tilespmem:v22+s5+$0x0] =	vst.idx.msk vm0, v25  }
0x720: {  	v30 =	vor.u32 $0xD, v1;
	v23 =	vmul.f32 v62, v61;
	v24 =	vmul.f32 v63, v18;
	s9 =	sld [smem:$0x745]  }
0x721: {  	v29, _, _ =	vpop (xrf2)  }
0x722: {  	s30 =	sld [smem:$0x746];
	[tilespmem:v26+s5+$0x0] =	vst.idx.msk vm0, v29;
	v11 =	vadd.f32 v24, v23  }
0x723: {  	s2 =	sld [smem:$0x72D];
	s0 =	sadd.s32 s28, s9  }
0x724: {  	s3 =	sld [smem:$0x72F];
	v33, _, _ =	vpop (xrf2);
	v27 =	vld [tilespmem:s0+$0x1000];
	(xrf2) =	vadd.scan.msk.f32 $0xffff, v11  }
0x725: {  	s7 =	sadd.s32 s23, s1;
	s4 =	rddreg [dreg:$0x18];
	[tilespmem:v30+s5+$0x0] =	vst.idx.msk vm0, v33;
	v28 =	vld [tilespmem:s0+$0x1010]  }
0x726: {  	v37 =	vld [tilespmem:s7+$0x9300]  }
0x727: {  	s0 =	sadd.s32 s28, s30;
	v20 =	vld [tilespmem:s7+$0x9310]  }
0x728: {  	v14 =	vld [tilespmem:s0+$0x9000]  }
0x729: {  	v31 =	vld [tilespmem:s0+$0x9010];
	s0 =	sadd.s32 s6, s2  }
0x72a: {  	v34 =	vor.u32 $0x5, v9;
	v15 =	vld [tilespmem:s0+$0x1180]  }
0x72b: {  	v16 =	vld [tilespmem:s0+$0x1190];
	s0 =	sadd.s32 s6, s3  }
0x72c: {  	v32 =	vld [tilespmem:s0+$0x9180]  }
0x72d: {  	v35 =	vld [tilespmem:s0+$0x9190];
	s0 =	sadd.s32 s23, s4  }
0x72e: {  	v36 =	vld [tilespmem:s0+$0x1300];
	v13 =	vmul.f32 v14, v27;
	v11 =	vmul.f32 v31, v28;
	v38, _, _ =	vpop (xrf2)  }
0x72f: {  	v17 =	vld [tilespmem:s0+$0x1310];
	[tilespmem:v34+s5+$0x0] =	vst.idx.msk vm0, v38  }
0x730: {  	v11 =	vadd.f32 v11, v13;
	s9 =	sld [smem:$0x759];
	_ =	sdelay $0x1  }
0x731: {  	v39 =	vmul.f32 v32, v15;
	v40 =	vmul.f32 v35, v16;
	(xrf2) =	vadd.scan.msk.f32 $0xffff, v11;
	s30 =	sld [smem:$0x75A]  }
0x732: {  	s0 =	sadd.s32 s15, s9  }
0x733: {  	v13 =	vmul.f32 v37, v36;
	v44 =	vmul.f32 v20, v17;
	v11 =	vadd.f32 v40, v39;
	v41 =	vld [tilespmem:s0+$0x8F00]  }
0x734: {  	v18 =	vld [tilespmem:s0+$0x8F10];
	s0 =	sadd.s32 s15, s30  }
0x735: {  	(xrf2) =	vadd.scan.msk.f32 $0xffff, v11;
	v11 =	vadd.f32 v44, v13;
	v42 =	vld [tilespmem:s0+$0xF10]  }
0x736: {  	v43 =	vld [tilespmem:s0+$0xF00]  }
0x737: {  	v45 =	vor.u32 $0x8, v3;
	(xrf2) =	vadd.scan.msk.f32 $0xffff, v11;
	_ =	sdelay $0x3  }
0x738: {  	v49 =	vor.u32 $0xB, v2;
	v48, _, _ =	vpop (xrf2);
	v46 =	vmul.f32 v18, v42;
	v47 =	vmul.f32 v41, v43  }
0x739: {  	[tilespmem:v45+s5+$0x0] =	vst.idx.msk vm0, v48  }
0x73a: {  	v1 =	vor.u32 $0xE, v1;
	s1 =	sld [smem:$0x748];
	v11 =	vadd.f32 v46, v47;
	_ =	sdelay $0x1  }
0x73b: {  	v52, _, _ =	vpop (xrf2);
	(xrf2) =	vadd.scan.msk.f32 $0xffff, v11  }
0x73c: {  	s2 =	sld [smem:$0x747];
	[tilespmem:v49+s5+$0x0] =	vst.idx.msk vm0, v52;
	s0 =	sadd.s32 s28, s1  }
0x73d: {  	s3 =	rddreg [dreg:$0x1c];
	v54, _, _ =	vpop (xrf2);
	v50 =	vld [tilespmem:s0+$0x9080]  }
0x73e: {  	s9 =	sadd.s32 s23, s29;
	s4 =	rddreg [dreg:$0x1a];
	[tilespmem:v1+s5+$0x0] =	vst.idx.msk vm0, v54;
	v51 =	vld [tilespmem:s0+$0x9090]  }
0x73f: {  	v58 =	vld [tilespmem:s9+$0x9380]  }
0x740: {  	s0 =	sadd.s32 s28, s2;
	v60 =	vld [tilespmem:s9+$0x9390]  }
0x741: {  	v56 =	vor.u32 $0x6, v9;
	v14 =	vld [tilespmem:s0+$0x1090]  }
0x742: {  	v53 =	vld [tilespmem:s0+$0x1080];
	s0 =	sadd.s32 s6, s3  }
0x743: {  	v15 =	vld [tilespmem:s0+$0x1200]  }
0x744: {  	v16 =	vld [tilespmem:s0+$0x1210];
	s0 =	sadd.s32 s6, s4  }
0x745: {  	s7 =	rddreg [dreg:$0xd];
	v55 =	vld [tilespmem:s0+$0x9200];
	v59, _, _ =	vpop (xrf2)  }
0x746: {  	v57 =	vld [tilespmem:s0+$0x9210];
	s0 =	sadd.s32 s23, s7;
	[tilespmem:v56+s5+$0x0] =	vst.idx.msk vm0, v59  }
0x747: {  	v1 =	vld [tilespmem:s0+$0x1380];
	s23 =	sld [smem:$0x75B]  }
0x748: {  	s29 =	sadd.s32 s15, s12;
	v18 =	vld [tilespmem:s0+$0x1390]  }
0x749: {  	v63 =	vld [tilespmem:s29+$0x8F80]  }
0x74a: {  	v20 =	vld [tilespmem:s29+$0x8F90];
	s0 =	sadd.s32 s15, s23  }
0x74b: {  	v61 =	vld [tilespmem:s0+$0xF80]  }
0x74c: {  	v11 =	vmul.f32 v51, v14;
	v13 =	vmul.f32 v50, v53;
	v62 =	vld [tilespmem:s0+$0xF90];
	_ =	sdelay $0x1  }
0x74d: {  	v11 =	vadd.f32 v11, v13  }
0x74e: {  	v15 =	vmul.f32 v55, v15;
	v23 =	vmul.f32 v57, v16  }
0x74f: {  	v1 =	vmul.f32 v58, v1;
	v25 =	vmul.f32 v60, v18;
	(xrf2) =	vadd.scan.msk.f32 $0xffff, v11  }
0x750: {  	v11 =	vadd.f32 v23, v15;
	v26 =	vmul.f32 v63, v61;
	v27 =	vmul.f32 v20, v62  }
0x751: {  	v1 =	vadd.f32 v25, v1  }
0x752: {  	(xrf2) =	vadd.scan.msk.f32 $0xffff, v11;
	v11 =	vadd.f32 v27, v26  }
0x753: {  	(xrf2) =	vadd.scan.msk.f32 $0xffff, v1  }
0x754: {  	(xrf2) =	vadd.scan.msk.f32 $0xffff, v11  }
0x755: {  	v28 =	vor.u32 $0x9, v3;
	_ =	sdelay $0x2  }
0x756: {  	v29 =	vor.u32 $0xC, v2  }
0x757: {  	v1, _, _ =	vpop (xrf2)  }
0x758: {  	v32 =	vor.u32 $0x7, v9;
	[tilespmem:v28+s5+$0x0] =	vst.idx.msk vm0, v1  }
0x759: {  	s30 =	sadd.s32 s28, s26;
	s1 =	sld [smem:$0x749]  }
0x75a: {  	v30 =	vld [tilespmem:s30+$0x1100];
	v1, _, _ =	vpop (xrf2)  }
0x75b: {  	v14 =	vld [tilespmem:s30+$0x1110];
	[tilespmem:v29+s5+$0x0] =	vst.idx.msk vm0, v1;
	v1, _, _ =	vpop (xrf2)  }
0x75c: {  	s2 =	rddreg [dreg:$0x12];
	v31 =	vld [tilespmem:s1+$0x9100];
	v36, _, _ =	vpop (xrf2)  }
0x75d: {  	s3 =	rddreg [dreg:$0x10];
	v33 =	vld [tilespmem:s1+$0x9110];
	s0 =	sadd.s32 s6, s2;
	[tilespmem:v32+s5+$0x0] =	vst.idx.msk vm0, v36  }
0x75e: {  	v11 =	vld [tilespmem:s0+$0x9280];
	s4 =	sld [smem:$0x75C]  }
0x75f: {  	v34 =	vld [tilespmem:s0+$0x9290];
	s0 =	sadd.s32 s6, s3  }
0x760: {  	v35 =	vld [tilespmem:s0+$0x1290];
	s7 =	sld [smem:$0x75D]  }
0x761: {  	v37 =	vld [tilespmem:s0+$0x1280];
	s0 =	sadd.s32 s15, s4  }
0x762: {  	v38 =	vld [tilespmem:s0+$0x1000]  }
0x763: {  	v16 =	vld [tilespmem:s0+$0x1010];
	s0 =	sadd.s32 s15, s7  }
0x764: {  	v39 =	vld [tilespmem:s0+$0x9000]  }
0x765: {  	v13 =	vmul.f32 v31, v30;
	v14 =	vmul.f32 v33, v14;
	v40 =	vld [tilespmem:s0+$0x9010];
	_ =	sdelay $0x1  }
0x766: {  	v13 =	vadd.f32 v14, v13  }
0x767: {  	v18 =	vmul.f32 v34, v35;
	v11 =	vmul.f32 v11, v37  }
0x768: {  	(xrf2) =	vadd.scan.msk.f32 $0xffff, v13  }
0x769: {  	v11 =	vadd.f32 v18, v11;
	v41 =	vmul.f32 v39, v38;
	v42 =	vmul.f32 v40, v16;
	_ =	sdelay $0x1  }
0x76a: {  	(xrf2) =	vadd.scan.msk.f32 $0xffff, v11;
	v11 =	vadd.f32 v42, v41;
	_ =	sdelay $0x1  }
0x76b: {  	(xrf2) =	vadd.scan.msk.f32 $0xffff, v11  }
0x76c: {  	v43 =	vor.u32 $0xA, v3;
	_ =	sdelay $0x3  }
0x76d: {  	v45 =	vor.u32 $0xD, v2;
	v44, _, _ =	vpop (xrf2)  }
0x76e: {  	v48 =	vor.u32 $0x8, v9;
	s9 =	sadd.s32 s28, s24;
	[tilespmem:v43+s5+$0x0] =	vst.idx.msk vm0, v44  }
0x76f: {  	s12 =	sadd.s32 s28, s31;
	v14 =	vld [tilespmem:s9+$0x1190]  }
0x770: {  	v46 =	vld [tilespmem:s12+$0x9180]  }
0x771: {  	v47, _, _ =	vpop (xrf2);
	v49 =	vld [tilespmem:s12+$0x9190];
	s23 =	rddreg [dreg:$0xe]  }
0x772: {  	s0 =	sadd.s32 s6, s23;
	[tilespmem:v45+s5+$0x0] =	vst.idx.msk vm0, v47;
	v11 =	vld [tilespmem:s9+$0x1180];
	v51, _, _ =	vpop (xrf2)  }
0x773: {  	v13 =	vld [tilespmem:s0+$0x1300];
	s24 =	rddreg [dreg:$0xa];
	[tilespmem:v48+s5+$0x0] =	vst.idx.msk vm0, v51  }
0x774: {  	v16 =	vld [tilespmem:s0+$0x1310];
	s0 =	sadd.s32 s6, s24;
	s26 =	sld [smem:$0x75F]  }
0x775: {  	v50 =	vld [tilespmem:s0+$0x9300]  }
0x776: {  	v52 =	vld [tilespmem:s0+$0x9310];
	s29 =	sld [smem:$0x75E]  }
0x777: {  	v14 =	vmul.f32 v49, v14;
	v11 =	vmul.f32 v46, v11;
	s0 =	sadd.s32 s15, s26  }
0x778: {  	v53 =	vld [tilespmem:s0+$0x9080]  }
0x779: {  	v11 =	vadd.f32 v14, v11;
	v17 =	vld [tilespmem:s0+$0x9090];
	s0 =	sadd.s32 s15, s29  }
0x77a: {  	v54 =	vld [tilespmem:s0+$0x1090]  }
0x77b: {  	v13 =	vmul.f32 v50, v13;
	v56 =	vmul.f32 v52, v16;
	(xrf2) =	vadd.scan.msk.f32 $0xffff, v11;
	v55 =	vld [tilespmem:s0+$0x1080];
	_ =	sdelay $0x1  }
0x77c: {  	v11 =	vadd.f32 v56, v13;
	_ =	sdelay $0x1  }
0x77d: {  	(xrf2) =	vadd.scan.msk.f32 $0xffff, v11  }
0x77e: {  	v57 =	vmul.f32 v17, v54;
	v58 =	vmul.f32 v53, v55  }
0x77f: {  	v59 =	vor.u32 $0xB, v3  }
0x780: {  	v11 =	vadd.f32 v57, v58;
	_ =	sdelay $0x1  }
0x781: {  	(xrf2) =	vadd.scan.msk.f32 $0xffff, v11  }
0x782: {  	v2 =	vor.u32 $0xE, v2;
	v60, _, _ =	vpop (xrf2)  }
0x783: {  	[tilespmem:v59+s5+$0x0] =	vst.idx.msk vm0, v60  }
0x784: {  	s30 =	rddreg [dreg:$0x16]  }
0x785: {  	s0 =	sadd.s32 s28, s30  }
0x786: {  	s31 =	rddreg [dreg:$0x14];
	v62, _, _ =	vpop (xrf2);
	v61 =	vld [tilespmem:s0+$0x1210]  }
0x787: {  	v24 =	vor.u32 $0x9, v9;
	[tilespmem:v2+s5+$0x0] =	vst.idx.msk vm0, v62;
	v11 =	vld [tilespmem:s0+$0x1200];
	s0 =	sadd.s32 s28, s31  }
0x788: {  	s1 =	rddreg [dreg:$0x8];
	v63 =	vld [tilespmem:s0+$0x9200]  }
0x789: {  	v25 =	vld [tilespmem:s0+$0x9210];
	s0 =	sadd.s32 s6, s1  }
0x78a: {  	s2 =	rddreg [dreg:$0x6];
	v2 =	vld [tilespmem:s0+$0x1380]  }
0x78b: {  	v14 =	vld [tilespmem:s0+$0x1390];
	s0 =	sadd.s32 s6, s2;
	v27, _, _ =	vpop (xrf2)  }
0x78c: {  	v26 =	vld [tilespmem:s0+$0x9380];
	[tilespmem:v24+s5+$0x0] =	vst.idx.msk vm0, v27  }
0x78d: {  	s3 =	sadd.s32 s15, s11;
	v28 =	vld [tilespmem:s0+$0x9390];
	s4 =	sld [smem:$0x760]  }
0x78e: {  	v16 =	vld [tilespmem:s3+$0x1100]  }
0x78f: {  	v19 =	vld [tilespmem:s3+$0x1110]  }
0x790: {  	v29 =	vld [tilespmem:s4+$0x9100]  }
0x791: {  	v30 =	vld [tilespmem:s4+$0x9110];
	_ =	sdelay $0x2  }
0x792: {  	v11 =	vmul.f32 v63, v11;
	v13 =	vmul.f32 v25, v61  }
0x793: {  	v2 =	vmul.f32 v26, v2;
	v31 =	vmul.f32 v28, v14  }
0x794: {  	v11 =	vadd.f32 v13, v11;
	v32 =	vmul.f32 v29, v16;
	v33 =	vmul.f32 v30, v19  }
0x795: {  	v2 =	vadd.f32 v31, v2  }
0x796: {  	(xrf2) =	vadd.scan.msk.f32 $0xffff, v11;
	v11 =	vadd.f32 v33, v32  }
0x797: {  	(xrf2) =	vadd.scan.msk.f32 $0xffff, v2  }
0x798: {  	(xrf2) =	vadd.scan.msk.f32 $0xffff, v11;
	_ =	sdelay $0x3  }
0x799: {  	v2 =	vor.u32 $0xC, v3;
	_ =	sdelay $0x1  }
0x79a: {  	v35 =	vor.u32 $0xA, v9;
	_ =	sdelay $0x1  }
0x79b: {  	v34, _, _ =	vpop (xrf2)  }
0x79c: {  	s6 =	sadd.s32 s28, s22;
	[tilespmem:v2+s5+$0x0] =	vst.idx.msk vm0, v34;
	v36, _, _ =	vpop (xrf2)  }
0x79d: {  	s7 =	sadd.s32 s28, s14;
	v2 =	vld [tilespmem:s6+$0x9280];
	v38, _, _ =	vpop (xrf2)  }
0x79e: {  	v37 =	vld [tilespmem:s7+$0x1290];
	[tilespmem:v35+s5+$0x0] =	vst.idx.msk vm0, v38  }
0x79f: {  	v39 =	vld [tilespmem:s7+$0x1280];
	s9 =	sld [smem:$0x761]  }
0x7a0: {  	s11 =	sadd.s32 s15, s16;
	v11 =	vld [tilespmem:s6+$0x9290]  }
0x7a1: {  	v40 =	vld [tilespmem:s11+$0x9180]  }
0x7a2: {  	v41 =	vld [tilespmem:s11+$0x9190];
	s0 =	sadd.s32 s15, s9  }
0x7a3: {  	v13 =	vld [tilespmem:s0+$0x1180]  }
0x7a4: {  	v16 =	vld [tilespmem:s0+$0x1190]  }
0x7a5: {  	v2 =	vmul.f32 v2, v39;
	v11 =	vmul.f32 v11, v37;
	_ =	sdelay $0x1  }
0x7a6: {  	v2 =	vadd.f32 v11, v2;
	_ =	sdelay $0x1  }
0x7a7: {  	(xrf2) =	vadd.scan.msk.f32 $0xffff, v2;
	v2 =	vmul.f32 v40, v13;
	v42 =	vmul.f32 v41, v16;
	_ =	sdelay $0x1  }
0x7a8: {  	v2 =	vadd.f32 v42, v2;
	_ =	sdelay $0x1  }
0x7a9: {  	(xrf2) =	vadd.scan.msk.f32 $0xffff, v2;
	_ =	sdelay $0x1  }
0x7aa: {  	v2 =	vor.u32 $0xD, v3;
	_ =	sdelay $0x1  }
0x7ab: {  	s12 =	sld [smem:$0x74C];
	_ =	sdelay $0x1  }
0x7ac: {  	v44 =	vor.u32 $0xB, v9;
	v43, _, _ =	vpop (xrf2)  }
0x7ad: {  	s0 =	sadd.s32 s28, s12;
	[tilespmem:v2+s5+$0x0] =	vst.idx.msk vm0, v43  }
0x7ae: {  	v2 =	vld [tilespmem:s0+$0x1300]  }
0x7af: {  	s14 =	sadd.s32 s28, s21;
	v11 =	vld [tilespmem:s0+$0x1310]  }
0x7b0: {  	v45 =	vld [tilespmem:s14+$0x9300];
	v46, _, _ =	vpop (xrf2)  }
0x7b1: {  	s17 =	sadd.s32 s15, s17;
	v47 =	vld [tilespmem:s14+$0x9310];
	[tilespmem:v44+s5+$0x0] =	vst.idx.msk vm0, v46  }
0x7b2: {  	s16 =	rddreg [dreg:$0x1e];
	v48 =	vld [tilespmem:s17+$0x9200]  }
0x7b3: {  	v49 =	vld [tilespmem:s17+$0x9210];
	s0 =	sadd.s32 s15, s16  }
0x7b4: {  	v13 =	vld [tilespmem:s0+$0x1200]  }
0x7b5: {  	v16 =	vld [tilespmem:s0+$0x1210]  }
0x7b6: {  	v2 =	vmul.f32 v45, v2;
	v11 =	vmul.f32 v47, v11;
	_ =	sdelay $0x1  }
0x7b7: {  	v2 =	vadd.f32 v11, v2;
	_ =	sdelay $0x1  }
0x7b8: {  	(xrf2) =	vadd.scan.msk.f32 $0xffff, v2;
	v2 =	vmul.f32 v48, v13;
	v50 =	vmul.f32 v49, v16;
	_ =	sdelay $0x1  }
0x7b9: {  	v2 =	vadd.f32 v50, v2;
	_ =	sdelay $0x1  }
0x7ba: {  	(xrf2) =	vadd.scan.msk.f32 $0xffff, v2;
	_ =	sdelay $0x3  }
0x7bb: {  	v2 =	vor.u32 $0xE, v3;
	_ =	sdelay $0x1  }
0x7bc: {  	v51 =	vor.u32 $0xC, v9;
	_ =	sdelay $0x1  }
0x7bd: {  	v3, _, _ =	vpop (xrf2)  }
0x7be: {  	s21 =	sadd.s32 s28, s19;
	[tilespmem:v2+s5+$0x0] =	vst.idx.msk vm0, v3  }
0x7bf: {  	v2 =	vld [tilespmem:s21+$0x1380];
	v53, _, _ =	vpop (xrf2)  }
0x7c0: {  	s22 =	sadd.s32 s28, s20;
	v3 =	vld [tilespmem:s21+$0x1390];
	[tilespmem:v51+s5+$0x0] =	vst.idx.msk vm0, v53  }
0x7c1: {  	v52 =	vld [tilespmem:s22+$0x9380];
	s23 =	sld [smem:$0x763]  }
0x7c2: {  	s24 =	sadd.s32 s15, s18;
	v54 =	vld [tilespmem:s22+$0x9390]  }
0x7c3: {  	v55 =	vld [tilespmem:s24+$0x1290]  }
0x7c4: {  	v56 =	vld [tilespmem:s24+$0x1280];
	s0 =	sadd.s32 s15, s23  }
0x7c5: {  	v11 =	vld [tilespmem:s0+$0x9280]  }
0x7c6: {  	v15 =	vld [tilespmem:s0+$0x9290];
	_ =	sdelay $0x3  }
0x7c7: {  	v2 =	vmul.f32 v52, v2;
	v3 =	vmul.f32 v54, v3  }
0x7c8: {  	v57 =	vmul.f32 v15, v55;
	v11 =	vmul.f32 v11, v56  }
0x7c9: {  	v2 =	vadd.f32 v3, v2  }
0x7ca: {  	v3 =	vadd.f32 v57, v11  }
0x7cb: {  	(xrf2) =	vadd.scan.msk.f32 $0xffff, v2  }
0x7cc: {  	(xrf2) =	vadd.scan.msk.f32 $0xffff, v3;
	_ =	sdelay $0x5  }
0x7cd: {  	v2 =	vor.u32 $0xD, v9;
	_ =	sdelay $0x2  }
0x7ce: {  	v3, _, _ =	vpop (xrf2)  }
0x7cf: {  	v58, _, _ =	vpop (xrf2)  }
0x7d0: {  	s26 =	sadd.s32 s15, s10;
	[tilespmem:v2+s5+$0x0] =	vst.idx.msk vm0, v58  }
0x7d1: {  	v2 =	vld [tilespmem:s26+$0x1300]  }
0x7d2: {  	s28 =	sadd.s32 s15, s13;
	v11 =	vld [tilespmem:s26+$0x1310]  }
0x7d3: {  	v59 =	vld [tilespmem:s28+$0x9300]  }
0x7d4: {  	v60 =	vld [tilespmem:s28+$0x9310];
	_ =	sdelay $0x4  }
0x7d5: {  	v2 =	vmul.f32 v59, v2;
	v11 =	vmul.f32 v60, v11;
	_ =	sdelay $0x1  }
0x7d6: {  	v2 =	vadd.f32 v11, v2;
	_ =	sdelay $0x1  }
0x7d7: {  	(xrf2) =	vadd.scan.msk.f32 $0xffff, v2;
	_ =	sdelay $0x5  }
0x7d8: {  	v2 =	vor.u32 $0xE, v9;
	_ =	sdelay $0x3  }
0x7d9: {  	v61, _, _ =	vpop (xrf2)  }
0x7da: {  	s29 =	sadd.s32 s15, s8;
	[tilespmem:v2+s5+$0x0] =	vst.idx.msk vm0, v61  }
0x7db: {  	v2 =	vld [tilespmem:s29+$0x1380]  }
0x7dc: {  	s30 =	sadd.s32 s15, s25;
	v9 =	vld [tilespmem:s29+$0x1390]  }
0x7dd: {  	v62 =	vld [tilespmem:s30+$0x9380]  }
0x7de: {  	v63 =	vld [tilespmem:s30+$0x9390];
	_ =	sdelay $0x4  }
0x7df: {  	v2 =	vmul.f32 v62, v2;
	v9 =	vmul.f32 v63, v9;
	_ =	sdelay $0x1  }
0x7e0: {  	v2 =	vadd.f32 v9, v2;
	_ =	sdelay $0x1  }
0x7e1: {  	(xrf2) =	vadd.scan.msk.f32 $0xffff, v2;
	_ =	sdelay $0x5  }
0x7e2: {  	[tilespmem:v4+s5+$0x0] =	vst.idx.msk vm0, v12  }
0x7e3: {  	[tilespmem:v5+s5+$0x0] =	vst.idx.msk vm0, v0  }
0x7e4: {  	[tilespmem:v6+s5+$0x0] =	vst.idx.msk vm0, v1  }
0x7e5: {  	[tilespmem:v7+s5+$0x0] =	vst.idx.msk vm0, v36  }
0x7e6: {  	[tilespmem:v8+s5+$0x0] =	vst.idx.msk vm0, v3;
	v0, _, _ =	vpop (xrf2)  }
0x7e7: {  	s31 =	simm.s32 $0x3;
	[tilespmem:v10+s5+$0x0] =	vst.idx.msk vm0, v0  }
0x7e8: {  	_ =	swait.ge [sflag:s31], $0x200  }
0x7e9: {  	[sflag:s31] =	ssyncset.done $0x0  }
0x7ea: {  	[sflag:s31] =	ssyncadd.s32 $0xFFFFFE00  }
0x7eb: {  	_ =	swait.ge [sflag:s31], $0x200  }
0x7ec: {  	[sflag:s31] =	ssyncset.done $0x0  }
0x7ed: {  	s0 =	simm.s32 $0x0;
	[sflag:s31] =	ssyncadd.s32 $0xFFFFFE00  }
0x7ee: {  	v0 =	vld [tilespmem:s0+$0x11000]  }
0x7ef: {  	v1 =	vld [tilespmem:s0+$0x10C00];
	_ =	sdelay $0x1  }
0x7f0: {  	v2 =	vld [tilespmem:s0+$0x10E00]  }
0x7f1: {  	s1 =	simm.s32 $0x40  }
.LBB2_8:
0x7f2: {  	s2 =	sshra.s32 s1, $0x2;
	p0 =	sne.s32 s1, $0x7C0  }
.Ltmp3:
0x7f3: {  	s1 =	sadd.s32 $0x40, s1;
	v3 =	vadd.f32 v1, v0;
	v0 =	vld [tilespmem:s2+$0x11000];
	(pc) =	sbr.rel @p0 .LBB2_8-.Ltmp3, $4  }
0x7f4: {  	v1 =	vld [tilespmem:s2+$0x10C00]  }
0x7f5: {  	v3 =	vadd.f32 v2, v3  }
0x7f6: {  	v2 =	vld [tilespmem:s2+$0x10E00]  }
0x7f7: {  	[tilespmem:s0+$0x11000] =	vst v3;
	s0 =	smov.u32 s2  }
0x7f8: {  	_ = 	snop  }
0x7f9: {  	v0 =	vadd.f32 v1, v0;
	_ =	sdelay $0x1  }
0x7fa: {  	v0 =	vadd.f32 v2, v0;
	_ =	sdelay $0x1  }
0x7fb: {  	[tilespmem:s0+$0x11000] =	vst v0  }
0x7fc: {  	s0 =	sld [smem:$0x7FC];
	_ =	sdelay $0x1  }
0x7fd: {  	s7 =	simm.s32 $0x0;
	s1 =	simm.s32 $0x4  }
0x7fe: {  	[hbm4b:s0+s7] =	stream.linear.scatter [tilespmem:s5], [sflag:$0x4], $0x200, $0x38;
	[tilespmem:$0x11200] =	vst v63  }
0x7ff: {  	_ =	swait.ge [sflag:s1], $0x200  }
0x800: {  	s2 =	sld [smem:$0x7F6]  }
0x801: {  	s31 =	sld [smem:$0x7FD];
	_ =	sdelay $0x1  }
0x802: {  	s2 =	sadd.s32 $0x1, s2  }
0x803: {  	p0 =	sne.s32 s2, s31  }
.Ltmp4:
0x804: {  	_ = 	snop;
	(pc) =	sbr.rel @p0 .LBB2_1-.Ltmp4, $3  }
0x805: {  	_ =	sdelay $0x1  }
0x806: {  	[sflag:s1] =	ssyncset.done $0x0  }
0x807: {  	[sflag:s1] =	ssyncadd.s32 $0xFFFFFE00  }
0x808: {  	_ =	sfence.sel $0x180000  }
0x809: {  	[bflag:$0x0] =	sbarrier.arrive $0xFFFF  }
0x80a: {  	_ =	strace $0x90000047  }
0x80b: {  	s0 =	stileid.u32;
	[bflag:$0x2] =	sbarrier.arrive $0xFFFF  }
0x80c: {  	p0 =	sne.s32 s0, $0x0;
	s0 =	rddreg [dreg:$0x4]  }
0x80d: {  	s0 =	sadd.s32 @!p0 $0x100000, s0  }
0x80e: {  	[sflag:s0] =	ssyncadd.tile.s32 @!p0 $0x1;
	_ =	shalt  }
.Lfunc_end2:
_tile_overlayer_lowered:
.L_overlay_start_2:
0x80f: {  	(tag) =	ssettag $0x2  }
0x810: {  	s0 =	rddreg [dreg:$0x0];
	s2 =	stileid.u32  }
0x811: {  	s1 =	rddreg [dreg:$0x1];
	p0 =	sne.s32 s2, $0x0  }
0x812: {  	s3 =	rddreg [dreg:$0x2];
	[bflag:$0x3] =	sbarrier.arrive $0xFFFF;
	s2 =	simm.s32 @!p0 $0x1C04  }
0x813: {  	[timem:s3], [sflag:s2] =	dma.local @!p0 [hbm:s0], s1  }
0x814: {  	s0 =	simm.s32 @!p0 $0x4  }
0x815: {  	_ =	swait.ge @!p0 [sflag:s0], s1  }
0x816: {  	s1 =	ssub.s32 @!p0 $0x0, s1;
	[sflag:s0] =	ssyncset.done @!p0 $0x0  }
0x817: {  	[sflag:s0] =	ssyncadd.s32 @!p0 s1  }
0x818: {  	[bflag:$0x3] =	sbarrier.arrive $0xFFFF  }
0x819: {  	_ =	shalt  }

</sc_bundles>
